<compile_context>
chip_gen: v7x
topology: tpu7x:2x2x1
jax: 0.10.2.dev20260603
libtpu: 0.0.44.dev20260713+nightly
codegen_flags: <defaults>
</compile_context>

<pallas_src>
import jax
import jax.numpy as jnp
from jax import lax
from jax.experimental import pallas as pl
from jax.experimental.pallas import tpu as pltpu
from jax.experimental.pallas import tpu_sc as plsc

D = 128
DH = D // 2
NC = 2
NS = 16
CH = 80
R = 5


def _sc_agg(E, N, want_deg):
    NB = E // CH
    NK = NB // NS
    NP = ((N + 255) // 256) * 256
    RPT = NP // NS
    SEG = NP // NS
    FL = 128
    mesh = plsc.VectorSubcoreMesh(core_axis_name="c", subcore_axis_name="s")

    out_type = [jax.ShapeDtypeStruct((NC, NP, DH), jnp.float32)]
    scratch = (
        [pltpu.VMEM((NK, CH), jnp.int32)] * 2
        + [pltpu.VMEM((CH, DH), jnp.float32)] * R
        + [pltpu.VMEM((FL, DH), jnp.float32)]
        + [pltpu.VMEM_SHARED((NP, DH), jnp.float32)]
        + [pltpu.SemaphoreType.DMA] * (2 * R)
    )
    if want_deg:
        out_type.append(jax.ShapeDtypeStruct((NP,), jnp.float32))
        out_type.append(jax.ShapeDtypeStruct((NS, NP), jnp.float32))
        scratch += [
            pltpu.VMEM((NP,), jnp.float32),
            pltpu.VMEM((SEG,), jnp.float32),
        ]

    def body(src2d_h, dst2d_h, ga_h, gb_h, z_h, *rest):
        if want_deg:
            part_h, deg_h, dparts_h = rest[:3]
            rest = rest[3:]
            hist, tmp = rest[4 + 3 * R:]
        else:
            part_h = rest[0]
            rest = rest[1:]
        srcb, dstb = rest[0], rest[1]
        rows = rest[2:2 + R]
        zstg = rest[2 + R]
        agg_sh = rest[3 + R]
        sg = rest[4 + R:4 + 2 * R]
        ss = rest[4 + 2 * R:4 + 3 * R]
        c = lax.axis_index("c")
        s = lax.axis_index("s")

        pltpu.sync_copy(z_h, zstg)
        for q in range(RPT // FL):
            pltpu.sync_copy(zstg, agg_sh.at[pl.ds(s * RPT + q * FL, FL)])
        if want_deg:
            def z_body(i, carry):
                hist[pl.ds(i * 16, 16)] = jnp.zeros((16,), jnp.float32)
                return carry
            lax.fori_loop(0, NP // 16, z_body, 0)
        plsc.subcore_barrier()

        pltpu.sync_copy(src2d_h.at[pl.ds(s * NK, NK)], srcb)
        pltpu.sync_copy(dst2d_h.at[pl.ds(s * NK, NK)], dstb)

        ones = jnp.ones((16,), jnp.float32)

        def hist_chunk(k):
            for j in range(CH // 16):
                v = dstb[k, pl.ds(j * 16, 16)]
                plsc.addupdate_scatter(hist, [v], ones)

        LD = 2
        LAG = R - LD

        def agg_loop(g_ref, with_hist):
            def wait_g(k, b):
                pltpu.make_async_copy(g_ref.at[srcb.at[k]], rows[b], sg[b]).wait()

            def wait_s(k, b):
                pltpu.make_async_copy(
                    rows[b], agg_sh.at[dstb.at[k]], ss[b]).wait()

            for k in range(LD):
                pltpu.async_copy(g_ref.at[srcb.at[k]], rows[k], sg[k])

            def a_body(i, carry):
                for j in range(R):
                    k = R * i + j
                    bn = (j + LD) % R

                    @pl.when(k >= LAG)
                    def _():
                        wait_s(jnp.maximum(k - LAG, 0), bn)

                    @pl.when(k + LD < NK)
                    def _():
                        pltpu.async_copy(
                            g_ref.at[srcb.at[k + LD]], rows[bn], sg[bn])
                    wait_g(k, j)
                    pltpu.async_copy(
                        rows[j], agg_sh.at[dstb.at[k]], ss[j], add=True)
                    if with_hist:
                        hist_chunk(k)
                return carry
            lax.fori_loop(0, NK // R, a_body, 0)
            for k in range(NK - LAG, NK):
                wait_s(k, k % R)

        @pl.when(c == 0)
        def _():
            agg_loop(ga_h, want_deg)
            if want_deg:
                pltpu.sync_copy(hist, dparts_h.at[s])

        @pl.when(c == 1)
        def _():
            agg_loop(gb_h, False)
        plsc.subcore_barrier()

        for q in range(RPT // FL):
            pltpu.sync_copy(agg_sh.at[pl.ds(s * RPT + q * FL, FL)], zstg)
            pltpu.sync_copy(zstg, part_h.at[c, pl.ds(s * RPT + q * FL, FL)])

        if want_deg:
            @pl.when(c == 0)
            def _():
                def r_body(i, carry):
                    tmp[pl.ds(i * 16, 16)] = jnp.zeros((16,), jnp.float32)
                    return carry
                lax.fori_loop(0, SEG // 16, r_body, 0)
                for t in range(NS):
                    pltpu.sync_copy(
                        dparts_h.at[t, pl.ds(s * SEG, SEG)],
                        hist.at[pl.ds(0, SEG)])

                    def add_body(i, carry):
                        sl = pl.ds(i * 16, 16)
                        tmp[sl] = tmp[sl] + hist[sl]
                        return carry
                    lax.fori_loop(0, SEG // 16, add_body, 0)
                pltpu.sync_copy(tmp, deg_h.at[pl.ds(s * SEG, SEG)])

    ot = tuple(out_type) if want_deg else out_type[0]
    return pl.kernel(
        body, out_type=ot, mesh=mesh, scratch_types=scratch,
        compiler_params=pltpu.CompilerParams(
            use_tc_tiling_on_sc=False, needs_layout_passes=False),
        name="sc_seg_agg")


def _tc_mm(x, W, b, name):
    N = x.shape[0]
    BN = 1000
    grid = (N // BN,)

    def body(xb, wn, bb, out):
        out[...] = (jnp.dot(xb[...], wn[...], preferred_element_type=jnp.float32)
                    + bb[...])

    return pl.pallas_call(
        body,
        grid=grid,
        in_specs=[
            pl.BlockSpec((BN, D), lambda i: (i, 0)),
            pl.BlockSpec((D, D), lambda i: (0, 0)),
            pl.BlockSpec((1, D), lambda i: (0, 0)),
        ],
        out_specs=pl.BlockSpec((BN, D), lambda i: (i, 0)),
        out_shape=jax.ShapeDtypeStruct((N, D), jnp.float32),
        name=name,
    )(x, W, b.reshape(1, D))


def _tc_mid(S, part, deg, Wn):
    N = S.shape[0]
    BN = 1000
    grid = (N // BN,)

    def body(sb, pa, pb, dg, wn, g_out, h_out):
        d = jnp.maximum(dg[...], 1.0)
        agg = jnp.concatenate([pa[0], pb[0]], axis=1)
        h = jnp.maximum(sb[...] + agg / d, 0.0)
        g_out[...] = jnp.dot(h, wn[...], preferred_element_type=jnp.float32)
        h_out[...] = h

    return pl.pallas_call(
        body,
        grid=grid,
        in_specs=[
            pl.BlockSpec((BN, D), lambda i: (i, 0)),
            pl.BlockSpec((1, BN, DH), lambda i: (0, i, 0)),
            pl.BlockSpec((1, BN, DH), lambda i: (1, i, 0)),
            pl.BlockSpec((BN, 1), lambda i: (i, 0)),
            pl.BlockSpec((D, D), lambda i: (0, 0)),
        ],
        out_specs=[
            pl.BlockSpec((BN, D), lambda i: (i, 0)),
            pl.BlockSpec((BN, D), lambda i: (i, 0)),
        ],
        out_shape=[
            jax.ShapeDtypeStruct((N, D), jnp.float32),
            jax.ShapeDtypeStruct((N, D), jnp.float32),
        ],
        name="tc_mid",
    )(S, part, part, deg, Wn)


def _tc_out(S, part, deg, Wp1, bp1, Wp2, bp2):
    N = S.shape[0]
    P_HID = Wp1.shape[1]
    P_OUT = Wp2.shape[1]
    BN = 1000
    grid = (N // BN,)

    def body(sb, pa, pb, dg, w1, b1b, w2, b2b, out):
        d = jnp.maximum(dg[...], 1.0)
        agg = jnp.concatenate([pa[0], pb[0]], axis=1)
        h = jnp.maximum(sb[...] + agg / d, 0.0)
        t = jnp.maximum(
            jnp.dot(h, w1[...], preferred_element_type=jnp.float32) + b1b[...], 0.0)
        out[...] = jnp.dot(t, w2[...], preferred_element_type=jnp.float32) + b2b[...]

    return pl.pallas_call(
        body,
        grid=grid,
        in_specs=[
            pl.BlockSpec((BN, D), lambda i: (i, 0)),
            pl.BlockSpec((1, BN, DH), lambda i: (0, i, 0)),
            pl.BlockSpec((1, BN, DH), lambda i: (1, i, 0)),
            pl.BlockSpec((BN, 1), lambda i: (i, 0)),
            pl.BlockSpec((D, P_HID), lambda i: (0, 0)),
            pl.BlockSpec((1, P_HID), lambda i: (0, 0)),
            pl.BlockSpec((P_HID, P_OUT), lambda i: (0, 0)),
            pl.BlockSpec((1, P_OUT), lambda i: (0, 0)),
        ],
        out_specs=pl.BlockSpec((BN, P_OUT), lambda i: (i, 0)),
        out_shape=jax.ShapeDtypeStruct((N, P_OUT), jnp.float32),
        name="tc_out",
    )(S, part, part, deg, Wp1, bp1.reshape(1, P_HID), Wp2, bp2.reshape(1, P_OUT))


def kernel(x, edge_index, W_self1, W_nbr1, b1, W_self2, W_nbr2, b2,
           Wp1, bp1, Wp2, bp2):
    N = x.shape[0]
    E = edge_index.shape[1]
    src2d = edge_index[0].reshape(E // CH, CH)
    dst2d = edge_index[1].reshape(E // CH, CH)
    zeros2d = jnp.zeros((128, DH), jnp.float32)

    agg_deg = _sc_agg(E, N, True)
    agg = _sc_agg(E, N, False)

    G1 = _tc_mm(x, W_nbr1, b1 * 0.0, "tc_g1")
    part1, deg, _ = agg_deg(src2d, dst2d, G1[:, :DH], G1[:, DH:], zeros2d)
    S1 = _tc_mm(x, W_self1, b1, "tc_s1")
    degc = deg[:N].reshape(N, 1)
    G2, h1 = _tc_mid(S1, part1, degc, W_nbr2)
    part2 = agg(src2d, dst2d, G2[:, :DH], G2[:, DH:], zeros2d)
    S2 = _tc_mm(h1, W_self2, b2, "tc_s2")
    return _tc_out(S2, part2, degc, Wp1, bp1, Wp2, bp2)

# --- scband reference (transcript-rebuilt; emitter-appended) ---
"""Pipeline reference for scband-evi-map-soft-61564061221457 (READ-ONLY COPY).

The authoritative reference and input builder live on the scoring server;
editing this copy changes nothing except your own understanding.
"""

import jax, jax.numpy as jnp
import numpy as np

N = 10000
E = 320000
D_IN = 128
D_HID = 128
P_HID = 256
P_OUT = 128


def setup_inputs(seed: int = 0) -> dict:
    key = jax.random.key(seed)
    ks = jax.random.split(key, 12)
    x = jax.random.normal(ks[0], (N, D_IN), dtype=jnp.float32)
    edge_index = jax.random.randint(ks[1], (2, E), 0, N, dtype=jnp.int32)
    s = lambda fan: 1.0 / np.sqrt(fan)
    W_self1 = jax.random.normal(ks[2], (D_IN, D_HID), dtype=jnp.float32) * s(D_IN)
    W_nbr1 = jax.random.normal(ks[3], (D_IN, D_HID), dtype=jnp.float32) * s(D_IN)
    b1 = jnp.zeros((D_HID,), dtype=jnp.float32)
    W_self2 = jax.random.normal(ks[4], (D_HID, D_HID), dtype=jnp.float32) * s(D_HID)
    W_nbr2 = jax.random.normal(ks[5], (D_HID, D_HID), dtype=jnp.float32) * s(D_HID)
    b2 = jnp.zeros((D_HID,), dtype=jnp.float32)
    Wp1 = jax.random.normal(ks[6], (D_HID, P_HID), dtype=jnp.float32) * s(D_HID)
    bp1 = jnp.zeros((P_HID,), dtype=jnp.float32)
    Wp2 = jax.random.normal(ks[7], (P_HID, P_OUT), dtype=jnp.float32) * s(P_HID)
    bp2 = jnp.zeros((P_OUT,), dtype=jnp.float32)
    return {"x": x, "edge_index": edge_index, "W_self1": W_self1, "W_nbr1": W_nbr1, "b1": b1, "W_self2": W_self2, "W_nbr2": W_nbr2, "b2": b2, "Wp1": Wp1, "bp1": bp1, "Wp2": Wp2, "bp2": bp2}


def reference(x, edge_index, W_self1, W_nbr1, b1, W_self2, W_nbr2, b2, Wp1, bp1, Wp2, bp2):
    # GNN encoder (mean-aggregation message passing, 2 layers) + MLP projector,
    # mirroring EvidenceAnalysis.encode_graphs -> projector pipeline.
    src = edge_index[0]
    dst = edge_index[1]
    deg = jax.ops.segment_sum(jnp.ones((E,), dtype=jnp.float32), dst, num_segments=N)
    deg = jnp.maximum(deg, 1.0)[:, None]

    def mp(h, Ws, Wn, b):
        msgs = jnp.take(h, src, axis=0)
        agg = jax.ops.segment_sum(msgs, dst, num_segments=N)
        agg = agg / deg
        return jax.nn.relu(h @ Ws + agg @ Wn + b)

    h = mp(x, W_self1, W_nbr1, b1)
    h = mp(h, W_self2, W_nbr2, b2)
    out = jax.nn.relu(h @ Wp1 + bp1) @ Wp2 + bp2
    return out

if __name__ == "__main__":
    import jax
    _d = setup_inputs()
    print(jax.jit(kernel)(*tuple(_d.values())))

</pallas_src>

<mosaic_0001>
#map = affine_map<(d0, d1) -> (0, 0)>
#map1 = affine_map<(d0, d1) -> (0, 0, 0)>
module attributes {stable_mosaic.version = 14 : i64} {
  func.func @sc_seg_agg(%arg0: i32, %arg1: i32, %arg2: memref<4000x80xi32, #tpu.memory_space<hbm>>, %arg3: memref<4000x80xi32, #tpu.memory_space<hbm>>, %arg4: memref<10000x64xf32, #tpu.memory_space<hbm>>, %arg5: memref<10000x64xf32, #tpu.memory_space<hbm>>, %arg6: memref<128x64xf32, #tpu.memory_space<hbm>>, %arg7: memref<2x10240x64xf32, #tpu.memory_space<hbm>>, %arg8: memref<250x80xi32, #tpu.memory_space<vmem>>, %arg9: memref<250x80xi32, #tpu.memory_space<vmem>>, %arg10: memref<80x64xf32, #tpu.memory_space<vmem>>, %arg11: memref<80x64xf32, #tpu.memory_space<vmem>>, %arg12: memref<80x64xf32, #tpu.memory_space<vmem>>, %arg13: memref<80x64xf32, #tpu.memory_space<vmem>>, %arg14: memref<80x64xf32, #tpu.memory_space<vmem>>, %arg15: memref<128x64xf32, #tpu.memory_space<vmem>>, %arg16: memref<10240x64xf32, #tpu.memory_space<vmem_shared>>, %arg17: memref<!tpu.dma_semaphore, #tpu.memory_space<semaphore_mem>>, %arg18: memref<!tpu.dma_semaphore, #tpu.memory_space<semaphore_mem>>, %arg19: memref<!tpu.dma_semaphore, #tpu.memory_space<semaphore_mem>>, %arg20: memref<!tpu.dma_semaphore, #tpu.memory_space<semaphore_mem>>, %arg21: memref<!tpu.dma_semaphore, #tpu.memory_space<semaphore_mem>>, %arg22: memref<!tpu.dma_semaphore, #tpu.memory_space<semaphore_mem>>, %arg23: memref<!tpu.dma_semaphore, #tpu.memory_space<semaphore_mem>>, %arg24: memref<!tpu.dma_semaphore, #tpu.memory_space<semaphore_mem>>, %arg25: memref<!tpu.dma_semaphore, #tpu.memory_space<semaphore_mem>>, %arg26: memref<!tpu.dma_semaphore, #tpu.memory_space<semaphore_mem>>) attributes {dimension_semantics = [#tpu.dimension_semantics<core_parallel>, #tpu.dimension_semantics<subcore_parallel>], iteration_bounds = array<i64: 2, 16>, scalar_prefetch = 0 : i64, scratch_operands = 19 : i64, tpu.core_type = #tpu.core_type<sc_vector_subcore>, window_params = [{transform_indices = #map}, {transform_indices = #map}, {transform_indices = #map}, {transform_indices = #map}, {transform_indices = #map}, {transform_indices = #map1}]} {
    "tpu.region"() ({
      %run_scoped3A = tpu.sem_alloc : memref<!tpu.dma_semaphore, #tpu.memory_space<semaphore_mem>>
      tpu.enqueue_dma source(%arg6 : memref<128x64xf32, #tpu.memory_space<hbm>>) target(%arg15 : memref<128x64xf32, #tpu.memory_space<vmem>>) target_semaphore(%run_scoped3A : memref<!tpu.dma_semaphore, #tpu.memory_space<semaphore_mem>>)
      tpu.wait_dma2 semaphore(%run_scoped3A : memref<!tpu.dma_semaphore, #tpu.memory_space<semaphore_mem>>) src(%arg6 : memref<128x64xf32, #tpu.memory_space<hbm>>) dst(%arg15 : memref<128x64xf32, #tpu.memory_space<vmem>>)
      tpu.yield
    }) : () -> ()
    %mul3A = arith.constant 640 : i32
    %mul3A_0 = arith.muli %arg1, %mul3A : i32
    %add3A = arith.constant 0 : i32
    %add3A_1 = arith.addi %mul3A_0, %add3A : i32
    "tpu.region"() ({
      %run_scoped3A = tpu.sem_alloc : memref<!tpu.dma_semaphore, #tpu.memory_space<semaphore_mem>>
      %dma_start3A = arith.constant 0 : i32
      %dma_start3A_71 = tpu.memref_slice %arg16[%add3A_1, %dma_start3A] : memref<10240x64xf32, #tpu.memory_space<vmem_shared>> -> memref<128x64xf32, #tpu.memory_space<vmem_shared>>
      %dma_start3A_72 = arith.constant 0 : i32
      %dma_start3A_73 = tpu.memref_slice %arg16[%add3A_1, %dma_start3A_72] : memref<10240x64xf32, #tpu.memory_space<vmem_shared>> -> memref<128x64xf32, #tpu.memory_space<vmem_shared>>
      tpu.enqueue_dma source(%arg15 : memref<128x64xf32, #tpu.memory_space<vmem>>) target(%dma_start3A_73 : memref<128x64xf32, #tpu.memory_space<vmem_shared>>) target_semaphore(%run_scoped3A : memref<!tpu.dma_semaphore, #tpu.memory_space<semaphore_mem>>)
      %dma_wait3A = arith.constant 0 : i32
      %dma_wait3A_74 = tpu.memref_slice %arg16[%add3A_1, %dma_wait3A] : memref<10240x64xf32, #tpu.memory_space<vmem_shared>> -> memref<128x64xf32, #tpu.memory_space<vmem_shared>>
      %dma_wait3A_75 = arith.constant 0 : i32
      %dma_wait3A_76 = tpu.memref_slice %arg16[%add3A_1, %dma_wait3A_75] : memref<10240x64xf32, #tpu.memory_space<vmem_shared>> -> memref<128x64xf32, #tpu.memory_space<vmem_shared>>
      tpu.wait_dma2 semaphore(%run_scoped3A : memref<!tpu.dma_semaphore, #tpu.memory_space<semaphore_mem>>) src(%arg15 : memref<128x64xf32, #tpu.memory_space<vmem>>) dst(%dma_wait3A_76 : memref<128x64xf32, #tpu.memory_space<vmem_shared>>)
      tpu.yield
    }) : () -> ()
    %mul3A_2 = arith.constant 640 : i32
    %mul3A_3 = arith.muli %arg1, %mul3A_2 : i32
    %add3A_4 = arith.constant 128 : i32
    %add3A_5 = arith.addi %mul3A_3, %add3A_4 : i32
    "tpu.region"() ({
      %run_scoped3A = tpu.sem_alloc : memref<!tpu.dma_semaphore, #tpu.memory_space<semaphore_mem>>
      %dma_start3A = arith.constant 0 : i32
      %dma_start3A_71 = tpu.memref_slice %arg16[%add3A_5, %dma_start3A] : memref<10240x64xf32, #tpu.memory_space<vmem_shared>> -> memref<128x64xf32, #tpu.memory_space<vmem_shared>>
      %dma_start3A_72 = arith.constant 0 : i32
      %dma_start3A_73 = tpu.memref_slice %arg16[%add3A_5, %dma_start3A_72] : memref<10240x64xf32, #tpu.memory_space<vmem_shared>> -> memref<128x64xf32, #tpu.memory_space<vmem_shared>>
      tpu.enqueue_dma source(%arg15 : memref<128x64xf32, #tpu.memory_space<vmem>>) target(%dma_start3A_73 : memref<128x64xf32, #tpu.memory_space<vmem_shared>>) target_semaphore(%run_scoped3A : memref<!tpu.dma_semaphore, #tpu.memory_space<semaphore_mem>>)
      %dma_wait3A = arith.constant 0 : i32
      %dma_wait3A_74 = tpu.memref_slice %arg16[%add3A_5, %dma_wait3A] : memref<10240x64xf32, #tpu.memory_space<vmem_shared>> -> memref<128x64xf32, #tpu.memory_space<vmem_shared>>
      %dma_wait3A_75 = arith.constant 0 : i32
      %dma_wait3A_76 = tpu.memref_slice %arg16[%add3A_5, %dma_wait3A_75] : memref<10240x64xf32, #tpu.memory_space<vmem_shared>> -> memref<128x64xf32, #tpu.memory_space<vmem_shared>>
      tpu.wait_dma2 semaphore(%run_scoped3A : memref<!tpu.dma_semaphore, #tpu.memory_space<semaphore_mem>>) src(%arg15 : memref<128x64xf32, #tpu.memory_space<vmem>>) dst(%dma_wait3A_76 : memref<128x64xf32, #tpu.memory_space<vmem_shared>>)
      tpu.yield
    }) : () -> ()
    %mul3A_6 = arith.constant 640 : i32
    %mul3A_7 = arith.muli %arg1, %mul3A_6 : i32
    %add3A_8 = arith.constant 256 : i32
    %add3A_9 = arith.addi %mul3A_7, %add3A_8 : i32
    "tpu.region"() ({
      %run_scoped3A = tpu.sem_alloc : memref<!tpu.dma_semaphore, #tpu.memory_space<semaphore_mem>>
      %dma_start3A = arith.constant 0 : i32
      %dma_start3A_71 = tpu.memref_slice %arg16[%add3A_9, %dma_start3A] : memref<10240x64xf32, #tpu.memory_space<vmem_shared>> -> memref<128x64xf32, #tpu.memory_space<vmem_shared>>
      %dma_start3A_72 = arith.constant 0 : i32
      %dma_start3A_73 = tpu.memref_slice %arg16[%add3A_9, %dma_start3A_72] : memref<10240x64xf32, #tpu.memory_space<vmem_shared>> -> memref<128x64xf32, #tpu.memory_space<vmem_shared>>
      tpu.enqueue_dma source(%arg15 : memref<128x64xf32, #tpu.memory_space<vmem>>) target(%dma_start3A_73 : memref<128x64xf32, #tpu.memory_space<vmem_shared>>) target_semaphore(%run_scoped3A : memref<!tpu.dma_semaphore, #tpu.memory_space<semaphore_mem>>)
      %dma_wait3A = arith.constant 0 : i32
      %dma_wait3A_74 = tpu.memref_slice %arg16[%add3A_9, %dma_wait3A] : memref<10240x64xf32, #tpu.memory_space<vmem_shared>> -> memref<128x64xf32, #tpu.memory_space<vmem_shared>>
      %dma_wait3A_75 = arith.constant 0 : i32
      %dma_wait3A_76 = tpu.memref_slice %arg16[%add3A_9, %dma_wait3A_75] : memref<10240x64xf32, #tpu.memory_space<vmem_shared>> -> memref<128x64xf32, #tpu.memory_space<vmem_shared>>
      tpu.wait_dma2 semaphore(%run_scoped3A : memref<!tpu.dma_semaphore, #tpu.memory_space<semaphore_mem>>) src(%arg15 : memref<128x64xf32, #tpu.memory_space<vmem>>) dst(%dma_wait3A_76 : memref<128x64xf32, #tpu.memory_space<vmem_shared>>)
      tpu.yield
    }) : () -> ()
    %mul3A_10 = arith.constant 640 : i32
    %mul3A_11 = arith.muli %arg1, %mul3A_10 : i32
    %add3A_12 = arith.constant 384 : i32
    %add3A_13 = arith.addi %mul3A_11, %add3A_12 : i32
    "tpu.region"() ({
      %run_scoped3A = tpu.sem_alloc : memref<!tpu.dma_semaphore, #tpu.memory_space<semaphore_mem>>
      %dma_start3A = arith.constant 0 : i32
      %dma_start3A_71 = tpu.memref_slice %arg16[%add3A_13, %dma_start3A] : memref<10240x64xf32, #tpu.memory_space<vmem_shared>> -> memref<128x64xf32, #tpu.memory_space<vmem_shared>>
      %dma_start3A_72 = arith.constant 0 : i32
      %dma_start3A_73 = tpu.memref_slice %arg16[%add3A_13, %dma_start3A_72] : memref<10240x64xf32, #tpu.memory_space<vmem_shared>> -> memref<128x64xf32, #tpu.memory_space<vmem_shared>>
      tpu.enqueue_dma source(%arg15 : memref<128x64xf32, #tpu.memory_space<vmem>>) target(%dma_start3A_73 : memref<128x64xf32, #tpu.memory_space<vmem_shared>>) target_semaphore(%run_scoped3A : memref<!tpu.dma_semaphore, #tpu.memory_space<semaphore_mem>>)
      %dma_wait3A = arith.constant 0 : i32
      %dma_wait3A_74 = tpu.memref_slice %arg16[%add3A_13, %dma_wait3A] : memref<10240x64xf32, #tpu.memory_space<vmem_shared>> -> memref<128x64xf32, #tpu.memory_space<vmem_shared>>
      %dma_wait3A_75 = arith.constant 0 : i32
      %dma_wait3A_76 = tpu.memref_slice %arg16[%add3A_13, %dma_wait3A_75] : memref<10240x64xf32, #tpu.memory_space<vmem_shared>> -> memref<128x64xf32, #tpu.memory_space<vmem_shared>>
      tpu.wait_dma2 semaphore(%run_scoped3A : memref<!tpu.dma_semaphore, #tpu.memory_space<semaphore_mem>>) src(%arg15 : memref<128x64xf32, #tpu.memory_space<vmem>>) dst(%dma_wait3A_76 : memref<128x64xf32, #tpu.memory_space<vmem_shared>>)
      tpu.yield
    }) : () -> ()
    %mul3A_14 = arith.constant 640 : i32
    %mul3A_15 = arith.muli %arg1, %mul3A_14 : i32
    %add3A_16 = arith.constant 512 : i32
    %add3A_17 = arith.addi %mul3A_15, %add3A_16 : i32
    "tpu.region"() ({
      %run_scoped3A = tpu.sem_alloc : memref<!tpu.dma_semaphore, #tpu.memory_space<semaphore_mem>>
      %dma_start3A = arith.constant 0 : i32
      %dma_start3A_71 = tpu.memref_slice %arg16[%add3A_17, %dma_start3A] : memref<10240x64xf32, #tpu.memory_space<vmem_shared>> -> memref<128x64xf32, #tpu.memory_space<vmem_shared>>
      %dma_start3A_72 = arith.constant 0 : i32
      %dma_start3A_73 = tpu.memref_slice %arg16[%add3A_17, %dma_start3A_72] : memref<10240x64xf32, #tpu.memory_space<vmem_shared>> -> memref<128x64xf32, #tpu.memory_space<vmem_shared>>
      tpu.enqueue_dma source(%arg15 : memref<128x64xf32, #tpu.memory_space<vmem>>) target(%dma_start3A_73 : memref<128x64xf32, #tpu.memory_space<vmem_shared>>) target_semaphore(%run_scoped3A : memref<!tpu.dma_semaphore, #tpu.memory_space<semaphore_mem>>)
      %dma_wait3A = arith.constant 0 : i32
      %dma_wait3A_74 = tpu.memref_slice %arg16[%add3A_17, %dma_wait3A] : memref<10240x64xf32, #tpu.memory_space<vmem_shared>> -> memref<128x64xf32, #tpu.memory_space<vmem_shared>>
      %dma_wait3A_75 = arith.constant 0 : i32
      %dma_wait3A_76 = tpu.memref_slice %arg16[%add3A_17, %dma_wait3A_75] : memref<10240x64xf32, #tpu.memory_space<vmem_shared>> -> memref<128x64xf32, #tpu.memory_space<vmem_shared>>
      tpu.wait_dma2 semaphore(%run_scoped3A : memref<!tpu.dma_semaphore, #tpu.memory_space<semaphore_mem>>) src(%arg15 : memref<128x64xf32, #tpu.memory_space<vmem>>) dst(%dma_wait3A_76 : memref<128x64xf32, #tpu.memory_space<vmem_shared>>)
      tpu.yield
    }) : () -> ()
    %barrier3A = arith.constant 0 : index
    tpu.barrier barrier_id(%barrier3A)
    %mul3A_18 = arith.constant 250 : i32
    %mul3A_19 = arith.muli %arg1, %mul3A_18 : i32
    "tpu.region"() ({
      %run_scoped3A = tpu.sem_alloc : memref<!tpu.dma_semaphore, #tpu.memory_space<semaphore_mem>>
      %dma_start3A = arith.constant 0 : i32
      %dma_start3A_71 = tpu.memref_slice %arg2[%mul3A_19, %dma_start3A] : memref<4000x80xi32, #tpu.memory_space<hbm>> -> memref<250x80xi32, #tpu.memory_space<hbm>>
      %dma_start3A_72 = arith.constant 0 : i32
      %dma_start3A_73 = tpu.memref_slice %arg2[%mul3A_19, %dma_start3A_72] : memref<4000x80xi32, #tpu.memory_space<hbm>> -> memref<250x80xi32, #tpu.memory_space<hbm>>
      tpu.enqueue_dma source(%dma_start3A_73 : memref<250x80xi32, #tpu.memory_space<hbm>>) target(%arg8 : memref<250x80xi32, #tpu.memory_space<vmem>>) target_semaphore(%run_scoped3A : memref<!tpu.dma_semaphore, #tpu.memory_space<semaphore_mem>>)
      %dma_wait3A = arith.constant 0 : i32
      %dma_wait3A_74 = tpu.memref_slice %arg2[%mul3A_19, %dma_wait3A] : memref<4000x80xi32, #tpu.memory_space<hbm>> -> memref<250x80xi32, #tpu.memory_space<hbm>>
      %dma_wait3A_75 = arith.constant 0 : i32
      %dma_wait3A_76 = tpu.memref_slice %arg2[%mul3A_19, %dma_wait3A_75] : memref<4000x80xi32, #tpu.memory_space<hbm>> -> memref<250x80xi32, #tpu.memory_space<hbm>>
      tpu.wait_dma2 semaphore(%run_scoped3A : memref<!tpu.dma_semaphore, #tpu.memory_space<semaphore_mem>>) src(%dma_wait3A_76 : memref<250x80xi32, #tpu.memory_space<hbm>>) dst(%arg8 : memref<250x80xi32, #tpu.memory_space<vmem>>)
      tpu.yield
    }) : () -> ()
    %mul3A_20 = arith.constant 250 : i32
    %mul3A_21 = arith.muli %arg1, %mul3A_20 : i32
    "tpu.region"() ({
      %run_scoped3A = tpu.sem_alloc : memref<!tpu.dma_semaphore, #tpu.memory_space<semaphore_mem>>
      %dma_start3A = arith.constant 0 : i32
      %dma_start3A_71 = tpu.memref_slice %arg3[%mul3A_21, %dma_start3A] : memref<4000x80xi32, #tpu.memory_space<hbm>> -> memref<250x80xi32, #tpu.memory_space<hbm>>
      %dma_start3A_72 = arith.constant 0 : i32
      %dma_start3A_73 = tpu.memref_slice %arg3[%mul3A_21, %dma_start3A_72] : memref<4000x80xi32, #tpu.memory_space<hbm>> -> memref<250x80xi32, #tpu.memory_space<hbm>>
      tpu.enqueue_dma source(%dma_start3A_73 : memref<250x80xi32, #tpu.memory_space<hbm>>) target(%arg9 : memref<250x80xi32, #tpu.memory_space<vmem>>) target_semaphore(%run_scoped3A : memref<!tpu.dma_semaphore, #tpu.memory_space<semaphore_mem>>)
      %dma_wait3A = arith.constant 0 : i32
      %dma_wait3A_74 = tpu.memref_slice %arg3[%mul3A_21, %dma_wait3A] : memref<4000x80xi32, #tpu.memory_space<hbm>> -> memref<250x80xi32, #tpu.memory_space<hbm>>
      %dma_wait3A_75 = arith.constant 0 : i32
      %dma_wait3A_76 = tpu.memref_slice %arg3[%mul3A_21, %dma_wait3A_75] : memref<4000x80xi32, #tpu.memory_space<hbm>> -> memref<250x80xi32, #tpu.memory_space<hbm>>
      tpu.wait_dma2 semaphore(%run_scoped3A : memref<!tpu.dma_semaphore, #tpu.memory_space<semaphore_mem>>) src(%dma_wait3A_76 : memref<250x80xi32, #tpu.memory_space<hbm>>) dst(%arg9 : memref<250x80xi32, #tpu.memory_space<vmem>>)
      tpu.yield
    }) : () -> ()
    %broadcast_in_dim3A = arith.constant 1.000000e+00 : f32
    %broadcast_in_dim3A_22 = vector.broadcast %broadcast_in_dim3A : f32 to vector<16xf32>
    %eq3A = arith.constant 0 : i32
    %eq3A_23 = arith.cmpi eq, %arg0, %eq3A : i32
    %convert_element_type3A = arith.extui %eq3A_23 : i1 to i32
    %cond3A = arith.constant 0 : i32
    %cond3A_24 = arith.cmpi ne, %convert_element_type3A, %cond3A : i32
    scf.if %cond3A_24 {
      %dma_start3A = arith.constant 0 : i32
      %dma_start3A_71 = arith.constant 0 : i32
      %dma_start3A_72 = tpu.memref_slice %arg8[%dma_start3A, %dma_start3A_71] : memref<250x80xi32, #tpu.memory_space<vmem>> -> memref<1x80xi32, #tpu.memory_space<vmem>>
      %dma_start3A_73 = tpu.memref_squeeze %dma_start3A_72 : memref<1x80xi32, #tpu.memory_space<vmem>> -> memref<80xi32, #tpu.memory_space<vmem>>
      %dma_start3A_74 = arith.constant 0 : i32
      %dma_start3A_75 = arith.constant 0 : i32
      %dma_start3A_76 = tpu.memref_slice %arg4[%dma_start3A_74, %dma_start3A_75] : memref<10000x64xf32, #tpu.memory_space<hbm>> -> memref<10000x64xf32, #tpu.memory_space<hbm>>
      tpu.enqueue_indirect_dma source(%dma_start3A_76 : memref<10000x64xf32, #tpu.memory_space<hbm>>) target(%arg10 : memref<80x64xf32, #tpu.memory_space<vmem>>) offsets(%dma_start3A_73 : memref<80xi32, #tpu.memory_space<vmem>>) semaphore(%arg17 : memref<!tpu.dma_semaphore, #tpu.memory_space<semaphore_mem>>)
      %dma_start3A_77 = arith.constant 1 : i32
      %dma_start3A_78 = arith.constant 0 : i32
      %dma_start3A_79 = tpu.memref_slice %arg8[%dma_start3A_77, %dma_start3A_78] : memref<250x80xi32, #tpu.memory_space<vmem>> -> memref<1x80xi32, #tpu.memory_space<vmem>>
      %dma_start3A_80 = tpu.memref_squeeze %dma_start3A_79 : memref<1x80xi32, #tpu.memory_space<vmem>> -> memref<80xi32, #tpu.memory_space<vmem>>
      %dma_start3A_81 = arith.constant 0 : i32
      %dma_start3A_82 = arith.constant 0 : i32
      %dma_start3A_83 = tpu.memref_slice %arg4[%dma_start3A_81, %dma_start3A_82] : memref<10000x64xf32, #tpu.memory_space<hbm>> -> memref<10000x64xf32, #tpu.memory_space<hbm>>
      tpu.enqueue_indirect_dma source(%dma_start3A_83 : memref<10000x64xf32, #tpu.memory_space<hbm>>) target(%arg11 : memref<80x64xf32, #tpu.memory_space<vmem>>) offsets(%dma_start3A_80 : memref<80xi32, #tpu.memory_space<vmem>>) semaphore(%arg18 : memref<!tpu.dma_semaphore, #tpu.memory_space<semaphore_mem>>)
      %scan3A = arith.constant 0 : i32
      %scan3A_84 = arith.constant 0 : i32
      %scan3A_85 = arith.constant 50 : i32
      %scan3A_86 = arith.addi %scan3A_84, %scan3A_85 : i32
      %scan3A_87 = arith.constant 1 : i32
      scf.for %scan3A_109 = %scan3A_84 to %scan3A_86 step %scan3A_87  : i32 {
        %mul3A_110 = arith.constant 5 : i32
        %mul3A_111 = arith.muli %mul3A_110, %scan3A_109 : i32
        %add3A_112 = arith.constant 0 : i32
        %add3A_113 = arith.addi %mul3A_111, %add3A_112 : i32
        %ge3A = arith.constant 3 : i32
        %ge3A_114 = arith.cmpi sge, %add3A_113, %ge3A : i32
        %convert_element_type3A_115 = arith.extui %ge3A_114 : i1 to i32
        %cond3A_116 = arith.constant 0 : i32
        %cond3A_117 = arith.cmpi ne, %convert_element_type3A_115, %cond3A_116 : i32
        scf.if %cond3A_117 {
          %sub3A = arith.constant 3 : i32
          %sub3A_248 = arith.subi %add3A_113, %sub3A : i32
          %max3A = arith.constant 0 : i32
          %max3A_249 = arith.maxsi %sub3A_248, %max3A : i32
          %dma_wait3A_250 = arith.constant 0 : i32
          %dma_wait3A_251 = tpu.memref_slice %arg9[%max3A_249, %dma_wait3A_250] : memref<250x80xi32, #tpu.memory_space<vmem>> -> memref<1x80xi32, #tpu.memory_space<vmem>>
          %dma_wait3A_252 = tpu.memref_squeeze %dma_wait3A_251 : memref<1x80xi32, #tpu.memory_space<vmem>> -> memref<80xi32, #tpu.memory_space<vmem>>
          %dma_wait3A_253 = arith.constant 0 : i32
          %dma_wait3A_254 = arith.constant 0 : i32
          %dma_wait3A_255 = tpu.memref_slice %arg16[%dma_wait3A_253, %dma_wait3A_254] : memref<10240x64xf32, #tpu.memory_space<vmem_shared>> -> memref<10240x64xf32, #tpu.memory_space<vmem_shared>>
          tpu.wait_indirect_dma semaphore(%arg24 : memref<!tpu.dma_semaphore, #tpu.memory_space<semaphore_mem>>) src(%arg12 : memref<80x64xf32, #tpu.memory_space<vmem>>) dst(%dma_wait3A_255 : memref<10240x64xf32, #tpu.memory_space<vmem_shared>>)
        } else {
        }
        %add3A_118 = arith.constant 2 : i32
        %add3A_119 = arith.addi %add3A_113, %add3A_118 : i32
        %lt3A = arith.constant 250 : i32
        %lt3A_120 = arith.cmpi slt, %add3A_119, %lt3A : i32
        %convert_element_type3A_121 = arith.extui %lt3A_120 : i1 to i32
        %cond3A_122 = arith.constant 0 : i32
        %cond3A_123 = arith.cmpi ne, %convert_element_type3A_121, %cond3A_122 : i32
        scf.if %cond3A_123 {
          %add3A_248 = arith.constant 2 : i32
          %add3A_249 = arith.addi %add3A_113, %add3A_248 : i32
          %dma_start3A_250 = arith.constant 0 : i32
          %dma_start3A_251 = tpu.memref_slice %arg8[%add3A_249, %dma_start3A_250] : memref<250x80xi32, #tpu.memory_space<vmem>> -> memref<1x80xi32, #tpu.memory_space<vmem>>
          %dma_start3A_252 = tpu.memref_squeeze %dma_start3A_251 : memref<1x80xi32, #tpu.memory_space<vmem>> -> memref<80xi32, #tpu.memory_space<vmem>>
          %dma_start3A_253 = arith.constant 0 : i32
          %dma_start3A_254 = arith.constant 0 : i32
          %dma_start3A_255 = tpu.memref_slice %arg4[%dma_start3A_253, %dma_start3A_254] : memref<10000x64xf32, #tpu.memory_space<hbm>> -> memref<10000x64xf32, #tpu.memory_space<hbm>>
          tpu.enqueue_indirect_dma source(%dma_start3A_255 : memref<10000x64xf32, #tpu.memory_space<hbm>>) target(%arg12 : memref<80x64xf32, #tpu.memory_space<vmem>>) offsets(%dma_start3A_252 : memref<80xi32, #tpu.memory_space<vmem>>) semaphore(%arg19 : memref<!tpu.dma_semaphore, #tpu.memory_space<semaphore_mem>>)
        } else {
        }
        %dma_wait3A_124 = arith.constant 0 : i32
        %dma_wait3A_125 = tpu.memref_slice %arg8[%add3A_113, %dma_wait3A_124] : memref<250x80xi32, #tpu.memory_space<vmem>> -> memref<1x80xi32, #tpu.memory_space<vmem>>
        %dma_wait3A_126 = tpu.memref_squeeze %dma_wait3A_125 : memref<1x80xi32, #tpu.memory_space<vmem>> -> memref<80xi32, #tpu.memory_space<vmem>>
        %dma_wait3A_127 = arith.constant 0 : i32
        %dma_wait3A_128 = arith.constant 0 : i32
        %dma_wait3A_129 = tpu.memref_slice %arg4[%dma_wait3A_127, %dma_wait3A_128] : memref<10000x64xf32, #tpu.memory_space<hbm>> -> memref<10000x64xf32, #tpu.memory_space<hbm>>
        tpu.wait_indirect_dma semaphore(%arg17 : memref<!tpu.dma_semaphore, #tpu.memory_space<semaphore_mem>>) src(%dma_wait3A_129 : memref<10000x64xf32, #tpu.memory_space<hbm>>) dst(%arg10 : memref<80x64xf32, #tpu.memory_space<vmem>>)
        %dma_start3A_130 = arith.constant 0 : i32
        %dma_start3A_131 = tpu.memref_slice %arg9[%add3A_113, %dma_start3A_130] : memref<250x80xi32, #tpu.memory_space<vmem>> -> memref<1x80xi32, #tpu.memory_space<vmem>>
        %dma_start3A_132 = tpu.memref_squeeze %dma_start3A_131 : memref<1x80xi32, #tpu.memory_space<vmem>> -> memref<80xi32, #tpu.memory_space<vmem>>
        %dma_start3A_133 = arith.constant 0 : i32
        %dma_start3A_134 = arith.constant 0 : i32
        %dma_start3A_135 = tpu.memref_slice %arg16[%dma_start3A_133, %dma_start3A_134] : memref<10240x64xf32, #tpu.memory_space<vmem_shared>> -> memref<10240x64xf32, #tpu.memory_space<vmem_shared>>
        tpu.enqueue_indirect_dma source(%arg10 : memref<80x64xf32, #tpu.memory_space<vmem>>) target(%dma_start3A_135 : memref<10240x64xf32, #tpu.memory_space<vmem_shared>>) offsets(%dma_start3A_132 : memref<80xi32, #tpu.memory_space<vmem>>) semaphore(%arg22 : memref<!tpu.dma_semaphore, #tpu.memory_space<semaphore_mem>>) {add = true}
        %mul3A_136 = arith.constant 5 : i32
        %mul3A_137 = arith.muli %mul3A_136, %scan3A_109 : i32
        %add3A_138 = arith.constant 1 : i32
        %add3A_139 = arith.addi %mul3A_137, %add3A_138 : i32
        %ge3A_140 = arith.constant 3 : i32
        %ge3A_141 = arith.cmpi sge, %add3A_139, %ge3A_140 : i32
        %convert_element_type3A_142 = arith.extui %ge3A_141 : i1 to i32
        %cond3A_143 = arith.constant 0 : i32
        %cond3A_144 = arith.cmpi ne, %convert_element_type3A_142, %cond3A_143 : i32
        scf.if %cond3A_144 {
          %sub3A = arith.constant 3 : i32
          %sub3A_248 = arith.subi %add3A_139, %sub3A : i32
          %max3A = arith.constant 0 : i32
          %max3A_249 = arith.maxsi %sub3A_248, %max3A : i32
          %dma_wait3A_250 = arith.constant 0 : i32
          %dma_wait3A_251 = tpu.memref_slice %arg9[%max3A_249, %dma_wait3A_250] : memref<250x80xi32, #tpu.memory_space<vmem>> -> memref<1x80xi32, #tpu.memory_space<vmem>>
          %dma_wait3A_252 = tpu.memref_squeeze %dma_wait3A_251 : memref<1x80xi32, #tpu.memory_space<vmem>> -> memref<80xi32, #tpu.memory_space<vmem>>
          %dma_wait3A_253 = arith.constant 0 : i32
          %dma_wait3A_254 = arith.constant 0 : i32
          %dma_wait3A_255 = tpu.memref_slice %arg16[%dma_wait3A_253, %dma_wait3A_254] : memref<10240x64xf32, #tpu.memory_space<vmem_shared>> -> memref<10240x64xf32, #tpu.memory_space<vmem_shared>>
          tpu.wait_indirect_dma semaphore(%arg25 : memref<!tpu.dma_semaphore, #tpu.memory_space<semaphore_mem>>) src(%arg13 : memref<80x64xf32, #tpu.memory_space<vmem>>) dst(%dma_wait3A_255 : memref<10240x64xf32, #tpu.memory_space<vmem_shared>>)
        } else {
        }
        %add3A_145 = arith.constant 2 : i32
        %add3A_146 = arith.addi %add3A_139, %add3A_145 : i32
        %lt3A_147 = arith.constant 250 : i32
        %lt3A_148 = arith.cmpi slt, %add3A_146, %lt3A_147 : i32
        %convert_element_type3A_149 = arith.extui %lt3A_148 : i1 to i32
        %cond3A_150 = arith.constant 0 : i32
        %cond3A_151 = arith.cmpi ne, %convert_element_type3A_149, %cond3A_150 : i32
        scf.if %cond3A_151 {
          %add3A_248 = arith.constant 2 : i32
          %add3A_249 = arith.addi %add3A_139, %add3A_248 : i32
          %dma_start3A_250 = arith.constant 0 : i32
          %dma_start3A_251 = tpu.memref_slice %arg8[%add3A_249, %dma_start3A_250] : memref<250x80xi32, #tpu.memory_space<vmem>> -> memref<1x80xi32, #tpu.memory_space<vmem>>
          %dma_start3A_252 = tpu.memref_squeeze %dma_start3A_251 : memref<1x80xi32, #tpu.memory_space<vmem>> -> memref<80xi32, #tpu.memory_space<vmem>>
          %dma_start3A_253 = arith.constant 0 : i32
          %dma_start3A_254 = arith.constant 0 : i32
          %dma_start3A_255 = tpu.memref_slice %arg4[%dma_start3A_253, %dma_start3A_254] : memref<10000x64xf32, #tpu.memory_space<hbm>> -> memref<10000x64xf32, #tpu.memory_space<hbm>>
          tpu.enqueue_indirect_dma source(%dma_start3A_255 : memref<10000x64xf32, #tpu.memory_space<hbm>>) target(%arg13 : memref<80x64xf32, #tpu.memory_space<vmem>>) offsets(%dma_start3A_252 : memref<80xi32, #tpu.memory_space<vmem>>) semaphore(%arg20 : memref<!tpu.dma_semaphore, #tpu.memory_space<semaphore_mem>>)
        } else {
        }
        %dma_wait3A_152 = arith.constant 0 : i32
        %dma_wait3A_153 = tpu.memref_slice %arg8[%add3A_139, %dma_wait3A_152] : memref<250x80xi32, #tpu.memory_space<vmem>> -> memref<1x80xi32, #tpu.memory_space<vmem>>
        %dma_wait3A_154 = tpu.memref_squeeze %dma_wait3A_153 : memref<1x80xi32, #tpu.memory_space<vmem>> -> memref<80xi32, #tpu.memory_space<vmem>>
        %dma_wait3A_155 = arith.constant 0 : i32
        %dma_wait3A_156 = arith.constant 0 : i32
        %dma_wait3A_157 = tpu.memref_slice %arg4[%dma_wait3A_155, %dma_wait3A_156] : memref<10000x64xf32, #tpu.memory_space<hbm>> -> memref<10000x64xf32, #tpu.memory_space<hbm>>
        tpu.wait_indirect_dma semaphore(%arg18 : memref<!tpu.dma_semaphore, #tpu.memory_space<semaphore_mem>>) src(%dma_wait3A_157 : memref<10000x64xf32, #tpu.memory_space<hbm>>) dst(%arg11 : memref<80x64xf32, #tpu.memory_space<vmem>>)
        %dma_start3A_158 = arith.constant 0 : i32
        %dma_start3A_159 = tpu.memref_slice %arg9[%add3A_139, %dma_start3A_158] : memref<250x80xi32, #tpu.memory_space<vmem>> -> memref<1x80xi32, #tpu.memory_space<vmem>>
        %dma_start3A_160 = tpu.memref_squeeze %dma_start3A_159 : memref<1x80xi32, #tpu.memory_space<vmem>> -> memref<80xi32, #tpu.memory_space<vmem>>
        %dma_start3A_161 = arith.constant 0 : i32
        %dma_start3A_162 = arith.constant 0 : i32
        %dma_start3A_163 = tpu.memref_slice %arg16[%dma_start3A_161, %dma_start3A_162] : memref<10240x64xf32, #tpu.memory_space<vmem_shared>> -> memref<10240x64xf32, #tpu.memory_space<vmem_shared>>
        tpu.enqueue_indirect_dma source(%arg11 : memref<80x64xf32, #tpu.memory_space<vmem>>) target(%dma_start3A_163 : memref<10240x64xf32, #tpu.memory_space<vmem_shared>>) offsets(%dma_start3A_160 : memref<80xi32, #tpu.memory_space<vmem>>) semaphore(%arg23 : memref<!tpu.dma_semaphore, #tpu.memory_space<semaphore_mem>>) {add = true}
        %mul3A_164 = arith.constant 5 : i32
        %mul3A_165 = arith.muli %mul3A_164, %scan3A_109 : i32
        %add3A_166 = arith.constant 2 : i32
        %add3A_167 = arith.addi %mul3A_165, %add3A_166 : i32
        %ge3A_168 = arith.constant 3 : i32
        %ge3A_169 = arith.cmpi sge, %add3A_167, %ge3A_168 : i32
        %convert_element_type3A_170 = arith.extui %ge3A_169 : i1 to i32
        %cond3A_171 = arith.constant 0 : i32
        %cond3A_172 = arith.cmpi ne, %convert_element_type3A_170, %cond3A_171 : i32
        scf.if %cond3A_172 {
          %sub3A = arith.constant 3 : i32
          %sub3A_248 = arith.subi %add3A_167, %sub3A : i32
          %max3A = arith.constant 0 : i32
          %max3A_249 = arith.maxsi %sub3A_248, %max3A : i32
          %dma_wait3A_250 = arith.constant 0 : i32
          %dma_wait3A_251 = tpu.memref_slice %arg9[%max3A_249, %dma_wait3A_250] : memref<250x80xi32, #tpu.memory_space<vmem>> -> memref<1x80xi32, #tpu.memory_space<vmem>>
          %dma_wait3A_252 = tpu.memref_squeeze %dma_wait3A_251 : memref<1x80xi32, #tpu.memory_space<vmem>> -> memref<80xi32, #tpu.memory_space<vmem>>
          %dma_wait3A_253 = arith.constant 0 : i32
          %dma_wait3A_254 = arith.constant 0 : i32
          %dma_wait3A_255 = tpu.memref_slice %arg16[%dma_wait3A_253, %dma_wait3A_254] : memref<10240x64xf32, #tpu.memory_space<vmem_shared>> -> memref<10240x64xf32, #tpu.memory_space<vmem_shared>>
          tpu.wait_indirect_dma semaphore(%arg26 : memref<!tpu.dma_semaphore, #tpu.memory_space<semaphore_mem>>) src(%arg14 : memref<80x64xf32, #tpu.memory_space<vmem>>) dst(%dma_wait3A_255 : memref<10240x64xf32, #tpu.memory_space<vmem_shared>>)
        } else {
        }
        %add3A_173 = arith.constant 2 : i32
        %add3A_174 = arith.addi %add3A_167, %add3A_173 : i32
        %lt3A_175 = arith.constant 250 : i32
        %lt3A_176 = arith.cmpi slt, %add3A_174, %lt3A_175 : i32
        %convert_element_type3A_177 = arith.extui %lt3A_176 : i1 to i32
        %cond3A_178 = arith.constant 0 : i32
        %cond3A_179 = arith.cmpi ne, %convert_element_type3A_177, %cond3A_178 : i32
        scf.if %cond3A_179 {
          %add3A_248 = arith.constant 2 : i32
          %add3A_249 = arith.addi %add3A_167, %add3A_248 : i32
          %dma_start3A_250 = arith.constant 0 : i32
          %dma_start3A_251 = tpu.memref_slice %arg8[%add3A_249, %dma_start3A_250] : memref<250x80xi32, #tpu.memory_space<vmem>> -> memref<1x80xi32, #tpu.memory_space<vmem>>
          %dma_start3A_252 = tpu.memref_squeeze %dma_start3A_251 : memref<1x80xi32, #tpu.memory_space<vmem>> -> memref<80xi32, #tpu.memory_space<vmem>>
          %dma_start3A_253 = arith.constant 0 : i32
          %dma_start3A_254 = arith.constant 0 : i32
          %dma_start3A_255 = tpu.memref_slice %arg4[%dma_start3A_253, %dma_start3A_254] : memref<10000x64xf32, #tpu.memory_space<hbm>> -> memref<10000x64xf32, #tpu.memory_space<hbm>>
          tpu.enqueue_indirect_dma source(%dma_start3A_255 : memref<10000x64xf32, #tpu.memory_space<hbm>>) target(%arg14 : memref<80x64xf32, #tpu.memory_space<vmem>>) offsets(%dma_start3A_252 : memref<80xi32, #tpu.memory_space<vmem>>) semaphore(%arg21 : memref<!tpu.dma_semaphore, #tpu.memory_space<semaphore_mem>>)
        } else {
        }
        %dma_wait3A_180 = arith.constant 0 : i32
        %dma_wait3A_181 = tpu.memref_slice %arg8[%add3A_167, %dma_wait3A_180] : memref<250x80xi32, #tpu.memory_space<vmem>> -> memref<1x80xi32, #tpu.memory_space<vmem>>
        %dma_wait3A_182 = tpu.memref_squeeze %dma_wait3A_181 : memref<1x80xi32, #tpu.memory_space<vmem>> -> memref<80xi32, #tpu.memory_space<vmem>>
        %dma_wait3A_183 = arith.constant 0 : i32
        %dma_wait3A_184 = arith.constant 0 : i32
        %dma_wait3A_185 = tpu.memref_slice %arg4[%dma_wait3A_183, %dma_wait3A_184] : memref<10000x64xf32, #tpu.memory_space<hbm>> -> memref<10000x64xf32, #tpu.memory_space<hbm>>
        tpu.wait_indirect_dma semaphore(%arg19 : memref<!tpu.dma_semaphore, #tpu.memory_space<semaphore_mem>>) src(%dma_wait3A_185 : memref<10000x64xf32, #tpu.memory_space<hbm>>) dst(%arg12 : memref<80x64xf32, #tpu.memory_space<vmem>>)
        %dma_start3A_186 = arith.constant 0 : i32
        %dma_start3A_187 = tpu.memref_slice %arg9[%add3A_167, %dma_start3A_186] : memref<250x80xi32, #tpu.memory_space<vmem>> -> memref<1x80xi32, #tpu.memory_space<vmem>>
        %dma_start3A_188 = tpu.memref_squeeze %dma_start3A_187 : memref<1x80xi32, #tpu.memory_space<vmem>> -> memref<80xi32, #tpu.memory_space<vmem>>
        %dma_start3A_189 = arith.constant 0 : i32
        %dma_start3A_190 = arith.constant 0 : i32
        %dma_start3A_191 = tpu.memref_slice %arg16[%dma_start3A_189, %dma_start3A_190] : memref<10240x64xf32, #tpu.memory_space<vmem_shared>> -> memref<10240x64xf32, #tpu.memory_space<vmem_shared>>
        tpu.enqueue_indirect_dma source(%arg12 : memref<80x64xf32, #tpu.memory_space<vmem>>) target(%dma_start3A_191 : memref<10240x64xf32, #tpu.memory_space<vmem_shared>>) offsets(%dma_start3A_188 : memref<80xi32, #tpu.memory_space<vmem>>) semaphore(%arg24 : memref<!tpu.dma_semaphore, #tpu.memory_space<semaphore_mem>>) {add = true}
        %mul3A_192 = arith.constant 5 : i32
        %mul3A_193 = arith.muli %mul3A_192, %scan3A_109 : i32
        %add3A_194 = arith.constant 3 : i32
        %add3A_195 = arith.addi %mul3A_193, %add3A_194 : i32
        %ge3A_196 = arith.constant 3 : i32
        %ge3A_197 = arith.cmpi sge, %add3A_195, %ge3A_196 : i32
        %convert_element_type3A_198 = arith.extui %ge3A_197 : i1 to i32
        %cond3A_199 = arith.constant 0 : i32
        %cond3A_200 = arith.cmpi ne, %convert_element_type3A_198, %cond3A_199 : i32
        scf.if %cond3A_200 {
          %sub3A = arith.constant 3 : i32
          %sub3A_248 = arith.subi %add3A_195, %sub3A : i32
          %max3A = arith.constant 0 : i32
          %max3A_249 = arith.maxsi %sub3A_248, %max3A : i32
          %dma_wait3A_250 = arith.constant 0 : i32
          %dma_wait3A_251 = tpu.memref_slice %arg9[%max3A_249, %dma_wait3A_250] : memref<250x80xi32, #tpu.memory_space<vmem>> -> memref<1x80xi32, #tpu.memory_space<vmem>>
          %dma_wait3A_252 = tpu.memref_squeeze %dma_wait3A_251 : memref<1x80xi32, #tpu.memory_space<vmem>> -> memref<80xi32, #tpu.memory_space<vmem>>
          %dma_wait3A_253 = arith.constant 0 : i32
          %dma_wait3A_254 = arith.constant 0 : i32
          %dma_wait3A_255 = tpu.memref_slice %arg16[%dma_wait3A_253, %dma_wait3A_254] : memref<10240x64xf32, #tpu.memory_space<vmem_shared>> -> memref<10240x64xf32, #tpu.memory_space<vmem_shared>>
          tpu.wait_indirect_dma semaphore(%arg22 : memref<!tpu.dma_semaphore, #tpu.memory_space<semaphore_mem>>) src(%arg10 : memref<80x64xf32, #tpu.memory_space<vmem>>) dst(%dma_wait3A_255 : memref<10240x64xf32, #tpu.memory_space<vmem_shared>>)
        } else {
        }
        %add3A_201 = arith.constant 2 : i32
        %add3A_202 = arith.addi %add3A_195, %add3A_201 : i32
        %lt3A_203 = arith.constant 250 : i32
        %lt3A_204 = arith.cmpi slt, %add3A_202, %lt3A_203 : i32
        %convert_element_type3A_205 = arith.extui %lt3A_204 : i1 to i32
        %cond3A_206 = arith.constant 0 : i32
        %cond3A_207 = arith.cmpi ne, %convert_element_type3A_205, %cond3A_206 : i32
        scf.if %cond3A_207 {
          %add3A_248 = arith.constant 2 : i32
          %add3A_249 = arith.addi %add3A_195, %add3A_248 : i32
          %dma_start3A_250 = arith.constant 0 : i32
          %dma_start3A_251 = tpu.memref_slice %arg8[%add3A_249, %dma_start3A_250] : memref<250x80xi32, #tpu.memory_space<vmem>> -> memref<1x80xi32, #tpu.memory_space<vmem>>
          %dma_start3A_252 = tpu.memref_squeeze %dma_start3A_251 : memref<1x80xi32, #tpu.memory_space<vmem>> -> memref<80xi32, #tpu.memory_space<vmem>>
          %dma_start3A_253 = arith.constant 0 : i32
          %dma_start3A_254 = arith.constant 0 : i32
          %dma_start3A_255 = tpu.memref_slice %arg4[%dma_start3A_253, %dma_start3A_254] : memref<10000x64xf32, #tpu.memory_space<hbm>> -> memref<10000x64xf32, #tpu.memory_space<hbm>>
          tpu.enqueue_indirect_dma source(%dma_start3A_255 : memref<10000x64xf32, #tpu.memory_space<hbm>>) target(%arg10 : memref<80x64xf32, #tpu.memory_space<vmem>>) offsets(%dma_start3A_252 : memref<80xi32, #tpu.memory_space<vmem>>) semaphore(%arg17 : memref<!tpu.dma_semaphore, #tpu.memory_space<semaphore_mem>>)
        } else {
        }
        %dma_wait3A_208 = arith.constant 0 : i32
        %dma_wait3A_209 = tpu.memref_slice %arg8[%add3A_195, %dma_wait3A_208] : memref<250x80xi32, #tpu.memory_space<vmem>> -> memref<1x80xi32, #tpu.memory_space<vmem>>
        %dma_wait3A_210 = tpu.memref_squeeze %dma_wait3A_209 : memref<1x80xi32, #tpu.memory_space<vmem>> -> memref<80xi32, #tpu.memory_space<vmem>>
        %dma_wait3A_211 = arith.constant 0 : i32
        %dma_wait3A_212 = arith.constant 0 : i32
        %dma_wait3A_213 = tpu.memref_slice %arg4[%dma_wait3A_211, %dma_wait3A_212] : memref<10000x64xf32, #tpu.memory_space<hbm>> -> memref<10000x64xf32, #tpu.memory_space<hbm>>
        tpu.wait_indirect_dma semaphore(%arg20 : memref<!tpu.dma_semaphore, #tpu.memory_space<semaphore_mem>>) src(%dma_wait3A_213 : memref<10000x64xf32, #tpu.memory_space<hbm>>) dst(%arg13 : memref<80x64xf32, #tpu.memory_space<vmem>>)
        %dma_start3A_214 = arith.constant 0 : i32
        %dma_start3A_215 = tpu.memref_slice %arg9[%add3A_195, %dma_start3A_214] : memref<250x80xi32, #tpu.memory_space<vmem>> -> memref<1x80xi32, #tpu.memory_space<vmem>>
        %dma_start3A_216 = tpu.memref_squeeze %dma_start3A_215 : memref<1x80xi32, #tpu.memory_space<vmem>> -> memref<80xi32, #tpu.memory_space<vmem>>
        %dma_start3A_217 = arith.constant 0 : i32
        %dma_start3A_218 = arith.constant 0 : i32
        %dma_start3A_219 = tpu.memref_slice %arg16[%dma_start3A_217, %dma_start3A_218] : memref<10240x64xf32, #tpu.memory_space<vmem_shared>> -> memref<10240x64xf32, #tpu.memory_space<vmem_shared>>
        tpu.enqueue_indirect_dma source(%arg13 : memref<80x64xf32, #tpu.memory_space<vmem>>) target(%dma_start3A_219 : memref<10240x64xf32, #tpu.memory_space<vmem_shared>>) offsets(%dma_start3A_216 : memref<80xi32, #tpu.memory_space<vmem>>) semaphore(%arg25 : memref<!tpu.dma_semaphore, #tpu.memory_space<semaphore_mem>>) {add = true}
        %mul3A_220 = arith.constant 5 : i32
        %mul3A_221 = arith.muli %mul3A_220, %scan3A_109 : i32
        %add3A_222 = arith.constant 4 : i32
        %add3A_223 = arith.addi %mul3A_221, %add3A_222 : i32
        %ge3A_224 = arith.constant 3 : i32
        %ge3A_225 = arith.cmpi sge, %add3A_223, %ge3A_224 : i32
        %convert_element_type3A_226 = arith.extui %ge3A_225 : i1 to i32
        %cond3A_227 = arith.constant 0 : i32
        %cond3A_228 = arith.cmpi ne, %convert_element_type3A_226, %cond3A_227 : i32
        scf.if %cond3A_228 {
          %sub3A = arith.constant 3 : i32
          %sub3A_248 = arith.subi %add3A_223, %sub3A : i32
          %max3A = arith.constant 0 : i32
          %max3A_249 = arith.maxsi %sub3A_248, %max3A : i32
          %dma_wait3A_250 = arith.constant 0 : i32
          %dma_wait3A_251 = tpu.memref_slice %arg9[%max3A_249, %dma_wait3A_250] : memref<250x80xi32, #tpu.memory_space<vmem>> -> memref<1x80xi32, #tpu.memory_space<vmem>>
          %dma_wait3A_252 = tpu.memref_squeeze %dma_wait3A_251 : memref<1x80xi32, #tpu.memory_space<vmem>> -> memref<80xi32, #tpu.memory_space<vmem>>
          %dma_wait3A_253 = arith.constant 0 : i32
          %dma_wait3A_254 = arith.constant 0 : i32
          %dma_wait3A_255 = tpu.memref_slice %arg16[%dma_wait3A_253, %dma_wait3A_254] : memref<10240x64xf32, #tpu.memory_space<vmem_shared>> -> memref<10240x64xf32, #tpu.memory_space<vmem_shared>>
          tpu.wait_indirect_dma semaphore(%arg23 : memref<!tpu.dma_semaphore, #tpu.memory_space<semaphore_mem>>) src(%arg11 : memref<80x64xf32, #tpu.memory_space<vmem>>) dst(%dma_wait3A_255 : memref<10240x64xf32, #tpu.memory_space<vmem_shared>>)
        } else {
        }
        %add3A_229 = arith.constant 2 : i32
        %add3A_230 = arith.addi %add3A_223, %add3A_229 : i32
        %lt3A_231 = arith.constant 250 : i32
        %lt3A_232 = arith.cmpi slt, %add3A_230, %lt3A_231 : i32
        %convert_element_type3A_233 = arith.extui %lt3A_232 : i1 to i32
        %cond3A_234 = arith.constant 0 : i32
        %cond3A_235 = arith.cmpi ne, %convert_element_type3A_233, %cond3A_234 : i32
        scf.if %cond3A_235 {
          %add3A_248 = arith.constant 2 : i32
          %add3A_249 = arith.addi %add3A_223, %add3A_248 : i32
          %dma_start3A_250 = arith.constant 0 : i32
          %dma_start3A_251 = tpu.memref_slice %arg8[%add3A_249, %dma_start3A_250] : memref<250x80xi32, #tpu.memory_space<vmem>> -> memref<1x80xi32, #tpu.memory_space<vmem>>
          %dma_start3A_252 = tpu.memref_squeeze %dma_start3A_251 : memref<1x80xi32, #tpu.memory_space<vmem>> -> memref<80xi32, #tpu.memory_space<vmem>>
          %dma_start3A_253 = arith.constant 0 : i32
          %dma_start3A_254 = arith.constant 0 : i32
          %dma_start3A_255 = tpu.memref_slice %arg4[%dma_start3A_253, %dma_start3A_254] : memref<10000x64xf32, #tpu.memory_space<hbm>> -> memref<10000x64xf32, #tpu.memory_space<hbm>>
          tpu.enqueue_indirect_dma source(%dma_start3A_255 : memref<10000x64xf32, #tpu.memory_space<hbm>>) target(%arg11 : memref<80x64xf32, #tpu.memory_space<vmem>>) offsets(%dma_start3A_252 : memref<80xi32, #tpu.memory_space<vmem>>) semaphore(%arg18 : memref<!tpu.dma_semaphore, #tpu.memory_space<semaphore_mem>>)
        } else {
        }
        %dma_wait3A_236 = arith.constant 0 : i32
        %dma_wait3A_237 = tpu.memref_slice %arg8[%add3A_223, %dma_wait3A_236] : memref<250x80xi32, #tpu.memory_space<vmem>> -> memref<1x80xi32, #tpu.memory_space<vmem>>
        %dma_wait3A_238 = tpu.memref_squeeze %dma_wait3A_237 : memref<1x80xi32, #tpu.memory_space<vmem>> -> memref<80xi32, #tpu.memory_space<vmem>>
        %dma_wait3A_239 = arith.constant 0 : i32
        %dma_wait3A_240 = arith.constant 0 : i32
        %dma_wait3A_241 = tpu.memref_slice %arg4[%dma_wait3A_239, %dma_wait3A_240] : memref<10000x64xf32, #tpu.memory_space<hbm>> -> memref<10000x64xf32, #tpu.memory_space<hbm>>
        tpu.wait_indirect_dma semaphore(%arg21 : memref<!tpu.dma_semaphore, #tpu.memory_space<semaphore_mem>>) src(%dma_wait3A_241 : memref<10000x64xf32, #tpu.memory_space<hbm>>) dst(%arg14 : memref<80x64xf32, #tpu.memory_space<vmem>>)
        %dma_start3A_242 = arith.constant 0 : i32
        %dma_start3A_243 = tpu.memref_slice %arg9[%add3A_223, %dma_start3A_242] : memref<250x80xi32, #tpu.memory_space<vmem>> -> memref<1x80xi32, #tpu.memory_space<vmem>>
        %dma_start3A_244 = tpu.memref_squeeze %dma_start3A_243 : memref<1x80xi32, #tpu.memory_space<vmem>> -> memref<80xi32, #tpu.memory_space<vmem>>
        %dma_start3A_245 = arith.constant 0 : i32
        %dma_start3A_246 = arith.constant 0 : i32
        %dma_start3A_247 = tpu.memref_slice %arg16[%dma_start3A_245, %dma_start3A_246] : memref<10240x64xf32, #tpu.memory_space<vmem_shared>> -> memref<10240x64xf32, #tpu.memory_space<vmem_shared>>
        tpu.enqueue_indirect_dma source(%arg14 : memref<80x64xf32, #tpu.memory_space<vmem>>) target(%dma_start3A_247 : memref<10240x64xf32, #tpu.memory_space<vmem_shared>>) offsets(%dma_start3A_244 : memref<80xi32, #tpu.memory_space<vmem>>) semaphore(%arg26 : memref<!tpu.dma_semaphore, #tpu.memory_space<semaphore_mem>>) {add = true}
      }
      %scan3A_88 = arith.constant 50 : i32
      %dma_wait3A = arith.constant 247 : i32
      %dma_wait3A_89 = arith.constant 0 : i32
      %dma_wait3A_90 = tpu.memref_slice %arg9[%dma_wait3A, %dma_wait3A_89] : memref<250x80xi32, #tpu.memory_space<vmem>> -> memref<1x80xi32, #tpu.memory_space<vmem>>
      %dma_wait3A_91 = tpu.memref_squeeze %dma_wait3A_90 : memref<1x80xi32, #tpu.memory_space<vmem>> -> memref<80xi32, #tpu.memory_space<vmem>>
      %dma_wait3A_92 = arith.constant 0 : i32
      %dma_wait3A_93 = arith.constant 0 : i32
      %dma_wait3A_94 = tpu.memref_slice %arg16[%dma_wait3A_92, %dma_wait3A_93] : memref<10240x64xf32, #tpu.memory_space<vmem_shared>> -> memref<10240x64xf32, #tpu.memory_space<vmem_shared>>
      tpu.wait_indirect_dma semaphore(%arg24 : memref<!tpu.dma_semaphore, #tpu.memory_space<semaphore_mem>>) src(%arg12 : memref<80x64xf32, #tpu.memory_space<vmem>>) dst(%dma_wait3A_94 : memref<10240x64xf32, #tpu.memory_space<vmem_shared>>)
      %dma_wait3A_95 = arith.constant 248 : i32
      %dma_wait3A_96 = arith.constant 0 : i32
      %dma_wait3A_97 = tpu.memref_slice %arg9[%dma_wait3A_95, %dma_wait3A_96] : memref<250x80xi32, #tpu.memory_space<vmem>> -> memref<1x80xi32, #tpu.memory_space<vmem>>
      %dma_wait3A_98 = tpu.memref_squeeze %dma_wait3A_97 : memref<1x80xi32, #tpu.memory_space<vmem>> -> memref<80xi32, #tpu.memory_space<vmem>>
      %dma_wait3A_99 = arith.constant 0 : i32
      %dma_wait3A_100 = arith.constant 0 : i32
      %dma_wait3A_101 = tpu.memref_slice %arg16[%dma_wait3A_99, %dma_wait3A_100] : memref<10240x64xf32, #tpu.memory_space<vmem_shared>> -> memref<10240x64xf32, #tpu.memory_space<vmem_shared>>
      tpu.wait_indirect_dma semaphore(%arg25 : memref<!tpu.dma_semaphore, #tpu.memory_space<semaphore_mem>>) src(%arg13 : memref<80x64xf32, #tpu.memory_space<vmem>>) dst(%dma_wait3A_101 : memref<10240x64xf32, #tpu.memory_space<vmem_shared>>)
      %dma_wait3A_102 = arith.constant 249 : i32
      %dma_wait3A_103 = arith.constant 0 : i32
      %dma_wait3A_104 = tpu.memref_slice %arg9[%dma_wait3A_102, %dma_wait3A_103] : memref<250x80xi32, #tpu.memory_space<vmem>> -> memref<1x80xi32, #tpu.memory_space<vmem>>
      %dma_wait3A_105 = tpu.memref_squeeze %dma_wait3A_104 : memref<1x80xi32, #tpu.memory_space<vmem>> -> memref<80xi32, #tpu.memory_space<vmem>>
      %dma_wait3A_106 = arith.constant 0 : i32
      %dma_wait3A_107 = arith.constant 0 : i32
      %dma_wait3A_108 = tpu.memref_slice %arg16[%dma_wait3A_106, %dma_wait3A_107] : memref<10240x64xf32, #tpu.memory_space<vmem_shared>> -> memref<10240x64xf32, #tpu.memory_space<vmem_shared>>
      tpu.wait_indirect_dma semaphore(%arg26 : memref<!tpu.dma_semaphore, #tpu.memory_space<semaphore_mem>>) src(%arg14 : memref<80x64xf32, #tpu.memory_space<vmem>>) dst(%dma_wait3A_108 : memref<10240x64xf32, #tpu.memory_space<vmem_shared>>)
    } else {
    }
    %eq3A_25 = arith.constant 1 : i32
    %eq3A_26 = arith.cmpi eq, %arg0, %eq3A_25 : i32
    %convert_element_type3A_27 = arith.extui %eq3A_26 : i1 to i32
    %cond3A_28 = arith.constant 0 : i32
    %cond3A_29 = arith.cmpi ne, %convert_element_type3A_27, %cond3A_28 : i32
    scf.if %cond3A_29 {
      %dma_start3A = arith.constant 0 : i32
      %dma_start3A_71 = arith.constant 0 : i32
      %dma_start3A_72 = tpu.memref_slice %arg8[%dma_start3A, %dma_start3A_71] : memref<250x80xi32, #tpu.memory_space<vmem>> -> memref<1x80xi32, #tpu.memory_space<vmem>>
      %dma_start3A_73 = tpu.memref_squeeze %dma_start3A_72 : memref<1x80xi32, #tpu.memory_space<vmem>> -> memref<80xi32, #tpu.memory_space<vmem>>
      %dma_start3A_74 = arith.constant 0 : i32
      %dma_start3A_75 = arith.constant 0 : i32
      %dma_start3A_76 = tpu.memref_slice %arg5[%dma_start3A_74, %dma_start3A_75] : memref<10000x64xf32, #tpu.memory_space<hbm>> -> memref<10000x64xf32, #tpu.memory_space<hbm>>
      tpu.enqueue_indirect_dma source(%dma_start3A_76 : memref<10000x64xf32, #tpu.memory_space<hbm>>) target(%arg10 : memref<80x64xf32, #tpu.memory_space<vmem>>) offsets(%dma_start3A_73 : memref<80xi32, #tpu.memory_space<vmem>>) semaphore(%arg17 : memref<!tpu.dma_semaphore, #tpu.memory_space<semaphore_mem>>)
      %dma_start3A_77 = arith.constant 1 : i32
      %dma_start3A_78 = arith.constant 0 : i32
      %dma_start3A_79 = tpu.memref_slice %arg8[%dma_start3A_77, %dma_start3A_78] : memref<250x80xi32, #tpu.memory_space<vmem>> -> memref<1x80xi32, #tpu.memory_space<vmem>>
      %dma_start3A_80 = tpu.memref_squeeze %dma_start3A_79 : memref<1x80xi32, #tpu.memory_space<vmem>> -> memref<80xi32, #tpu.memory_space<vmem>>
      %dma_start3A_81 = arith.constant 0 : i32
      %dma_start3A_82 = arith.constant 0 : i32
      %dma_start3A_83 = tpu.memref_slice %arg5[%dma_start3A_81, %dma_start3A_82] : memref<10000x64xf32, #tpu.memory_space<hbm>> -> memref<10000x64xf32, #tpu.memory_space<hbm>>
      tpu.enqueue_indirect_dma source(%dma_start3A_83 : memref<10000x64xf32, #tpu.memory_space<hbm>>) target(%arg11 : memref<80x64xf32, #tpu.memory_space<vmem>>) offsets(%dma_start3A_80 : memref<80xi32, #tpu.memory_space<vmem>>) semaphore(%arg18 : memref<!tpu.dma_semaphore, #tpu.memory_space<semaphore_mem>>)
      %scan3A = arith.constant 0 : i32
      %scan3A_84 = arith.constant 0 : i32
      %scan3A_85 = arith.constant 50 : i32
      %scan3A_86 = arith.addi %scan3A_84, %scan3A_85 : i32
      %scan3A_87 = arith.constant 1 : i32
      scf.for %scan3A_109 = %scan3A_84 to %scan3A_86 step %scan3A_87  : i32 {
        %mul3A_110 = arith.constant 5 : i32
        %mul3A_111 = arith.muli %mul3A_110, %scan3A_109 : i32
        %add3A_112 = arith.constant 0 : i32
        %add3A_113 = arith.addi %mul3A_111, %add3A_112 : i32
        %ge3A = arith.constant 3 : i32
        %ge3A_114 = arith.cmpi sge, %add3A_113, %ge3A : i32
        %convert_element_type3A_115 = arith.extui %ge3A_114 : i1 to i32
        %cond3A_116 = arith.constant 0 : i32
        %cond3A_117 = arith.cmpi ne, %convert_element_type3A_115, %cond3A_116 : i32
        scf.if %cond3A_117 {
          %sub3A = arith.constant 3 : i32
          %sub3A_248 = arith.subi %add3A_113, %sub3A : i32
          %max3A = arith.constant 0 : i32
          %max3A_249 = arith.maxsi %sub3A_248, %max3A : i32
          %dma_wait3A_250 = arith.constant 0 : i32
          %dma_wait3A_251 = tpu.memref_slice %arg9[%max3A_249, %dma_wait3A_250] : memref<250x80xi32, #tpu.memory_space<vmem>> -> memref<1x80xi32, #tpu.memory_space<vmem>>
          %dma_wait3A_252 = tpu.memref_squeeze %dma_wait3A_251 : memref<1x80xi32, #tpu.memory_space<vmem>> -> memref<80xi32, #tpu.memory_space<vmem>>
          %dma_wait3A_253 = arith.constant 0 : i32
          %dma_wait3A_254 = arith.constant 0 : i32
          %dma_wait3A_255 = tpu.memref_slice %arg16[%dma_wait3A_253, %dma_wait3A_254] : memref<10240x64xf32, #tpu.memory_space<vmem_shared>> -> memref<10240x64xf32, #tpu.memory_space<vmem_shared>>
          tpu.wait_indirect_dma semaphore(%arg24 : memref<!tpu.dma_semaphore, #tpu.memory_space<semaphore_mem>>) src(%arg12 : memref<80x64xf32, #tpu.memory_space<vmem>>) dst(%dma_wait3A_255 : memref<10240x64xf32, #tpu.memory_space<vmem_shared>>)
        } else {
        }
        %add3A_118 = arith.constant 2 : i32
        %add3A_119 = arith.addi %add3A_113, %add3A_118 : i32
        %lt3A = arith.constant 250 : i32
        %lt3A_120 = arith.cmpi slt, %add3A_119, %lt3A : i32
        %convert_element_type3A_121 = arith.extui %lt3A_120 : i1 to i32
        %cond3A_122 = arith.constant 0 : i32
        %cond3A_123 = arith.cmpi ne, %convert_element_type3A_121, %cond3A_122 : i32
        scf.if %cond3A_123 {
          %add3A_248 = arith.constant 2 : i32
          %add3A_249 = arith.addi %add3A_113, %add3A_248 : i32
          %dma_start3A_250 = arith.constant 0 : i32
          %dma_start3A_251 = tpu.memref_slice %arg8[%add3A_249, %dma_start3A_250] : memref<250x80xi32, #tpu.memory_space<vmem>> -> memref<1x80xi32, #tpu.memory_space<vmem>>
          %dma_start3A_252 = tpu.memref_squeeze %dma_start3A_251 : memref<1x80xi32, #tpu.memory_space<vmem>> -> memref<80xi32, #tpu.memory_space<vmem>>
          %dma_start3A_253 = arith.constant 0 : i32
          %dma_start3A_254 = arith.constant 0 : i32
          %dma_start3A_255 = tpu.memref_slice %arg5[%dma_start3A_253, %dma_start3A_254] : memref<10000x64xf32, #tpu.memory_space<hbm>> -> memref<10000x64xf32, #tpu.memory_space<hbm>>
          tpu.enqueue_indirect_dma source(%dma_start3A_255 : memref<10000x64xf32, #tpu.memory_space<hbm>>) target(%arg12 : memref<80x64xf32, #tpu.memory_space<vmem>>) offsets(%dma_start3A_252 : memref<80xi32, #tpu.memory_space<vmem>>) semaphore(%arg19 : memref<!tpu.dma_semaphore, #tpu.memory_space<semaphore_mem>>)
        } else {
        }
        %dma_wait3A_124 = arith.constant 0 : i32
        %dma_wait3A_125 = tpu.memref_slice %arg8[%add3A_113, %dma_wait3A_124] : memref<250x80xi32, #tpu.memory_space<vmem>> -> memref<1x80xi32, #tpu.memory_space<vmem>>
        %dma_wait3A_126 = tpu.memref_squeeze %dma_wait3A_125 : memref<1x80xi32, #tpu.memory_space<vmem>> -> memref<80xi32, #tpu.memory_space<vmem>>
        %dma_wait3A_127 = arith.constant 0 : i32
        %dma_wait3A_128 = arith.constant 0 : i32
        %dma_wait3A_129 = tpu.memref_slice %arg5[%dma_wait3A_127, %dma_wait3A_128] : memref<10000x64xf32, #tpu.memory_space<hbm>> -> memref<10000x64xf32, #tpu.memory_space<hbm>>
        tpu.wait_indirect_dma semaphore(%arg17 : memref<!tpu.dma_semaphore, #tpu.memory_space<semaphore_mem>>) src(%dma_wait3A_129 : memref<10000x64xf32, #tpu.memory_space<hbm>>) dst(%arg10 : memref<80x64xf32, #tpu.memory_space<vmem>>)
        %dma_start3A_130 = arith.constant 0 : i32
        %dma_start3A_131 = tpu.memref_slice %arg9[%add3A_113, %dma_start3A_130] : memref<250x80xi32, #tpu.memory_space<vmem>> -> memref<1x80xi32, #tpu.memory_space<vmem>>
        %dma_start3A_132 = tpu.memref_squeeze %dma_start3A_131 : memref<1x80xi32, #tpu.memory_space<vmem>> -> memref<80xi32, #tpu.memory_space<vmem>>
        %dma_start3A_133 = arith.constant 0 : i32
        %dma_start3A_134 = arith.constant 0 : i32
        %dma_start3A_135 = tpu.memref_slice %arg16[%dma_start3A_133, %dma_start3A_134] : memref<10240x64xf32, #tpu.memory_space<vmem_shared>> -> memref<10240x64xf32, #tpu.memory_space<vmem_shared>>
        tpu.enqueue_indirect_dma source(%arg10 : memref<80x64xf32, #tpu.memory_space<vmem>>) target(%dma_start3A_135 : memref<10240x64xf32, #tpu.memory_space<vmem_shared>>) offsets(%dma_start3A_132 : memref<80xi32, #tpu.memory_space<vmem>>) semaphore(%arg22 : memref<!tpu.dma_semaphore, #tpu.memory_space<semaphore_mem>>) {add = true}
        %mul3A_136 = arith.constant 5 : i32
        %mul3A_137 = arith.muli %mul3A_136, %scan3A_109 : i32
        %add3A_138 = arith.constant 1 : i32
        %add3A_139 = arith.addi %mul3A_137, %add3A_138 : i32
        %ge3A_140 = arith.constant 3 : i32
        %ge3A_141 = arith.cmpi sge, %add3A_139, %ge3A_140 : i32
        %convert_element_type3A_142 = arith.extui %ge3A_141 : i1 to i32
        %cond3A_143 = arith.constant 0 : i32
        %cond3A_144 = arith.cmpi ne, %convert_element_type3A_142, %cond3A_143 : i32
        scf.if %cond3A_144 {
          %sub3A = arith.constant 3 : i32
          %sub3A_248 = arith.subi %add3A_139, %sub3A : i32
          %max3A = arith.constant 0 : i32
          %max3A_249 = arith.maxsi %sub3A_248, %max3A : i32
          %dma_wait3A_250 = arith.constant 0 : i32
          %dma_wait3A_251 = tpu.memref_slice %arg9[%max3A_249, %dma_wait3A_250] : memref<250x80xi32, #tpu.memory_space<vmem>> -> memref<1x80xi32, #tpu.memory_space<vmem>>
          %dma_wait3A_252 = tpu.memref_squeeze %dma_wait3A_251 : memref<1x80xi32, #tpu.memory_space<vmem>> -> memref<80xi32, #tpu.memory_space<vmem>>
          %dma_wait3A_253 = arith.constant 0 : i32
          %dma_wait3A_254 = arith.constant 0 : i32
          %dma_wait3A_255 = tpu.memref_slice %arg16[%dma_wait3A_253, %dma_wait3A_254] : memref<10240x64xf32, #tpu.memory_space<vmem_shared>> -> memref<10240x64xf32, #tpu.memory_space<vmem_shared>>
          tpu.wait_indirect_dma semaphore(%arg25 : memref<!tpu.dma_semaphore, #tpu.memory_space<semaphore_mem>>) src(%arg13 : memref<80x64xf32, #tpu.memory_space<vmem>>) dst(%dma_wait3A_255 : memref<10240x64xf32, #tpu.memory_space<vmem_shared>>)
        } else {
        }
        %add3A_145 = arith.constant 2 : i32
        %add3A_146 = arith.addi %add3A_139, %add3A_145 : i32
        %lt3A_147 = arith.constant 250 : i32
        %lt3A_148 = arith.cmpi slt, %add3A_146, %lt3A_147 : i32
        %convert_element_type3A_149 = arith.extui %lt3A_148 : i1 to i32
        %cond3A_150 = arith.constant 0 : i32
        %cond3A_151 = arith.cmpi ne, %convert_element_type3A_149, %cond3A_150 : i32
        scf.if %cond3A_151 {
          %add3A_248 = arith.constant 2 : i32
          %add3A_249 = arith.addi %add3A_139, %add3A_248 : i32
          %dma_start3A_250 = arith.constant 0 : i32
          %dma_start3A_251 = tpu.memref_slice %arg8[%add3A_249, %dma_start3A_250] : memref<250x80xi32, #tpu.memory_space<vmem>> -> memref<1x80xi32, #tpu.memory_space<vmem>>
          %dma_start3A_252 = tpu.memref_squeeze %dma_start3A_251 : memref<1x80xi32, #tpu.memory_space<vmem>> -> memref<80xi32, #tpu.memory_space<vmem>>
          %dma_start3A_253 = arith.constant 0 : i32
          %dma_start3A_254 = arith.constant 0 : i32
          %dma_start3A_255 = tpu.memref_slice %arg5[%dma_start3A_253, %dma_start3A_254] : memref<10000x64xf32, #tpu.memory_space<hbm>> -> memref<10000x64xf32, #tpu.memory_space<hbm>>
          tpu.enqueue_indirect_dma source(%dma_start3A_255 : memref<10000x64xf32, #tpu.memory_space<hbm>>) target(%arg13 : memref<80x64xf32, #tpu.memory_space<vmem>>) offsets(%dma_start3A_252 : memref<80xi32, #tpu.memory_space<vmem>>) semaphore(%arg20 : memref<!tpu.dma_semaphore, #tpu.memory_space<semaphore_mem>>)
        } else {
        }
        %dma_wait3A_152 = arith.constant 0 : i32
        %dma_wait3A_153 = tpu.memref_slice %arg8[%add3A_139, %dma_wait3A_152] : memref<250x80xi32, #tpu.memory_space<vmem>> -> memref<1x80xi32, #tpu.memory_space<vmem>>
        %dma_wait3A_154 = tpu.memref_squeeze %dma_wait3A_153 : memref<1x80xi32, #tpu.memory_space<vmem>> -> memref<80xi32, #tpu.memory_space<vmem>>
        %dma_wait3A_155 = arith.constant 0 : i32
        %dma_wait3A_156 = arith.constant 0 : i32
        %dma_wait3A_157 = tpu.memref_slice %arg5[%dma_wait3A_155, %dma_wait3A_156] : memref<10000x64xf32, #tpu.memory_space<hbm>> -> memref<10000x64xf32, #tpu.memory_space<hbm>>
        tpu.wait_indirect_dma semaphore(%arg18 : memref<!tpu.dma_semaphore, #tpu.memory_space<semaphore_mem>>) src(%dma_wait3A_157 : memref<10000x64xf32, #tpu.memory_space<hbm>>) dst(%arg11 : memref<80x64xf32, #tpu.memory_space<vmem>>)
        %dma_start3A_158 = arith.constant 0 : i32
        %dma_start3A_159 = tpu.memref_slice %arg9[%add3A_139, %dma_start3A_158] : memref<250x80xi32, #tpu.memory_space<vmem>> -> memref<1x80xi32, #tpu.memory_space<vmem>>
        %dma_start3A_160 = tpu.memref_squeeze %dma_start3A_159 : memref<1x80xi32, #tpu.memory_space<vmem>> -> memref<80xi32, #tpu.memory_space<vmem>>
        %dma_start3A_161 = arith.constant 0 : i32
        %dma_start3A_162 = arith.constant 0 : i32
        %dma_start3A_163 = tpu.memref_slice %arg16[%dma_start3A_161, %dma_start3A_162] : memref<10240x64xf32, #tpu.memory_space<vmem_shared>> -> memref<10240x64xf32, #tpu.memory_space<vmem_shared>>
        tpu.enqueue_indirect_dma source(%arg11 : memref<80x64xf32, #tpu.memory_space<vmem>>) target(%dma_start3A_163 : memref<10240x64xf32, #tpu.memory_space<vmem_shared>>) offsets(%dma_start3A_160 : memref<80xi32, #tpu.memory_space<vmem>>) semaphore(%arg23 : memref<!tpu.dma_semaphore, #tpu.memory_space<semaphore_mem>>) {add = true}
        %mul3A_164 = arith.constant 5 : i32
        %mul3A_165 = arith.muli %mul3A_164, %scan3A_109 : i32
        %add3A_166 = arith.constant 2 : i32
        %add3A_167 = arith.addi %mul3A_165, %add3A_166 : i32
        %ge3A_168 = arith.constant 3 : i32
        %ge3A_169 = arith.cmpi sge, %add3A_167, %ge3A_168 : i32
        %convert_element_type3A_170 = arith.extui %ge3A_169 : i1 to i32
        %cond3A_171 = arith.constant 0 : i32
        %cond3A_172 = arith.cmpi ne, %convert_element_type3A_170, %cond3A_171 : i32
        scf.if %cond3A_172 {
          %sub3A = arith.constant 3 : i32
          %sub3A_248 = arith.subi %add3A_167, %sub3A : i32
          %max3A = arith.constant 0 : i32
          %max3A_249 = arith.maxsi %sub3A_248, %max3A : i32
          %dma_wait3A_250 = arith.constant 0 : i32
          %dma_wait3A_251 = tpu.memref_slice %arg9[%max3A_249, %dma_wait3A_250] : memref<250x80xi32, #tpu.memory_space<vmem>> -> memref<1x80xi32, #tpu.memory_space<vmem>>
          %dma_wait3A_252 = tpu.memref_squeeze %dma_wait3A_251 : memref<1x80xi32, #tpu.memory_space<vmem>> -> memref<80xi32, #tpu.memory_space<vmem>>
          %dma_wait3A_253 = arith.constant 0 : i32
          %dma_wait3A_254 = arith.constant 0 : i32
          %dma_wait3A_255 = tpu.memref_slice %arg16[%dma_wait3A_253, %dma_wait3A_254] : memref<10240x64xf32, #tpu.memory_space<vmem_shared>> -> memref<10240x64xf32, #tpu.memory_space<vmem_shared>>
          tpu.wait_indirect_dma semaphore(%arg26 : memref<!tpu.dma_semaphore, #tpu.memory_space<semaphore_mem>>) src(%arg14 : memref<80x64xf32, #tpu.memory_space<vmem>>) dst(%dma_wait3A_255 : memref<10240x64xf32, #tpu.memory_space<vmem_shared>>)
        } else {
        }
        %add3A_173 = arith.constant 2 : i32
        %add3A_174 = arith.addi %add3A_167, %add3A_173 : i32
        %lt3A_175 = arith.constant 250 : i32
        %lt3A_176 = arith.cmpi slt, %add3A_174, %lt3A_175 : i32
        %convert_element_type3A_177 = arith.extui %lt3A_176 : i1 to i32
        %cond3A_178 = arith.constant 0 : i32
        %cond3A_179 = arith.cmpi ne, %convert_element_type3A_177, %cond3A_178 : i32
        scf.if %cond3A_179 {
          %add3A_248 = arith.constant 2 : i32
          %add3A_249 = arith.addi %add3A_167, %add3A_248 : i32
          %dma_start3A_250 = arith.constant 0 : i32
          %dma_start3A_251 = tpu.memref_slice %arg8[%add3A_249, %dma_start3A_250] : memref<250x80xi32, #tpu.memory_space<vmem>> -> memref<1x80xi32, #tpu.memory_space<vmem>>
          %dma_start3A_252 = tpu.memref_squeeze %dma_start3A_251 : memref<1x80xi32, #tpu.memory_space<vmem>> -> memref<80xi32, #tpu.memory_space<vmem>>
          %dma_start3A_253 = arith.constant 0 : i32
          %dma_start3A_254 = arith.constant 0 : i32
          %dma_start3A_255 = tpu.memref_slice %arg5[%dma_start3A_253, %dma_start3A_254] : memref<10000x64xf32, #tpu.memory_space<hbm>> -> memref<10000x64xf32, #tpu.memory_space<hbm>>
          tpu.enqueue_indirect_dma source(%dma_start3A_255 : memref<10000x64xf32, #tpu.memory_space<hbm>>) target(%arg14 : memref<80x64xf32, #tpu.memory_space<vmem>>) offsets(%dma_start3A_252 : memref<80xi32, #tpu.memory_space<vmem>>) semaphore(%arg21 : memref<!tpu.dma_semaphore, #tpu.memory_space<semaphore_mem>>)
        } else {
        }
        %dma_wait3A_180 = arith.constant 0 : i32
        %dma_wait3A_181 = tpu.memref_slice %arg8[%add3A_167, %dma_wait3A_180] : memref<250x80xi32, #tpu.memory_space<vmem>> -> memref<1x80xi32, #tpu.memory_space<vmem>>
        %dma_wait3A_182 = tpu.memref_squeeze %dma_wait3A_181 : memref<1x80xi32, #tpu.memory_space<vmem>> -> memref<80xi32, #tpu.memory_space<vmem>>
        %dma_wait3A_183 = arith.constant 0 : i32
        %dma_wait3A_184 = arith.constant 0 : i32
        %dma_wait3A_185 = tpu.memref_slice %arg5[%dma_wait3A_183, %dma_wait3A_184] : memref<10000x64xf32, #tpu.memory_space<hbm>> -> memref<10000x64xf32, #tpu.memory_space<hbm>>
        tpu.wait_indirect_dma semaphore(%arg19 : memref<!tpu.dma_semaphore, #tpu.memory_space<semaphore_mem>>) src(%dma_wait3A_185 : memref<10000x64xf32, #tpu.memory_space<hbm>>) dst(%arg12 : memref<80x64xf32, #tpu.memory_space<vmem>>)
        %dma_start3A_186 = arith.constant 0 : i32
        %dma_start3A_187 = tpu.memref_slice %arg9[%add3A_167, %dma_start3A_186] : memref<250x80xi32, #tpu.memory_space<vmem>> -> memref<1x80xi32, #tpu.memory_space<vmem>>
        %dma_start3A_188 = tpu.memref_squeeze %dma_start3A_187 : memref<1x80xi32, #tpu.memory_space<vmem>> -> memref<80xi32, #tpu.memory_space<vmem>>
        %dma_start3A_189 = arith.constant 0 : i32
        %dma_start3A_190 = arith.constant 0 : i32
        %dma_start3A_191 = tpu.memref_slice %arg16[%dma_start3A_189, %dma_start3A_190] : memref<10240x64xf32, #tpu.memory_space<vmem_shared>> -> memref<10240x64xf32, #tpu.memory_space<vmem_shared>>
        tpu.enqueue_indirect_dma source(%arg12 : memref<80x64xf32, #tpu.memory_space<vmem>>) target(%dma_start3A_191 : memref<10240x64xf32, #tpu.memory_space<vmem_shared>>) offsets(%dma_start3A_188 : memref<80xi32, #tpu.memory_space<vmem>>) semaphore(%arg24 : memref<!tpu.dma_semaphore, #tpu.memory_space<semaphore_mem>>) {add = true}
        %mul3A_192 = arith.constant 5 : i32
        %mul3A_193 = arith.muli %mul3A_192, %scan3A_109 : i32
        %add3A_194 = arith.constant 3 : i32
        %add3A_195 = arith.addi %mul3A_193, %add3A_194 : i32
        %ge3A_196 = arith.constant 3 : i32
        %ge3A_197 = arith.cmpi sge, %add3A_195, %ge3A_196 : i32
        %convert_element_type3A_198 = arith.extui %ge3A_197 : i1 to i32
        %cond3A_199 = arith.constant 0 : i32
        %cond3A_200 = arith.cmpi ne, %convert_element_type3A_198, %cond3A_199 : i32
        scf.if %cond3A_200 {
          %sub3A = arith.constant 3 : i32
          %sub3A_248 = arith.subi %add3A_195, %sub3A : i32
          %max3A = arith.constant 0 : i32
          %max3A_249 = arith.maxsi %sub3A_248, %max3A : i32
          %dma_wait3A_250 = arith.constant 0 : i32
          %dma_wait3A_251 = tpu.memref_slice %arg9[%max3A_249, %dma_wait3A_250] : memref<250x80xi32, #tpu.memory_space<vmem>> -> memref<1x80xi32, #tpu.memory_space<vmem>>
          %dma_wait3A_252 = tpu.memref_squeeze %dma_wait3A_251 : memref<1x80xi32, #tpu.memory_space<vmem>> -> memref<80xi32, #tpu.memory_space<vmem>>
          %dma_wait3A_253 = arith.constant 0 : i32
          %dma_wait3A_254 = arith.constant 0 : i32
          %dma_wait3A_255 = tpu.memref_slice %arg16[%dma_wait3A_253, %dma_wait3A_254] : memref<10240x64xf32, #tpu.memory_space<vmem_shared>> -> memref<10240x64xf32, #tpu.memory_space<vmem_shared>>
          tpu.wait_indirect_dma semaphore(%arg22 : memref<!tpu.dma_semaphore, #tpu.memory_space<semaphore_mem>>) src(%arg10 : memref<80x64xf32, #tpu.memory_space<vmem>>) dst(%dma_wait3A_255 : memref<10240x64xf32, #tpu.memory_space<vmem_shared>>)
        } else {
        }
        %add3A_201 = arith.constant 2 : i32
        %add3A_202 = arith.addi %add3A_195, %add3A_201 : i32
        %lt3A_203 = arith.constant 250 : i32
        %lt3A_204 = arith.cmpi slt, %add3A_202, %lt3A_203 : i32
        %convert_element_type3A_205 = arith.extui %lt3A_204 : i1 to i32
        %cond3A_206 = arith.constant 0 : i32
        %cond3A_207 = arith.cmpi ne, %convert_element_type3A_205, %cond3A_206 : i32
        scf.if %cond3A_207 {
          %add3A_248 = arith.constant 2 : i32
          %add3A_249 = arith.addi %add3A_195, %add3A_248 : i32
          %dma_start3A_250 = arith.constant 0 : i32
          %dma_start3A_251 = tpu.memref_slice %arg8[%add3A_249, %dma_start3A_250] : memref<250x80xi32, #tpu.memory_space<vmem>> -> memref<1x80xi32, #tpu.memory_space<vmem>>
          %dma_start3A_252 = tpu.memref_squeeze %dma_start3A_251 : memref<1x80xi32, #tpu.memory_space<vmem>> -> memref<80xi32, #tpu.memory_space<vmem>>
          %dma_start3A_253 = arith.constant 0 : i32
          %dma_start3A_254 = arith.constant 0 : i32
          %dma_start3A_255 = tpu.memref_slice %arg5[%dma_start3A_253, %dma_start3A_254] : memref<10000x64xf32, #tpu.memory_space<hbm>> -> memref<10000x64xf32, #tpu.memory_space<hbm>>
          tpu.enqueue_indirect_dma source(%dma_start3A_255 : memref<10000x64xf32, #tpu.memory_space<hbm>>) target(%arg10 : memref<80x64xf32, #tpu.memory_space<vmem>>) offsets(%dma_start3A_252 : memref<80xi32, #tpu.memory_space<vmem>>) semaphore(%arg17 : memref<!tpu.dma_semaphore, #tpu.memory_space<semaphore_mem>>)
        } else {
        }
        %dma_wait3A_208 = arith.constant 0 : i32
        %dma_wait3A_209 = tpu.memref_slice %arg8[%add3A_195, %dma_wait3A_208] : memref<250x80xi32, #tpu.memory_space<vmem>> -> memref<1x80xi32, #tpu.memory_space<vmem>>
        %dma_wait3A_210 = tpu.memref_squeeze %dma_wait3A_209 : memref<1x80xi32, #tpu.memory_space<vmem>> -> memref<80xi32, #tpu.memory_space<vmem>>
        %dma_wait3A_211 = arith.constant 0 : i32
        %dma_wait3A_212 = arith.constant 0 : i32
        %dma_wait3A_213 = tpu.memref_slice %arg5[%dma_wait3A_211, %dma_wait3A_212] : memref<10000x64xf32, #tpu.memory_space<hbm>> -> memref<10000x64xf32, #tpu.memory_space<hbm>>
        tpu.wait_indirect_dma semaphore(%arg20 : memref<!tpu.dma_semaphore, #tpu.memory_space<semaphore_mem>>) src(%dma_wait3A_213 : memref<10000x64xf32, #tpu.memory_space<hbm>>) dst(%arg13 : memref<80x64xf32, #tpu.memory_space<vmem>>)
        %dma_start3A_214 = arith.constant 0 : i32
        %dma_start3A_215 = tpu.memref_slice %arg9[%add3A_195, %dma_start3A_214] : memref<250x80xi32, #tpu.memory_space<vmem>> -> memref<1x80xi32, #tpu.memory_space<vmem>>
        %dma_start3A_216 = tpu.memref_squeeze %dma_start3A_215 : memref<1x80xi32, #tpu.memory_space<vmem>> -> memref<80xi32, #tpu.memory_space<vmem>>
        %dma_start3A_217 = arith.constant 0 : i32
        %dma_start3A_218 = arith.constant 0 : i32
        %dma_start3A_219 = tpu.memref_slice %arg16[%dma_start3A_217, %dma_start3A_218] : memref<10240x64xf32, #tpu.memory_space<vmem_shared>> -> memref<10240x64xf32, #tpu.memory_space<vmem_shared>>
        tpu.enqueue_indirect_dma source(%arg13 : memref<80x64xf32, #tpu.memory_space<vmem>>) target(%dma_start3A_219 : memref<10240x64xf32, #tpu.memory_space<vmem_shared>>) offsets(%dma_start3A_216 : memref<80xi32, #tpu.memory_space<vmem>>) semaphore(%arg25 : memref<!tpu.dma_semaphore, #tpu.memory_space<semaphore_mem>>) {add = true}
        %mul3A_220 = arith.constant 5 : i32
        %mul3A_221 = arith.muli %mul3A_220, %scan3A_109 : i32
        %add3A_222 = arith.constant 4 : i32
        %add3A_223 = arith.addi %mul3A_221, %add3A_222 : i32
        %ge3A_224 = arith.constant 3 : i32
        %ge3A_225 = arith.cmpi sge, %add3A_223, %ge3A_224 : i32
        %convert_element_type3A_226 = arith.extui %ge3A_225 : i1 to i32
        %cond3A_227 = arith.constant 0 : i32
        %cond3A_228 = arith.cmpi ne, %convert_element_type3A_226, %cond3A_227 : i32
        scf.if %cond3A_228 {
          %sub3A = arith.constant 3 : i32
          %sub3A_248 = arith.subi %add3A_223, %sub3A : i32
          %max3A = arith.constant 0 : i32
          %max3A_249 = arith.maxsi %sub3A_248, %max3A : i32
          %dma_wait3A_250 = arith.constant 0 : i32
          %dma_wait3A_251 = tpu.memref_slice %arg9[%max3A_249, %dma_wait3A_250] : memref<250x80xi32, #tpu.memory_space<vmem>> -> memref<1x80xi32, #tpu.memory_space<vmem>>
          %dma_wait3A_252 = tpu.memref_squeeze %dma_wait3A_251 : memref<1x80xi32, #tpu.memory_space<vmem>> -> memref<80xi32, #tpu.memory_space<vmem>>
          %dma_wait3A_253 = arith.constant 0 : i32
          %dma_wait3A_254 = arith.constant 0 : i32
          %dma_wait3A_255 = tpu.memref_slice %arg16[%dma_wait3A_253, %dma_wait3A_254] : memref<10240x64xf32, #tpu.memory_space<vmem_shared>> -> memref<10240x64xf32, #tpu.memory_space<vmem_shared>>
          tpu.wait_indirect_dma semaphore(%arg23 : memref<!tpu.dma_semaphore, #tpu.memory_space<semaphore_mem>>) src(%arg11 : memref<80x64xf32, #tpu.memory_space<vmem>>) dst(%dma_wait3A_255 : memref<10240x64xf32, #tpu.memory_space<vmem_shared>>)
        } else {
        }
        %add3A_229 = arith.constant 2 : i32
        %add3A_230 = arith.addi %add3A_223, %add3A_229 : i32
        %lt3A_231 = arith.constant 250 : i32
        %lt3A_232 = arith.cmpi slt, %add3A_230, %lt3A_231 : i32
        %convert_element_type3A_233 = arith.extui %lt3A_232 : i1 to i32
        %cond3A_234 = arith.constant 0 : i32
        %cond3A_235 = arith.cmpi ne, %convert_element_type3A_233, %cond3A_234 : i32
        scf.if %cond3A_235 {
          %add3A_248 = arith.constant 2 : i32
          %add3A_249 = arith.addi %add3A_223, %add3A_248 : i32
          %dma_start3A_250 = arith.constant 0 : i32
          %dma_start3A_251 = tpu.memref_slice %arg8[%add3A_249, %dma_start3A_250] : memref<250x80xi32, #tpu.memory_space<vmem>> -> memref<1x80xi32, #tpu.memory_space<vmem>>
          %dma_start3A_252 = tpu.memref_squeeze %dma_start3A_251 : memref<1x80xi32, #tpu.memory_space<vmem>> -> memref<80xi32, #tpu.memory_space<vmem>>
          %dma_start3A_253 = arith.constant 0 : i32
          %dma_start3A_254 = arith.constant 0 : i32
          %dma_start3A_255 = tpu.memref_slice %arg5[%dma_start3A_253, %dma_start3A_254] : memref<10000x64xf32, #tpu.memory_space<hbm>> -> memref<10000x64xf32, #tpu.memory_space<hbm>>
          tpu.enqueue_indirect_dma source(%dma_start3A_255 : memref<10000x64xf32, #tpu.memory_space<hbm>>) target(%arg11 : memref<80x64xf32, #tpu.memory_space<vmem>>) offsets(%dma_start3A_252 : memref<80xi32, #tpu.memory_space<vmem>>) semaphore(%arg18 : memref<!tpu.dma_semaphore, #tpu.memory_space<semaphore_mem>>)
        } else {
        }
        %dma_wait3A_236 = arith.constant 0 : i32
        %dma_wait3A_237 = tpu.memref_slice %arg8[%add3A_223, %dma_wait3A_236] : memref<250x80xi32, #tpu.memory_space<vmem>> -> memref<1x80xi32, #tpu.memory_space<vmem>>
        %dma_wait3A_238 = tpu.memref_squeeze %dma_wait3A_237 : memref<1x80xi32, #tpu.memory_space<vmem>> -> memref<80xi32, #tpu.memory_space<vmem>>
        %dma_wait3A_239 = arith.constant 0 : i32
        %dma_wait3A_240 = arith.constant 0 : i32
        %dma_wait3A_241 = tpu.memref_slice %arg5[%dma_wait3A_239, %dma_wait3A_240] : memref<10000x64xf32, #tpu.memory_space<hbm>> -> memref<10000x64xf32, #tpu.memory_space<hbm>>
        tpu.wait_indirect_dma semaphore(%arg21 : memref<!tpu.dma_semaphore, #tpu.memory_space<semaphore_mem>>) src(%dma_wait3A_241 : memref<10000x64xf32, #tpu.memory_space<hbm>>) dst(%arg14 : memref<80x64xf32, #tpu.memory_space<vmem>>)
        %dma_start3A_242 = arith.constant 0 : i32
        %dma_start3A_243 = tpu.memref_slice %arg9[%add3A_223, %dma_start3A_242] : memref<250x80xi32, #tpu.memory_space<vmem>> -> memref<1x80xi32, #tpu.memory_space<vmem>>
        %dma_start3A_244 = tpu.memref_squeeze %dma_start3A_243 : memref<1x80xi32, #tpu.memory_space<vmem>> -> memref<80xi32, #tpu.memory_space<vmem>>
        %dma_start3A_245 = arith.constant 0 : i32
        %dma_start3A_246 = arith.constant 0 : i32
        %dma_start3A_247 = tpu.memref_slice %arg16[%dma_start3A_245, %dma_start3A_246] : memref<10240x64xf32, #tpu.memory_space<vmem_shared>> -> memref<10240x64xf32, #tpu.memory_space<vmem_shared>>
        tpu.enqueue_indirect_dma source(%arg14 : memref<80x64xf32, #tpu.memory_space<vmem>>) target(%dma_start3A_247 : memref<10240x64xf32, #tpu.memory_space<vmem_shared>>) offsets(%dma_start3A_244 : memref<80xi32, #tpu.memory_space<vmem>>) semaphore(%arg26 : memref<!tpu.dma_semaphore, #tpu.memory_space<semaphore_mem>>) {add = true}
      }
      %scan3A_88 = arith.constant 50 : i32
      %dma_wait3A = arith.constant 247 : i32
      %dma_wait3A_89 = arith.constant 0 : i32
      %dma_wait3A_90 = tpu.memref_slice %arg9[%dma_wait3A, %dma_wait3A_89] : memref<250x80xi32, #tpu.memory_space<vmem>> -> memref<1x80xi32, #tpu.memory_space<vmem>>
      %dma_wait3A_91 = tpu.memref_squeeze %dma_wait3A_90 : memref<1x80xi32, #tpu.memory_space<vmem>> -> memref<80xi32, #tpu.memory_space<vmem>>
      %dma_wait3A_92 = arith.constant 0 : i32
      %dma_wait3A_93 = arith.constant 0 : i32
      %dma_wait3A_94 = tpu.memref_slice %arg16[%dma_wait3A_92, %dma_wait3A_93] : memref<10240x64xf32, #tpu.memory_space<vmem_shared>> -> memref<10240x64xf32, #tpu.memory_space<vmem_shared>>
      tpu.wait_indirect_dma semaphore(%arg24 : memref<!tpu.dma_semaphore, #tpu.memory_space<semaphore_mem>>) src(%arg12 : memref<80x64xf32, #tpu.memory_space<vmem>>) dst(%dma_wait3A_94 : memref<10240x64xf32, #tpu.memory_space<vmem_shared>>)
      %dma_wait3A_95 = arith.constant 248 : i32
      %dma_wait3A_96 = arith.constant 0 : i32
      %dma_wait3A_97 = tpu.memref_slice %arg9[%dma_wait3A_95, %dma_wait3A_96] : memref<250x80xi32, #tpu.memory_space<vmem>> -> memref<1x80xi32, #tpu.memory_space<vmem>>
      %dma_wait3A_98 = tpu.memref_squeeze %dma_wait3A_97 : memref<1x80xi32, #tpu.memory_space<vmem>> -> memref<80xi32, #tpu.memory_space<vmem>>
      %dma_wait3A_99 = arith.constant 0 : i32
      %dma_wait3A_100 = arith.constant 0 : i32
      %dma_wait3A_101 = tpu.memref_slice %arg16[%dma_wait3A_99, %dma_wait3A_100] : memref<10240x64xf32, #tpu.memory_space<vmem_shared>> -> memref<10240x64xf32, #tpu.memory_space<vmem_shared>>
      tpu.wait_indirect_dma semaphore(%arg25 : memref<!tpu.dma_semaphore, #tpu.memory_space<semaphore_mem>>) src(%arg13 : memref<80x64xf32, #tpu.memory_space<vmem>>) dst(%dma_wait3A_101 : memref<10240x64xf32, #tpu.memory_space<vmem_shared>>)
      %dma_wait3A_102 = arith.constant 249 : i32
      %dma_wait3A_103 = arith.constant 0 : i32
      %dma_wait3A_104 = tpu.memref_slice %arg9[%dma_wait3A_102, %dma_wait3A_103] : memref<250x80xi32, #tpu.memory_space<vmem>> -> memref<1x80xi32, #tpu.memory_space<vmem>>
      %dma_wait3A_105 = tpu.memref_squeeze %dma_wait3A_104 : memref<1x80xi32, #tpu.memory_space<vmem>> -> memref<80xi32, #tpu.memory_space<vmem>>
      %dma_wait3A_106 = arith.constant 0 : i32
      %dma_wait3A_107 = arith.constant 0 : i32
      %dma_wait3A_108 = tpu.memref_slice %arg16[%dma_wait3A_106, %dma_wait3A_107] : memref<10240x64xf32, #tpu.memory_space<vmem_shared>> -> memref<10240x64xf32, #tpu.memory_space<vmem_shared>>
      tpu.wait_indirect_dma semaphore(%arg26 : memref<!tpu.dma_semaphore, #tpu.memory_space<semaphore_mem>>) src(%arg14 : memref<80x64xf32, #tpu.memory_space<vmem>>) dst(%dma_wait3A_108 : memref<10240x64xf32, #tpu.memory_space<vmem_shared>>)
    } else {
    }
    %barrier3A_30 = arith.constant 0 : index
    tpu.barrier barrier_id(%barrier3A_30)
    %mul3A_31 = arith.constant 640 : i32
    %mul3A_32 = arith.muli %arg1, %mul3A_31 : i32
    %add3A_33 = arith.constant 0 : i32
    %add3A_34 = arith.addi %mul3A_32, %add3A_33 : i32
    "tpu.region"() ({
      %run_scoped3A = tpu.sem_alloc : memref<!tpu.dma_semaphore, #tpu.memory_space<semaphore_mem>>
      %dma_start3A = arith.constant 0 : i32
      %dma_start3A_71 = tpu.memref_slice %arg16[%add3A_34, %dma_start3A] : memref<10240x64xf32, #tpu.memory_space<vmem_shared>> -> memref<128x64xf32, #tpu.memory_space<vmem_shared>>
      %dma_start3A_72 = arith.constant 0 : i32
      %dma_start3A_73 = tpu.memref_slice %arg16[%add3A_34, %dma_start3A_72] : memref<10240x64xf32, #tpu.memory_space<vmem_shared>> -> memref<128x64xf32, #tpu.memory_space<vmem_shared>>
      tpu.enqueue_dma source(%dma_start3A_73 : memref<128x64xf32, #tpu.memory_space<vmem_shared>>) target(%arg15 : memref<128x64xf32, #tpu.memory_space<vmem>>) target_semaphore(%run_scoped3A : memref<!tpu.dma_semaphore, #tpu.memory_space<semaphore_mem>>)
      %dma_wait3A = arith.constant 0 : i32
      %dma_wait3A_74 = tpu.memref_slice %arg16[%add3A_34, %dma_wait3A] : memref<10240x64xf32, #tpu.memory_space<vmem_shared>> -> memref<128x64xf32, #tpu.memory_space<vmem_shared>>
      %dma_wait3A_75 = arith.constant 0 : i32
      %dma_wait3A_76 = tpu.memref_slice %arg16[%add3A_34, %dma_wait3A_75] : memref<10240x64xf32, #tpu.memory_space<vmem_shared>> -> memref<128x64xf32, #tpu.memory_space<vmem_shared>>
      tpu.wait_dma2 semaphore(%run_scoped3A : memref<!tpu.dma_semaphore, #tpu.memory_space<semaphore_mem>>) src(%dma_wait3A_76 : memref<128x64xf32, #tpu.memory_space<vmem_shared>>) dst(%arg15 : memref<128x64xf32, #tpu.memory_space<vmem>>)
      tpu.yield
    }) : () -> ()
    %mul3A_35 = arith.constant 640 : i32
    %mul3A_36 = arith.muli %arg1, %mul3A_35 : i32
    %add3A_37 = arith.constant 0 : i32
    %add3A_38 = arith.addi %mul3A_36, %add3A_37 : i32
    "tpu.region"() ({
      %run_scoped3A = tpu.sem_alloc : memref<!tpu.dma_semaphore, #tpu.memory_space<semaphore_mem>>
      %dma_start3A = arith.constant 0 : i32
      %dma_start3A_71 = tpu.memref_slice %arg7[%arg0, %add3A_38, %dma_start3A] : memref<2x10240x64xf32, #tpu.memory_space<hbm>> -> memref<1x128x64xf32, #tpu.memory_space<hbm>>
      %dma_start3A_72 = tpu.memref_squeeze %dma_start3A_71 : memref<1x128x64xf32, #tpu.memory_space<hbm>> -> memref<128x64xf32, #tpu.memory_space<hbm>>
      %dma_start3A_73 = arith.constant 0 : i32
      %dma_start3A_74 = tpu.memref_slice %arg7[%arg0, %add3A_38, %dma_start3A_73] : memref<2x10240x64xf32, #tpu.memory_space<hbm>> -> memref<1x128x64xf32, #tpu.memory_space<hbm>>
      %dma_start3A_75 = tpu.memref_squeeze %dma_start3A_74 : memref<1x128x64xf32, #tpu.memory_space<hbm>> -> memref<128x64xf32, #tpu.memory_space<hbm>>
      tpu.enqueue_dma source(%arg15 : memref<128x64xf32, #tpu.memory_space<vmem>>) target(%dma_start3A_75 : memref<128x64xf32, #tpu.memory_space<hbm>>) target_semaphore(%run_scoped3A : memref<!tpu.dma_semaphore, #tpu.memory_space<semaphore_mem>>)
      %dma_wait3A = arith.constant 0 : i32
      %dma_wait3A_76 = tpu.memref_slice %arg7[%arg0, %add3A_38, %dma_wait3A] : memref<2x10240x64xf32, #tpu.memory_space<hbm>> -> memref<1x128x64xf32, #tpu.memory_space<hbm>>
      %dma_wait3A_77 = tpu.memref_squeeze %dma_wait3A_76 : memref<1x128x64xf32, #tpu.memory_space<hbm>> -> memref<128x64xf32, #tpu.memory_space<hbm>>
      %dma_wait3A_78 = arith.constant 0 : i32
      %dma_wait3A_79 = tpu.memref_slice %arg7[%arg0, %add3A_38, %dma_wait3A_78] : memref<2x10240x64xf32, #tpu.memory_space<hbm>> -> memref<1x128x64xf32, #tpu.memory_space<hbm>>
      %dma_wait3A_80 = tpu.memref_squeeze %dma_wait3A_79 : memref<1x128x64xf32, #tpu.memory_space<hbm>> -> memref<128x64xf32, #tpu.memory_space<hbm>>
      tpu.wait_dma2 semaphore(%run_scoped3A : memref<!tpu.dma_semaphore, #tpu.memory_space<semaphore_mem>>) src(%arg15 : memref<128x64xf32, #tpu.memory_space<vmem>>) dst(%dma_wait3A_80 : memref<128x64xf32, #tpu.memory_space<hbm>>)
      tpu.yield
    }) : () -> ()
    %mul3A_39 = arith.constant 640 : i32
    %mul3A_40 = arith.muli %arg1, %mul3A_39 : i32
    %add3A_41 = arith.constant 128 : i32
    %add3A_42 = arith.addi %mul3A_40, %add3A_41 : i32
    "tpu.region"() ({
      %run_scoped3A = tpu.sem_alloc : memref<!tpu.dma_semaphore, #tpu.memory_space<semaphore_mem>>
      %dma_start3A = arith.constant 0 : i32
      %dma_start3A_71 = tpu.memref_slice %arg16[%add3A_42, %dma_start3A] : memref<10240x64xf32, #tpu.memory_space<vmem_shared>> -> memref<128x64xf32, #tpu.memory_space<vmem_shared>>
      %dma_start3A_72 = arith.constant 0 : i32
      %dma_start3A_73 = tpu.memref_slice %arg16[%add3A_42, %dma_start3A_72] : memref<10240x64xf32, #tpu.memory_space<vmem_shared>> -> memref<128x64xf32, #tpu.memory_space<vmem_shared>>
      tpu.enqueue_dma source(%dma_start3A_73 : memref<128x64xf32, #tpu.memory_space<vmem_shared>>) target(%arg15 : memref<128x64xf32, #tpu.memory_space<vmem>>) target_semaphore(%run_scoped3A : memref<!tpu.dma_semaphore, #tpu.memory_space<semaphore_mem>>)
      %dma_wait3A = arith.constant 0 : i32
      %dma_wait3A_74 = tpu.memref_slice %arg16[%add3A_42, %dma_wait3A] : memref<10240x64xf32, #tpu.memory_space<vmem_shared>> -> memref<128x64xf32, #tpu.memory_space<vmem_shared>>
      %dma_wait3A_75 = arith.constant 0 : i32
      %dma_wait3A_76 = tpu.memref_slice %arg16[%add3A_42, %dma_wait3A_75] : memref<10240x64xf32, #tpu.memory_space<vmem_shared>> -> memref<128x64xf32, #tpu.memory_space<vmem_shared>>
      tpu.wait_dma2 semaphore(%run_scoped3A : memref<!tpu.dma_semaphore, #tpu.memory_space<semaphore_mem>>) src(%dma_wait3A_76 : memref<128x64xf32, #tpu.memory_space<vmem_shared>>) dst(%arg15 : memref<128x64xf32, #tpu.memory_space<vmem>>)
      tpu.yield
    }) : () -> ()
    %mul3A_43 = arith.constant 640 : i32
    %mul3A_44 = arith.muli %arg1, %mul3A_43 : i32
    %add3A_45 = arith.constant 128 : i32
    %add3A_46 = arith.addi %mul3A_44, %add3A_45 : i32
    "tpu.region"() ({
      %run_scoped3A = tpu.sem_alloc : memref<!tpu.dma_semaphore, #tpu.memory_space<semaphore_mem>>
      %dma_start3A = arith.constant 0 : i32
      %dma_start3A_71 = tpu.memref_slice %arg7[%arg0, %add3A_46, %dma_start3A] : memref<2x10240x64xf32, #tpu.memory_space<hbm>> -> memref<1x128x64xf32, #tpu.memory_space<hbm>>
      %dma_start3A_72 = tpu.memref_squeeze %dma_start3A_71 : memref<1x128x64xf32, #tpu.memory_space<hbm>> -> memref<128x64xf32, #tpu.memory_space<hbm>>
      %dma_start3A_73 = arith.constant 0 : i32
      %dma_start3A_74 = tpu.memref_slice %arg7[%arg0, %add3A_46, %dma_start3A_73] : memref<2x10240x64xf32, #tpu.memory_space<hbm>> -> memref<1x128x64xf32, #tpu.memory_space<hbm>>
      %dma_start3A_75 = tpu.memref_squeeze %dma_start3A_74 : memref<1x128x64xf32, #tpu.memory_space<hbm>> -> memref<128x64xf32, #tpu.memory_space<hbm>>
      tpu.enqueue_dma source(%arg15 : memref<128x64xf32, #tpu.memory_space<vmem>>) target(%dma_start3A_75 : memref<128x64xf32, #tpu.memory_space<hbm>>) target_semaphore(%run_scoped3A : memref<!tpu.dma_semaphore, #tpu.memory_space<semaphore_mem>>)
      %dma_wait3A = arith.constant 0 : i32
      %dma_wait3A_76 = tpu.memref_slice %arg7[%arg0, %add3A_46, %dma_wait3A] : memref<2x10240x64xf32, #tpu.memory_space<hbm>> -> memref<1x128x64xf32, #tpu.memory_space<hbm>>
      %dma_wait3A_77 = tpu.memref_squeeze %dma_wait3A_76 : memref<1x128x64xf32, #tpu.memory_space<hbm>> -> memref<128x64xf32, #tpu.memory_space<hbm>>
      %dma_wait3A_78 = arith.constant 0 : i32
      %dma_wait3A_79 = tpu.memref_slice %arg7[%arg0, %add3A_46, %dma_wait3A_78] : memref<2x10240x64xf32, #tpu.memory_space<hbm>> -> memref<1x128x64xf32, #tpu.memory_space<hbm>>
      %dma_wait3A_80 = tpu.memref_squeeze %dma_wait3A_79 : memref<1x128x64xf32, #tpu.memory_space<hbm>> -> memref<128x64xf32, #tpu.memory_space<hbm>>
      tpu.wait_dma2 semaphore(%run_scoped3A : memref<!tpu.dma_semaphore, #tpu.memory_space<semaphore_mem>>) src(%arg15 : memref<128x64xf32, #tpu.memory_space<vmem>>) dst(%dma_wait3A_80 : memref<128x64xf32, #tpu.memory_space<hbm>>)
      tpu.yield
    }) : () -> ()
    %mul3A_47 = arith.constant 640 : i32
    %mul3A_48 = arith.muli %arg1, %mul3A_47 : i32
    %add3A_49 = arith.constant 256 : i32
    %add3A_50 = arith.addi %mul3A_48, %add3A_49 : i32
    "tpu.region"() ({
      %run_scoped3A = tpu.sem_alloc : memref<!tpu.dma_semaphore, #tpu.memory_space<semaphore_mem>>
      %dma_start3A = arith.constant 0 : i32
      %dma_start3A_71 = tpu.memref_slice %arg16[%add3A_50, %dma_start3A] : memref<10240x64xf32, #tpu.memory_space<vmem_shared>> -> memref<128x64xf32, #tpu.memory_space<vmem_shared>>
      %dma_start3A_72 = arith.constant 0 : i32
      %dma_start3A_73 = tpu.memref_slice %arg16[%add3A_50, %dma_start3A_72] : memref<10240x64xf32, #tpu.memory_space<vmem_shared>> -> memref<128x64xf32, #tpu.memory_space<vmem_shared>>
      tpu.enqueue_dma source(%dma_start3A_73 : memref<128x64xf32, #tpu.memory_space<vmem_shared>>) target(%arg15 : memref<128x64xf32, #tpu.memory_space<vmem>>) target_semaphore(%run_scoped3A : memref<!tpu.dma_semaphore, #tpu.memory_space<semaphore_mem>>)
      %dma_wait3A = arith.constant 0 : i32
      %dma_wait3A_74 = tpu.memref_slice %arg16[%add3A_50, %dma_wait3A] : memref<10240x64xf32, #tpu.memory_space<vmem_shared>> -> memref<128x64xf32, #tpu.memory_space<vmem_shared>>
      %dma_wait3A_75 = arith.constant 0 : i32
      %dma_wait3A_76 = tpu.memref_slice %arg16[%add3A_50, %dma_wait3A_75] : memref<10240x64xf32, #tpu.memory_space<vmem_shared>> -> memref<128x64xf32, #tpu.memory_space<vmem_shared>>
      tpu.wait_dma2 semaphore(%run_scoped3A : memref<!tpu.dma_semaphore, #tpu.memory_space<semaphore_mem>>) src(%dma_wait3A_76 : memref<128x64xf32, #tpu.memory_space<vmem_shared>>) dst(%arg15 : memref<128x64xf32, #tpu.memory_space<vmem>>)
      tpu.yield
    }) : () -> ()
    %mul3A_51 = arith.constant 640 : i32
    %mul3A_52 = arith.muli %arg1, %mul3A_51 : i32
    %add3A_53 = arith.constant 256 : i32
    %add3A_54 = arith.addi %mul3A_52, %add3A_53 : i32
    "tpu.region"() ({
      %run_scoped3A = tpu.sem_alloc : memref<!tpu.dma_semaphore, #tpu.memory_space<semaphore_mem>>
      %dma_start3A = arith.constant 0 : i32
      %dma_start3A_71 = tpu.memref_slice %arg7[%arg0, %add3A_54, %dma_start3A] : memref<2x10240x64xf32, #tpu.memory_space<hbm>> -> memref<1x128x64xf32, #tpu.memory_space<hbm>>
      %dma_start3A_72 = tpu.memref_squeeze %dma_start3A_71 : memref<1x128x64xf32, #tpu.memory_space<hbm>> -> memref<128x64xf32, #tpu.memory_space<hbm>>
      %dma_start3A_73 = arith.constant 0 : i32
      %dma_start3A_74 = tpu.memref_slice %arg7[%arg0, %add3A_54, %dma_start3A_73] : memref<2x10240x64xf32, #tpu.memory_space<hbm>> -> memref<1x128x64xf32, #tpu.memory_space<hbm>>
      %dma_start3A_75 = tpu.memref_squeeze %dma_start3A_74 : memref<1x128x64xf32, #tpu.memory_space<hbm>> -> memref<128x64xf32, #tpu.memory_space<hbm>>
      tpu.enqueue_dma source(%arg15 : memref<128x64xf32, #tpu.memory_space<vmem>>) target(%dma_start3A_75 : memref<128x64xf32, #tpu.memory_space<hbm>>) target_semaphore(%run_scoped3A : memref<!tpu.dma_semaphore, #tpu.memory_space<semaphore_mem>>)
      %dma_wait3A = arith.constant 0 : i32
      %dma_wait3A_76 = tpu.memref_slice %arg7[%arg0, %add3A_54, %dma_wait3A] : memref<2x10240x64xf32, #tpu.memory_space<hbm>> -> memref<1x128x64xf32, #tpu.memory_space<hbm>>
      %dma_wait3A_77 = tpu.memref_squeeze %dma_wait3A_76 : memref<1x128x64xf32, #tpu.memory_space<hbm>> -> memref<128x64xf32, #tpu.memory_space<hbm>>
      %dma_wait3A_78 = arith.constant 0 : i32
      %dma_wait3A_79 = tpu.memref_slice %arg7[%arg0, %add3A_54, %dma_wait3A_78] : memref<2x10240x64xf32, #tpu.memory_space<hbm>> -> memref<1x128x64xf32, #tpu.memory_space<hbm>>
      %dma_wait3A_80 = tpu.memref_squeeze %dma_wait3A_79 : memref<1x128x64xf32, #tpu.memory_space<hbm>> -> memref<128x64xf32, #tpu.memory_space<hbm>>
      tpu.wait_dma2 semaphore(%run_scoped3A : memref<!tpu.dma_semaphore, #tpu.memory_space<semaphore_mem>>) src(%arg15 : memref<128x64xf32, #tpu.memory_space<vmem>>) dst(%dma_wait3A_80 : memref<128x64xf32, #tpu.memory_space<hbm>>)
      tpu.yield
    }) : () -> ()
    %mul3A_55 = arith.constant 640 : i32
    %mul3A_56 = arith.muli %arg1, %mul3A_55 : i32
    %add3A_57 = arith.constant 384 : i32
    %add3A_58 = arith.addi %mul3A_56, %add3A_57 : i32
    "tpu.region"() ({
      %run_scoped3A = tpu.sem_alloc : memref<!tpu.dma_semaphore, #tpu.memory_space<semaphore_mem>>
      %dma_start3A = arith.constant 0 : i32
      %dma_start3A_71 = tpu.memref_slice %arg16[%add3A_58, %dma_start3A] : memref<10240x64xf32, #tpu.memory_space<vmem_shared>> -> memref<128x64xf32, #tpu.memory_space<vmem_shared>>
      %dma_start3A_72 = arith.constant 0 : i32
      %dma_start3A_73 = tpu.memref_slice %arg16[%add3A_58, %dma_start3A_72] : memref<10240x64xf32, #tpu.memory_space<vmem_shared>> -> memref<128x64xf32, #tpu.memory_space<vmem_shared>>
      tpu.enqueue_dma source(%dma_start3A_73 : memref<128x64xf32, #tpu.memory_space<vmem_shared>>) target(%arg15 : memref<128x64xf32, #tpu.memory_space<vmem>>) target_semaphore(%run_scoped3A : memref<!tpu.dma_semaphore, #tpu.memory_space<semaphore_mem>>)
      %dma_wait3A = arith.constant 0 : i32
      %dma_wait3A_74 = tpu.memref_slice %arg16[%add3A_58, %dma_wait3A] : memref<10240x64xf32, #tpu.memory_space<vmem_shared>> -> memref<128x64xf32, #tpu.memory_space<vmem_shared>>
      %dma_wait3A_75 = arith.constant 0 : i32
      %dma_wait3A_76 = tpu.memref_slice %arg16[%add3A_58, %dma_wait3A_75] : memref<10240x64xf32, #tpu.memory_space<vmem_shared>> -> memref<128x64xf32, #tpu.memory_space<vmem_shared>>
      tpu.wait_dma2 semaphore(%run_scoped3A : memref<!tpu.dma_semaphore, #tpu.memory_space<semaphore_mem>>) src(%dma_wait3A_76 : memref<128x64xf32, #tpu.memory_space<vmem_shared>>) dst(%arg15 : memref<128x64xf32, #tpu.memory_space<vmem>>)
      tpu.yield
    }) : () -> ()
    %mul3A_59 = arith.constant 640 : i32
    %mul3A_60 = arith.muli %arg1, %mul3A_59 : i32
    %add3A_61 = arith.constant 384 : i32
    %add3A_62 = arith.addi %mul3A_60, %add3A_61 : i32
    "tpu.region"() ({
      %run_scoped3A = tpu.sem_alloc : memref<!tpu.dma_semaphore, #tpu.memory_space<semaphore_mem>>
      %dma_start3A = arith.constant 0 : i32
      %dma_start3A_71 = tpu.memref_slice %arg7[%arg0, %add3A_62, %dma_start3A] : memref<2x10240x64xf32, #tpu.memory_space<hbm>> -> memref<1x128x64xf32, #tpu.memory_space<hbm>>
      %dma_start3A_72 = tpu.memref_squeeze %dma_start3A_71 : memref<1x128x64xf32, #tpu.memory_space<hbm>> -> memref<128x64xf32, #tpu.memory_space<hbm>>
      %dma_start3A_73 = arith.constant 0 : i32
      %dma_start3A_74 = tpu.memref_slice %arg7[%arg0, %add3A_62, %dma_start3A_73] : memref<2x10240x64xf32, #tpu.memory_space<hbm>> -> memref<1x128x64xf32, #tpu.memory_space<hbm>>
      %dma_start3A_75 = tpu.memref_squeeze %dma_start3A_74 : memref<1x128x64xf32, #tpu.memory_space<hbm>> -> memref<128x64xf32, #tpu.memory_space<hbm>>
      tpu.enqueue_dma source(%arg15 : memref<128x64xf32, #tpu.memory_space<vmem>>) target(%dma_start3A_75 : memref<128x64xf32, #tpu.memory_space<hbm>>) target_semaphore(%run_scoped3A : memref<!tpu.dma_semaphore, #tpu.memory_space<semaphore_mem>>)
      %dma_wait3A = arith.constant 0 : i32
      %dma_wait3A_76 = tpu.memref_slice %arg7[%arg0, %add3A_62, %dma_wait3A] : memref<2x10240x64xf32, #tpu.memory_space<hbm>> -> memref<1x128x64xf32, #tpu.memory_space<hbm>>
      %dma_wait3A_77 = tpu.memref_squeeze %dma_wait3A_76 : memref<1x128x64xf32, #tpu.memory_space<hbm>> -> memref<128x64xf32, #tpu.memory_space<hbm>>
      %dma_wait3A_78 = arith.constant 0 : i32
      %dma_wait3A_79 = tpu.memref_slice %arg7[%arg0, %add3A_62, %dma_wait3A_78] : memref<2x10240x64xf32, #tpu.memory_space<hbm>> -> memref<1x128x64xf32, #tpu.memory_space<hbm>>
      %dma_wait3A_80 = tpu.memref_squeeze %dma_wait3A_79 : memref<1x128x64xf32, #tpu.memory_space<hbm>> -> memref<128x64xf32, #tpu.memory_space<hbm>>
      tpu.wait_dma2 semaphore(%run_scoped3A : memref<!tpu.dma_semaphore, #tpu.memory_space<semaphore_mem>>) src(%arg15 : memref<128x64xf32, #tpu.memory_space<vmem>>) dst(%dma_wait3A_80 : memref<128x64xf32, #tpu.memory_space<hbm>>)
      tpu.yield
    }) : () -> ()
    %mul3A_63 = arith.constant 640 : i32
    %mul3A_64 = arith.muli %arg1, %mul3A_63 : i32
    %add3A_65 = arith.constant 512 : i32
    %add3A_66 = arith.addi %mul3A_64, %add3A_65 : i32
    "tpu.region"() ({
      %run_scoped3A = tpu.sem_alloc : memref<!tpu.dma_semaphore, #tpu.memory_space<semaphore_mem>>
      %dma_start3A = arith.constant 0 : i32
      %dma_start3A_71 = tpu.memref_slice %arg16[%add3A_66, %dma_start3A] : memref<10240x64xf32, #tpu.memory_space<vmem_shared>> -> memref<128x64xf32, #tpu.memory_space<vmem_shared>>
      %dma_start3A_72 = arith.constant 0 : i32
      %dma_start3A_73 = tpu.memref_slice %arg16[%add3A_66, %dma_start3A_72] : memref<10240x64xf32, #tpu.memory_space<vmem_shared>> -> memref<128x64xf32, #tpu.memory_space<vmem_shared>>
      tpu.enqueue_dma source(%dma_start3A_73 : memref<128x64xf32, #tpu.memory_space<vmem_shared>>) target(%arg15 : memref<128x64xf32, #tpu.memory_space<vmem>>) target_semaphore(%run_scoped3A : memref<!tpu.dma_semaphore, #tpu.memory_space<semaphore_mem>>)
      %dma_wait3A = arith.constant 0 : i32
      %dma_wait3A_74 = tpu.memref_slice %arg16[%add3A_66, %dma_wait3A] : memref<10240x64xf32, #tpu.memory_space<vmem_shared>> -> memref<128x64xf32, #tpu.memory_space<vmem_shared>>
      %dma_wait3A_75 = arith.constant 0 : i32
      %dma_wait3A_76 = tpu.memref_slice %arg16[%add3A_66, %dma_wait3A_75] : memref<10240x64xf32, #tpu.memory_space<vmem_shared>> -> memref<128x64xf32, #tpu.memory_space<vmem_shared>>
      tpu.wait_dma2 semaphore(%run_scoped3A : memref<!tpu.dma_semaphore, #tpu.memory_space<semaphore_mem>>) src(%dma_wait3A_76 : memref<128x64xf32, #tpu.memory_space<vmem_shared>>) dst(%arg15 : memref<128x64xf32, #tpu.memory_space<vmem>>)
      tpu.yield
    }) : () -> ()
    %mul3A_67 = arith.constant 640 : i32
    %mul3A_68 = arith.muli %arg1, %mul3A_67 : i32
    %add3A_69 = arith.constant 512 : i32
    %add3A_70 = arith.addi %mul3A_68, %add3A_69 : i32
    "tpu.region"() ({
      %run_scoped3A = tpu.sem_alloc : memref<!tpu.dma_semaphore, #tpu.memory_space<semaphore_mem>>
      %dma_start3A = arith.constant 0 : i32
      %dma_start3A_71 = tpu.memref_slice %arg7[%arg0, %add3A_70, %dma_start3A] : memref<2x10240x64xf32, #tpu.memory_space<hbm>> -> memref<1x128x64xf32, #tpu.memory_space<hbm>>
      %dma_start3A_72 = tpu.memref_squeeze %dma_start3A_71 : memref<1x128x64xf32, #tpu.memory_space<hbm>> -> memref<128x64xf32, #tpu.memory_space<hbm>>
      %dma_start3A_73 = arith.constant 0 : i32
      %dma_start3A_74 = tpu.memref_slice %arg7[%arg0, %add3A_70, %dma_start3A_73] : memref<2x10240x64xf32, #tpu.memory_space<hbm>> -> memref<1x128x64xf32, #tpu.memory_space<hbm>>
      %dma_start3A_75 = tpu.memref_squeeze %dma_start3A_74 : memref<1x128x64xf32, #tpu.memory_space<hbm>> -> memref<128x64xf32, #tpu.memory_space<hbm>>
      tpu.enqueue_dma source(%arg15 : memref<128x64xf32, #tpu.memory_space<vmem>>) target(%dma_start3A_75 : memref<128x64xf32, #tpu.memory_space<hbm>>) target_semaphore(%run_scoped3A : memref<!tpu.dma_semaphore, #tpu.memory_space<semaphore_mem>>)
      %dma_wait3A = arith.constant 0 : i32
      %dma_wait3A_76 = tpu.memref_slice %arg7[%arg0, %add3A_70, %dma_wait3A] : memref<2x10240x64xf32, #tpu.memory_space<hbm>> -> memref<1x128x64xf32, #tpu.memory_space<hbm>>
      %dma_wait3A_77 = tpu.memref_squeeze %dma_wait3A_76 : memref<1x128x64xf32, #tpu.memory_space<hbm>> -> memref<128x64xf32, #tpu.memory_space<hbm>>
      %dma_wait3A_78 = arith.constant 0 : i32
      %dma_wait3A_79 = tpu.memref_slice %arg7[%arg0, %add3A_70, %dma_wait3A_78] : memref<2x10240x64xf32, #tpu.memory_space<hbm>> -> memref<1x128x64xf32, #tpu.memory_space<hbm>>
      %dma_wait3A_80 = tpu.memref_squeeze %dma_wait3A_79 : memref<1x128x64xf32, #tpu.memory_space<hbm>> -> memref<128x64xf32, #tpu.memory_space<hbm>>
      tpu.wait_dma2 semaphore(%run_scoped3A : memref<!tpu.dma_semaphore, #tpu.memory_space<semaphore_mem>>) src(%arg15 : memref<128x64xf32, #tpu.memory_space<vmem>>) dst(%dma_wait3A_80 : memref<128x64xf32, #tpu.memory_space<hbm>>)
      tpu.yield
    }) : () -> ()
    return
  }
}

#map = affine_map<(d0, d1) -> (0, 0)>
#map1 = affine_map<(d0, d1) -> (0, 0, 0)>
#map2 = affine_map<(d0, d1) -> (0)>
module attributes {stable_mosaic.version = 14 : i64} {
  func.func @sc_seg_agg(%arg0: i32, %arg1: i32, %arg2: memref<4000x80xi32, #tpu.memory_space<hbm>>, %arg3: memref<4000x80xi32, #tpu.memory_space<hbm>>, %arg4: memref<10000x64xf32, #tpu.memory_space<hbm>>, %arg5: memref<10000x64xf32, #tpu.memory_space<hbm>>, %arg6: memref<128x64xf32, #tpu.memory_space<hbm>>, %arg7: memref<2x10240x64xf32, #tpu.memory_space<hbm>>, %arg8: memref<10240xf32, #tpu.memory_space<hbm>>, %arg9: memref<16x10240xf32, #tpu.memory_space<hbm>>, %arg10: memref<250x80xi32, #tpu.memory_space<vmem>>, %arg11: memref<250x80xi32, #tpu.memory_space<vmem>>, %arg12: memref<80x64xf32, #tpu.memory_space<vmem>>, %arg13: memref<80x64xf32, #tpu.memory_space<vmem>>, %arg14: memref<80x64xf32, #tpu.memory_space<vmem>>, %arg15: memref<80x64xf32, #tpu.memory_space<vmem>>, %arg16: memref<80x64xf32, #tpu.memory_space<vmem>>, %arg17: memref<128x64xf32, #tpu.memory_space<vmem>>, %arg18: memref<10240x64xf32, #tpu.memory_space<vmem_shared>>, %arg19: memref<!tpu.dma_semaphore, #tpu.memory_space<semaphore_mem>>, %arg20: memref<!tpu.dma_semaphore, #tpu.memory_space<semaphore_mem>>, %arg21: memref<!tpu.dma_semaphore, #tpu.memory_space<semaphore_mem>>, %arg22: memref<!tpu.dma_semaphore, #tpu.memory_space<semaphore_mem>>, %arg23: memref<!tpu.dma_semaphore, #tpu.memory_space<semaphore_mem>>, %arg24: memref<!tpu.dma_semaphore, #tpu.memory_space<semaphore_mem>>, %arg25: memref<!tpu.dma_semaphore, #tpu.memory_space<semaphore_mem>>, %arg26: memref<!tpu.dma_semaphore, #tpu.memory_space<semaphore_mem>>, %arg27: memref<!tpu.dma_semaphore, #tpu.memory_space<semaphore_mem>>, %arg28: memref<!tpu.dma_semaphore, #tpu.memory_space<semaphore_mem>>, %arg29: memref<10240xf32, #tpu.memory_space<vmem>>, %arg30: memref<640xf32, #tpu.memory_space<vmem>>) attributes {dimension_semantics = [#tpu.dimension_semantics<core_parallel>, #tpu.dimension_semantics<subcore_parallel>], iteration_bounds = array<i64: 2, 16>, scalar_prefetch = 0 : i64, scratch_operands = 21 : i64, tpu.core_type = #tpu.core_type<sc_vector_subcore>, window_params = [{transform_indices = #map}, {transform_indices = #map}, {transform_indices = #map}, {transform_indices = #map}, {transform_indices = #map}, {transform_indices = #map1}, {transform_indices = #map2}, {transform_indices = #map}]} {
    "tpu.region"() ({
      %run_scoped3A = tpu.sem_alloc : memref<!tpu.dma_semaphore, #tpu.memory_space<semaphore_mem>>
      tpu.enqueue_dma source(%arg6 : memref<128x64xf32, #tpu.memory_space<hbm>>) target(%arg17 : memref<128x64xf32, #tpu.memory_space<vmem>>) target_semaphore(%run_scoped3A : memref<!tpu.dma_semaphore, #tpu.memory_space<semaphore_mem>>)
      tpu.wait_dma2 semaphore(%run_scoped3A : memref<!tpu.dma_semaphore, #tpu.memory_space<semaphore_mem>>) src(%arg6 : memref<128x64xf32, #tpu.memory_space<hbm>>) dst(%arg17 : memref<128x64xf32, #tpu.memory_space<vmem>>)
      tpu.yield
    }) : () -> ()
    %mul3A = arith.constant 640 : i32
    %mul3A_0 = arith.muli %arg1, %mul3A : i32
    %add3A = arith.constant 0 : i32
    %add3A_1 = arith.addi %mul3A_0, %add3A : i32
    "tpu.region"() ({
      %run_scoped3A = tpu.sem_alloc : memref<!tpu.dma_semaphore, #tpu.memory_space<semaphore_mem>>
      %dma_start3A = arith.constant 0 : i32
      %dma_start3A_81 = tpu.memref_slice %arg18[%add3A_1, %dma_start3A] : memref<10240x64xf32, #tpu.memory_space<vmem_shared>> -> memref<128x64xf32, #tpu.memory_space<vmem_shared>>
      %dma_start3A_82 = arith.constant 0 : i32
      %dma_start3A_83 = tpu.memref_slice %arg18[%add3A_1, %dma_start3A_82] : memref<10240x64xf32, #tpu.memory_space<vmem_shared>> -> memref<128x64xf32, #tpu.memory_space<vmem_shared>>
      tpu.enqueue_dma source(%arg17 : memref<128x64xf32, #tpu.memory_space<vmem>>) target(%dma_start3A_83 : memref<128x64xf32, #tpu.memory_space<vmem_shared>>) target_semaphore(%run_scoped3A : memref<!tpu.dma_semaphore, #tpu.memory_space<semaphore_mem>>)
      %dma_wait3A = arith.constant 0 : i32
      %dma_wait3A_84 = tpu.memref_slice %arg18[%add3A_1, %dma_wait3A] : memref<10240x64xf32, #tpu.memory_space<vmem_shared>> -> memref<128x64xf32, #tpu.memory_space<vmem_shared>>
      %dma_wait3A_85 = arith.constant 0 : i32
      %dma_wait3A_86 = tpu.memref_slice %arg18[%add3A_1, %dma_wait3A_85] : memref<10240x64xf32, #tpu.memory_space<vmem_shared>> -> memref<128x64xf32, #tpu.memory_space<vmem_shared>>
      tpu.wait_dma2 semaphore(%run_scoped3A : memref<!tpu.dma_semaphore, #tpu.memory_space<semaphore_mem>>) src(%arg17 : memref<128x64xf32, #tpu.memory_space<vmem>>) dst(%dma_wait3A_86 : memref<128x64xf32, #tpu.memory_space<vmem_shared>>)
      tpu.yield
    }) : () -> ()
    %mul3A_2 = arith.constant 640 : i32
    %mul3A_3 = arith.muli %arg1, %mul3A_2 : i32
    %add3A_4 = arith.constant 128 : i32
    %add3A_5 = arith.addi %mul3A_3, %add3A_4 : i32
    "tpu.region"() ({
      %run_scoped3A = tpu.sem_alloc : memref<!tpu.dma_semaphore, #tpu.memory_space<semaphore_mem>>
      %dma_start3A = arith.constant 0 : i32
      %dma_start3A_81 = tpu.memref_slice %arg18[%add3A_5, %dma_start3A] : memref<10240x64xf32, #tpu.memory_space<vmem_shared>> -> memref<128x64xf32, #tpu.memory_space<vmem_shared>>
      %dma_start3A_82 = arith.constant 0 : i32
      %dma_start3A_83 = tpu.memref_slice %arg18[%add3A_5, %dma_start3A_82] : memref<10240x64xf32, #tpu.memory_space<vmem_shared>> -> memref<128x64xf32, #tpu.memory_space<vmem_shared>>
      tpu.enqueue_dma source(%arg17 : memref<128x64xf32, #tpu.memory_space<vmem>>) target(%dma_start3A_83 : memref<128x64xf32, #tpu.memory_space<vmem_shared>>) target_semaphore(%run_scoped3A : memref<!tpu.dma_semaphore, #tpu.memory_space<semaphore_mem>>)
      %dma_wait3A = arith.constant 0 : i32
      %dma_wait3A_84 = tpu.memref_slice %arg18[%add3A_5, %dma_wait3A] : memref<10240x64xf32, #tpu.memory_space<vmem_shared>> -> memref<128x64xf32, #tpu.memory_space<vmem_shared>>
      %dma_wait3A_85 = arith.constant 0 : i32
      %dma_wait3A_86 = tpu.memref_slice %arg18[%add3A_5, %dma_wait3A_85] : memref<10240x64xf32, #tpu.memory_space<vmem_shared>> -> memref<128x64xf32, #tpu.memory_space<vmem_shared>>
      tpu.wait_dma2 semaphore(%run_scoped3A : memref<!tpu.dma_semaphore, #tpu.memory_space<semaphore_mem>>) src(%arg17 : memref<128x64xf32, #tpu.memory_space<vmem>>) dst(%dma_wait3A_86 : memref<128x64xf32, #tpu.memory_space<vmem_shared>>)
      tpu.yield
    }) : () -> ()
    %mul3A_6 = arith.constant 640 : i32
    %mul3A_7 = arith.muli %arg1, %mul3A_6 : i32
    %add3A_8 = arith.constant 256 : i32
    %add3A_9 = arith.addi %mul3A_7, %add3A_8 : i32
    "tpu.region"() ({
      %run_scoped3A = tpu.sem_alloc : memref<!tpu.dma_semaphore, #tpu.memory_space<semaphore_mem>>
      %dma_start3A = arith.constant 0 : i32
      %dma_start3A_81 = tpu.memref_slice %arg18[%add3A_9, %dma_start3A] : memref<10240x64xf32, #tpu.memory_space<vmem_shared>> -> memref<128x64xf32, #tpu.memory_space<vmem_shared>>
      %dma_start3A_82 = arith.constant 0 : i32
      %dma_start3A_83 = tpu.memref_slice %arg18[%add3A_9, %dma_start3A_82] : memref<10240x64xf32, #tpu.memory_space<vmem_shared>> -> memref<128x64xf32, #tpu.memory_space<vmem_shared>>
      tpu.enqueue_dma source(%arg17 : memref<128x64xf32, #tpu.memory_space<vmem>>) target(%dma_start3A_83 : memref<128x64xf32, #tpu.memory_space<vmem_shared>>) target_semaphore(%run_scoped3A : memref<!tpu.dma_semaphore, #tpu.memory_space<semaphore_mem>>)
      %dma_wait3A = arith.constant 0 : i32
      %dma_wait3A_84 = tpu.memref_slice %arg18[%add3A_9, %dma_wait3A] : memref<10240x64xf32, #tpu.memory_space<vmem_shared>> -> memref<128x64xf32, #tpu.memory_space<vmem_shared>>
      %dma_wait3A_85 = arith.constant 0 : i32
      %dma_wait3A_86 = tpu.memref_slice %arg18[%add3A_9, %dma_wait3A_85] : memref<10240x64xf32, #tpu.memory_space<vmem_shared>> -> memref<128x64xf32, #tpu.memory_space<vmem_shared>>
      tpu.wait_dma2 semaphore(%run_scoped3A : memref<!tpu.dma_semaphore, #tpu.memory_space<semaphore_mem>>) src(%arg17 : memref<128x64xf32, #tpu.memory_space<vmem>>) dst(%dma_wait3A_86 : memref<128x64xf32, #tpu.memory_space<vmem_shared>>)
      tpu.yield
    }) : () -> ()
    %mul3A_10 = arith.constant 640 : i32
    %mul3A_11 = arith.muli %arg1, %mul3A_10 : i32
    %add3A_12 = arith.constant 384 : i32
    %add3A_13 = arith.addi %mul3A_11, %add3A_12 : i32
    "tpu.region"() ({
      %run_scoped3A = tpu.sem_alloc : memref<!tpu.dma_semaphore, #tpu.memory_space<semaphore_mem>>
      %dma_start3A = arith.constant 0 : i32
      %dma_start3A_81 = tpu.memref_slice %arg18[%add3A_13, %dma_start3A] : memref<10240x64xf32, #tpu.memory_space<vmem_shared>> -> memref<128x64xf32, #tpu.memory_space<vmem_shared>>
      %dma_start3A_82 = arith.constant 0 : i32
      %dma_start3A_83 = tpu.memref_slice %arg18[%add3A_13, %dma_start3A_82] : memref<10240x64xf32, #tpu.memory_space<vmem_shared>> -> memref<128x64xf32, #tpu.memory_space<vmem_shared>>
      tpu.enqueue_dma source(%arg17 : memref<128x64xf32, #tpu.memory_space<vmem>>) target(%dma_start3A_83 : memref<128x64xf32, #tpu.memory_space<vmem_shared>>) target_semaphore(%run_scoped3A : memref<!tpu.dma_semaphore, #tpu.memory_space<semaphore_mem>>)
      %dma_wait3A = arith.constant 0 : i32
      %dma_wait3A_84 = tpu.memref_slice %arg18[%add3A_13, %dma_wait3A] : memref<10240x64xf32, #tpu.memory_space<vmem_shared>> -> memref<128x64xf32, #tpu.memory_space<vmem_shared>>
      %dma_wait3A_85 = arith.constant 0 : i32
      %dma_wait3A_86 = tpu.memref_slice %arg18[%add3A_13, %dma_wait3A_85] : memref<10240x64xf32, #tpu.memory_space<vmem_shared>> -> memref<128x64xf32, #tpu.memory_space<vmem_shared>>
      tpu.wait_dma2 semaphore(%run_scoped3A : memref<!tpu.dma_semaphore, #tpu.memory_space<semaphore_mem>>) src(%arg17 : memref<128x64xf32, #tpu.memory_space<vmem>>) dst(%dma_wait3A_86 : memref<128x64xf32, #tpu.memory_space<vmem_shared>>)
      tpu.yield
    }) : () -> ()
    %mul3A_14 = arith.constant 640 : i32
    %mul3A_15 = arith.muli %arg1, %mul3A_14 : i32
    %add3A_16 = arith.constant 512 : i32
    %add3A_17 = arith.addi %mul3A_15, %add3A_16 : i32
    "tpu.region"() ({
      %run_scoped3A = tpu.sem_alloc : memref<!tpu.dma_semaphore, #tpu.memory_space<semaphore_mem>>
      %dma_start3A = arith.constant 0 : i32
      %dma_start3A_81 = tpu.memref_slice %arg18[%add3A_17, %dma_start3A] : memref<10240x64xf32, #tpu.memory_space<vmem_shared>> -> memref<128x64xf32, #tpu.memory_space<vmem_shared>>
      %dma_start3A_82 = arith.constant 0 : i32
      %dma_start3A_83 = tpu.memref_slice %arg18[%add3A_17, %dma_start3A_82] : memref<10240x64xf32, #tpu.memory_space<vmem_shared>> -> memref<128x64xf32, #tpu.memory_space<vmem_shared>>
      tpu.enqueue_dma source(%arg17 : memref<128x64xf32, #tpu.memory_space<vmem>>) target(%dma_start3A_83 : memref<128x64xf32, #tpu.memory_space<vmem_shared>>) target_semaphore(%run_scoped3A : memref<!tpu.dma_semaphore, #tpu.memory_space<semaphore_mem>>)
      %dma_wait3A = arith.constant 0 : i32
      %dma_wait3A_84 = tpu.memref_slice %arg18[%add3A_17, %dma_wait3A] : memref<10240x64xf32, #tpu.memory_space<vmem_shared>> -> memref<128x64xf32, #tpu.memory_space<vmem_shared>>
      %dma_wait3A_85 = arith.constant 0 : i32
      %dma_wait3A_86 = tpu.memref_slice %arg18[%add3A_17, %dma_wait3A_85] : memref<10240x64xf32, #tpu.memory_space<vmem_shared>> -> memref<128x64xf32, #tpu.memory_space<vmem_shared>>
      tpu.wait_dma2 semaphore(%run_scoped3A : memref<!tpu.dma_semaphore, #tpu.memory_space<semaphore_mem>>) src(%arg17 : memref<128x64xf32, #tpu.memory_space<vmem>>) dst(%dma_wait3A_86 : memref<128x64xf32, #tpu.memory_space<vmem_shared>>)
      tpu.yield
    }) : () -> ()
    %scan3A = arith.constant 0 : i32
    %scan3A_18 = arith.constant 0 : i32
    %scan3A_19 = arith.constant 640 : i32
    %scan3A_20 = arith.addi %scan3A_18, %scan3A_19 : i32
    %scan3A_21 = arith.constant 1 : i32
    scf.for %scan3A_81 = %scan3A_18 to %scan3A_20 step %scan3A_21  : i32 {
      %broadcast_in_dim3A_82 = arith.constant 0.000000e+00 : f32
      %broadcast_in_dim3A_83 = vector.broadcast %broadcast_in_dim3A_82 : f32 to vector<16xf32>
      %mul3A_84 = arith.constant 16 : i32
      %mul3A_85 = arith.muli %scan3A_81, %mul3A_84 : i32
      %swap3A = arith.index_cast %mul3A_85 : i32 to index
      %swap3A_86 = tpu.vector_load %arg29[%swap3A] {strides = array<i32>} : memref<10240xf32, #tpu.memory_space<vmem>>, vector<16xf32>,
      tpu.vector_store %arg29[%swap3A], %broadcast_in_dim3A_83 {strides = array<i32>} : memref<10240xf32, #tpu.memory_space<vmem>>, vector<16xf32>,
    }
    %scan3A_22 = arith.constant 640 : i32
    %barrier3A = arith.constant 0 : index
    tpu.barrier barrier_id(%barrier3A)
    %mul3A_23 = arith.constant 250 : i32
    %mul3A_24 = arith.muli %arg1, %mul3A_23 : i32
    "tpu.region"() ({
      %run_scoped3A = tpu.sem_alloc : memref<!tpu.dma_semaphore, #tpu.memory_space<semaphore_mem>>
      %dma_start3A = arith.constant 0 : i32
      %dma_start3A_81 = tpu.memref_slice %arg2[%mul3A_24, %dma_start3A] : memref<4000x80xi32, #tpu.memory_space<hbm>> -> memref<250x80xi32, #tpu.memory_space<hbm>>
      %dma_start3A_82 = arith.constant 0 : i32
      %dma_start3A_83 = tpu.memref_slice %arg2[%mul3A_24, %dma_start3A_82] : memref<4000x80xi32, #tpu.memory_space<hbm>> -> memref<250x80xi32, #tpu.memory_space<hbm>>
      tpu.enqueue_dma source(%dma_start3A_83 : memref<250x80xi32, #tpu.memory_space<hbm>>) target(%arg10 : memref<250x80xi32, #tpu.memory_space<vmem>>) target_semaphore(%run_scoped3A : memref<!tpu.dma_semaphore, #tpu.memory_space<semaphore_mem>>)
      %dma_wait3A = arith.constant 0 : i32
      %dma_wait3A_84 = tpu.memref_slice %arg2[%mul3A_24, %dma_wait3A] : memref<4000x80xi32, #tpu.memory_space<hbm>> -> memref<250x80xi32, #tpu.memory_space<hbm>>
      %dma_wait3A_85 = arith.constant 0 : i32
      %dma_wait3A_86 = tpu.memref_slice %arg2[%mul3A_24, %dma_wait3A_85] : memref<4000x80xi32, #tpu.memory_space<hbm>> -> memref<250x80xi32, #tpu.memory_space<hbm>>
      tpu.wait_dma2 semaphore(%run_scoped3A : memref<!tpu.dma_semaphore, #tpu.memory_space<semaphore_mem>>) src(%dma_wait3A_86 : memref<250x80xi32, #tpu.memory_space<hbm>>) dst(%arg10 : memref<250x80xi32, #tpu.memory_space<vmem>>)
      tpu.yield
    }) : () -> ()
    %mul3A_25 = arith.constant 250 : i32
    %mul3A_26 = arith.muli %arg1, %mul3A_25 : i32
    "tpu.region"() ({
      %run_scoped3A = tpu.sem_alloc : memref<!tpu.dma_semaphore, #tpu.memory_space<semaphore_mem>>
      %dma_start3A = arith.constant 0 : i32
      %dma_start3A_81 = tpu.memref_slice %arg3[%mul3A_26, %dma_start3A] : memref<4000x80xi32, #tpu.memory_space<hbm>> -> memref<250x80xi32, #tpu.memory_space<hbm>>
      %dma_start3A_82 = arith.constant 0 : i32
      %dma_start3A_83 = tpu.memref_slice %arg3[%mul3A_26, %dma_start3A_82] : memref<4000x80xi32, #tpu.memory_space<hbm>> -> memref<250x80xi32, #tpu.memory_space<hbm>>
      tpu.enqueue_dma source(%dma_start3A_83 : memref<250x80xi32, #tpu.memory_space<hbm>>) target(%arg11 : memref<250x80xi32, #tpu.memory_space<vmem>>) target_semaphore(%run_scoped3A : memref<!tpu.dma_semaphore, #tpu.memory_space<semaphore_mem>>)
      %dma_wait3A = arith.constant 0 : i32
      %dma_wait3A_84 = tpu.memref_slice %arg3[%mul3A_26, %dma_wait3A] : memref<4000x80xi32, #tpu.memory_space<hbm>> -> memref<250x80xi32, #tpu.memory_space<hbm>>
      %dma_wait3A_85 = arith.constant 0 : i32
      %dma_wait3A_86 = tpu.memref_slice %arg3[%mul3A_26, %dma_wait3A_85] : memref<4000x80xi32, #tpu.memory_space<hbm>> -> memref<250x80xi32, #tpu.memory_space<hbm>>
      tpu.wait_dma2 semaphore(%run_scoped3A : memref<!tpu.dma_semaphore, #tpu.memory_space<semaphore_mem>>) src(%dma_wait3A_86 : memref<250x80xi32, #tpu.memory_space<hbm>>) dst(%arg11 : memref<250x80xi32, #tpu.memory_space<vmem>>)
      tpu.yield
    }) : () -> ()
    %broadcast_in_dim3A = arith.constant 1.000000e+00 : f32
    %broadcast_in_dim3A_27 = vector.broadcast %broadcast_in_dim3A : f32 to vector<16xf32>
    %eq3A = arith.constant 0 : i32
    %eq3A_28 = arith.cmpi eq, %arg0, %eq3A : i32
    %convert_element_type3A = arith.extui %eq3A_28 : i1 to i32
    %cond3A = arith.constant 0 : i32
    %cond3A_29 = arith.cmpi ne, %convert_element_type3A, %cond3A : i32
    scf.if %cond3A_29 {
      %dma_start3A = arith.constant 0 : i32
      %dma_start3A_81 = arith.constant 0 : i32
      %dma_start3A_82 = tpu.memref_slice %arg10[%dma_start3A, %dma_start3A_81] : memref<250x80xi32, #tpu.memory_space<vmem>> -> memref<1x80xi32, #tpu.memory_space<vmem>>
      %dma_start3A_83 = tpu.memref_squeeze %dma_start3A_82 : memref<1x80xi32, #tpu.memory_space<vmem>> -> memref<80xi32, #tpu.memory_space<vmem>>
      %dma_start3A_84 = arith.constant 0 : i32
      %dma_start3A_85 = arith.constant 0 : i32
      %dma_start3A_86 = tpu.memref_slice %arg4[%dma_start3A_84, %dma_start3A_85] : memref<10000x64xf32, #tpu.memory_space<hbm>> -> memref<10000x64xf32, #tpu.memory_space<hbm>>
      tpu.enqueue_indirect_dma source(%dma_start3A_86 : memref<10000x64xf32, #tpu.memory_space<hbm>>) target(%arg12 : memref<80x64xf32, #tpu.memory_space<vmem>>) offsets(%dma_start3A_83 : memref<80xi32, #tpu.memory_space<vmem>>) semaphore(%arg19 : memref<!tpu.dma_semaphore, #tpu.memory_space<semaphore_mem>>)
      %dma_start3A_87 = arith.constant 1 : i32
      %dma_start3A_88 = arith.constant 0 : i32
      %dma_start3A_89 = tpu.memref_slice %arg10[%dma_start3A_87, %dma_start3A_88] : memref<250x80xi32, #tpu.memory_space<vmem>> -> memref<1x80xi32, #tpu.memory_space<vmem>>
      %dma_start3A_90 = tpu.memref_squeeze %dma_start3A_89 : memref<1x80xi32, #tpu.memory_space<vmem>> -> memref<80xi32, #tpu.memory_space<vmem>>
      %dma_start3A_91 = arith.constant 0 : i32
      %dma_start3A_92 = arith.constant 0 : i32
      %dma_start3A_93 = tpu.memref_slice %arg4[%dma_start3A_91, %dma_start3A_92] : memref<10000x64xf32, #tpu.memory_space<hbm>> -> memref<10000x64xf32, #tpu.memory_space<hbm>>
      tpu.enqueue_indirect_dma source(%dma_start3A_93 : memref<10000x64xf32, #tpu.memory_space<hbm>>) target(%arg13 : memref<80x64xf32, #tpu.memory_space<vmem>>) offsets(%dma_start3A_90 : memref<80xi32, #tpu.memory_space<vmem>>) semaphore(%arg20 : memref<!tpu.dma_semaphore, #tpu.memory_space<semaphore_mem>>)
      %scan3A_94 = arith.constant 0 : i32
      %scan3A_95 = arith.constant 0 : i32
      %scan3A_96 = arith.constant 50 : i32
      %scan3A_97 = arith.addi %scan3A_95, %scan3A_96 : i32
      %scan3A_98 = arith.constant 1 : i32
      scf.for %scan3A_120 = %scan3A_95 to %scan3A_97 step %scan3A_98  : i32 {
        %mul3A_121 = arith.constant 5 : i32
        %mul3A_122 = arith.muli %mul3A_121, %scan3A_120 : i32
        %add3A_123 = arith.constant 0 : i32
        %add3A_124 = arith.addi %mul3A_122, %add3A_123 : i32
        %ge3A = arith.constant 3 : i32
        %ge3A_125 = arith.cmpi sge, %add3A_124, %ge3A : i32
        %convert_element_type3A_126 = arith.extui %ge3A_125 : i1 to i32
        %cond3A_127 = arith.constant 0 : i32
        %cond3A_128 = arith.cmpi ne, %convert_element_type3A_126, %cond3A_127 : i32
        scf.if %cond3A_128 {
          %sub3A = arith.constant 3 : i32
          %sub3A_333 = arith.subi %add3A_124, %sub3A : i32
          %max3A = arith.constant 0 : i32
          %max3A_334 = arith.maxsi %sub3A_333, %max3A : i32
          %dma_wait3A_335 = arith.constant 0 : i32
          %dma_wait3A_336 = tpu.memref_slice %arg11[%max3A_334, %dma_wait3A_335] : memref<250x80xi32, #tpu.memory_space<vmem>> -> memref<1x80xi32, #tpu.memory_space<vmem>>
          %dma_wait3A_337 = tpu.memref_squeeze %dma_wait3A_336 : memref<1x80xi32, #tpu.memory_space<vmem>> -> memref<80xi32, #tpu.memory_space<vmem>>
          %dma_wait3A_338 = arith.constant 0 : i32
          %dma_wait3A_339 = arith.constant 0 : i32
          %dma_wait3A_340 = tpu.memref_slice %arg18[%dma_wait3A_338, %dma_wait3A_339] : memref<10240x64xf32, #tpu.memory_space<vmem_shared>> -> memref<10240x64xf32, #tpu.memory_space<vmem_shared>>
          tpu.wait_indirect_dma semaphore(%arg26 : memref<!tpu.dma_semaphore, #tpu.memory_space<semaphore_mem>>) src(%arg14 : memref<80x64xf32, #tpu.memory_space<vmem>>) dst(%dma_wait3A_340 : memref<10240x64xf32, #tpu.memory_space<vmem_shared>>)
        } else {
        }
        %add3A_129 = arith.constant 2 : i32
        %add3A_130 = arith.addi %add3A_124, %add3A_129 : i32
        %lt3A = arith.constant 250 : i32
        %lt3A_131 = arith.cmpi slt, %add3A_130, %lt3A : i32
        %convert_element_type3A_132 = arith.extui %lt3A_131 : i1 to i32
        %cond3A_133 = arith.constant 0 : i32
        %cond3A_134 = arith.cmpi ne, %convert_element_type3A_132, %cond3A_133 : i32
        scf.if %cond3A_134 {
          %add3A_333 = arith.constant 2 : i32
          %add3A_334 = arith.addi %add3A_124, %add3A_333 : i32
          %dma_start3A_335 = arith.constant 0 : i32
          %dma_start3A_336 = tpu.memref_slice %arg10[%add3A_334, %dma_start3A_335] : memref<250x80xi32, #tpu.memory_space<vmem>> -> memref<1x80xi32, #tpu.memory_space<vmem>>
          %dma_start3A_337 = tpu.memref_squeeze %dma_start3A_336 : memref<1x80xi32, #tpu.memory_space<vmem>> -> memref<80xi32, #tpu.memory_space<vmem>>
          %dma_start3A_338 = arith.constant 0 : i32
          %dma_start3A_339 = arith.constant 0 : i32
          %dma_start3A_340 = tpu.memref_slice %arg4[%dma_start3A_338, %dma_start3A_339] : memref<10000x64xf32, #tpu.memory_space<hbm>> -> memref<10000x64xf32, #tpu.memory_space<hbm>>
          tpu.enqueue_indirect_dma source(%dma_start3A_340 : memref<10000x64xf32, #tpu.memory_space<hbm>>) target(%arg14 : memref<80x64xf32, #tpu.memory_space<vmem>>) offsets(%dma_start3A_337 : memref<80xi32, #tpu.memory_space<vmem>>) semaphore(%arg21 : memref<!tpu.dma_semaphore, #tpu.memory_space<semaphore_mem>>)
        } else {
        }
        %dma_wait3A_135 = arith.constant 0 : i32
        %dma_wait3A_136 = tpu.memref_slice %arg10[%add3A_124, %dma_wait3A_135] : memref<250x80xi32, #tpu.memory_space<vmem>> -> memref<1x80xi32, #tpu.memory_space<vmem>>
        %dma_wait3A_137 = tpu.memref_squeeze %dma_wait3A_136 : memref<1x80xi32, #tpu.memory_space<vmem>> -> memref<80xi32, #tpu.memory_space<vmem>>
        %dma_wait3A_138 = arith.constant 0 : i32
        %dma_wait3A_139 = arith.constant 0 : i32
        %dma_wait3A_140 = tpu.memref_slice %arg4[%dma_wait3A_138, %dma_wait3A_139] : memref<10000x64xf32, #tpu.memory_space<hbm>> -> memref<10000x64xf32, #tpu.memory_space<hbm>>
        tpu.wait_indirect_dma semaphore(%arg19 : memref<!tpu.dma_semaphore, #tpu.memory_space<semaphore_mem>>) src(%dma_wait3A_140 : memref<10000x64xf32, #tpu.memory_space<hbm>>) dst(%arg12 : memref<80x64xf32, #tpu.memory_space<vmem>>)
        %dma_start3A_141 = arith.constant 0 : i32
        %dma_start3A_142 = tpu.memref_slice %arg11[%add3A_124, %dma_start3A_141] : memref<250x80xi32, #tpu.memory_space<vmem>> -> memref<1x80xi32, #tpu.memory_space<vmem>>
        %dma_start3A_143 = tpu.memref_squeeze %dma_start3A_142 : memref<1x80xi32, #tpu.memory_space<vmem>> -> memref<80xi32, #tpu.memory_space<vmem>>
        %dma_start3A_144 = arith.constant 0 : i32
        %dma_start3A_145 = arith.constant 0 : i32
        %dma_start3A_146 = tpu.memref_slice %arg18[%dma_start3A_144, %dma_start3A_145] : memref<10240x64xf32, #tpu.memory_space<vmem_shared>> -> memref<10240x64xf32, #tpu.memory_space<vmem_shared>>
        tpu.enqueue_indirect_dma source(%arg12 : memref<80x64xf32, #tpu.memory_space<vmem>>) target(%dma_start3A_146 : memref<10240x64xf32, #tpu.memory_space<vmem_shared>>) offsets(%dma_start3A_143 : memref<80xi32, #tpu.memory_space<vmem>>) semaphore(%arg24 : memref<!tpu.dma_semaphore, #tpu.memory_space<semaphore_mem>>) {add = true}
        %get3A = arith.index_cast %add3A_124 : i32 to index
        %get3A_147 = arith.constant 0 : index
        %get3A_148 = tpu.vector_load %arg11[%get3A, %get3A_147] {strides = array<i32>} : memref<250x80xi32, #tpu.memory_space<vmem>>, vector<16xi32>,
        tpu.vector_store_idx %arg29[%get3A_148], %broadcast_in_dim3A_27 {add = true} : memref<10240xf32, #tpu.memory_space<vmem>>[vector<16xi32>], vector<16xf32>,
        %get3A_149 = arith.index_cast %add3A_124 : i32 to index
        %get3A_150 = arith.constant 16 : index
        %get3A_151 = tpu.vector_load %arg11[%get3A_149, %get3A_150] {strides = array<i32>} : memref<250x80xi32, #tpu.memory_space<vmem>>, vector<16xi32>,
        tpu.vector_store_idx %arg29[%get3A_151], %broadcast_in_dim3A_27 {add = true} : memref<10240xf32, #tpu.memory_space<vmem>>[vector<16xi32>], vector<16xf32>,
        %get3A_152 = arith.index_cast %add3A_124 : i32 to index
        %get3A_153 = arith.constant 32 : index
        %get3A_154 = tpu.vector_load %arg11[%get3A_152, %get3A_153] {strides = array<i32>} : memref<250x80xi32, #tpu.memory_space<vmem>>, vector<16xi32>,
        tpu.vector_store_idx %arg29[%get3A_154], %broadcast_in_dim3A_27 {add = true} : memref<10240xf32, #tpu.memory_space<vmem>>[vector<16xi32>], vector<16xf32>,
        %get3A_155 = arith.index_cast %add3A_124 : i32 to index
        %get3A_156 = arith.constant 48 : index
        %get3A_157 = tpu.vector_load %arg11[%get3A_155, %get3A_156] {strides = array<i32>} : memref<250x80xi32, #tpu.memory_space<vmem>>, vector<16xi32>,
        tpu.vector_store_idx %arg29[%get3A_157], %broadcast_in_dim3A_27 {add = true} : memref<10240xf32, #tpu.memory_space<vmem>>[vector<16xi32>], vector<16xf32>,
        %get3A_158 = arith.index_cast %add3A_124 : i32 to index
        %get3A_159 = arith.constant 64 : index
        %get3A_160 = tpu.vector_load %arg11[%get3A_158, %get3A_159] {strides = array<i32>} : memref<250x80xi32, #tpu.memory_space<vmem>>, vector<16xi32>,
        tpu.vector_store_idx %arg29[%get3A_160], %broadcast_in_dim3A_27 {add = true} : memref<10240xf32, #tpu.memory_space<vmem>>[vector<16xi32>], vector<16xf32>,
        %mul3A_161 = arith.constant 5 : i32
        %mul3A_162 = arith.muli %mul3A_161, %scan3A_120 : i32
        %add3A_163 = arith.constant 1 : i32
        %add3A_164 = arith.addi %mul3A_162, %add3A_163 : i32
        %ge3A_165 = arith.constant 3 : i32
        %ge3A_166 = arith.cmpi sge, %add3A_164, %ge3A_165 : i32
        %convert_element_type3A_167 = arith.extui %ge3A_166 : i1 to i32
        %cond3A_168 = arith.constant 0 : i32
        %cond3A_169 = arith.cmpi ne, %convert_element_type3A_167, %cond3A_168 : i32
        scf.if %cond3A_169 {
          %sub3A = arith.constant 3 : i32
          %sub3A_333 = arith.subi %add3A_164, %sub3A : i32
          %max3A = arith.constant 0 : i32
          %max3A_334 = arith.maxsi %sub3A_333, %max3A : i32
          %dma_wait3A_335 = arith.constant 0 : i32
          %dma_wait3A_336 = tpu.memref_slice %arg11[%max3A_334, %dma_wait3A_335] : memref<250x80xi32, #tpu.memory_space<vmem>> -> memref<1x80xi32, #tpu.memory_space<vmem>>
          %dma_wait3A_337 = tpu.memref_squeeze %dma_wait3A_336 : memref<1x80xi32, #tpu.memory_space<vmem>> -> memref<80xi32, #tpu.memory_space<vmem>>
          %dma_wait3A_338 = arith.constant 0 : i32
          %dma_wait3A_339 = arith.constant 0 : i32
          %dma_wait3A_340 = tpu.memref_slice %arg18[%dma_wait3A_338, %dma_wait3A_339] : memref<10240x64xf32, #tpu.memory_space<vmem_shared>> -> memref<10240x64xf32, #tpu.memory_space<vmem_shared>>
          tpu.wait_indirect_dma semaphore(%arg27 : memref<!tpu.dma_semaphore, #tpu.memory_space<semaphore_mem>>) src(%arg15 : memref<80x64xf32, #tpu.memory_space<vmem>>) dst(%dma_wait3A_340 : memref<10240x64xf32, #tpu.memory_space<vmem_shared>>)
        } else {
        }
        %add3A_170 = arith.constant 2 : i32
        %add3A_171 = arith.addi %add3A_164, %add3A_170 : i32
        %lt3A_172 = arith.constant 250 : i32
        %lt3A_173 = arith.cmpi slt, %add3A_171, %lt3A_172 : i32
        %convert_element_type3A_174 = arith.extui %lt3A_173 : i1 to i32
        %cond3A_175 = arith.constant 0 : i32
        %cond3A_176 = arith.cmpi ne, %convert_element_type3A_174, %cond3A_175 : i32
        scf.if %cond3A_176 {
          %add3A_333 = arith.constant 2 : i32
          %add3A_334 = arith.addi %add3A_164, %add3A_333 : i32
          %dma_start3A_335 = arith.constant 0 : i32
          %dma_start3A_336 = tpu.memref_slice %arg10[%add3A_334, %dma_start3A_335] : memref<250x80xi32, #tpu.memory_space<vmem>> -> memref<1x80xi32, #tpu.memory_space<vmem>>
          %dma_start3A_337 = tpu.memref_squeeze %dma_start3A_336 : memref<1x80xi32, #tpu.memory_space<vmem>> -> memref<80xi32, #tpu.memory_space<vmem>>
          %dma_start3A_338 = arith.constant 0 : i32
          %dma_start3A_339 = arith.constant 0 : i32
          %dma_start3A_340 = tpu.memref_slice %arg4[%dma_start3A_338, %dma_start3A_339] : memref<10000x64xf32, #tpu.memory_space<hbm>> -> memref<10000x64xf32, #tpu.memory_space<hbm>>
          tpu.enqueue_indirect_dma source(%dma_start3A_340 : memref<10000x64xf32, #tpu.memory_space<hbm>>) target(%arg15 : memref<80x64xf32, #tpu.memory_space<vmem>>) offsets(%dma_start3A_337 : memref<80xi32, #tpu.memory_space<vmem>>) semaphore(%arg22 : memref<!tpu.dma_semaphore, #tpu.memory_space<semaphore_mem>>)
        } else {
        }
        %dma_wait3A_177 = arith.constant 0 : i32
        %dma_wait3A_178 = tpu.memref_slice %arg10[%add3A_164, %dma_wait3A_177] : memref<250x80xi32, #tpu.memory_space<vmem>> -> memref<1x80xi32, #tpu.memory_space<vmem>>
        %dma_wait3A_179 = tpu.memref_squeeze %dma_wait3A_178 : memref<1x80xi32, #tpu.memory_space<vmem>> -> memref<80xi32, #tpu.memory_space<vmem>>
        %dma_wait3A_180 = arith.constant 0 : i32
        %dma_wait3A_181 = arith.constant 0 : i32
        %dma_wait3A_182 = tpu.memref_slice %arg4[%dma_wait3A_180, %dma_wait3A_181] : memref<10000x64xf32, #tpu.memory_space<hbm>> -> memref<10000x64xf32, #tpu.memory_space<hbm>>
        tpu.wait_indirect_dma semaphore(%arg20 : memref<!tpu.dma_semaphore, #tpu.memory_space<semaphore_mem>>) src(%dma_wait3A_182 : memref<10000x64xf32, #tpu.memory_space<hbm>>) dst(%arg13 : memref<80x64xf32, #tpu.memory_space<vmem>>)
        %dma_start3A_183 = arith.constant 0 : i32
        %dma_start3A_184 = tpu.memref_slice %arg11[%add3A_164, %dma_start3A_183] : memref<250x80xi32, #tpu.memory_space<vmem>> -> memref<1x80xi32, #tpu.memory_space<vmem>>
        %dma_start3A_185 = tpu.memref_squeeze %dma_start3A_184 : memref<1x80xi32, #tpu.memory_space<vmem>> -> memref<80xi32, #tpu.memory_space<vmem>>
        %dma_start3A_186 = arith.constant 0 : i32
        %dma_start3A_187 = arith.constant 0 : i32
        %dma_start3A_188 = tpu.memref_slice %arg18[%dma_start3A_186, %dma_start3A_187] : memref<10240x64xf32, #tpu.memory_space<vmem_shared>> -> memref<10240x64xf32, #tpu.memory_space<vmem_shared>>
        tpu.enqueue_indirect_dma source(%arg13 : memref<80x64xf32, #tpu.memory_space<vmem>>) target(%dma_start3A_188 : memref<10240x64xf32, #tpu.memory_space<vmem_shared>>) offsets(%dma_start3A_185 : memref<80xi32, #tpu.memory_space<vmem>>) semaphore(%arg25 : memref<!tpu.dma_semaphore, #tpu.memory_space<semaphore_mem>>) {add = true}
        %get3A_189 = arith.index_cast %add3A_164 : i32 to index
        %get3A_190 = arith.constant 0 : index
        %get3A_191 = tpu.vector_load %arg11[%get3A_189, %get3A_190] {strides = array<i32>} : memref<250x80xi32, #tpu.memory_space<vmem>>, vector<16xi32>,
        tpu.vector_store_idx %arg29[%get3A_191], %broadcast_in_dim3A_27 {add = true} : memref<10240xf32, #tpu.memory_space<vmem>>[vector<16xi32>], vector<16xf32>,
        %get3A_192 = arith.index_cast %add3A_164 : i32 to index
        %get3A_193 = arith.constant 16 : index
        %get3A_194 = tpu.vector_load %arg11[%get3A_192, %get3A_193] {strides = array<i32>} : memref<250x80xi32, #tpu.memory_space<vmem>>, vector<16xi32>,
        tpu.vector_store_idx %arg29[%get3A_194], %broadcast_in_dim3A_27 {add = true} : memref<10240xf32, #tpu.memory_space<vmem>>[vector<16xi32>], vector<16xf32>,
        %get3A_195 = arith.index_cast %add3A_164 : i32 to index
        %get3A_196 = arith.constant 32 : index
        %get3A_197 = tpu.vector_load %arg11[%get3A_195, %get3A_196] {strides = array<i32>} : memref<250x80xi32, #tpu.memory_space<vmem>>, vector<16xi32>,
        tpu.vector_store_idx %arg29[%get3A_197], %broadcast_in_dim3A_27 {add = true} : memref<10240xf32, #tpu.memory_space<vmem>>[vector<16xi32>], vector<16xf32>,
        %get3A_198 = arith.index_cast %add3A_164 : i32 to index
        %get3A_199 = arith.constant 48 : index
        %get3A_200 = tpu.vector_load %arg11[%get3A_198, %get3A_199] {strides = array<i32>} : memref<250x80xi32, #tpu.memory_space<vmem>>, vector<16xi32>,
        tpu.vector_store_idx %arg29[%get3A_200], %broadcast_in_dim3A_27 {add = true} : memref<10240xf32, #tpu.memory_space<vmem>>[vector<16xi32>], vector<16xf32>,
        %get3A_201 = arith.index_cast %add3A_164 : i32 to index
        %get3A_202 = arith.constant 64 : index
        %get3A_203 = tpu.vector_load %arg11[%get3A_201, %get3A_202] {strides = array<i32>} : memref<250x80xi32, #tpu.memory_space<vmem>>, vector<16xi32>,
        tpu.vector_store_idx %arg29[%get3A_203], %broadcast_in_dim3A_27 {add = true} : memref<10240xf32, #tpu.memory_space<vmem>>[vector<16xi32>], vector<16xf32>,
        %mul3A_204 = arith.constant 5 : i32
        %mul3A_205 = arith.muli %mul3A_204, %scan3A_120 : i32
        %add3A_206 = arith.constant 2 : i32
        %add3A_207 = arith.addi %mul3A_205, %add3A_206 : i32
        %ge3A_208 = arith.constant 3 : i32
        %ge3A_209 = arith.cmpi sge, %add3A_207, %ge3A_208 : i32
        %convert_element_type3A_210 = arith.extui %ge3A_209 : i1 to i32
        %cond3A_211 = arith.constant 0 : i32
        %cond3A_212 = arith.cmpi ne, %convert_element_type3A_210, %cond3A_211 : i32
        scf.if %cond3A_212 {
          %sub3A = arith.constant 3 : i32
          %sub3A_333 = arith.subi %add3A_207, %sub3A : i32
          %max3A = arith.constant 0 : i32
          %max3A_334 = arith.maxsi %sub3A_333, %max3A : i32
          %dma_wait3A_335 = arith.constant 0 : i32
          %dma_wait3A_336 = tpu.memref_slice %arg11[%max3A_334, %dma_wait3A_335] : memref<250x80xi32, #tpu.memory_space<vmem>> -> memref<1x80xi32, #tpu.memory_space<vmem>>
          %dma_wait3A_337 = tpu.memref_squeeze %dma_wait3A_336 : memref<1x80xi32, #tpu.memory_space<vmem>> -> memref<80xi32, #tpu.memory_space<vmem>>
          %dma_wait3A_338 = arith.constant 0 : i32
          %dma_wait3A_339 = arith.constant 0 : i32
          %dma_wait3A_340 = tpu.memref_slice %arg18[%dma_wait3A_338, %dma_wait3A_339] : memref<10240x64xf32, #tpu.memory_space<vmem_shared>> -> memref<10240x64xf32, #tpu.memory_space<vmem_shared>>
          tpu.wait_indirect_dma semaphore(%arg28 : memref<!tpu.dma_semaphore, #tpu.memory_space<semaphore_mem>>) src(%arg16 : memref<80x64xf32, #tpu.memory_space<vmem>>) dst(%dma_wait3A_340 : memref<10240x64xf32, #tpu.memory_space<vmem_shared>>)
        } else {
        }
        %add3A_213 = arith.constant 2 : i32
        %add3A_214 = arith.addi %add3A_207, %add3A_213 : i32
        %lt3A_215 = arith.constant 250 : i32
        %lt3A_216 = arith.cmpi slt, %add3A_214, %lt3A_215 : i32
        %convert_element_type3A_217 = arith.extui %lt3A_216 : i1 to i32
        %cond3A_218 = arith.constant 0 : i32
        %cond3A_219 = arith.cmpi ne, %convert_element_type3A_217, %cond3A_218 : i32
        scf.if %cond3A_219 {
          %add3A_333 = arith.constant 2 : i32
          %add3A_334 = arith.addi %add3A_207, %add3A_333 : i32
          %dma_start3A_335 = arith.constant 0 : i32
          %dma_start3A_336 = tpu.memref_slice %arg10[%add3A_334, %dma_start3A_335] : memref<250x80xi32, #tpu.memory_space<vmem>> -> memref<1x80xi32, #tpu.memory_space<vmem>>
          %dma_start3A_337 = tpu.memref_squeeze %dma_start3A_336 : memref<1x80xi32, #tpu.memory_space<vmem>> -> memref<80xi32, #tpu.memory_space<vmem>>
          %dma_start3A_338 = arith.constant 0 : i32
          %dma_start3A_339 = arith.constant 0 : i32
          %dma_start3A_340 = tpu.memref_slice %arg4[%dma_start3A_338, %dma_start3A_339] : memref<10000x64xf32, #tpu.memory_space<hbm>> -> memref<10000x64xf32, #tpu.memory_space<hbm>>
          tpu.enqueue_indirect_dma source(%dma_start3A_340 : memref<10000x64xf32, #tpu.memory_space<hbm>>) target(%arg16 : memref<80x64xf32, #tpu.memory_space<vmem>>) offsets(%dma_start3A_337 : memref<80xi32, #tpu.memory_space<vmem>>) semaphore(%arg23 : memref<!tpu.dma_semaphore, #tpu.memory_space<semaphore_mem>>)
        } else {
        }
        %dma_wait3A_220 = arith.constant 0 : i32
        %dma_wait3A_221 = tpu.memref_slice %arg10[%add3A_207, %dma_wait3A_220] : memref<250x80xi32, #tpu.memory_space<vmem>> -> memref<1x80xi32, #tpu.memory_space<vmem>>
        %dma_wait3A_222 = tpu.memref_squeeze %dma_wait3A_221 : memref<1x80xi32, #tpu.memory_space<vmem>> -> memref<80xi32, #tpu.memory_space<vmem>>
        %dma_wait3A_223 = arith.constant 0 : i32
        %dma_wait3A_224 = arith.constant 0 : i32
        %dma_wait3A_225 = tpu.memref_slice %arg4[%dma_wait3A_223, %dma_wait3A_224] : memref<10000x64xf32, #tpu.memory_space<hbm>> -> memref<10000x64xf32, #tpu.memory_space<hbm>>
        tpu.wait_indirect_dma semaphore(%arg21 : memref<!tpu.dma_semaphore, #tpu.memory_space<semaphore_mem>>) src(%dma_wait3A_225 : memref<10000x64xf32, #tpu.memory_space<hbm>>) dst(%arg14 : memref<80x64xf32, #tpu.memory_space<vmem>>)
        %dma_start3A_226 = arith.constant 0 : i32
        %dma_start3A_227 = tpu.memref_slice %arg11[%add3A_207, %dma_start3A_226] : memref<250x80xi32, #tpu.memory_space<vmem>> -> memref<1x80xi32, #tpu.memory_space<vmem>>
        %dma_start3A_228 = tpu.memref_squeeze %dma_start3A_227 : memref<1x80xi32, #tpu.memory_space<vmem>> -> memref<80xi32, #tpu.memory_space<vmem>>
        %dma_start3A_229 = arith.constant 0 : i32
        %dma_start3A_230 = arith.constant 0 : i32
        %dma_start3A_231 = tpu.memref_slice %arg18[%dma_start3A_229, %dma_start3A_230] : memref<10240x64xf32, #tpu.memory_space<vmem_shared>> -> memref<10240x64xf32, #tpu.memory_space<vmem_shared>>
        tpu.enqueue_indirect_dma source(%arg14 : memref<80x64xf32, #tpu.memory_space<vmem>>) target(%dma_start3A_231 : memref<10240x64xf32, #tpu.memory_space<vmem_shared>>) offsets(%dma_start3A_228 : memref<80xi32, #tpu.memory_space<vmem>>) semaphore(%arg26 : memref<!tpu.dma_semaphore, #tpu.memory_space<semaphore_mem>>) {add = true}
        %get3A_232 = arith.index_cast %add3A_207 : i32 to index
        %get3A_233 = arith.constant 0 : index
        %get3A_234 = tpu.vector_load %arg11[%get3A_232, %get3A_233] {strides = array<i32>} : memref<250x80xi32, #tpu.memory_space<vmem>>, vector<16xi32>,
        tpu.vector_store_idx %arg29[%get3A_234], %broadcast_in_dim3A_27 {add = true} : memref<10240xf32, #tpu.memory_space<vmem>>[vector<16xi32>], vector<16xf32>,
        %get3A_235 = arith.index_cast %add3A_207 : i32 to index
        %get3A_236 = arith.constant 16 : index
        %get3A_237 = tpu.vector_load %arg11[%get3A_235, %get3A_236] {strides = array<i32>} : memref<250x80xi32, #tpu.memory_space<vmem>>, vector<16xi32>,
        tpu.vector_store_idx %arg29[%get3A_237], %broadcast_in_dim3A_27 {add = true} : memref<10240xf32, #tpu.memory_space<vmem>>[vector<16xi32>], vector<16xf32>,
        %get3A_238 = arith.index_cast %add3A_207 : i32 to index
        %get3A_239 = arith.constant 32 : index
        %get3A_240 = tpu.vector_load %arg11[%get3A_238, %get3A_239] {strides = array<i32>} : memref<250x80xi32, #tpu.memory_space<vmem>>, vector<16xi32>,
        tpu.vector_store_idx %arg29[%get3A_240], %broadcast_in_dim3A_27 {add = true} : memref<10240xf32, #tpu.memory_space<vmem>>[vector<16xi32>], vector<16xf32>,
        %get3A_241 = arith.index_cast %add3A_207 : i32 to index
        %get3A_242 = arith.constant 48 : index
        %get3A_243 = tpu.vector_load %arg11[%get3A_241, %get3A_242] {strides = array<i32>} : memref<250x80xi32, #tpu.memory_space<vmem>>, vector<16xi32>,
        tpu.vector_store_idx %arg29[%get3A_243], %broadcast_in_dim3A_27 {add = true} : memref<10240xf32, #tpu.memory_space<vmem>>[vector<16xi32>], vector<16xf32>,
        %get3A_244 = arith.index_cast %add3A_207 : i32 to index
        %get3A_245 = arith.constant 64 : index
        %get3A_246 = tpu.vector_load %arg11[%get3A_244, %get3A_245] {strides = array<i32>} : memref<250x80xi32, #tpu.memory_space<vmem>>, vector<16xi32>,
        tpu.vector_store_idx %arg29[%get3A_246], %broadcast_in_dim3A_27 {add = true} : memref<10240xf32, #tpu.memory_space<vmem>>[vector<16xi32>], vector<16xf32>,
        %mul3A_247 = arith.constant 5 : i32
        %mul3A_248 = arith.muli %mul3A_247, %scan3A_120 : i32
        %add3A_249 = arith.constant 3 : i32
        %add3A_250 = arith.addi %mul3A_248, %add3A_249 : i32
        %ge3A_251 = arith.constant 3 : i32
        %ge3A_252 = arith.cmpi sge, %add3A_250, %ge3A_251 : i32
        %convert_element_type3A_253 = arith.extui %ge3A_252 : i1 to i32
        %cond3A_254 = arith.constant 0 : i32
        %cond3A_255 = arith.cmpi ne, %convert_element_type3A_253, %cond3A_254 : i32
        scf.if %cond3A_255 {
          %sub3A = arith.constant 3 : i32
          %sub3A_333 = arith.subi %add3A_250, %sub3A : i32
          %max3A = arith.constant 0 : i32
          %max3A_334 = arith.maxsi %sub3A_333, %max3A : i32
          %dma_wait3A_335 = arith.constant 0 : i32
          %dma_wait3A_336 = tpu.memref_slice %arg11[%max3A_334, %dma_wait3A_335] : memref<250x80xi32, #tpu.memory_space<vmem>> -> memref<1x80xi32, #tpu.memory_space<vmem>>
          %dma_wait3A_337 = tpu.memref_squeeze %dma_wait3A_336 : memref<1x80xi32, #tpu.memory_space<vmem>> -> memref<80xi32, #tpu.memory_space<vmem>>
          %dma_wait3A_338 = arith.constant 0 : i32
          %dma_wait3A_339 = arith.constant 0 : i32
          %dma_wait3A_340 = tpu.memref_slice %arg18[%dma_wait3A_338, %dma_wait3A_339] : memref<10240x64xf32, #tpu.memory_space<vmem_shared>> -> memref<10240x64xf32, #tpu.memory_space<vmem_shared>>
          tpu.wait_indirect_dma semaphore(%arg24 : memref<!tpu.dma_semaphore, #tpu.memory_space<semaphore_mem>>) src(%arg12 : memref<80x64xf32, #tpu.memory_space<vmem>>) dst(%dma_wait3A_340 : memref<10240x64xf32, #tpu.memory_space<vmem_shared>>)
        } else {
        }
        %add3A_256 = arith.constant 2 : i32
        %add3A_257 = arith.addi %add3A_250, %add3A_256 : i32
        %lt3A_258 = arith.constant 250 : i32
        %lt3A_259 = arith.cmpi slt, %add3A_257, %lt3A_258 : i32
        %convert_element_type3A_260 = arith.extui %lt3A_259 : i1 to i32
        %cond3A_261 = arith.constant 0 : i32
        %cond3A_262 = arith.cmpi ne, %convert_element_type3A_260, %cond3A_261 : i32
        scf.if %cond3A_262 {
          %add3A_333 = arith.constant 2 : i32
          %add3A_334 = arith.addi %add3A_250, %add3A_333 : i32
          %dma_start3A_335 = arith.constant 0 : i32
          %dma_start3A_336 = tpu.memref_slice %arg10[%add3A_334, %dma_start3A_335] : memref<250x80xi32, #tpu.memory_space<vmem>> -> memref<1x80xi32, #tpu.memory_space<vmem>>
          %dma_start3A_337 = tpu.memref_squeeze %dma_start3A_336 : memref<1x80xi32, #tpu.memory_space<vmem>> -> memref<80xi32, #tpu.memory_space<vmem>>
          %dma_start3A_338 = arith.constant 0 : i32
          %dma_start3A_339 = arith.constant 0 : i32
          %dma_start3A_340 = tpu.memref_slice %arg4[%dma_start3A_338, %dma_start3A_339] : memref<10000x64xf32, #tpu.memory_space<hbm>> -> memref<10000x64xf32, #tpu.memory_space<hbm>>
          tpu.enqueue_indirect_dma source(%dma_start3A_340 : memref<10000x64xf32, #tpu.memory_space<hbm>>) target(%arg12 : memref<80x64xf32, #tpu.memory_space<vmem>>) offsets(%dma_start3A_337 : memref<80xi32, #tpu.memory_space<vmem>>) semaphore(%arg19 : memref<!tpu.dma_semaphore, #tpu.memory_space<semaphore_mem>>)
        } else {
        }
        %dma_wait3A_263 = arith.constant 0 : i32
        %dma_wait3A_264 = tpu.memref_slice %arg10[%add3A_250, %dma_wait3A_263] : memref<250x80xi32, #tpu.memory_space<vmem>> -> memref<1x80xi32, #tpu.memory_space<vmem>>
        %dma_wait3A_265 = tpu.memref_squeeze %dma_wait3A_264 : memref<1x80xi32, #tpu.memory_space<vmem>> -> memref<80xi32, #tpu.memory_space<vmem>>
        %dma_wait3A_266 = arith.constant 0 : i32
        %dma_wait3A_267 = arith.constant 0 : i32
        %dma_wait3A_268 = tpu.memref_slice %arg4[%dma_wait3A_266, %dma_wait3A_267] : memref<10000x64xf32, #tpu.memory_space<hbm>> -> memref<10000x64xf32, #tpu.memory_space<hbm>>
        tpu.wait_indirect_dma semaphore(%arg22 : memref<!tpu.dma_semaphore, #tpu.memory_space<semaphore_mem>>) src(%dma_wait3A_268 : memref<10000x64xf32, #tpu.memory_space<hbm>>) dst(%arg15 : memref<80x64xf32, #tpu.memory_space<vmem>>)
        %dma_start3A_269 = arith.constant 0 : i32
        %dma_start3A_270 = tpu.memref_slice %arg11[%add3A_250, %dma_start3A_269] : memref<250x80xi32, #tpu.memory_space<vmem>> -> memref<1x80xi32, #tpu.memory_space<vmem>>
        %dma_start3A_271 = tpu.memref_squeeze %dma_start3A_270 : memref<1x80xi32, #tpu.memory_space<vmem>> -> memref<80xi32, #tpu.memory_space<vmem>>
        %dma_start3A_272 = arith.constant 0 : i32
        %dma_start3A_273 = arith.constant 0 : i32
        %dma_start3A_274 = tpu.memref_slice %arg18[%dma_start3A_272, %dma_start3A_273] : memref<10240x64xf32, #tpu.memory_space<vmem_shared>> -> memref<10240x64xf32, #tpu.memory_space<vmem_shared>>
        tpu.enqueue_indirect_dma source(%arg15 : memref<80x64xf32, #tpu.memory_space<vmem>>) target(%dma_start3A_274 : memref<10240x64xf32, #tpu.memory_space<vmem_shared>>) offsets(%dma_start3A_271 : memref<80xi32, #tpu.memory_space<vmem>>) semaphore(%arg27 : memref<!tpu.dma_semaphore, #tpu.memory_space<semaphore_mem>>) {add = true}
        %get3A_275 = arith.index_cast %add3A_250 : i32 to index
        %get3A_276 = arith.constant 0 : index
        %get3A_277 = tpu.vector_load %arg11[%get3A_275, %get3A_276] {strides = array<i32>} : memref<250x80xi32, #tpu.memory_space<vmem>>, vector<16xi32>,
        tpu.vector_store_idx %arg29[%get3A_277], %broadcast_in_dim3A_27 {add = true} : memref<10240xf32, #tpu.memory_space<vmem>>[vector<16xi32>], vector<16xf32>,
        %get3A_278 = arith.index_cast %add3A_250 : i32 to index
        %get3A_279 = arith.constant 16 : index
        %get3A_280 = tpu.vector_load %arg11[%get3A_278, %get3A_279] {strides = array<i32>} : memref<250x80xi32, #tpu.memory_space<vmem>>, vector<16xi32>,
        tpu.vector_store_idx %arg29[%get3A_280], %broadcast_in_dim3A_27 {add = true} : memref<10240xf32, #tpu.memory_space<vmem>>[vector<16xi32>], vector<16xf32>,
        %get3A_281 = arith.index_cast %add3A_250 : i32 to index
        %get3A_282 = arith.constant 32 : index
        %get3A_283 = tpu.vector_load %arg11[%get3A_281, %get3A_282] {strides = array<i32>} : memref<250x80xi32, #tpu.memory_space<vmem>>, vector<16xi32>,
        tpu.vector_store_idx %arg29[%get3A_283], %broadcast_in_dim3A_27 {add = true} : memref<10240xf32, #tpu.memory_space<vmem>>[vector<16xi32>], vector<16xf32>,
        %get3A_284 = arith.index_cast %add3A_250 : i32 to index
        %get3A_285 = arith.constant 48 : index
        %get3A_286 = tpu.vector_load %arg11[%get3A_284, %get3A_285] {strides = array<i32>} : memref<250x80xi32, #tpu.memory_space<vmem>>, vector<16xi32>,
        tpu.vector_store_idx %arg29[%get3A_286], %broadcast_in_dim3A_27 {add = true} : memref<10240xf32, #tpu.memory_space<vmem>>[vector<16xi32>], vector<16xf32>,
        %get3A_287 = arith.index_cast %add3A_250 : i32 to index
        %get3A_288 = arith.constant 64 : index
        %get3A_289 = tpu.vector_load %arg11[%get3A_287, %get3A_288] {strides = array<i32>} : memref<250x80xi32, #tpu.memory_space<vmem>>, vector<16xi32>,
        tpu.vector_store_idx %arg29[%get3A_289], %broadcast_in_dim3A_27 {add = true} : memref<10240xf32, #tpu.memory_space<vmem>>[vector<16xi32>], vector<16xf32>,
        %mul3A_290 = arith.constant 5 : i32
        %mul3A_291 = arith.muli %mul3A_290, %scan3A_120 : i32
        %add3A_292 = arith.constant 4 : i32
        %add3A_293 = arith.addi %mul3A_291, %add3A_292 : i32
        %ge3A_294 = arith.constant 3 : i32
        %ge3A_295 = arith.cmpi sge, %add3A_293, %ge3A_294 : i32
        %convert_element_type3A_296 = arith.extui %ge3A_295 : i1 to i32
        %cond3A_297 = arith.constant 0 : i32
        %cond3A_298 = arith.cmpi ne, %convert_element_type3A_296, %cond3A_297 : i32
        scf.if %cond3A_298 {
          %sub3A = arith.constant 3 : i32
          %sub3A_333 = arith.subi %add3A_293, %sub3A : i32
          %max3A = arith.constant 0 : i32
          %max3A_334 = arith.maxsi %sub3A_333, %max3A : i32
          %dma_wait3A_335 = arith.constant 0 : i32
          %dma_wait3A_336 = tpu.memref_slice %arg11[%max3A_334, %dma_wait3A_335] : memref<250x80xi32, #tpu.memory_space<vmem>> -> memref<1x80xi32, #tpu.memory_space<vmem>>
          %dma_wait3A_337 = tpu.memref_squeeze %dma_wait3A_336 : memref<1x80xi32, #tpu.memory_space<vmem>> -> memref<80xi32, #tpu.memory_space<vmem>>
          %dma_wait3A_338 = arith.constant 0 : i32
          %dma_wait3A_339 = arith.constant 0 : i32
          %dma_wait3A_340 = tpu.memref_slice %arg18[%dma_wait3A_338, %dma_wait3A_339] : memref<10240x64xf32, #tpu.memory_space<vmem_shared>> -> memref<10240x64xf32, #tpu.memory_space<vmem_shared>>
          tpu.wait_indirect_dma semaphore(%arg25 : memref<!tpu.dma_semaphore, #tpu.memory_space<semaphore_mem>>) src(%arg13 : memref<80x64xf32, #tpu.memory_space<vmem>>) dst(%dma_wait3A_340 : memref<10240x64xf32, #tpu.memory_space<vmem_shared>>)
        } else {
        }
        %add3A_299 = arith.constant 2 : i32
        %add3A_300 = arith.addi %add3A_293, %add3A_299 : i32
        %lt3A_301 = arith.constant 250 : i32
        %lt3A_302 = arith.cmpi slt, %add3A_300, %lt3A_301 : i32
        %convert_element_type3A_303 = arith.extui %lt3A_302 : i1 to i32
        %cond3A_304 = arith.constant 0 : i32
        %cond3A_305 = arith.cmpi ne, %convert_element_type3A_303, %cond3A_304 : i32
        scf.if %cond3A_305 {
          %add3A_333 = arith.constant 2 : i32
          %add3A_334 = arith.addi %add3A_293, %add3A_333 : i32
          %dma_start3A_335 = arith.constant 0 : i32
          %dma_start3A_336 = tpu.memref_slice %arg10[%add3A_334, %dma_start3A_335] : memref<250x80xi32, #tpu.memory_space<vmem>> -> memref<1x80xi32, #tpu.memory_space<vmem>>
          %dma_start3A_337 = tpu.memref_squeeze %dma_start3A_336 : memref<1x80xi32, #tpu.memory_space<vmem>> -> memref<80xi32, #tpu.memory_space<vmem>>
          %dma_start3A_338 = arith.constant 0 : i32
          %dma_start3A_339 = arith.constant 0 : i32
          %dma_start3A_340 = tpu.memref_slice %arg4[%dma_start3A_338, %dma_start3A_339] : memref<10000x64xf32, #tpu.memory_space<hbm>> -> memref<10000x64xf32, #tpu.memory_space<hbm>>
          tpu.enqueue_indirect_dma source(%dma_start3A_340 : memref<10000x64xf32, #tpu.memory_space<hbm>>) target(%arg13 : memref<80x64xf32, #tpu.memory_space<vmem>>) offsets(%dma_start3A_337 : memref<80xi32, #tpu.memory_space<vmem>>) semaphore(%arg20 : memref<!tpu.dma_semaphore, #tpu.memory_space<semaphore_mem>>)
        } else {
        }
        %dma_wait3A_306 = arith.constant 0 : i32
        %dma_wait3A_307 = tpu.memref_slice %arg10[%add3A_293, %dma_wait3A_306] : memref<250x80xi32, #tpu.memory_space<vmem>> -> memref<1x80xi32, #tpu.memory_space<vmem>>
        %dma_wait3A_308 = tpu.memref_squeeze %dma_wait3A_307 : memref<1x80xi32, #tpu.memory_space<vmem>> -> memref<80xi32, #tpu.memory_space<vmem>>
        %dma_wait3A_309 = arith.constant 0 : i32
        %dma_wait3A_310 = arith.constant 0 : i32
        %dma_wait3A_311 = tpu.memref_slice %arg4[%dma_wait3A_309, %dma_wait3A_310] : memref<10000x64xf32, #tpu.memory_space<hbm>> -> memref<10000x64xf32, #tpu.memory_space<hbm>>
        tpu.wait_indirect_dma semaphore(%arg23 : memref<!tpu.dma_semaphore, #tpu.memory_space<semaphore_mem>>) src(%dma_wait3A_311 : memref<10000x64xf32, #tpu.memory_space<hbm>>) dst(%arg16 : memref<80x64xf32, #tpu.memory_space<vmem>>)
        %dma_start3A_312 = arith.constant 0 : i32
        %dma_start3A_313 = tpu.memref_slice %arg11[%add3A_293, %dma_start3A_312] : memref<250x80xi32, #tpu.memory_space<vmem>> -> memref<1x80xi32, #tpu.memory_space<vmem>>
        %dma_start3A_314 = tpu.memref_squeeze %dma_start3A_313 : memref<1x80xi32, #tpu.memory_space<vmem>> -> memref<80xi32, #tpu.memory_space<vmem>>
        %dma_start3A_315 = arith.constant 0 : i32
        %dma_start3A_316 = arith.constant 0 : i32
        %dma_start3A_317 = tpu.memref_slice %arg18[%dma_start3A_315, %dma_start3A_316] : memref<10240x64xf32, #tpu.memory_space<vmem_shared>> -> memref<10240x64xf32, #tpu.memory_space<vmem_shared>>
        tpu.enqueue_indirect_dma source(%arg16 : memref<80x64xf32, #tpu.memory_space<vmem>>) target(%dma_start3A_317 : memref<10240x64xf32, #tpu.memory_space<vmem_shared>>) offsets(%dma_start3A_314 : memref<80xi32, #tpu.memory_space<vmem>>) semaphore(%arg28 : memref<!tpu.dma_semaphore, #tpu.memory_space<semaphore_mem>>) {add = true}
        %get3A_318 = arith.index_cast %add3A_293 : i32 to index
        %get3A_319 = arith.constant 0 : index
        %get3A_320 = tpu.vector_load %arg11[%get3A_318, %get3A_319] {strides = array<i32>} : memref<250x80xi32, #tpu.memory_space<vmem>>, vector<16xi32>,
        tpu.vector_store_idx %arg29[%get3A_320], %broadcast_in_dim3A_27 {add = true} : memref<10240xf32, #tpu.memory_space<vmem>>[vector<16xi32>], vector<16xf32>,
        %get3A_321 = arith.index_cast %add3A_293 : i32 to index
        %get3A_322 = arith.constant 16 : index
        %get3A_323 = tpu.vector_load %arg11[%get3A_321, %get3A_322] {strides = array<i32>} : memref<250x80xi32, #tpu.memory_space<vmem>>, vector<16xi32>,
        tpu.vector_store_idx %arg29[%get3A_323], %broadcast_in_dim3A_27 {add = true} : memref<10240xf32, #tpu.memory_space<vmem>>[vector<16xi32>], vector<16xf32>,
        %get3A_324 = arith.index_cast %add3A_293 : i32 to index
        %get3A_325 = arith.constant 32 : index
        %get3A_326 = tpu.vector_load %arg11[%get3A_324, %get3A_325] {strides = array<i32>} : memref<250x80xi32, #tpu.memory_space<vmem>>, vector<16xi32>,
        tpu.vector_store_idx %arg29[%get3A_326], %broadcast_in_dim3A_27 {add = true} : memref<10240xf32, #tpu.memory_space<vmem>>[vector<16xi32>], vector<16xf32>,
        %get3A_327 = arith.index_cast %add3A_293 : i32 to index
        %get3A_328 = arith.constant 48 : index
        %get3A_329 = tpu.vector_load %arg11[%get3A_327, %get3A_328] {strides = array<i32>} : memref<250x80xi32, #tpu.memory_space<vmem>>, vector<16xi32>,
        tpu.vector_store_idx %arg29[%get3A_329], %broadcast_in_dim3A_27 {add = true} : memref<10240xf32, #tpu.memory_space<vmem>>[vector<16xi32>], vector<16xf32>,
        %get3A_330 = arith.index_cast %add3A_293 : i32 to index
        %get3A_331 = arith.constant 64 : index
        %get3A_332 = tpu.vector_load %arg11[%get3A_330, %get3A_331] {strides = array<i32>} : memref<250x80xi32, #tpu.memory_space<vmem>>, vector<16xi32>,
        tpu.vector_store_idx %arg29[%get3A_332], %broadcast_in_dim3A_27 {add = true} : memref<10240xf32, #tpu.memory_space<vmem>>[vector<16xi32>], vector<16xf32>,
      }
      %scan3A_99 = arith.constant 50 : i32
      %dma_wait3A = arith.constant 247 : i32
      %dma_wait3A_100 = arith.constant 0 : i32
      %dma_wait3A_101 = tpu.memref_slice %arg11[%dma_wait3A, %dma_wait3A_100] : memref<250x80xi32, #tpu.memory_space<vmem>> -> memref<1x80xi32, #tpu.memory_space<vmem>>
      %dma_wait3A_102 = tpu.memref_squeeze %dma_wait3A_101 : memref<1x80xi32, #tpu.memory_space<vmem>> -> memref<80xi32, #tpu.memory_space<vmem>>
      %dma_wait3A_103 = arith.constant 0 : i32
      %dma_wait3A_104 = arith.constant 0 : i32
      %dma_wait3A_105 = tpu.memref_slice %arg18[%dma_wait3A_103, %dma_wait3A_104] : memref<10240x64xf32, #tpu.memory_space<vmem_shared>> -> memref<10240x64xf32, #tpu.memory_space<vmem_shared>>
      tpu.wait_indirect_dma semaphore(%arg26 : memref<!tpu.dma_semaphore, #tpu.memory_space<semaphore_mem>>) src(%arg14 : memref<80x64xf32, #tpu.memory_space<vmem>>) dst(%dma_wait3A_105 : memref<10240x64xf32, #tpu.memory_space<vmem_shared>>)
      %dma_wait3A_106 = arith.constant 248 : i32
      %dma_wait3A_107 = arith.constant 0 : i32
      %dma_wait3A_108 = tpu.memref_slice %arg11[%dma_wait3A_106, %dma_wait3A_107] : memref<250x80xi32, #tpu.memory_space<vmem>> -> memref<1x80xi32, #tpu.memory_space<vmem>>
      %dma_wait3A_109 = tpu.memref_squeeze %dma_wait3A_108 : memref<1x80xi32, #tpu.memory_space<vmem>> -> memref<80xi32, #tpu.memory_space<vmem>>
      %dma_wait3A_110 = arith.constant 0 : i32
      %dma_wait3A_111 = arith.constant 0 : i32
      %dma_wait3A_112 = tpu.memref_slice %arg18[%dma_wait3A_110, %dma_wait3A_111] : memref<10240x64xf32, #tpu.memory_space<vmem_shared>> -> memref<10240x64xf32, #tpu.memory_space<vmem_shared>>
      tpu.wait_indirect_dma semaphore(%arg27 : memref<!tpu.dma_semaphore, #tpu.memory_space<semaphore_mem>>) src(%arg15 : memref<80x64xf32, #tpu.memory_space<vmem>>) dst(%dma_wait3A_112 : memref<10240x64xf32, #tpu.memory_space<vmem_shared>>)
      %dma_wait3A_113 = arith.constant 249 : i32
      %dma_wait3A_114 = arith.constant 0 : i32
      %dma_wait3A_115 = tpu.memref_slice %arg11[%dma_wait3A_113, %dma_wait3A_114] : memref<250x80xi32, #tpu.memory_space<vmem>> -> memref<1x80xi32, #tpu.memory_space<vmem>>
      %dma_wait3A_116 = tpu.memref_squeeze %dma_wait3A_115 : memref<1x80xi32, #tpu.memory_space<vmem>> -> memref<80xi32, #tpu.memory_space<vmem>>
      %dma_wait3A_117 = arith.constant 0 : i32
      %dma_wait3A_118 = arith.constant 0 : i32
      %dma_wait3A_119 = tpu.memref_slice %arg18[%dma_wait3A_117, %dma_wait3A_118] : memref<10240x64xf32, #tpu.memory_space<vmem_shared>> -> memref<10240x64xf32, #tpu.memory_space<vmem_shared>>
      tpu.wait_indirect_dma semaphore(%arg28 : memref<!tpu.dma_semaphore, #tpu.memory_space<semaphore_mem>>) src(%arg16 : memref<80x64xf32, #tpu.memory_space<vmem>>) dst(%dma_wait3A_119 : memref<10240x64xf32, #tpu.memory_space<vmem_shared>>)
      "tpu.region"() ({
        %run_scoped3A = tpu.sem_alloc : memref<!tpu.dma_semaphore, #tpu.memory_space<semaphore_mem>>
        %dma_start3A_120 = arith.constant 0 : i32
        %dma_start3A_121 = tpu.memref_slice %arg9[%arg1, %dma_start3A_120] : memref<16x10240xf32, #tpu.memory_space<hbm>> -> memref<1x10240xf32, #tpu.memory_space<hbm>>
        %dma_start3A_122 = tpu.memref_squeeze %dma_start3A_121 : memref<1x10240xf32, #tpu.memory_space<hbm>> -> memref<10240xf32, #tpu.memory_space<hbm>>
        %dma_start3A_123 = arith.constant 0 : i32
        %dma_start3A_124 = tpu.memref_slice %arg9[%arg1, %dma_start3A_123] : memref<16x10240xf32, #tpu.memory_space<hbm>> -> memref<1x10240xf32, #tpu.memory_space<hbm>>
        %dma_start3A_125 = tpu.memref_squeeze %dma_start3A_124 : memref<1x10240xf32, #tpu.memory_space<hbm>> -> memref<10240xf32, #tpu.memory_space<hbm>>
        tpu.enqueue_dma source(%arg29 : memref<10240xf32, #tpu.memory_space<vmem>>) target(%dma_start3A_125 : memref<10240xf32, #tpu.memory_space<hbm>>) target_semaphore(%run_scoped3A : memref<!tpu.dma_semaphore, #tpu.memory_space<semaphore_mem>>)
        %dma_wait3A_126 = arith.constant 0 : i32
        %dma_wait3A_127 = tpu.memref_slice %arg9[%arg1, %dma_wait3A_126] : memref<16x10240xf32, #tpu.memory_space<hbm>> -> memref<1x10240xf32, #tpu.memory_space<hbm>>
        %dma_wait3A_128 = tpu.memref_squeeze %dma_wait3A_127 : memref<1x10240xf32, #tpu.memory_space<hbm>> -> memref<10240xf32, #tpu.memory_space<hbm>>
        %dma_wait3A_129 = arith.constant 0 : i32
        %dma_wait3A_130 = tpu.memref_slice %arg9[%arg1, %dma_wait3A_129] : memref<16x10240xf32, #tpu.memory_space<hbm>> -> memref<1x10240xf32, #tpu.memory_space<hbm>>
        %dma_wait3A_131 = tpu.memref_squeeze %dma_wait3A_130 : memref<1x10240xf32, #tpu.memory_space<hbm>> -> memref<10240xf32, #tpu.memory_space<hbm>>
        tpu.wait_dma2 semaphore(%run_scoped3A : memref<!tpu.dma_semaphore, #tpu.memory_space<semaphore_mem>>) src(%arg29 : memref<10240xf32, #tpu.memory_space<vmem>>) dst(%dma_wait3A_131 : memref<10240xf32, #tpu.memory_space<hbm>>)
        tpu.yield
      }) : () -> ()
    } else {
    }
    %eq3A_30 = arith.constant 1 : i32
    %eq3A_31 = arith.cmpi eq, %arg0, %eq3A_30 : i32
    %convert_element_type3A_32 = arith.extui %eq3A_31 : i1 to i32
    %cond3A_33 = arith.constant 0 : i32
    %cond3A_34 = arith.cmpi ne, %convert_element_type3A_32, %cond3A_33 : i32
    scf.if %cond3A_34 {
      %dma_start3A = arith.constant 0 : i32
      %dma_start3A_81 = arith.constant 0 : i32
      %dma_start3A_82 = tpu.memref_slice %arg10[%dma_start3A, %dma_start3A_81] : memref<250x80xi32, #tpu.memory_space<vmem>> -> memref<1x80xi32, #tpu.memory_space<vmem>>
      %dma_start3A_83 = tpu.memref_squeeze %dma_start3A_82 : memref<1x80xi32, #tpu.memory_space<vmem>> -> memref<80xi32, #tpu.memory_space<vmem>>
      %dma_start3A_84 = arith.constant 0 : i32
      %dma_start3A_85 = arith.constant 0 : i32
      %dma_start3A_86 = tpu.memref_slice %arg5[%dma_start3A_84, %dma_start3A_85] : memref<10000x64xf32, #tpu.memory_space<hbm>> -> memref<10000x64xf32, #tpu.memory_space<hbm>>
      tpu.enqueue_indirect_dma source(%dma_start3A_86 : memref<10000x64xf32, #tpu.memory_space<hbm>>) target(%arg12 : memref<80x64xf32, #tpu.memory_space<vmem>>) offsets(%dma_start3A_83 : memref<80xi32, #tpu.memory_space<vmem>>) semaphore(%arg19 : memref<!tpu.dma_semaphore, #tpu.memory_space<semaphore_mem>>)
      %dma_start3A_87 = arith.constant 1 : i32
      %dma_start3A_88 = arith.constant 0 : i32
      %dma_start3A_89 = tpu.memref_slice %arg10[%dma_start3A_87, %dma_start3A_88] : memref<250x80xi32, #tpu.memory_space<vmem>> -> memref<1x80xi32, #tpu.memory_space<vmem>>
      %dma_start3A_90 = tpu.memref_squeeze %dma_start3A_89 : memref<1x80xi32, #tpu.memory_space<vmem>> -> memref<80xi32, #tpu.memory_space<vmem>>
      %dma_start3A_91 = arith.constant 0 : i32
      %dma_start3A_92 = arith.constant 0 : i32
      %dma_start3A_93 = tpu.memref_slice %arg5[%dma_start3A_91, %dma_start3A_92] : memref<10000x64xf32, #tpu.memory_space<hbm>> -> memref<10000x64xf32, #tpu.memory_space<hbm>>
      tpu.enqueue_indirect_dma source(%dma_start3A_93 : memref<10000x64xf32, #tpu.memory_space<hbm>>) target(%arg13 : memref<80x64xf32, #tpu.memory_space<vmem>>) offsets(%dma_start3A_90 : memref<80xi32, #tpu.memory_space<vmem>>) semaphore(%arg20 : memref<!tpu.dma_semaphore, #tpu.memory_space<semaphore_mem>>)
      %scan3A_94 = arith.constant 0 : i32
      %scan3A_95 = arith.constant 0 : i32
      %scan3A_96 = arith.constant 50 : i32
      %scan3A_97 = arith.addi %scan3A_95, %scan3A_96 : i32
      %scan3A_98 = arith.constant 1 : i32
      scf.for %scan3A_120 = %scan3A_95 to %scan3A_97 step %scan3A_98  : i32 {
        %mul3A_121 = arith.constant 5 : i32
        %mul3A_122 = arith.muli %mul3A_121, %scan3A_120 : i32
        %add3A_123 = arith.constant 0 : i32
        %add3A_124 = arith.addi %mul3A_122, %add3A_123 : i32
        %ge3A = arith.constant 3 : i32
        %ge3A_125 = arith.cmpi sge, %add3A_124, %ge3A : i32
        %convert_element_type3A_126 = arith.extui %ge3A_125 : i1 to i32
        %cond3A_127 = arith.constant 0 : i32
        %cond3A_128 = arith.cmpi ne, %convert_element_type3A_126, %cond3A_127 : i32
        scf.if %cond3A_128 {
          %sub3A = arith.constant 3 : i32
          %sub3A_259 = arith.subi %add3A_124, %sub3A : i32
          %max3A = arith.constant 0 : i32
          %max3A_260 = arith.maxsi %sub3A_259, %max3A : i32
          %dma_wait3A_261 = arith.constant 0 : i32
          %dma_wait3A_262 = tpu.memref_slice %arg11[%max3A_260, %dma_wait3A_261] : memref<250x80xi32, #tpu.memory_space<vmem>> -> memref<1x80xi32, #tpu.memory_space<vmem>>
          %dma_wait3A_263 = tpu.memref_squeeze %dma_wait3A_262 : memref<1x80xi32, #tpu.memory_space<vmem>> -> memref<80xi32, #tpu.memory_space<vmem>>
          %dma_wait3A_264 = arith.constant 0 : i32
          %dma_wait3A_265 = arith.constant 0 : i32
          %dma_wait3A_266 = tpu.memref_slice %arg18[%dma_wait3A_264, %dma_wait3A_265] : memref<10240x64xf32, #tpu.memory_space<vmem_shared>> -> memref<10240x64xf32, #tpu.memory_space<vmem_shared>>
          tpu.wait_indirect_dma semaphore(%arg26 : memref<!tpu.dma_semaphore, #tpu.memory_space<semaphore_mem>>) src(%arg14 : memref<80x64xf32, #tpu.memory_space<vmem>>) dst(%dma_wait3A_266 : memref<10240x64xf32, #tpu.memory_space<vmem_shared>>)
        } else {
        }
        %add3A_129 = arith.constant 2 : i32
        %add3A_130 = arith.addi %add3A_124, %add3A_129 : i32
        %lt3A = arith.constant 250 : i32
        %lt3A_131 = arith.cmpi slt, %add3A_130, %lt3A : i32
        %convert_element_type3A_132 = arith.extui %lt3A_131 : i1 to i32
        %cond3A_133 = arith.constant 0 : i32
        %cond3A_134 = arith.cmpi ne, %convert_element_type3A_132, %cond3A_133 : i32
        scf.if %cond3A_134 {
          %add3A_259 = arith.constant 2 : i32
          %add3A_260 = arith.addi %add3A_124, %add3A_259 : i32
          %dma_start3A_261 = arith.constant 0 : i32
          %dma_start3A_262 = tpu.memref_slice %arg10[%add3A_260, %dma_start3A_261] : memref<250x80xi32, #tpu.memory_space<vmem>> -> memref<1x80xi32, #tpu.memory_space<vmem>>
          %dma_start3A_263 = tpu.memref_squeeze %dma_start3A_262 : memref<1x80xi32, #tpu.memory_space<vmem>> -> memref<80xi32, #tpu.memory_space<vmem>>
          %dma_start3A_264 = arith.constant 0 : i32
          %dma_start3A_265 = arith.constant 0 : i32
          %dma_start3A_266 = tpu.memref_slice %arg5[%dma_start3A_264, %dma_start3A_265] : memref<10000x64xf32, #tpu.memory_space<hbm>> -> memref<10000x64xf32, #tpu.memory_space<hbm>>
          tpu.enqueue_indirect_dma source(%dma_start3A_266 : memref<10000x64xf32, #tpu.memory_space<hbm>>) target(%arg14 : memref<80x64xf32, #tpu.memory_space<vmem>>) offsets(%dma_start3A_263 : memref<80xi32, #tpu.memory_space<vmem>>) semaphore(%arg21 : memref<!tpu.dma_semaphore, #tpu.memory_space<semaphore_mem>>)
        } else {
        }
        %dma_wait3A_135 = arith.constant 0 : i32
        %dma_wait3A_136 = tpu.memref_slice %arg10[%add3A_124, %dma_wait3A_135] : memref<250x80xi32, #tpu.memory_space<vmem>> -> memref<1x80xi32, #tpu.memory_space<vmem>>
        %dma_wait3A_137 = tpu.memref_squeeze %dma_wait3A_136 : memref<1x80xi32, #tpu.memory_space<vmem>> -> memref<80xi32, #tpu.memory_space<vmem>>
        %dma_wait3A_138 = arith.constant 0 : i32
        %dma_wait3A_139 = arith.constant 0 : i32
        %dma_wait3A_140 = tpu.memref_slice %arg5[%dma_wait3A_138, %dma_wait3A_139] : memref<10000x64xf32, #tpu.memory_space<hbm>> -> memref<10000x64xf32, #tpu.memory_space<hbm>>
        tpu.wait_indirect_dma semaphore(%arg19 : memref<!tpu.dma_semaphore, #tpu.memory_space<semaphore_mem>>) src(%dma_wait3A_140 : memref<10000x64xf32, #tpu.memory_space<hbm>>) dst(%arg12 : memref<80x64xf32, #tpu.memory_space<vmem>>)
        %dma_start3A_141 = arith.constant 0 : i32
        %dma_start3A_142 = tpu.memref_slice %arg11[%add3A_124, %dma_start3A_141] : memref<250x80xi32, #tpu.memory_space<vmem>> -> memref<1x80xi32, #tpu.memory_space<vmem>>
        %dma_start3A_143 = tpu.memref_squeeze %dma_start3A_142 : memref<1x80xi32, #tpu.memory_space<vmem>> -> memref<80xi32, #tpu.memory_space<vmem>>
        %dma_start3A_144 = arith.constant 0 : i32
        %dma_start3A_145 = arith.constant 0 : i32
        %dma_start3A_146 = tpu.memref_slice %arg18[%dma_start3A_144, %dma_start3A_145] : memref<10240x64xf32, #tpu.memory_space<vmem_shared>> -> memref<10240x64xf32, #tpu.memory_space<vmem_shared>>
        tpu.enqueue_indirect_dma source(%arg12 : memref<80x64xf32, #tpu.memory_space<vmem>>) target(%dma_start3A_146 : memref<10240x64xf32, #tpu.memory_space<vmem_shared>>) offsets(%dma_start3A_143 : memref<80xi32, #tpu.memory_space<vmem>>) semaphore(%arg24 : memref<!tpu.dma_semaphore, #tpu.memory_space<semaphore_mem>>) {add = true}
        %mul3A_147 = arith.constant 5 : i32
        %mul3A_148 = arith.muli %mul3A_147, %scan3A_120 : i32
        %add3A_149 = arith.constant 1 : i32
        %add3A_150 = arith.addi %mul3A_148, %add3A_149 : i32
        %ge3A_151 = arith.constant 3 : i32
        %ge3A_152 = arith.cmpi sge, %add3A_150, %ge3A_151 : i32
        %convert_element_type3A_153 = arith.extui %ge3A_152 : i1 to i32
        %cond3A_154 = arith.constant 0 : i32
        %cond3A_155 = arith.cmpi ne, %convert_element_type3A_153, %cond3A_154 : i32
        scf.if %cond3A_155 {
          %sub3A = arith.constant 3 : i32
          %sub3A_259 = arith.subi %add3A_150, %sub3A : i32
          %max3A = arith.constant 0 : i32
          %max3A_260 = arith.maxsi %sub3A_259, %max3A : i32
          %dma_wait3A_261 = arith.constant 0 : i32
          %dma_wait3A_262 = tpu.memref_slice %arg11[%max3A_260, %dma_wait3A_261] : memref<250x80xi32, #tpu.memory_space<vmem>> -> memref<1x80xi32, #tpu.memory_space<vmem>>
          %dma_wait3A_263 = tpu.memref_squeeze %dma_wait3A_262 : memref<1x80xi32, #tpu.memory_space<vmem>> -> memref<80xi32, #tpu.memory_space<vmem>>
          %dma_wait3A_264 = arith.constant 0 : i32
          %dma_wait3A_265 = arith.constant 0 : i32
          %dma_wait3A_266 = tpu.memref_slice %arg18[%dma_wait3A_264, %dma_wait3A_265] : memref<10240x64xf32, #tpu.memory_space<vmem_shared>> -> memref<10240x64xf32, #tpu.memory_space<vmem_shared>>
          tpu.wait_indirect_dma semaphore(%arg27 : memref<!tpu.dma_semaphore, #tpu.memory_space<semaphore_mem>>) src(%arg15 : memref<80x64xf32, #tpu.memory_space<vmem>>) dst(%dma_wait3A_266 : memref<10240x64xf32, #tpu.memory_space<vmem_shared>>)
        } else {
        }
        %add3A_156 = arith.constant 2 : i32
        %add3A_157 = arith.addi %add3A_150, %add3A_156 : i32
        %lt3A_158 = arith.constant 250 : i32
        %lt3A_159 = arith.cmpi slt, %add3A_157, %lt3A_158 : i32
        %convert_element_type3A_160 = arith.extui %lt3A_159 : i1 to i32
        %cond3A_161 = arith.constant 0 : i32
        %cond3A_162 = arith.cmpi ne, %convert_element_type3A_160, %cond3A_161 : i32
        scf.if %cond3A_162 {
          %add3A_259 = arith.constant 2 : i32
          %add3A_260 = arith.addi %add3A_150, %add3A_259 : i32
          %dma_start3A_261 = arith.constant 0 : i32
          %dma_start3A_262 = tpu.memref_slice %arg10[%add3A_260, %dma_start3A_261] : memref<250x80xi32, #tpu.memory_space<vmem>> -> memref<1x80xi32, #tpu.memory_space<vmem>>
          %dma_start3A_263 = tpu.memref_squeeze %dma_start3A_262 : memref<1x80xi32, #tpu.memory_space<vmem>> -> memref<80xi32, #tpu.memory_space<vmem>>
          %dma_start3A_264 = arith.constant 0 : i32
          %dma_start3A_265 = arith.constant 0 : i32
          %dma_start3A_266 = tpu.memref_slice %arg5[%dma_start3A_264, %dma_start3A_265] : memref<10000x64xf32, #tpu.memory_space<hbm>> -> memref<10000x64xf32, #tpu.memory_space<hbm>>
          tpu.enqueue_indirect_dma source(%dma_start3A_266 : memref<10000x64xf32, #tpu.memory_space<hbm>>) target(%arg15 : memref<80x64xf32, #tpu.memory_space<vmem>>) offsets(%dma_start3A_263 : memref<80xi32, #tpu.memory_space<vmem>>) semaphore(%arg22 : memref<!tpu.dma_semaphore, #tpu.memory_space<semaphore_mem>>)
        } else {
        }
        %dma_wait3A_163 = arith.constant 0 : i32
        %dma_wait3A_164 = tpu.memref_slice %arg10[%add3A_150, %dma_wait3A_163] : memref<250x80xi32, #tpu.memory_space<vmem>> -> memref<1x80xi32, #tpu.memory_space<vmem>>
        %dma_wait3A_165 = tpu.memref_squeeze %dma_wait3A_164 : memref<1x80xi32, #tpu.memory_space<vmem>> -> memref<80xi32, #tpu.memory_space<vmem>>
        %dma_wait3A_166 = arith.constant 0 : i32
        %dma_wait3A_167 = arith.constant 0 : i32
        %dma_wait3A_168 = tpu.memref_slice %arg5[%dma_wait3A_166, %dma_wait3A_167] : memref<10000x64xf32, #tpu.memory_space<hbm>> -> memref<10000x64xf32, #tpu.memory_space<hbm>>
        tpu.wait_indirect_dma semaphore(%arg20 : memref<!tpu.dma_semaphore, #tpu.memory_space<semaphore_mem>>) src(%dma_wait3A_168 : memref<10000x64xf32, #tpu.memory_space<hbm>>) dst(%arg13 : memref<80x64xf32, #tpu.memory_space<vmem>>)
        %dma_start3A_169 = arith.constant 0 : i32
        %dma_start3A_170 = tpu.memref_slice %arg11[%add3A_150, %dma_start3A_169] : memref<250x80xi32, #tpu.memory_space<vmem>> -> memref<1x80xi32, #tpu.memory_space<vmem>>
        %dma_start3A_171 = tpu.memref_squeeze %dma_start3A_170 : memref<1x80xi32, #tpu.memory_space<vmem>> -> memref<80xi32, #tpu.memory_space<vmem>>
        %dma_start3A_172 = arith.constant 0 : i32
        %dma_start3A_173 = arith.constant 0 : i32
        %dma_start3A_174 = tpu.memref_slice %arg18[%dma_start3A_172, %dma_start3A_173] : memref<10240x64xf32, #tpu.memory_space<vmem_shared>> -> memref<10240x64xf32, #tpu.memory_space<vmem_shared>>
        tpu.enqueue_indirect_dma source(%arg13 : memref<80x64xf32, #tpu.memory_space<vmem>>) target(%dma_start3A_174 : memref<10240x64xf32, #tpu.memory_space<vmem_shared>>) offsets(%dma_start3A_171 : memref<80xi32, #tpu.memory_space<vmem>>) semaphore(%arg25 : memref<!tpu.dma_semaphore, #tpu.memory_space<semaphore_mem>>) {add = true}
        %mul3A_175 = arith.constant 5 : i32
        %mul3A_176 = arith.muli %mul3A_175, %scan3A_120 : i32
        %add3A_177 = arith.constant 2 : i32
        %add3A_178 = arith.addi %mul3A_176, %add3A_177 : i32
        %ge3A_179 = arith.constant 3 : i32
        %ge3A_180 = arith.cmpi sge, %add3A_178, %ge3A_179 : i32
        %convert_element_type3A_181 = arith.extui %ge3A_180 : i1 to i32
        %cond3A_182 = arith.constant 0 : i32
        %cond3A_183 = arith.cmpi ne, %convert_element_type3A_181, %cond3A_182 : i32
        scf.if %cond3A_183 {
          %sub3A = arith.constant 3 : i32
          %sub3A_259 = arith.subi %add3A_178, %sub3A : i32
          %max3A = arith.constant 0 : i32
          %max3A_260 = arith.maxsi %sub3A_259, %max3A : i32
          %dma_wait3A_261 = arith.constant 0 : i32
          %dma_wait3A_262 = tpu.memref_slice %arg11[%max3A_260, %dma_wait3A_261] : memref<250x80xi32, #tpu.memory_space<vmem>> -> memref<1x80xi32, #tpu.memory_space<vmem>>
          %dma_wait3A_263 = tpu.memref_squeeze %dma_wait3A_262 : memref<1x80xi32, #tpu.memory_space<vmem>> -> memref<80xi32, #tpu.memory_space<vmem>>
          %dma_wait3A_264 = arith.constant 0 : i32
          %dma_wait3A_265 = arith.constant 0 : i32
          %dma_wait3A_266 = tpu.memref_slice %arg18[%dma_wait3A_264, %dma_wait3A_265] : memref<10240x64xf32, #tpu.memory_space<vmem_shared>> -> memref<10240x64xf32, #tpu.memory_space<vmem_shared>>
          tpu.wait_indirect_dma semaphore(%arg28 : memref<!tpu.dma_semaphore, #tpu.memory_space<semaphore_mem>>) src(%arg16 : memref<80x64xf32, #tpu.memory_space<vmem>>) dst(%dma_wait3A_266 : memref<10240x64xf32, #tpu.memory_space<vmem_shared>>)
        } else {
        }
        %add3A_184 = arith.constant 2 : i32
        %add3A_185 = arith.addi %add3A_178, %add3A_184 : i32
        %lt3A_186 = arith.constant 250 : i32
        %lt3A_187 = arith.cmpi slt, %add3A_185, %lt3A_186 : i32
        %convert_element_type3A_188 = arith.extui %lt3A_187 : i1 to i32
        %cond3A_189 = arith.constant 0 : i32
        %cond3A_190 = arith.cmpi ne, %convert_element_type3A_188, %cond3A_189 : i32
        scf.if %cond3A_190 {
          %add3A_259 = arith.constant 2 : i32
          %add3A_260 = arith.addi %add3A_178, %add3A_259 : i32
          %dma_start3A_261 = arith.constant 0 : i32
          %dma_start3A_262 = tpu.memref_slice %arg10[%add3A_260, %dma_start3A_261] : memref<250x80xi32, #tpu.memory_space<vmem>> -> memref<1x80xi32, #tpu.memory_space<vmem>>
          %dma_start3A_263 = tpu.memref_squeeze %dma_start3A_262 : memref<1x80xi32, #tpu.memory_space<vmem>> -> memref<80xi32, #tpu.memory_space<vmem>>
          %dma_start3A_264 = arith.constant 0 : i32
          %dma_start3A_265 = arith.constant 0 : i32
          %dma_start3A_266 = tpu.memref_slice %arg5[%dma_start3A_264, %dma_start3A_265] : memref<10000x64xf32, #tpu.memory_space<hbm>> -> memref<10000x64xf32, #tpu.memory_space<hbm>>
          tpu.enqueue_indirect_dma source(%dma_start3A_266 : memref<10000x64xf32, #tpu.memory_space<hbm>>) target(%arg16 : memref<80x64xf32, #tpu.memory_space<vmem>>) offsets(%dma_start3A_263 : memref<80xi32, #tpu.memory_space<vmem>>) semaphore(%arg23 : memref<!tpu.dma_semaphore, #tpu.memory_space<semaphore_mem>>)
        } else {
        }
        %dma_wait3A_191 = arith.constant 0 : i32
        %dma_wait3A_192 = tpu.memref_slice %arg10[%add3A_178, %dma_wait3A_191] : memref<250x80xi32, #tpu.memory_space<vmem>> -> memref<1x80xi32, #tpu.memory_space<vmem>>
        %dma_wait3A_193 = tpu.memref_squeeze %dma_wait3A_192 : memref<1x80xi32, #tpu.memory_space<vmem>> -> memref<80xi32, #tpu.memory_space<vmem>>
        %dma_wait3A_194 = arith.constant 0 : i32
        %dma_wait3A_195 = arith.constant 0 : i32
        %dma_wait3A_196 = tpu.memref_slice %arg5[%dma_wait3A_194, %dma_wait3A_195] : memref<10000x64xf32, #tpu.memory_space<hbm>> -> memref<10000x64xf32, #tpu.memory_space<hbm>>
        tpu.wait_indirect_dma semaphore(%arg21 : memref<!tpu.dma_semaphore, #tpu.memory_space<semaphore_mem>>) src(%dma_wait3A_196 : memref<10000x64xf32, #tpu.memory_space<hbm>>) dst(%arg14 : memref<80x64xf32, #tpu.memory_space<vmem>>)
        %dma_start3A_197 = arith.constant 0 : i32
        %dma_start3A_198 = tpu.memref_slice %arg11[%add3A_178, %dma_start3A_197] : memref<250x80xi32, #tpu.memory_space<vmem>> -> memref<1x80xi32, #tpu.memory_space<vmem>>
        %dma_start3A_199 = tpu.memref_squeeze %dma_start3A_198 : memref<1x80xi32, #tpu.memory_space<vmem>> -> memref<80xi32, #tpu.memory_space<vmem>>
        %dma_start3A_200 = arith.constant 0 : i32
        %dma_start3A_201 = arith.constant 0 : i32
        %dma_start3A_202 = tpu.memref_slice %arg18[%dma_start3A_200, %dma_start3A_201] : memref<10240x64xf32, #tpu.memory_space<vmem_shared>> -> memref<10240x64xf32, #tpu.memory_space<vmem_shared>>
        tpu.enqueue_indirect_dma source(%arg14 : memref<80x64xf32, #tpu.memory_space<vmem>>) target(%dma_start3A_202 : memref<10240x64xf32, #tpu.memory_space<vmem_shared>>) offsets(%dma_start3A_199 : memref<80xi32, #tpu.memory_space<vmem>>) semaphore(%arg26 : memref<!tpu.dma_semaphore, #tpu.memory_space<semaphore_mem>>) {add = true}
        %mul3A_203 = arith.constant 5 : i32
        %mul3A_204 = arith.muli %mul3A_203, %scan3A_120 : i32
        %add3A_205 = arith.constant 3 : i32
        %add3A_206 = arith.addi %mul3A_204, %add3A_205 : i32
        %ge3A_207 = arith.constant 3 : i32
        %ge3A_208 = arith.cmpi sge, %add3A_206, %ge3A_207 : i32
        %convert_element_type3A_209 = arith.extui %ge3A_208 : i1 to i32
        %cond3A_210 = arith.constant 0 : i32
        %cond3A_211 = arith.cmpi ne, %convert_element_type3A_209, %cond3A_210 : i32
        scf.if %cond3A_211 {
          %sub3A = arith.constant 3 : i32
          %sub3A_259 = arith.subi %add3A_206, %sub3A : i32
          %max3A = arith.constant 0 : i32
          %max3A_260 = arith.maxsi %sub3A_259, %max3A : i32
          %dma_wait3A_261 = arith.constant 0 : i32
          %dma_wait3A_262 = tpu.memref_slice %arg11[%max3A_260, %dma_wait3A_261] : memref<250x80xi32, #tpu.memory_space<vmem>> -> memref<1x80xi32, #tpu.memory_space<vmem>>
          %dma_wait3A_263 = tpu.memref_squeeze %dma_wait3A_262 : memref<1x80xi32, #tpu.memory_space<vmem>> -> memref<80xi32, #tpu.memory_space<vmem>>
          %dma_wait3A_264 = arith.constant 0 : i32
          %dma_wait3A_265 = arith.constant 0 : i32
          %dma_wait3A_266 = tpu.memref_slice %arg18[%dma_wait3A_264, %dma_wait3A_265] : memref<10240x64xf32, #tpu.memory_space<vmem_shared>> -> memref<10240x64xf32, #tpu.memory_space<vmem_shared>>
          tpu.wait_indirect_dma semaphore(%arg24 : memref<!tpu.dma_semaphore, #tpu.memory_space<semaphore_mem>>) src(%arg12 : memref<80x64xf32, #tpu.memory_space<vmem>>) dst(%dma_wait3A_266 : memref<10240x64xf32, #tpu.memory_space<vmem_shared>>)
        } else {
        }
        %add3A_212 = arith.constant 2 : i32
        %add3A_213 = arith.addi %add3A_206, %add3A_212 : i32
        %lt3A_214 = arith.constant 250 : i32
        %lt3A_215 = arith.cmpi slt, %add3A_213, %lt3A_214 : i32
        %convert_element_type3A_216 = arith.extui %lt3A_215 : i1 to i32
        %cond3A_217 = arith.constant 0 : i32
        %cond3A_218 = arith.cmpi ne, %convert_element_type3A_216, %cond3A_217 : i32
        scf.if %cond3A_218 {
          %add3A_259 = arith.constant 2 : i32
          %add3A_260 = arith.addi %add3A_206, %add3A_259 : i32
          %dma_start3A_261 = arith.constant 0 : i32
          %dma_start3A_262 = tpu.memref_slice %arg10[%add3A_260, %dma_start3A_261] : memref<250x80xi32, #tpu.memory_space<vmem>> -> memref<1x80xi32, #tpu.memory_space<vmem>>
          %dma_start3A_263 = tpu.memref_squeeze %dma_start3A_262 : memref<1x80xi32, #tpu.memory_space<vmem>> -> memref<80xi32, #tpu.memory_space<vmem>>
          %dma_start3A_264 = arith.constant 0 : i32
          %dma_start3A_265 = arith.constant 0 : i32
          %dma_start3A_266 = tpu.memref_slice %arg5[%dma_start3A_264, %dma_start3A_265] : memref<10000x64xf32, #tpu.memory_space<hbm>> -> memref<10000x64xf32, #tpu.memory_space<hbm>>
          tpu.enqueue_indirect_dma source(%dma_start3A_266 : memref<10000x64xf32, #tpu.memory_space<hbm>>) target(%arg12 : memref<80x64xf32, #tpu.memory_space<vmem>>) offsets(%dma_start3A_263 : memref<80xi32, #tpu.memory_space<vmem>>) semaphore(%arg19 : memref<!tpu.dma_semaphore, #tpu.memory_space<semaphore_mem>>)
        } else {
        }
        %dma_wait3A_219 = arith.constant 0 : i32
        %dma_wait3A_220 = tpu.memref_slice %arg10[%add3A_206, %dma_wait3A_219] : memref<250x80xi32, #tpu.memory_space<vmem>> -> memref<1x80xi32, #tpu.memory_space<vmem>>
        %dma_wait3A_221 = tpu.memref_squeeze %dma_wait3A_220 : memref<1x80xi32, #tpu.memory_space<vmem>> -> memref<80xi32, #tpu.memory_space<vmem>>
        %dma_wait3A_222 = arith.constant 0 : i32
        %dma_wait3A_223 = arith.constant 0 : i32
        %dma_wait3A_224 = tpu.memref_slice %arg5[%dma_wait3A_222, %dma_wait3A_223] : memref<10000x64xf32, #tpu.memory_space<hbm>> -> memref<10000x64xf32, #tpu.memory_space<hbm>>
        tpu.wait_indirect_dma semaphore(%arg22 : memref<!tpu.dma_semaphore, #tpu.memory_space<semaphore_mem>>) src(%dma_wait3A_224 : memref<10000x64xf32, #tpu.memory_space<hbm>>) dst(%arg15 : memref<80x64xf32, #tpu.memory_space<vmem>>)
        %dma_start3A_225 = arith.constant 0 : i32
        %dma_start3A_226 = tpu.memref_slice %arg11[%add3A_206, %dma_start3A_225] : memref<250x80xi32, #tpu.memory_space<vmem>> -> memref<1x80xi32, #tpu.memory_space<vmem>>
        %dma_start3A_227 = tpu.memref_squeeze %dma_start3A_226 : memref<1x80xi32, #tpu.memory_space<vmem>> -> memref<80xi32, #tpu.memory_space<vmem>>
        %dma_start3A_228 = arith.constant 0 : i32
        %dma_start3A_229 = arith.constant 0 : i32
        %dma_start3A_230 = tpu.memref_slice %arg18[%dma_start3A_228, %dma_start3A_229] : memref<10240x64xf32, #tpu.memory_space<vmem_shared>> -> memref<10240x64xf32, #tpu.memory_space<vmem_shared>>
        tpu.enqueue_indirect_dma source(%arg15 : memref<80x64xf32, #tpu.memory_space<vmem>>) target(%dma_start3A_230 : memref<10240x64xf32, #tpu.memory_space<vmem_shared>>) offsets(%dma_start3A_227 : memref<80xi32, #tpu.memory_space<vmem>>) semaphore(%arg27 : memref<!tpu.dma_semaphore, #tpu.memory_space<semaphore_mem>>) {add = true}
        %mul3A_231 = arith.constant 5 : i32
        %mul3A_232 = arith.muli %mul3A_231, %scan3A_120 : i32
        %add3A_233 = arith.constant 4 : i32
        %add3A_234 = arith.addi %mul3A_232, %add3A_233 : i32
        %ge3A_235 = arith.constant 3 : i32
        %ge3A_236 = arith.cmpi sge, %add3A_234, %ge3A_235 : i32
        %convert_element_type3A_237 = arith.extui %ge3A_236 : i1 to i32
        %cond3A_238 = arith.constant 0 : i32
        %cond3A_239 = arith.cmpi ne, %convert_element_type3A_237, %cond3A_238 : i32
        scf.if %cond3A_239 {
          %sub3A = arith.constant 3 : i32
          %sub3A_259 = arith.subi %add3A_234, %sub3A : i32
          %max3A = arith.constant 0 : i32
          %max3A_260 = arith.maxsi %sub3A_259, %max3A : i32
          %dma_wait3A_261 = arith.constant 0 : i32
          %dma_wait3A_262 = tpu.memref_slice %arg11[%max3A_260, %dma_wait3A_261] : memref<250x80xi32, #tpu.memory_space<vmem>> -> memref<1x80xi32, #tpu.memory_space<vmem>>
          %dma_wait3A_263 = tpu.memref_squeeze %dma_wait3A_262 : memref<1x80xi32, #tpu.memory_space<vmem>> -> memref<80xi32, #tpu.memory_space<vmem>>
          %dma_wait3A_264 = arith.constant 0 : i32
          %dma_wait3A_265 = arith.constant 0 : i32
          %dma_wait3A_266 = tpu.memref_slice %arg18[%dma_wait3A_264, %dma_wait3A_265] : memref<10240x64xf32, #tpu.memory_space<vmem_shared>> -> memref<10240x64xf32, #tpu.memory_space<vmem_shared>>
          tpu.wait_indirect_dma semaphore(%arg25 : memref<!tpu.dma_semaphore, #tpu.memory_space<semaphore_mem>>) src(%arg13 : memref<80x64xf32, #tpu.memory_space<vmem>>) dst(%dma_wait3A_266 : memref<10240x64xf32, #tpu.memory_space<vmem_shared>>)
        } else {
        }
        %add3A_240 = arith.constant 2 : i32
        %add3A_241 = arith.addi %add3A_234, %add3A_240 : i32
        %lt3A_242 = arith.constant 250 : i32
        %lt3A_243 = arith.cmpi slt, %add3A_241, %lt3A_242 : i32
        %convert_element_type3A_244 = arith.extui %lt3A_243 : i1 to i32
        %cond3A_245 = arith.constant 0 : i32
        %cond3A_246 = arith.cmpi ne, %convert_element_type3A_244, %cond3A_245 : i32
        scf.if %cond3A_246 {
          %add3A_259 = arith.constant 2 : i32
          %add3A_260 = arith.addi %add3A_234, %add3A_259 : i32
          %dma_start3A_261 = arith.constant 0 : i32
          %dma_start3A_262 = tpu.memref_slice %arg10[%add3A_260, %dma_start3A_261] : memref<250x80xi32, #tpu.memory_space<vmem>> -> memref<1x80xi32, #tpu.memory_space<vmem>>
          %dma_start3A_263 = tpu.memref_squeeze %dma_start3A_262 : memref<1x80xi32, #tpu.memory_space<vmem>> -> memref<80xi32, #tpu.memory_space<vmem>>
          %dma_start3A_264 = arith.constant 0 : i32
          %dma_start3A_265 = arith.constant 0 : i32
          %dma_start3A_266 = tpu.memref_slice %arg5[%dma_start3A_264, %dma_start3A_265] : memref<10000x64xf32, #tpu.memory_space<hbm>> -> memref<10000x64xf32, #tpu.memory_space<hbm>>
          tpu.enqueue_indirect_dma source(%dma_start3A_266 : memref<10000x64xf32, #tpu.memory_space<hbm>>) target(%arg13 : memref<80x64xf32, #tpu.memory_space<vmem>>) offsets(%dma_start3A_263 : memref<80xi32, #tpu.memory_space<vmem>>) semaphore(%arg20 : memref<!tpu.dma_semaphore, #tpu.memory_space<semaphore_mem>>)
        } else {
        }
        %dma_wait3A_247 = arith.constant 0 : i32
        %dma_wait3A_248 = tpu.memref_slice %arg10[%add3A_234, %dma_wait3A_247] : memref<250x80xi32, #tpu.memory_space<vmem>> -> memref<1x80xi32, #tpu.memory_space<vmem>>
        %dma_wait3A_249 = tpu.memref_squeeze %dma_wait3A_248 : memref<1x80xi32, #tpu.memory_space<vmem>> -> memref<80xi32, #tpu.memory_space<vmem>>
        %dma_wait3A_250 = arith.constant 0 : i32
        %dma_wait3A_251 = arith.constant 0 : i32
        %dma_wait3A_252 = tpu.memref_slice %arg5[%dma_wait3A_250, %dma_wait3A_251] : memref<10000x64xf32, #tpu.memory_space<hbm>> -> memref<10000x64xf32, #tpu.memory_space<hbm>>
        tpu.wait_indirect_dma semaphore(%arg23 : memref<!tpu.dma_semaphore, #tpu.memory_space<semaphore_mem>>) src(%dma_wait3A_252 : memref<10000x64xf32, #tpu.memory_space<hbm>>) dst(%arg16 : memref<80x64xf32, #tpu.memory_space<vmem>>)
        %dma_start3A_253 = arith.constant 0 : i32
        %dma_start3A_254 = tpu.memref_slice %arg11[%add3A_234, %dma_start3A_253] : memref<250x80xi32, #tpu.memory_space<vmem>> -> memref<1x80xi32, #tpu.memory_space<vmem>>
        %dma_start3A_255 = tpu.memref_squeeze %dma_start3A_254 : memref<1x80xi32, #tpu.memory_space<vmem>> -> memref<80xi32, #tpu.memory_space<vmem>>
        %dma_start3A_256 = arith.constant 0 : i32
        %dma_start3A_257 = arith.constant 0 : i32
        %dma_start3A_258 = tpu.memref_slice %arg18[%dma_start3A_256, %dma_start3A_257] : memref<10240x64xf32, #tpu.memory_space<vmem_shared>> -> memref<10240x64xf32, #tpu.memory_space<vmem_shared>>
        tpu.enqueue_indirect_dma source(%arg16 : memref<80x64xf32, #tpu.memory_space<vmem>>) target(%dma_start3A_258 : memref<10240x64xf32, #tpu.memory_space<vmem_shared>>) offsets(%dma_start3A_255 : memref<80xi32, #tpu.memory_space<vmem>>) semaphore(%arg28 : memref<!tpu.dma_semaphore, #tpu.memory_space<semaphore_mem>>) {add = true}
      }
      %scan3A_99 = arith.constant 50 : i32
      %dma_wait3A = arith.constant 247 : i32
      %dma_wait3A_100 = arith.constant 0 : i32
      %dma_wait3A_101 = tpu.memref_slice %arg11[%dma_wait3A, %dma_wait3A_100] : memref<250x80xi32, #tpu.memory_space<vmem>> -> memref<1x80xi32, #tpu.memory_space<vmem>>
      %dma_wait3A_102 = tpu.memref_squeeze %dma_wait3A_101 : memref<1x80xi32, #tpu.memory_space<vmem>> -> memref<80xi32, #tpu.memory_space<vmem>>
      %dma_wait3A_103 = arith.constant 0 : i32
      %dma_wait3A_104 = arith.constant 0 : i32
      %dma_wait3A_105 = tpu.memref_slice %arg18[%dma_wait3A_103, %dma_wait3A_104] : memref<10240x64xf32, #tpu.memory_space<vmem_shared>> -> memref<10240x64xf32, #tpu.memory_space<vmem_shared>>
      tpu.wait_indirect_dma semaphore(%arg26 : memref<!tpu.dma_semaphore, #tpu.memory_space<semaphore_mem>>) src(%arg14 : memref<80x64xf32, #tpu.memory_space<vmem>>) dst(%dma_wait3A_105 : memref<10240x64xf32, #tpu.memory_space<vmem_shared>>)
      %dma_wait3A_106 = arith.constant 248 : i32
      %dma_wait3A_107 = arith.constant 0 : i32
      %dma_wait3A_108 = tpu.memref_slice %arg11[%dma_wait3A_106, %dma_wait3A_107] : memref<250x80xi32, #tpu.memory_space<vmem>> -> memref<1x80xi32, #tpu.memory_space<vmem>>
      %dma_wait3A_109 = tpu.memref_squeeze %dma_wait3A_108 : memref<1x80xi32, #tpu.memory_space<vmem>> -> memref<80xi32, #tpu.memory_space<vmem>>
      %dma_wait3A_110 = arith.constant 0 : i32
      %dma_wait3A_111 = arith.constant 0 : i32
      %dma_wait3A_112 = tpu.memref_slice %arg18[%dma_wait3A_110, %dma_wait3A_111] : memref<10240x64xf32, #tpu.memory_space<vmem_shared>> -> memref<10240x64xf32, #tpu.memory_space<vmem_shared>>
      tpu.wait_indirect_dma semaphore(%arg27 : memref<!tpu.dma_semaphore, #tpu.memory_space<semaphore_mem>>) src(%arg15 : memref<80x64xf32, #tpu.memory_space<vmem>>) dst(%dma_wait3A_112 : memref<10240x64xf32, #tpu.memory_space<vmem_shared>>)
      %dma_wait3A_113 = arith.constant 249 : i32
      %dma_wait3A_114 = arith.constant 0 : i32
      %dma_wait3A_115 = tpu.memref_slice %arg11[%dma_wait3A_113, %dma_wait3A_114] : memref<250x80xi32, #tpu.memory_space<vmem>> -> memref<1x80xi32, #tpu.memory_space<vmem>>
      %dma_wait3A_116 = tpu.memref_squeeze %dma_wait3A_115 : memref<1x80xi32, #tpu.memory_space<vmem>> -> memref<80xi32, #tpu.memory_space<vmem>>
      %dma_wait3A_117 = arith.constant 0 : i32
      %dma_wait3A_118 = arith.constant 0 : i32
      %dma_wait3A_119 = tpu.memref_slice %arg18[%dma_wait3A_117, %dma_wait3A_118] : memref<10240x64xf32, #tpu.memory_space<vmem_shared>> -> memref<10240x64xf32, #tpu.memory_space<vmem_shared>>
      tpu.wait_indirect_dma semaphore(%arg28 : memref<!tpu.dma_semaphore, #tpu.memory_space<semaphore_mem>>) src(%arg16 : memref<80x64xf32, #tpu.memory_space<vmem>>) dst(%dma_wait3A_119 : memref<10240x64xf32, #tpu.memory_space<vmem_shared>>)
    } else {
    }
    %barrier3A_35 = arith.constant 0 : index
    tpu.barrier barrier_id(%barrier3A_35)
    %mul3A_36 = arith.constant 640 : i32
    %mul3A_37 = arith.muli %arg1, %mul3A_36 : i32
    %add3A_38 = arith.constant 0 : i32
    %add3A_39 = arith.addi %mul3A_37, %add3A_38 : i32
    "tpu.region"() ({
      %run_scoped3A = tpu.sem_alloc : memref<!tpu.dma_semaphore, #tpu.memory_space<semaphore_mem>>
      %dma_start3A = arith.constant 0 : i32
      %dma_start3A_81 = tpu.memref_slice %arg18[%add3A_39, %dma_start3A] : memref<10240x64xf32, #tpu.memory_space<vmem_shared>> -> memref<128x64xf32, #tpu.memory_space<vmem_shared>>
      %dma_start3A_82 = arith.constant 0 : i32
      %dma_start3A_83 = tpu.memref_slice %arg18[%add3A_39, %dma_start3A_82] : memref<10240x64xf32, #tpu.memory_space<vmem_shared>> -> memref<128x64xf32, #tpu.memory_space<vmem_shared>>
      tpu.enqueue_dma source(%dma_start3A_83 : memref<128x64xf32, #tpu.memory_space<vmem_shared>>) target(%arg17 : memref<128x64xf32, #tpu.memory_space<vmem>>) target_semaphore(%run_scoped3A : memref<!tpu.dma_semaphore, #tpu.memory_space<semaphore_mem>>)
      %dma_wait3A = arith.constant 0 : i32
      %dma_wait3A_84 = tpu.memref_slice %arg18[%add3A_39, %dma_wait3A] : memref<10240x64xf32, #tpu.memory_space<vmem_shared>> -> memref<128x64xf32, #tpu.memory_space<vmem_shared>>
      %dma_wait3A_85 = arith.constant 0 : i32
      %dma_wait3A_86 = tpu.memref_slice %arg18[%add3A_39, %dma_wait3A_85] : memref<10240x64xf32, #tpu.memory_space<vmem_shared>> -> memref<128x64xf32, #tpu.memory_space<vmem_shared>>
      tpu.wait_dma2 semaphore(%run_scoped3A : memref<!tpu.dma_semaphore, #tpu.memory_space<semaphore_mem>>) src(%dma_wait3A_86 : memref<128x64xf32, #tpu.memory_space<vmem_shared>>) dst(%arg17 : memref<128x64xf32, #tpu.memory_space<vmem>>)
      tpu.yield
    }) : () -> ()
    %mul3A_40 = arith.constant 640 : i32
    %mul3A_41 = arith.muli %arg1, %mul3A_40 : i32
    %add3A_42 = arith.constant 0 : i32
    %add3A_43 = arith.addi %mul3A_41, %add3A_42 : i32
    "tpu.region"() ({
      %run_scoped3A = tpu.sem_alloc : memref<!tpu.dma_semaphore, #tpu.memory_space<semaphore_mem>>
      %dma_start3A = arith.constant 0 : i32
      %dma_start3A_81 = tpu.memref_slice %arg7[%arg0, %add3A_43, %dma_start3A] : memref<2x10240x64xf32, #tpu.memory_space<hbm>> -> memref<1x128x64xf32, #tpu.memory_space<hbm>>
      %dma_start3A_82 = tpu.memref_squeeze %dma_start3A_81 : memref<1x128x64xf32, #tpu.memory_space<hbm>> -> memref<128x64xf32, #tpu.memory_space<hbm>>
      %dma_start3A_83 = arith.constant 0 : i32
      %dma_start3A_84 = tpu.memref_slice %arg7[%arg0, %add3A_43, %dma_start3A_83] : memref<2x10240x64xf32, #tpu.memory_space<hbm>> -> memref<1x128x64xf32, #tpu.memory_space<hbm>>
      %dma_start3A_85 = tpu.memref_squeeze %dma_start3A_84 : memref<1x128x64xf32, #tpu.memory_space<hbm>> -> memref<128x64xf32, #tpu.memory_space<hbm>>
      tpu.enqueue_dma source(%arg17 : memref<128x64xf32, #tpu.memory_space<vmem>>) target(%dma_start3A_85 : memref<128x64xf32, #tpu.memory_space<hbm>>) target_semaphore(%run_scoped3A : memref<!tpu.dma_semaphore, #tpu.memory_space<semaphore_mem>>)
      %dma_wait3A = arith.constant 0 : i32
      %dma_wait3A_86 = tpu.memref_slice %arg7[%arg0, %add3A_43, %dma_wait3A] : memref<2x10240x64xf32, #tpu.memory_space<hbm>> -> memref<1x128x64xf32, #tpu.memory_space<hbm>>
      %dma_wait3A_87 = tpu.memref_squeeze %dma_wait3A_86 : memref<1x128x64xf32, #tpu.memory_space<hbm>> -> memref<128x64xf32, #tpu.memory_space<hbm>>
      %dma_wait3A_88 = arith.constant 0 : i32
      %dma_wait3A_89 = tpu.memref_slice %arg7[%arg0, %add3A_43, %dma_wait3A_88] : memref<2x10240x64xf32, #tpu.memory_space<hbm>> -> memref<1x128x64xf32, #tpu.memory_space<hbm>>
      %dma_wait3A_90 = tpu.memref_squeeze %dma_wait3A_89 : memref<1x128x64xf32, #tpu.memory_space<hbm>> -> memref<128x64xf32, #tpu.memory_space<hbm>>
      tpu.wait_dma2 semaphore(%run_scoped3A : memref<!tpu.dma_semaphore, #tpu.memory_space<semaphore_mem>>) src(%arg17 : memref<128x64xf32, #tpu.memory_space<vmem>>) dst(%dma_wait3A_90 : memref<128x64xf32, #tpu.memory_space<hbm>>)
      tpu.yield
    }) : () -> ()
    %mul3A_44 = arith.constant 640 : i32
    %mul3A_45 = arith.muli %arg1, %mul3A_44 : i32
    %add3A_46 = arith.constant 128 : i32
    %add3A_47 = arith.addi %mul3A_45, %add3A_46 : i32
    "tpu.region"() ({
      %run_scoped3A = tpu.sem_alloc : memref<!tpu.dma_semaphore, #tpu.memory_space<semaphore_mem>>
      %dma_start3A = arith.constant 0 : i32
      %dma_start3A_81 = tpu.memref_slice %arg18[%add3A_47, %dma_start3A] : memref<10240x64xf32, #tpu.memory_space<vmem_shared>> -> memref<128x64xf32, #tpu.memory_space<vmem_shared>>
      %dma_start3A_82 = arith.constant 0 : i32
      %dma_start3A_83 = tpu.memref_slice %arg18[%add3A_47, %dma_start3A_82] : memref<10240x64xf32, #tpu.memory_space<vmem_shared>> -> memref<128x64xf32, #tpu.memory_space<vmem_shared>>
      tpu.enqueue_dma source(%dma_start3A_83 : memref<128x64xf32, #tpu.memory_space<vmem_shared>>) target(%arg17 : memref<128x64xf32, #tpu.memory_space<vmem>>) target_semaphore(%run_scoped3A : memref<!tpu.dma_semaphore, #tpu.memory_space<semaphore_mem>>)
      %dma_wait3A = arith.constant 0 : i32
      %dma_wait3A_84 = tpu.memref_slice %arg18[%add3A_47, %dma_wait3A] : memref<10240x64xf32, #tpu.memory_space<vmem_shared>> -> memref<128x64xf32, #tpu.memory_space<vmem_shared>>
      %dma_wait3A_85 = arith.constant 0 : i32
      %dma_wait3A_86 = tpu.memref_slice %arg18[%add3A_47, %dma_wait3A_85] : memref<10240x64xf32, #tpu.memory_space<vmem_shared>> -> memref<128x64xf32, #tpu.memory_space<vmem_shared>>
      tpu.wait_dma2 semaphore(%run_scoped3A : memref<!tpu.dma_semaphore, #tpu.memory_space<semaphore_mem>>) src(%dma_wait3A_86 : memref<128x64xf32, #tpu.memory_space<vmem_shared>>) dst(%arg17 : memref<128x64xf32, #tpu.memory_space<vmem>>)
      tpu.yield
    }) : () -> ()
    %mul3A_48 = arith.constant 640 : i32
    %mul3A_49 = arith.muli %arg1, %mul3A_48 : i32
    %add3A_50 = arith.constant 128 : i32
    %add3A_51 = arith.addi %mul3A_49, %add3A_50 : i32
    "tpu.region"() ({
      %run_scoped3A = tpu.sem_alloc : memref<!tpu.dma_semaphore, #tpu.memory_space<semaphore_mem>>
      %dma_start3A = arith.constant 0 : i32
      %dma_start3A_81 = tpu.memref_slice %arg7[%arg0, %add3A_51, %dma_start3A] : memref<2x10240x64xf32, #tpu.memory_space<hbm>> -> memref<1x128x64xf32, #tpu.memory_space<hbm>>
      %dma_start3A_82 = tpu.memref_squeeze %dma_start3A_81 : memref<1x128x64xf32, #tpu.memory_space<hbm>> -> memref<128x64xf32, #tpu.memory_space<hbm>>
      %dma_start3A_83 = arith.constant 0 : i32
      %dma_start3A_84 = tpu.memref_slice %arg7[%arg0, %add3A_51, %dma_start3A_83] : memref<2x10240x64xf32, #tpu.memory_space<hbm>> -> memref<1x128x64xf32, #tpu.memory_space<hbm>>
      %dma_start3A_85 = tpu.memref_squeeze %dma_start3A_84 : memref<1x128x64xf32, #tpu.memory_space<hbm>> -> memref<128x64xf32, #tpu.memory_space<hbm>>
      tpu.enqueue_dma source(%arg17 : memref<128x64xf32, #tpu.memory_space<vmem>>) target(%dma_start3A_85 : memref<128x64xf32, #tpu.memory_space<hbm>>) target_semaphore(%run_scoped3A : memref<!tpu.dma_semaphore, #tpu.memory_space<semaphore_mem>>)
      %dma_wait3A = arith.constant 0 : i32
      %dma_wait3A_86 = tpu.memref_slice %arg7[%arg0, %add3A_51, %dma_wait3A] : memref<2x10240x64xf32, #tpu.memory_space<hbm>> -> memref<1x128x64xf32, #tpu.memory_space<hbm>>
      %dma_wait3A_87 = tpu.memref_squeeze %dma_wait3A_86 : memref<1x128x64xf32, #tpu.memory_space<hbm>> -> memref<128x64xf32, #tpu.memory_space<hbm>>
      %dma_wait3A_88 = arith.constant 0 : i32
      %dma_wait3A_89 = tpu.memref_slice %arg7[%arg0, %add3A_51, %dma_wait3A_88] : memref<2x10240x64xf32, #tpu.memory_space<hbm>> -> memref<1x128x64xf32, #tpu.memory_space<hbm>>
      %dma_wait3A_90 = tpu.memref_squeeze %dma_wait3A_89 : memref<1x128x64xf32, #tpu.memory_space<hbm>> -> memref<128x64xf32, #tpu.memory_space<hbm>>
      tpu.wait_dma2 semaphore(%run_scoped3A : memref<!tpu.dma_semaphore, #tpu.memory_space<semaphore_mem>>) src(%arg17 : memref<128x64xf32, #tpu.memory_space<vmem>>) dst(%dma_wait3A_90 : memref<128x64xf32, #tpu.memory_space<hbm>>)
      tpu.yield
    }) : () -> ()
    %mul3A_52 = arith.constant 640 : i32
    %mul3A_53 = arith.muli %arg1, %mul3A_52 : i32
    %add3A_54 = arith.constant 256 : i32
    %add3A_55 = arith.addi %mul3A_53, %add3A_54 : i32
    "tpu.region"() ({
      %run_scoped3A = tpu.sem_alloc : memref<!tpu.dma_semaphore, #tpu.memory_space<semaphore_mem>>
      %dma_start3A = arith.constant 0 : i32
      %dma_start3A_81 = tpu.memref_slice %arg18[%add3A_55, %dma_start3A] : memref<10240x64xf32, #tpu.memory_space<vmem_shared>> -> memref<128x64xf32, #tpu.memory_space<vmem_shared>>
      %dma_start3A_82 = arith.constant 0 : i32
      %dma_start3A_83 = tpu.memref_slice %arg18[%add3A_55, %dma_start3A_82] : memref<10240x64xf32, #tpu.memory_space<vmem_shared>> -> memref<128x64xf32, #tpu.memory_space<vmem_shared>>
      tpu.enqueue_dma source(%dma_start3A_83 : memref<128x64xf32, #tpu.memory_space<vmem_shared>>) target(%arg17 : memref<128x64xf32, #tpu.memory_space<vmem>>) target_semaphore(%run_scoped3A : memref<!tpu.dma_semaphore, #tpu.memory_space<semaphore_mem>>)
      %dma_wait3A = arith.constant 0 : i32
      %dma_wait3A_84 = tpu.memref_slice %arg18[%add3A_55, %dma_wait3A] : memref<10240x64xf32, #tpu.memory_space<vmem_shared>> -> memref<128x64xf32, #tpu.memory_space<vmem_shared>>
      %dma_wait3A_85 = arith.constant 0 : i32
      %dma_wait3A_86 = tpu.memref_slice %arg18[%add3A_55, %dma_wait3A_85] : memref<10240x64xf32, #tpu.memory_space<vmem_shared>> -> memref<128x64xf32, #tpu.memory_space<vmem_shared>>
      tpu.wait_dma2 semaphore(%run_scoped3A : memref<!tpu.dma_semaphore, #tpu.memory_space<semaphore_mem>>) src(%dma_wait3A_86 : memref<128x64xf32, #tpu.memory_space<vmem_shared>>) dst(%arg17 : memref<128x64xf32, #tpu.memory_space<vmem>>)
      tpu.yield
    }) : () -> ()
    %mul3A_56 = arith.constant 640 : i32
    %mul3A_57 = arith.muli %arg1, %mul3A_56 : i32
    %add3A_58 = arith.constant 256 : i32
    %add3A_59 = arith.addi %mul3A_57, %add3A_58 : i32
    "tpu.region"() ({
      %run_scoped3A = tpu.sem_alloc : memref<!tpu.dma_semaphore, #tpu.memory_space<semaphore_mem>>
      %dma_start3A = arith.constant 0 : i32
      %dma_start3A_81 = tpu.memref_slice %arg7[%arg0, %add3A_59, %dma_start3A] : memref<2x10240x64xf32, #tpu.memory_space<hbm>> -> memref<1x128x64xf32, #tpu.memory_space<hbm>>
      %dma_start3A_82 = tpu.memref_squeeze %dma_start3A_81 : memref<1x128x64xf32, #tpu.memory_space<hbm>> -> memref<128x64xf32, #tpu.memory_space<hbm>>
      %dma_start3A_83 = arith.constant 0 : i32
      %dma_start3A_84 = tpu.memref_slice %arg7[%arg0, %add3A_59, %dma_start3A_83] : memref<2x10240x64xf32, #tpu.memory_space<hbm>> -> memref<1x128x64xf32, #tpu.memory_space<hbm>>
      %dma_start3A_85 = tpu.memref_squeeze %dma_start3A_84 : memref<1x128x64xf32, #tpu.memory_space<hbm>> -> memref<128x64xf32, #tpu.memory_space<hbm>>
      tpu.enqueue_dma source(%arg17 : memref<128x64xf32, #tpu.memory_space<vmem>>) target(%dma_start3A_85 : memref<128x64xf32, #tpu.memory_space<hbm>>) target_semaphore(%run_scoped3A : memref<!tpu.dma_semaphore, #tpu.memory_space<semaphore_mem>>)
      %dma_wait3A = arith.constant 0 : i32
      %dma_wait3A_86 = tpu.memref_slice %arg7[%arg0, %add3A_59, %dma_wait3A] : memref<2x10240x64xf32, #tpu.memory_space<hbm>> -> memref<1x128x64xf32, #tpu.memory_space<hbm>>
      %dma_wait3A_87 = tpu.memref_squeeze %dma_wait3A_86 : memref<1x128x64xf32, #tpu.memory_space<hbm>> -> memref<128x64xf32, #tpu.memory_space<hbm>>
      %dma_wait3A_88 = arith.constant 0 : i32
      %dma_wait3A_89 = tpu.memref_slice %arg7[%arg0, %add3A_59, %dma_wait3A_88] : memref<2x10240x64xf32, #tpu.memory_space<hbm>> -> memref<1x128x64xf32, #tpu.memory_space<hbm>>
      %dma_wait3A_90 = tpu.memref_squeeze %dma_wait3A_89 : memref<1x128x64xf32, #tpu.memory_space<hbm>> -> memref<128x64xf32, #tpu.memory_space<hbm>>
      tpu.wait_dma2 semaphore(%run_scoped3A : memref<!tpu.dma_semaphore, #tpu.memory_space<semaphore_mem>>) src(%arg17 : memref<128x64xf32, #tpu.memory_space<vmem>>) dst(%dma_wait3A_90 : memref<128x64xf32, #tpu.memory_space<hbm>>)
      tpu.yield
    }) : () -> ()
    %mul3A_60 = arith.constant 640 : i32
    %mul3A_61 = arith.muli %arg1, %mul3A_60 : i32
    %add3A_62 = arith.constant 384 : i32
    %add3A_63 = arith.addi %mul3A_61, %add3A_62 : i32
    "tpu.region"() ({
      %run_scoped3A = tpu.sem_alloc : memref<!tpu.dma_semaphore, #tpu.memory_space<semaphore_mem>>
      %dma_start3A = arith.constant 0 : i32
      %dma_start3A_81 = tpu.memref_slice %arg18[%add3A_63, %dma_start3A] : memref<10240x64xf32, #tpu.memory_space<vmem_shared>> -> memref<128x64xf32, #tpu.memory_space<vmem_shared>>
      %dma_start3A_82 = arith.constant 0 : i32
      %dma_start3A_83 = tpu.memref_slice %arg18[%add3A_63, %dma_start3A_82] : memref<10240x64xf32, #tpu.memory_space<vmem_shared>> -> memref<128x64xf32, #tpu.memory_space<vmem_shared>>
      tpu.enqueue_dma source(%dma_start3A_83 : memref<128x64xf32, #tpu.memory_space<vmem_shared>>) target(%arg17 : memref<128x64xf32, #tpu.memory_space<vmem>>) target_semaphore(%run_scoped3A : memref<!tpu.dma_semaphore, #tpu.memory_space<semaphore_mem>>)
      %dma_wait3A = arith.constant 0 : i32
      %dma_wait3A_84 = tpu.memref_slice %arg18[%add3A_63, %dma_wait3A] : memref<10240x64xf32, #tpu.memory_space<vmem_shared>> -> memref<128x64xf32, #tpu.memory_space<vmem_shared>>
      %dma_wait3A_85 = arith.constant 0 : i32
      %dma_wait3A_86 = tpu.memref_slice %arg18[%add3A_63, %dma_wait3A_85] : memref<10240x64xf32, #tpu.memory_space<vmem_shared>> -> memref<128x64xf32, #tpu.memory_space<vmem_shared>>
      tpu.wait_dma2 semaphore(%run_scoped3A : memref<!tpu.dma_semaphore, #tpu.memory_space<semaphore_mem>>) src(%dma_wait3A_86 : memref<128x64xf32, #tpu.memory_space<vmem_shared>>) dst(%arg17 : memref<128x64xf32, #tpu.memory_space<vmem>>)
      tpu.yield
    }) : () -> ()
    %mul3A_64 = arith.constant 640 : i32
    %mul3A_65 = arith.muli %arg1, %mul3A_64 : i32
    %add3A_66 = arith.constant 384 : i32
    %add3A_67 = arith.addi %mul3A_65, %add3A_66 : i32
    "tpu.region"() ({
      %run_scoped3A = tpu.sem_alloc : memref<!tpu.dma_semaphore, #tpu.memory_space<semaphore_mem>>
      %dma_start3A = arith.constant 0 : i32
      %dma_start3A_81 = tpu.memref_slice %arg7[%arg0, %add3A_67, %dma_start3A] : memref<2x10240x64xf32, #tpu.memory_space<hbm>> -> memref<1x128x64xf32, #tpu.memory_space<hbm>>
      %dma_start3A_82 = tpu.memref_squeeze %dma_start3A_81 : memref<1x128x64xf32, #tpu.memory_space<hbm>> -> memref<128x64xf32, #tpu.memory_space<hbm>>
      %dma_start3A_83 = arith.constant 0 : i32
      %dma_start3A_84 = tpu.memref_slice %arg7[%arg0, %add3A_67, %dma_start3A_83] : memref<2x10240x64xf32, #tpu.memory_space<hbm>> -> memref<1x128x64xf32, #tpu.memory_space<hbm>>
      %dma_start3A_85 = tpu.memref_squeeze %dma_start3A_84 : memref<1x128x64xf32, #tpu.memory_space<hbm>> -> memref<128x64xf32, #tpu.memory_space<hbm>>
      tpu.enqueue_dma source(%arg17 : memref<128x64xf32, #tpu.memory_space<vmem>>) target(%dma_start3A_85 : memref<128x64xf32, #tpu.memory_space<hbm>>) target_semaphore(%run_scoped3A : memref<!tpu.dma_semaphore, #tpu.memory_space<semaphore_mem>>)
      %dma_wait3A = arith.constant 0 : i32
      %dma_wait3A_86 = tpu.memref_slice %arg7[%arg0, %add3A_67, %dma_wait3A] : memref<2x10240x64xf32, #tpu.memory_space<hbm>> -> memref<1x128x64xf32, #tpu.memory_space<hbm>>
      %dma_wait3A_87 = tpu.memref_squeeze %dma_wait3A_86 : memref<1x128x64xf32, #tpu.memory_space<hbm>> -> memref<128x64xf32, #tpu.memory_space<hbm>>
      %dma_wait3A_88 = arith.constant 0 : i32
      %dma_wait3A_89 = tpu.memref_slice %arg7[%arg0, %add3A_67, %dma_wait3A_88] : memref<2x10240x64xf32, #tpu.memory_space<hbm>> -> memref<1x128x64xf32, #tpu.memory_space<hbm>>
      %dma_wait3A_90 = tpu.memref_squeeze %dma_wait3A_89 : memref<1x128x64xf32, #tpu.memory_space<hbm>> -> memref<128x64xf32, #tpu.memory_space<hbm>>
      tpu.wait_dma2 semaphore(%run_scoped3A : memref<!tpu.dma_semaphore, #tpu.memory_space<semaphore_mem>>) src(%arg17 : memref<128x64xf32, #tpu.memory_space<vmem>>) dst(%dma_wait3A_90 : memref<128x64xf32, #tpu.memory_space<hbm>>)
      tpu.yield
    }) : () -> ()
    %mul3A_68 = arith.constant 640 : i32
    %mul3A_69 = arith.muli %arg1, %mul3A_68 : i32
    %add3A_70 = arith.constant 512 : i32
    %add3A_71 = arith.addi %mul3A_69, %add3A_70 : i32
    "tpu.region"() ({
      %run_scoped3A = tpu.sem_alloc : memref<!tpu.dma_semaphore, #tpu.memory_space<semaphore_mem>>
      %dma_start3A = arith.constant 0 : i32
      %dma_start3A_81 = tpu.memref_slice %arg18[%add3A_71, %dma_start3A] : memref<10240x64xf32, #tpu.memory_space<vmem_shared>> -> memref<128x64xf32, #tpu.memory_space<vmem_shared>>
      %dma_start3A_82 = arith.constant 0 : i32
      %dma_start3A_83 = tpu.memref_slice %arg18[%add3A_71, %dma_start3A_82] : memref<10240x64xf32, #tpu.memory_space<vmem_shared>> -> memref<128x64xf32, #tpu.memory_space<vmem_shared>>
      tpu.enqueue_dma source(%dma_start3A_83 : memref<128x64xf32, #tpu.memory_space<vmem_shared>>) target(%arg17 : memref<128x64xf32, #tpu.memory_space<vmem>>) target_semaphore(%run_scoped3A : memref<!tpu.dma_semaphore, #tpu.memory_space<semaphore_mem>>)
      %dma_wait3A = arith.constant 0 : i32
      %dma_wait3A_84 = tpu.memref_slice %arg18[%add3A_71, %dma_wait3A] : memref<10240x64xf32, #tpu.memory_space<vmem_shared>> -> memref<128x64xf32, #tpu.memory_space<vmem_shared>>
      %dma_wait3A_85 = arith.constant 0 : i32
      %dma_wait3A_86 = tpu.memref_slice %arg18[%add3A_71, %dma_wait3A_85] : memref<10240x64xf32, #tpu.memory_space<vmem_shared>> -> memref<128x64xf32, #tpu.memory_space<vmem_shared>>
      tpu.wait_dma2 semaphore(%run_scoped3A : memref<!tpu.dma_semaphore, #tpu.memory_space<semaphore_mem>>) src(%dma_wait3A_86 : memref<128x64xf32, #tpu.memory_space<vmem_shared>>) dst(%arg17 : memref<128x64xf32, #tpu.memory_space<vmem>>)
      tpu.yield
    }) : () -> ()
    %mul3A_72 = arith.constant 640 : i32
    %mul3A_73 = arith.muli %arg1, %mul3A_72 : i32
    %add3A_74 = arith.constant 512 : i32
    %add3A_75 = arith.addi %mul3A_73, %add3A_74 : i32
    "tpu.region"() ({
      %run_scoped3A = tpu.sem_alloc : memref<!tpu.dma_semaphore, #tpu.memory_space<semaphore_mem>>
      %dma_start3A = arith.constant 0 : i32
      %dma_start3A_81 = tpu.memref_slice %arg7[%arg0, %add3A_75, %dma_start3A] : memref<2x10240x64xf32, #tpu.memory_space<hbm>> -> memref<1x128x64xf32, #tpu.memory_space<hbm>>
      %dma_start3A_82 = tpu.memref_squeeze %dma_start3A_81 : memref<1x128x64xf32, #tpu.memory_space<hbm>> -> memref<128x64xf32, #tpu.memory_space<hbm>>
      %dma_start3A_83 = arith.constant 0 : i32
      %dma_start3A_84 = tpu.memref_slice %arg7[%arg0, %add3A_75, %dma_start3A_83] : memref<2x10240x64xf32, #tpu.memory_space<hbm>> -> memref<1x128x64xf32, #tpu.memory_space<hbm>>
      %dma_start3A_85 = tpu.memref_squeeze %dma_start3A_84 : memref<1x128x64xf32, #tpu.memory_space<hbm>> -> memref<128x64xf32, #tpu.memory_space<hbm>>
      tpu.enqueue_dma source(%arg17 : memref<128x64xf32, #tpu.memory_space<vmem>>) target(%dma_start3A_85 : memref<128x64xf32, #tpu.memory_space<hbm>>) target_semaphore(%run_scoped3A : memref<!tpu.dma_semaphore, #tpu.memory_space<semaphore_mem>>)
      %dma_wait3A = arith.constant 0 : i32
      %dma_wait3A_86 = tpu.memref_slice %arg7[%arg0, %add3A_75, %dma_wait3A] : memref<2x10240x64xf32, #tpu.memory_space<hbm>> -> memref<1x128x64xf32, #tpu.memory_space<hbm>>
      %dma_wait3A_87 = tpu.memref_squeeze %dma_wait3A_86 : memref<1x128x64xf32, #tpu.memory_space<hbm>> -> memref<128x64xf32, #tpu.memory_space<hbm>>
      %dma_wait3A_88 = arith.constant 0 : i32
      %dma_wait3A_89 = tpu.memref_slice %arg7[%arg0, %add3A_75, %dma_wait3A_88] : memref<2x10240x64xf32, #tpu.memory_space<hbm>> -> memref<1x128x64xf32, #tpu.memory_space<hbm>>
      %dma_wait3A_90 = tpu.memref_squeeze %dma_wait3A_89 : memref<1x128x64xf32, #tpu.memory_space<hbm>> -> memref<128x64xf32, #tpu.memory_space<hbm>>
      tpu.wait_dma2 semaphore(%run_scoped3A : memref<!tpu.dma_semaphore, #tpu.memory_space<semaphore_mem>>) src(%arg17 : memref<128x64xf32, #tpu.memory_space<vmem>>) dst(%dma_wait3A_90 : memref<128x64xf32, #tpu.memory_space<hbm>>)
      tpu.yield
    }) : () -> ()
    %eq3A_76 = arith.constant 0 : i32
    %eq3A_77 = arith.cmpi eq, %arg0, %eq3A_76 : i32
    %convert_element_type3A_78 = arith.extui %eq3A_77 : i1 to i32
    %cond3A_79 = arith.constant 0 : i32
    %cond3A_80 = arith.cmpi ne, %convert_element_type3A_78, %cond3A_79 : i32
    scf.if %cond3A_80 {
      %scan3A_81 = arith.constant 0 : i32
      %scan3A_82 = arith.constant 0 : i32
      %scan3A_83 = arith.constant 40 : i32
      %scan3A_84 = arith.addi %scan3A_82, %scan3A_83 : i32
      %scan3A_85 = arith.constant 1 : i32
      scf.for %scan3A_232 = %scan3A_82 to %scan3A_84 step %scan3A_85  : i32 {
        %broadcast_in_dim3A_233 = arith.constant 0.000000e+00 : f32
        %broadcast_in_dim3A_234 = vector.broadcast %broadcast_in_dim3A_233 : f32 to vector<16xf32>
        %mul3A_235 = arith.constant 16 : i32
        %mul3A_236 = arith.muli %scan3A_232, %mul3A_235 : i32
        %swap3A = arith.index_cast %mul3A_236 : i32 to index
        %swap3A_237 = tpu.vector_load %arg30[%swap3A] {strides = array<i32>} : memref<640xf32, #tpu.memory_space<vmem>>, vector<16xf32>,
        tpu.vector_store %arg30[%swap3A], %broadcast_in_dim3A_234 {strides = array<i32>} : memref<640xf32, #tpu.memory_space<vmem>>, vector<16xf32>,
      }
      %scan3A_86 = arith.constant 40 : i32
      %mul3A_87 = arith.constant 640 : i32
      %mul3A_88 = arith.muli %arg1, %mul3A_87 : i32
      %run_scoped3A = arith.constant 0 : i32
      "tpu.region"() ({
        %run_scoped3A_232 = tpu.sem_alloc : memref<!tpu.dma_semaphore, #tpu.memory_space<semaphore_mem>>
        %dma_start3A = arith.constant 0 : i32
        %dma_start3A_233 = tpu.memref_slice %arg29[%dma_start3A] : memref<10240xf32, #tpu.memory_space<vmem>> -> memref<640xf32, #tpu.memory_space<vmem>>
        %dma_start3A_234 = tpu.memref_slice %arg9[%run_scoped3A, %mul3A_88] : memref<16x10240xf32, #tpu.memory_space<hbm>> -> memref<1x640xf32, #tpu.memory_space<hbm>>
        %dma_start3A_235 = tpu.memref_squeeze %dma_start3A_234 : memref<1x640xf32, #tpu.memory_space<hbm>> -> memref<640xf32, #tpu.memory_space<hbm>>
        %dma_start3A_236 = arith.constant 0 : i32
        %dma_start3A_237 = tpu.memref_slice %arg29[%dma_start3A_236] : memref<10240xf32, #tpu.memory_space<vmem>> -> memref<640xf32, #tpu.memory_space<vmem>>
        %dma_start3A_238 = tpu.memref_slice %arg9[%run_scoped3A, %mul3A_88] : memref<16x10240xf32, #tpu.memory_space<hbm>> -> memref<1x640xf32, #tpu.memory_space<hbm>>
        %dma_start3A_239 = tpu.memref_squeeze %dma_start3A_238 : memref<1x640xf32, #tpu.memory_space<hbm>> -> memref<640xf32, #tpu.memory_space<hbm>>
        tpu.enqueue_dma source(%dma_start3A_239 : memref<640xf32, #tpu.memory_space<hbm>>) target(%dma_start3A_237 : memref<640xf32, #tpu.memory_space<vmem>>) target_semaphore(%run_scoped3A_232 : memref<!tpu.dma_semaphore, #tpu.memory_space<semaphore_mem>>)
        %dma_wait3A = arith.constant 0 : i32
        %dma_wait3A_240 = tpu.memref_slice %arg29[%dma_wait3A] : memref<10240xf32, #tpu.memory_space<vmem>> -> memref<640xf32, #tpu.memory_space<vmem>>
        %dma_wait3A_241 = tpu.memref_slice %arg9[%run_scoped3A, %mul3A_88] : memref<16x10240xf32, #tpu.memory_space<hbm>> -> memref<1x640xf32, #tpu.memory_space<hbm>>
        %dma_wait3A_242 = tpu.memref_squeeze %dma_wait3A_241 : memref<1x640xf32, #tpu.memory_space<hbm>> -> memref<640xf32, #tpu.memory_space<hbm>>
        %dma_wait3A_243 = arith.constant 0 : i32
        %dma_wait3A_244 = tpu.memref_slice %arg29[%dma_wait3A_243] : memref<10240xf32, #tpu.memory_space<vmem>> -> memref<640xf32, #tpu.memory_space<vmem>>
        %dma_wait3A_245 = tpu.memref_slice %arg9[%run_scoped3A, %mul3A_88] : memref<16x10240xf32, #tpu.memory_space<hbm>> -> memref<1x640xf32, #tpu.memory_space<hbm>>
        %dma_wait3A_246 = tpu.memref_squeeze %dma_wait3A_245 : memref<1x640xf32, #tpu.memory_space<hbm>> -> memref<640xf32, #tpu.memory_space<hbm>>
        tpu.wait_dma2 semaphore(%run_scoped3A_232 : memref<!tpu.dma_semaphore, #tpu.memory_space<semaphore_mem>>) src(%dma_wait3A_246 : memref<640xf32, #tpu.memory_space<hbm>>) dst(%dma_wait3A_244 : memref<640xf32, #tpu.memory_space<vmem>>)
        tpu.yield
      }) : () -> ()
      %scan3A_89 = arith.constant 0 : i32
      %scan3A_90 = arith.constant 0 : i32
      %scan3A_91 = arith.constant 40 : i32
      %scan3A_92 = arith.addi %scan3A_90, %scan3A_91 : i32
      %scan3A_93 = arith.constant 1 : i32
      scf.for %scan3A_232 = %scan3A_90 to %scan3A_92 step %scan3A_93  : i32 {
        %mul3A_233 = arith.constant 16 : i32
        %mul3A_234 = arith.muli %scan3A_232, %mul3A_233 : i32
        %get3A = arith.index_cast %mul3A_234 : i32 to index
        %get3A_235 = tpu.vector_load %arg30[%get3A] {strides = array<i32>} : memref<640xf32, #tpu.memory_space<vmem>>, vector<16xf32>,
        %get3A_236 = arith.index_cast %mul3A_234 : i32 to index
        %get3A_237 = tpu.vector_load %arg29[%get3A_236] {strides = array<i32>} : memref<10240xf32, #tpu.memory_space<vmem>>, vector<16xf32>,
        %add3A_238 = arith.addf %get3A_235, %get3A_237 : vector<16xf32>
        %swap3A = arith.index_cast %mul3A_234 : i32 to index
        %swap3A_239 = tpu.vector_load %arg30[%swap3A] {strides = array<i32>} : memref<640xf32, #tpu.memory_space<vmem>>, vector<16xf32>,
        tpu.vector_store %arg30[%swap3A], %add3A_238 {strides = array<i32>} : memref<640xf32, #tpu.memory_space<vmem>>, vector<16xf32>,
      }
      %scan3A_94 = arith.constant 40 : i32
      %mul3A_95 = arith.constant 640 : i32
      %mul3A_96 = arith.muli %arg1, %mul3A_95 : i32
      %run_scoped3A_97 = arith.constant 1 : i32
      "tpu.region"() ({
        %run_scoped3A_232 = tpu.sem_alloc : memref<!tpu.dma_semaphore, #tpu.memory_space<semaphore_mem>>
        %dma_start3A = arith.constant 0 : i32
        %dma_start3A_233 = tpu.memref_slice %arg29[%dma_start3A] : memref<10240xf32, #tpu.memory_space<vmem>> -> memref<640xf32, #tpu.memory_space<vmem>>
        %dma_start3A_234 = tpu.memref_slice %arg9[%run_scoped3A_97, %mul3A_96] : memref<16x10240xf32, #tpu.memory_space<hbm>> -> memref<1x640xf32, #tpu.memory_space<hbm>>
        %dma_start3A_235 = tpu.memref_squeeze %dma_start3A_234 : memref<1x640xf32, #tpu.memory_space<hbm>> -> memref<640xf32, #tpu.memory_space<hbm>>
        %dma_start3A_236 = arith.constant 0 : i32
        %dma_start3A_237 = tpu.memref_slice %arg29[%dma_start3A_236] : memref<10240xf32, #tpu.memory_space<vmem>> -> memref<640xf32, #tpu.memory_space<vmem>>
        %dma_start3A_238 = tpu.memref_slice %arg9[%run_scoped3A_97, %mul3A_96] : memref<16x10240xf32, #tpu.memory_space<hbm>> -> memref<1x640xf32, #tpu.memory_space<hbm>>
        %dma_start3A_239 = tpu.memref_squeeze %dma_start3A_238 : memref<1x640xf32, #tpu.memory_space<hbm>> -> memref<640xf32, #tpu.memory_space<hbm>>
        tpu.enqueue_dma source(%dma_start3A_239 : memref<640xf32, #tpu.memory_space<hbm>>) target(%dma_start3A_237 : memref<640xf32, #tpu.memory_space<vmem>>) target_semaphore(%run_scoped3A_232 : memref<!tpu.dma_semaphore, #tpu.memory_space<semaphore_mem>>)
        %dma_wait3A = arith.constant 0 : i32
        %dma_wait3A_240 = tpu.memref_slice %arg29[%dma_wait3A] : memref<10240xf32, #tpu.memory_space<vmem>> -> memref<640xf32, #tpu.memory_space<vmem>>
        %dma_wait3A_241 = tpu.memref_slice %arg9[%run_scoped3A_97, %mul3A_96] : memref<16x10240xf32, #tpu.memory_space<hbm>> -> memref<1x640xf32, #tpu.memory_space<hbm>>
        %dma_wait3A_242 = tpu.memref_squeeze %dma_wait3A_241 : memref<1x640xf32, #tpu.memory_space<hbm>> -> memref<640xf32, #tpu.memory_space<hbm>>
        %dma_wait3A_243 = arith.constant 0 : i32
        %dma_wait3A_244 = tpu.memref_slice %arg29[%dma_wait3A_243] : memref<10240xf32, #tpu.memory_space<vmem>> -> memref<640xf32, #tpu.memory_space<vmem>>
        %dma_wait3A_245 = tpu.memref_slice %arg9[%run_scoped3A_97, %mul3A_96] : memref<16x10240xf32, #tpu.memory_space<hbm>> -> memref<1x640xf32, #tpu.memory_space<hbm>>
        %dma_wait3A_246 = tpu.memref_squeeze %dma_wait3A_245 : memref<1x640xf32, #tpu.memory_space<hbm>> -> memref<640xf32, #tpu.memory_space<hbm>>
        tpu.wait_dma2 semaphore(%run_scoped3A_232 : memref<!tpu.dma_semaphore, #tpu.memory_space<semaphore_mem>>) src(%dma_wait3A_246 : memref<640xf32, #tpu.memory_space<hbm>>) dst(%dma_wait3A_244 : memref<640xf32, #tpu.memory_space<vmem>>)
        tpu.yield
      }) : () -> ()
      %scan3A_98 = arith.constant 0 : i32
      %scan3A_99 = arith.constant 0 : i32
      %scan3A_100 = arith.constant 40 : i32
      %scan3A_101 = arith.addi %scan3A_99, %scan3A_100 : i32
      %scan3A_102 = arith.constant 1 : i32
      scf.for %scan3A_232 = %scan3A_99 to %scan3A_101 step %scan3A_102  : i32 {
        %mul3A_233 = arith.constant 16 : i32
        %mul3A_234 = arith.muli %scan3A_232, %mul3A_233 : i32
        %get3A = arith.index_cast %mul3A_234 : i32 to index
        %get3A_235 = tpu.vector_load %arg30[%get3A] {strides = array<i32>} : memref<640xf32, #tpu.memory_space<vmem>>, vector<16xf32>,
        %get3A_236 = arith.index_cast %mul3A_234 : i32 to index
        %get3A_237 = tpu.vector_load %arg29[%get3A_236] {strides = array<i32>} : memref<10240xf32, #tpu.memory_space<vmem>>, vector<16xf32>,
        %add3A_238 = arith.addf %get3A_235, %get3A_237 : vector<16xf32>
        %swap3A = arith.index_cast %mul3A_234 : i32 to index
        %swap3A_239 = tpu.vector_load %arg30[%swap3A] {strides = array<i32>} : memref<640xf32, #tpu.memory_space<vmem>>, vector<16xf32>,
        tpu.vector_store %arg30[%swap3A], %add3A_238 {strides = array<i32>} : memref<640xf32, #tpu.memory_space<vmem>>, vector<16xf32>,
      }
      %scan3A_103 = arith.constant 40 : i32
      %mul3A_104 = arith.constant 640 : i32
      %mul3A_105 = arith.muli %arg1, %mul3A_104 : i32
      %run_scoped3A_106 = arith.constant 2 : i32
      "tpu.region"() ({
        %run_scoped3A_232 = tpu.sem_alloc : memref<!tpu.dma_semaphore, #tpu.memory_space<semaphore_mem>>
        %dma_start3A = arith.constant 0 : i32
        %dma_start3A_233 = tpu.memref_slice %arg29[%dma_start3A] : memref<10240xf32, #tpu.memory_space<vmem>> -> memref<640xf32, #tpu.memory_space<vmem>>
        %dma_start3A_234 = tpu.memref_slice %arg9[%run_scoped3A_106, %mul3A_105] : memref<16x10240xf32, #tpu.memory_space<hbm>> -> memref<1x640xf32, #tpu.memory_space<hbm>>
        %dma_start3A_235 = tpu.memref_squeeze %dma_start3A_234 : memref<1x640xf32, #tpu.memory_space<hbm>> -> memref<640xf32, #tpu.memory_space<hbm>>
        %dma_start3A_236 = arith.constant 0 : i32
        %dma_start3A_237 = tpu.memref_slice %arg29[%dma_start3A_236] : memref<10240xf32, #tpu.memory_space<vmem>> -> memref<640xf32, #tpu.memory_space<vmem>>
        %dma_start3A_238 = tpu.memref_slice %arg9[%run_scoped3A_106, %mul3A_105] : memref<16x10240xf32, #tpu.memory_space<hbm>> -> memref<1x640xf32, #tpu.memory_space<hbm>>
        %dma_start3A_239 = tpu.memref_squeeze %dma_start3A_238 : memref<1x640xf32, #tpu.memory_space<hbm>> -> memref<640xf32, #tpu.memory_space<hbm>>
        tpu.enqueue_dma source(%dma_start3A_239 : memref<640xf32, #tpu.memory_space<hbm>>) target(%dma_start3A_237 : memref<640xf32, #tpu.memory_space<vmem>>) target_semaphore(%run_scoped3A_232 : memref<!tpu.dma_semaphore, #tpu.memory_space<semaphore_mem>>)
        %dma_wait3A = arith.constant 0 : i32
        %dma_wait3A_240 = tpu.memref_slice %arg29[%dma_wait3A] : memref<10240xf32, #tpu.memory_space<vmem>> -> memref<640xf32, #tpu.memory_space<vmem>>
        %dma_wait3A_241 = tpu.memref_slice %arg9[%run_scoped3A_106, %mul3A_105] : memref<16x10240xf32, #tpu.memory_space<hbm>> -> memref<1x640xf32, #tpu.memory_space<hbm>>
        %dma_wait3A_242 = tpu.memref_squeeze %dma_wait3A_241 : memref<1x640xf32, #tpu.memory_space<hbm>> -> memref<640xf32, #tpu.memory_space<hbm>>
        %dma_wait3A_243 = arith.constant 0 : i32
        %dma_wait3A_244 = tpu.memref_slice %arg29[%dma_wait3A_243] : memref<10240xf32, #tpu.memory_space<vmem>> -> memref<640xf32, #tpu.memory_space<vmem>>
        %dma_wait3A_245 = tpu.memref_slice %arg9[%run_scoped3A_106, %mul3A_105] : memref<16x10240xf32, #tpu.memory_space<hbm>> -> memref<1x640xf32, #tpu.memory_space<hbm>>
        %dma_wait3A_246 = tpu.memref_squeeze %dma_wait3A_245 : memref<1x640xf32, #tpu.memory_space<hbm>> -> memref<640xf32, #tpu.memory_space<hbm>>
        tpu.wait_dma2 semaphore(%run_scoped3A_232 : memref<!tpu.dma_semaphore, #tpu.memory_space<semaphore_mem>>) src(%dma_wait3A_246 : memref<640xf32, #tpu.memory_space<hbm>>) dst(%dma_wait3A_244 : memref<640xf32, #tpu.memory_space<vmem>>)
        tpu.yield
      }) : () -> ()
      %scan3A_107 = arith.constant 0 : i32
      %scan3A_108 = arith.constant 0 : i32
      %scan3A_109 = arith.constant 40 : i32
      %scan3A_110 = arith.addi %scan3A_108, %scan3A_109 : i32
      %scan3A_111 = arith.constant 1 : i32
      scf.for %scan3A_232 = %scan3A_108 to %scan3A_110 step %scan3A_111  : i32 {
        %mul3A_233 = arith.constant 16 : i32
        %mul3A_234 = arith.muli %scan3A_232, %mul3A_233 : i32
        %get3A = arith.index_cast %mul3A_234 : i32 to index
        %get3A_235 = tpu.vector_load %arg30[%get3A] {strides = array<i32>} : memref<640xf32, #tpu.memory_space<vmem>>, vector<16xf32>,
        %get3A_236 = arith.index_cast %mul3A_234 : i32 to index
        %get3A_237 = tpu.vector_load %arg29[%get3A_236] {strides = array<i32>} : memref<10240xf32, #tpu.memory_space<vmem>>, vector<16xf32>,
        %add3A_238 = arith.addf %get3A_235, %get3A_237 : vector<16xf32>
        %swap3A = arith.index_cast %mul3A_234 : i32 to index
        %swap3A_239 = tpu.vector_load %arg30[%swap3A] {strides = array<i32>} : memref<640xf32, #tpu.memory_space<vmem>>, vector<16xf32>,
        tpu.vector_store %arg30[%swap3A], %add3A_238 {strides = array<i32>} : memref<640xf32, #tpu.memory_space<vmem>>, vector<16xf32>,
      }
      %scan3A_112 = arith.constant 40 : i32
      %mul3A_113 = arith.constant 640 : i32
      %mul3A_114 = arith.muli %arg1, %mul3A_113 : i32
      %run_scoped3A_115 = arith.constant 3 : i32
      "tpu.region"() ({
        %run_scoped3A_232 = tpu.sem_alloc : memref<!tpu.dma_semaphore, #tpu.memory_space<semaphore_mem>>
        %dma_start3A = arith.constant 0 : i32
        %dma_start3A_233 = tpu.memref_slice %arg29[%dma_start3A] : memref<10240xf32, #tpu.memory_space<vmem>> -> memref<640xf32, #tpu.memory_space<vmem>>
        %dma_start3A_234 = tpu.memref_slice %arg9[%run_scoped3A_115, %mul3A_114] : memref<16x10240xf32, #tpu.memory_space<hbm>> -> memref<1x640xf32, #tpu.memory_space<hbm>>
        %dma_start3A_235 = tpu.memref_squeeze %dma_start3A_234 : memref<1x640xf32, #tpu.memory_space<hbm>> -> memref<640xf32, #tpu.memory_space<hbm>>
        %dma_start3A_236 = arith.constant 0 : i32
        %dma_start3A_237 = tpu.memref_slice %arg29[%dma_start3A_236] : memref<10240xf32, #tpu.memory_space<vmem>> -> memref<640xf32, #tpu.memory_space<vmem>>
        %dma_start3A_238 = tpu.memref_slice %arg9[%run_scoped3A_115, %mul3A_114] : memref<16x10240xf32, #tpu.memory_space<hbm>> -> memref<1x640xf32, #tpu.memory_space<hbm>>
        %dma_start3A_239 = tpu.memref_squeeze %dma_start3A_238 : memref<1x640xf32, #tpu.memory_space<hbm>> -> memref<640xf32, #tpu.memory_space<hbm>>
        tpu.enqueue_dma source(%dma_start3A_239 : memref<640xf32, #tpu.memory_space<hbm>>) target(%dma_start3A_237 : memref<640xf32, #tpu.memory_space<vmem>>) target_semaphore(%run_scoped3A_232 : memref<!tpu.dma_semaphore, #tpu.memory_space<semaphore_mem>>)
        %dma_wait3A = arith.constant 0 : i32
        %dma_wait3A_240 = tpu.memref_slice %arg29[%dma_wait3A] : memref<10240xf32, #tpu.memory_space<vmem>> -> memref<640xf32, #tpu.memory_space<vmem>>
        %dma_wait3A_241 = tpu.memref_slice %arg9[%run_scoped3A_115, %mul3A_114] : memref<16x10240xf32, #tpu.memory_space<hbm>> -> memref<1x640xf32, #tpu.memory_space<hbm>>
        %dma_wait3A_242 = tpu.memref_squeeze %dma_wait3A_241 : memref<1x640xf32, #tpu.memory_space<hbm>> -> memref<640xf32, #tpu.memory_space<hbm>>
        %dma_wait3A_243 = arith.constant 0 : i32
        %dma_wait3A_244 = tpu.memref_slice %arg29[%dma_wait3A_243] : memref<10240xf32, #tpu.memory_space<vmem>> -> memref<640xf32, #tpu.memory_space<vmem>>
        %dma_wait3A_245 = tpu.memref_slice %arg9[%run_scoped3A_115, %mul3A_114] : memref<16x10240xf32, #tpu.memory_space<hbm>> -> memref<1x640xf32, #tpu.memory_space<hbm>>
        %dma_wait3A_246 = tpu.memref_squeeze %dma_wait3A_245 : memref<1x640xf32, #tpu.memory_space<hbm>> -> memref<640xf32, #tpu.memory_space<hbm>>
        tpu.wait_dma2 semaphore(%run_scoped3A_232 : memref<!tpu.dma_semaphore, #tpu.memory_space<semaphore_mem>>) src(%dma_wait3A_246 : memref<640xf32, #tpu.memory_space<hbm>>) dst(%dma_wait3A_244 : memref<640xf32, #tpu.memory_space<vmem>>)
        tpu.yield
      }) : () -> ()
      %scan3A_116 = arith.constant 0 : i32
      %scan3A_117 = arith.constant 0 : i32
      %scan3A_118 = arith.constant 40 : i32
      %scan3A_119 = arith.addi %scan3A_117, %scan3A_118 : i32
      %scan3A_120 = arith.constant 1 : i32
      scf.for %scan3A_232 = %scan3A_117 to %scan3A_119 step %scan3A_120  : i32 {
        %mul3A_233 = arith.constant 16 : i32
        %mul3A_234 = arith.muli %scan3A_232, %mul3A_233 : i32
        %get3A = arith.index_cast %mul3A_234 : i32 to index
        %get3A_235 = tpu.vector_load %arg30[%get3A] {strides = array<i32>} : memref<640xf32, #tpu.memory_space<vmem>>, vector<16xf32>,
        %get3A_236 = arith.index_cast %mul3A_234 : i32 to index
        %get3A_237 = tpu.vector_load %arg29[%get3A_236] {strides = array<i32>} : memref<10240xf32, #tpu.memory_space<vmem>>, vector<16xf32>,
        %add3A_238 = arith.addf %get3A_235, %get3A_237 : vector<16xf32>
        %swap3A = arith.index_cast %mul3A_234 : i32 to index
        %swap3A_239 = tpu.vector_load %arg30[%swap3A] {strides = array<i32>} : memref<640xf32, #tpu.memory_space<vmem>>, vector<16xf32>,
        tpu.vector_store %arg30[%swap3A], %add3A_238 {strides = array<i32>} : memref<640xf32, #tpu.memory_space<vmem>>, vector<16xf32>,
      }
      %scan3A_121 = arith.constant 40 : i32
      %mul3A_122 = arith.constant 640 : i32
      %mul3A_123 = arith.muli %arg1, %mul3A_122 : i32
      %run_scoped3A_124 = arith.constant 4 : i32
      "tpu.region"() ({
        %run_scoped3A_232 = tpu.sem_alloc : memref<!tpu.dma_semaphore, #tpu.memory_space<semaphore_mem>>
        %dma_start3A = arith.constant 0 : i32
        %dma_start3A_233 = tpu.memref_slice %arg29[%dma_start3A] : memref<10240xf32, #tpu.memory_space<vmem>> -> memref<640xf32, #tpu.memory_space<vmem>>
        %dma_start3A_234 = tpu.memref_slice %arg9[%run_scoped3A_124, %mul3A_123] : memref<16x10240xf32, #tpu.memory_space<hbm>> -> memref<1x640xf32, #tpu.memory_space<hbm>>
        %dma_start3A_235 = tpu.memref_squeeze %dma_start3A_234 : memref<1x640xf32, #tpu.memory_space<hbm>> -> memref<640xf32, #tpu.memory_space<hbm>>
        %dma_start3A_236 = arith.constant 0 : i32
        %dma_start3A_237 = tpu.memref_slice %arg29[%dma_start3A_236] : memref<10240xf32, #tpu.memory_space<vmem>> -> memref<640xf32, #tpu.memory_space<vmem>>
        %dma_start3A_238 = tpu.memref_slice %arg9[%run_scoped3A_124, %mul3A_123] : memref<16x10240xf32, #tpu.memory_space<hbm>> -> memref<1x640xf32, #tpu.memory_space<hbm>>
        %dma_start3A_239 = tpu.memref_squeeze %dma_start3A_238 : memref<1x640xf32, #tpu.memory_space<hbm>> -> memref<640xf32, #tpu.memory_space<hbm>>
        tpu.enqueue_dma source(%dma_start3A_239 : memref<640xf32, #tpu.memory_space<hbm>>) target(%dma_start3A_237 : memref<640xf32, #tpu.memory_space<vmem>>) target_semaphore(%run_scoped3A_232 : memref<!tpu.dma_semaphore, #tpu.memory_space<semaphore_mem>>)
        %dma_wait3A = arith.constant 0 : i32
        %dma_wait3A_240 = tpu.memref_slice %arg29[%dma_wait3A] : memref<10240xf32, #tpu.memory_space<vmem>> -> memref<640xf32, #tpu.memory_space<vmem>>
        %dma_wait3A_241 = tpu.memref_slice %arg9[%run_scoped3A_124, %mul3A_123] : memref<16x10240xf32, #tpu.memory_space<hbm>> -> memref<1x640xf32, #tpu.memory_space<hbm>>
        %dma_wait3A_242 = tpu.memref_squeeze %dma_wait3A_241 : memref<1x640xf32, #tpu.memory_space<hbm>> -> memref<640xf32, #tpu.memory_space<hbm>>
        %dma_wait3A_243 = arith.constant 0 : i32
        %dma_wait3A_244 = tpu.memref_slice %arg29[%dma_wait3A_243] : memref<10240xf32, #tpu.memory_space<vmem>> -> memref<640xf32, #tpu.memory_space<vmem>>
        %dma_wait3A_245 = tpu.memref_slice %arg9[%run_scoped3A_124, %mul3A_123] : memref<16x10240xf32, #tpu.memory_space<hbm>> -> memref<1x640xf32, #tpu.memory_space<hbm>>
        %dma_wait3A_246 = tpu.memref_squeeze %dma_wait3A_245 : memref<1x640xf32, #tpu.memory_space<hbm>> -> memref<640xf32, #tpu.memory_space<hbm>>
        tpu.wait_dma2 semaphore(%run_scoped3A_232 : memref<!tpu.dma_semaphore, #tpu.memory_space<semaphore_mem>>) src(%dma_wait3A_246 : memref<640xf32, #tpu.memory_space<hbm>>) dst(%dma_wait3A_244 : memref<640xf32, #tpu.memory_space<vmem>>)
        tpu.yield
      }) : () -> ()
      %scan3A_125 = arith.constant 0 : i32
      %scan3A_126 = arith.constant 0 : i32
      %scan3A_127 = arith.constant 40 : i32
      %scan3A_128 = arith.addi %scan3A_126, %scan3A_127 : i32
      %scan3A_129 = arith.constant 1 : i32
      scf.for %scan3A_232 = %scan3A_126 to %scan3A_128 step %scan3A_129  : i32 {
        %mul3A_233 = arith.constant 16 : i32
        %mul3A_234 = arith.muli %scan3A_232, %mul3A_233 : i32
        %get3A = arith.index_cast %mul3A_234 : i32 to index
        %get3A_235 = tpu.vector_load %arg30[%get3A] {strides = array<i32>} : memref<640xf32, #tpu.memory_space<vmem>>, vector<16xf32>,
        %get3A_236 = arith.index_cast %mul3A_234 : i32 to index
        %get3A_237 = tpu.vector_load %arg29[%get3A_236] {strides = array<i32>} : memref<10240xf32, #tpu.memory_space<vmem>>, vector<16xf32>,
        %add3A_238 = arith.addf %get3A_235, %get3A_237 : vector<16xf32>
        %swap3A = arith.index_cast %mul3A_234 : i32 to index
        %swap3A_239 = tpu.vector_load %arg30[%swap3A] {strides = array<i32>} : memref<640xf32, #tpu.memory_space<vmem>>, vector<16xf32>,
        tpu.vector_store %arg30[%swap3A], %add3A_238 {strides = array<i32>} : memref<640xf32, #tpu.memory_space<vmem>>, vector<16xf32>,
      }
      %scan3A_130 = arith.constant 40 : i32
      %mul3A_131 = arith.constant 640 : i32
      %mul3A_132 = arith.muli %arg1, %mul3A_131 : i32
      %run_scoped3A_133 = arith.constant 5 : i32
      "tpu.region"() ({
        %run_scoped3A_232 = tpu.sem_alloc : memref<!tpu.dma_semaphore, #tpu.memory_space<semaphore_mem>>
        %dma_start3A = arith.constant 0 : i32
        %dma_start3A_233 = tpu.memref_slice %arg29[%dma_start3A] : memref<10240xf32, #tpu.memory_space<vmem>> -> memref<640xf32, #tpu.memory_space<vmem>>
        %dma_start3A_234 = tpu.memref_slice %arg9[%run_scoped3A_133, %mul3A_132] : memref<16x10240xf32, #tpu.memory_space<hbm>> -> memref<1x640xf32, #tpu.memory_space<hbm>>
        %dma_start3A_235 = tpu.memref_squeeze %dma_start3A_234 : memref<1x640xf32, #tpu.memory_space<hbm>> -> memref<640xf32, #tpu.memory_space<hbm>>
        %dma_start3A_236 = arith.constant 0 : i32
        %dma_start3A_237 = tpu.memref_slice %arg29[%dma_start3A_236] : memref<10240xf32, #tpu.memory_space<vmem>> -> memref<640xf32, #tpu.memory_space<vmem>>
        %dma_start3A_238 = tpu.memref_slice %arg9[%run_scoped3A_133, %mul3A_132] : memref<16x10240xf32, #tpu.memory_space<hbm>> -> memref<1x640xf32, #tpu.memory_space<hbm>>
        %dma_start3A_239 = tpu.memref_squeeze %dma_start3A_238 : memref<1x640xf32, #tpu.memory_space<hbm>> -> memref<640xf32, #tpu.memory_space<hbm>>
        tpu.enqueue_dma source(%dma_start3A_239 : memref<640xf32, #tpu.memory_space<hbm>>) target(%dma_start3A_237 : memref<640xf32, #tpu.memory_space<vmem>>) target_semaphore(%run_scoped3A_232 : memref<!tpu.dma_semaphore, #tpu.memory_space<semaphore_mem>>)
        %dma_wait3A = arith.constant 0 : i32
        %dma_wait3A_240 = tpu.memref_slice %arg29[%dma_wait3A] : memref<10240xf32, #tpu.memory_space<vmem>> -> memref<640xf32, #tpu.memory_space<vmem>>
        %dma_wait3A_241 = tpu.memref_slice %arg9[%run_scoped3A_133, %mul3A_132] : memref<16x10240xf32, #tpu.memory_space<hbm>> -> memref<1x640xf32, #tpu.memory_space<hbm>>
        %dma_wait3A_242 = tpu.memref_squeeze %dma_wait3A_241 : memref<1x640xf32, #tpu.memory_space<hbm>> -> memref<640xf32, #tpu.memory_space<hbm>>
        %dma_wait3A_243 = arith.constant 0 : i32
        %dma_wait3A_244 = tpu.memref_slice %arg29[%dma_wait3A_243] : memref<10240xf32, #tpu.memory_space<vmem>> -> memref<640xf32, #tpu.memory_space<vmem>>
        %dma_wait3A_245 = tpu.memref_slice %arg9[%run_scoped3A_133, %mul3A_132] : memref<16x10240xf32, #tpu.memory_space<hbm>> -> memref<1x640xf32, #tpu.memory_space<hbm>>
        %dma_wait3A_246 = tpu.memref_squeeze %dma_wait3A_245 : memref<1x640xf32, #tpu.memory_space<hbm>> -> memref<640xf32, #tpu.memory_space<hbm>>
        tpu.wait_dma2 semaphore(%run_scoped3A_232 : memref<!tpu.dma_semaphore, #tpu.memory_space<semaphore_mem>>) src(%dma_wait3A_246 : memref<640xf32, #tpu.memory_space<hbm>>) dst(%dma_wait3A_244 : memref<640xf32, #tpu.memory_space<vmem>>)
        tpu.yield
      }) : () -> ()
      %scan3A_134 = arith.constant 0 : i32
      %scan3A_135 = arith.constant 0 : i32
      %scan3A_136 = arith.constant 40 : i32
      %scan3A_137 = arith.addi %scan3A_135, %scan3A_136 : i32
      %scan3A_138 = arith.constant 1 : i32
      scf.for %scan3A_232 = %scan3A_135 to %scan3A_137 step %scan3A_138  : i32 {
        %mul3A_233 = arith.constant 16 : i32
        %mul3A_234 = arith.muli %scan3A_232, %mul3A_233 : i32
        %get3A = arith.index_cast %mul3A_234 : i32 to index
        %get3A_235 = tpu.vector_load %arg30[%get3A] {strides = array<i32>} : memref<640xf32, #tpu.memory_space<vmem>>, vector<16xf32>,
        %get3A_236 = arith.index_cast %mul3A_234 : i32 to index
        %get3A_237 = tpu.vector_load %arg29[%get3A_236] {strides = array<i32>} : memref<10240xf32, #tpu.memory_space<vmem>>, vector<16xf32>,
        %add3A_238 = arith.addf %get3A_235, %get3A_237 : vector<16xf32>
        %swap3A = arith.index_cast %mul3A_234 : i32 to index
        %swap3A_239 = tpu.vector_load %arg30[%swap3A] {strides = array<i32>} : memref<640xf32, #tpu.memory_space<vmem>>, vector<16xf32>,
        tpu.vector_store %arg30[%swap3A], %add3A_238 {strides = array<i32>} : memref<640xf32, #tpu.memory_space<vmem>>, vector<16xf32>,
      }
      %scan3A_139 = arith.constant 40 : i32
      %mul3A_140 = arith.constant 640 : i32
      %mul3A_141 = arith.muli %arg1, %mul3A_140 : i32
      %run_scoped3A_142 = arith.constant 6 : i32
      "tpu.region"() ({
        %run_scoped3A_232 = tpu.sem_alloc : memref<!tpu.dma_semaphore, #tpu.memory_space<semaphore_mem>>
        %dma_start3A = arith.constant 0 : i32
        %dma_start3A_233 = tpu.memref_slice %arg29[%dma_start3A] : memref<10240xf32, #tpu.memory_space<vmem>> -> memref<640xf32, #tpu.memory_space<vmem>>
        %dma_start3A_234 = tpu.memref_slice %arg9[%run_scoped3A_142, %mul3A_141] : memref<16x10240xf32, #tpu.memory_space<hbm>> -> memref<1x640xf32, #tpu.memory_space<hbm>>
        %dma_start3A_235 = tpu.memref_squeeze %dma_start3A_234 : memref<1x640xf32, #tpu.memory_space<hbm>> -> memref<640xf32, #tpu.memory_space<hbm>>
        %dma_start3A_236 = arith.constant 0 : i32
        %dma_start3A_237 = tpu.memref_slice %arg29[%dma_start3A_236] : memref<10240xf32, #tpu.memory_space<vmem>> -> memref<640xf32, #tpu.memory_space<vmem>>
        %dma_start3A_238 = tpu.memref_slice %arg9[%run_scoped3A_142, %mul3A_141] : memref<16x10240xf32, #tpu.memory_space<hbm>> -> memref<1x640xf32, #tpu.memory_space<hbm>>
        %dma_start3A_239 = tpu.memref_squeeze %dma_start3A_238 : memref<1x640xf32, #tpu.memory_space<hbm>> -> memref<640xf32, #tpu.memory_space<hbm>>
        tpu.enqueue_dma source(%dma_start3A_239 : memref<640xf32, #tpu.memory_space<hbm>>) target(%dma_start3A_237 : memref<640xf32, #tpu.memory_space<vmem>>) target_semaphore(%run_scoped3A_232 : memref<!tpu.dma_semaphore, #tpu.memory_space<semaphore_mem>>)
        %dma_wait3A = arith.constant 0 : i32
        %dma_wait3A_240 = tpu.memref_slice %arg29[%dma_wait3A] : memref<10240xf32, #tpu.memory_space<vmem>> -> memref<640xf32, #tpu.memory_space<vmem>>
        %dma_wait3A_241 = tpu.memref_slice %arg9[%run_scoped3A_142, %mul3A_141] : memref<16x10240xf32, #tpu.memory_space<hbm>> -> memref<1x640xf32, #tpu.memory_space<hbm>>
        %dma_wait3A_242 = tpu.memref_squeeze %dma_wait3A_241 : memref<1x640xf32, #tpu.memory_space<hbm>> -> memref<640xf32, #tpu.memory_space<hbm>>
        %dma_wait3A_243 = arith.constant 0 : i32
        %dma_wait3A_244 = tpu.memref_slice %arg29[%dma_wait3A_243] : memref<10240xf32, #tpu.memory_space<vmem>> -> memref<640xf32, #tpu.memory_space<vmem>>
        %dma_wait3A_245 = tpu.memref_slice %arg9[%run_scoped3A_142, %mul3A_141] : memref<16x10240xf32, #tpu.memory_space<hbm>> -> memref<1x640xf32, #tpu.memory_space<hbm>>
        %dma_wait3A_246 = tpu.memref_squeeze %dma_wait3A_245 : memref<1x640xf32, #tpu.memory_space<hbm>> -> memref<640xf32, #tpu.memory_space<hbm>>
        tpu.wait_dma2 semaphore(%run_scoped3A_232 : memref<!tpu.dma_semaphore, #tpu.memory_space<semaphore_mem>>) src(%dma_wait3A_246 : memref<640xf32, #tpu.memory_space<hbm>>) dst(%dma_wait3A_244 : memref<640xf32, #tpu.memory_space<vmem>>)
        tpu.yield
      }) : () -> ()
      %scan3A_143 = arith.constant 0 : i32
      %scan3A_144 = arith.constant 0 : i32
      %scan3A_145 = arith.constant 40 : i32
      %scan3A_146 = arith.addi %scan3A_144, %scan3A_145 : i32
      %scan3A_147 = arith.constant 1 : i32
      scf.for %scan3A_232 = %scan3A_144 to %scan3A_146 step %scan3A_147  : i32 {
        %mul3A_233 = arith.constant 16 : i32
        %mul3A_234 = arith.muli %scan3A_232, %mul3A_233 : i32
        %get3A = arith.index_cast %mul3A_234 : i32 to index
        %get3A_235 = tpu.vector_load %arg30[%get3A] {strides = array<i32>} : memref<640xf32, #tpu.memory_space<vmem>>, vector<16xf32>,
        %get3A_236 = arith.index_cast %mul3A_234 : i32 to index
        %get3A_237 = tpu.vector_load %arg29[%get3A_236] {strides = array<i32>} : memref<10240xf32, #tpu.memory_space<vmem>>, vector<16xf32>,
        %add3A_238 = arith.addf %get3A_235, %get3A_237 : vector<16xf32>
        %swap3A = arith.index_cast %mul3A_234 : i32 to index
        %swap3A_239 = tpu.vector_load %arg30[%swap3A] {strides = array<i32>} : memref<640xf32, #tpu.memory_space<vmem>>, vector<16xf32>,
        tpu.vector_store %arg30[%swap3A], %add3A_238 {strides = array<i32>} : memref<640xf32, #tpu.memory_space<vmem>>, vector<16xf32>,
      }
      %scan3A_148 = arith.constant 40 : i32
      %mul3A_149 = arith.constant 640 : i32
      %mul3A_150 = arith.muli %arg1, %mul3A_149 : i32
      %run_scoped3A_151 = arith.constant 7 : i32
      "tpu.region"() ({
        %run_scoped3A_232 = tpu.sem_alloc : memref<!tpu.dma_semaphore, #tpu.memory_space<semaphore_mem>>
        %dma_start3A = arith.constant 0 : i32
        %dma_start3A_233 = tpu.memref_slice %arg29[%dma_start3A] : memref<10240xf32, #tpu.memory_space<vmem>> -> memref<640xf32, #tpu.memory_space<vmem>>
        %dma_start3A_234 = tpu.memref_slice %arg9[%run_scoped3A_151, %mul3A_150] : memref<16x10240xf32, #tpu.memory_space<hbm>> -> memref<1x640xf32, #tpu.memory_space<hbm>>
        %dma_start3A_235 = tpu.memref_squeeze %dma_start3A_234 : memref<1x640xf32, #tpu.memory_space<hbm>> -> memref<640xf32, #tpu.memory_space<hbm>>
        %dma_start3A_236 = arith.constant 0 : i32
        %dma_start3A_237 = tpu.memref_slice %arg29[%dma_start3A_236] : memref<10240xf32, #tpu.memory_space<vmem>> -> memref<640xf32, #tpu.memory_space<vmem>>
        %dma_start3A_238 = tpu.memref_slice %arg9[%run_scoped3A_151, %mul3A_150] : memref<16x10240xf32, #tpu.memory_space<hbm>> -> memref<1x640xf32, #tpu.memory_space<hbm>>
        %dma_start3A_239 = tpu.memref_squeeze %dma_start3A_238 : memref<1x640xf32, #tpu.memory_space<hbm>> -> memref<640xf32, #tpu.memory_space<hbm>>
        tpu.enqueue_dma source(%dma_start3A_239 : memref<640xf32, #tpu.memory_space<hbm>>) target(%dma_start3A_237 : memref<640xf32, #tpu.memory_space<vmem>>) target_semaphore(%run_scoped3A_232 : memref<!tpu.dma_semaphore, #tpu.memory_space<semaphore_mem>>)
        %dma_wait3A = arith.constant 0 : i32
        %dma_wait3A_240 = tpu.memref_slice %arg29[%dma_wait3A] : memref<10240xf32, #tpu.memory_space<vmem>> -> memref<640xf32, #tpu.memory_space<vmem>>
        %dma_wait3A_241 = tpu.memref_slice %arg9[%run_scoped3A_151, %mul3A_150] : memref<16x10240xf32, #tpu.memory_space<hbm>> -> memref<1x640xf32, #tpu.memory_space<hbm>>
        %dma_wait3A_242 = tpu.memref_squeeze %dma_wait3A_241 : memref<1x640xf32, #tpu.memory_space<hbm>> -> memref<640xf32, #tpu.memory_space<hbm>>
        %dma_wait3A_243 = arith.constant 0 : i32
        %dma_wait3A_244 = tpu.memref_slice %arg29[%dma_wait3A_243] : memref<10240xf32, #tpu.memory_space<vmem>> -> memref<640xf32, #tpu.memory_space<vmem>>
        %dma_wait3A_245 = tpu.memref_slice %arg9[%run_scoped3A_151, %mul3A_150] : memref<16x10240xf32, #tpu.memory_space<hbm>> -> memref<1x640xf32, #tpu.memory_space<hbm>>
        %dma_wait3A_246 = tpu.memref_squeeze %dma_wait3A_245 : memref<1x640xf32, #tpu.memory_space<hbm>> -> memref<640xf32, #tpu.memory_space<hbm>>
        tpu.wait_dma2 semaphore(%run_scoped3A_232 : memref<!tpu.dma_semaphore, #tpu.memory_space<semaphore_mem>>) src(%dma_wait3A_246 : memref<640xf32, #tpu.memory_space<hbm>>) dst(%dma_wait3A_244 : memref<640xf32, #tpu.memory_space<vmem>>)
        tpu.yield
      }) : () -> ()
      %scan3A_152 = arith.constant 0 : i32
      %scan3A_153 = arith.constant 0 : i32
      %scan3A_154 = arith.constant 40 : i32
      %scan3A_155 = arith.addi %scan3A_153, %scan3A_154 : i32
      %scan3A_156 = arith.constant 1 : i32
      scf.for %scan3A_232 = %scan3A_153 to %scan3A_155 step %scan3A_156  : i32 {
        %mul3A_233 = arith.constant 16 : i32
        %mul3A_234 = arith.muli %scan3A_232, %mul3A_233 : i32
        %get3A = arith.index_cast %mul3A_234 : i32 to index
        %get3A_235 = tpu.vector_load %arg30[%get3A] {strides = array<i32>} : memref<640xf32, #tpu.memory_space<vmem>>, vector<16xf32>,
        %get3A_236 = arith.index_cast %mul3A_234 : i32 to index
        %get3A_237 = tpu.vector_load %arg29[%get3A_236] {strides = array<i32>} : memref<10240xf32, #tpu.memory_space<vmem>>, vector<16xf32>,
        %add3A_238 = arith.addf %get3A_235, %get3A_237 : vector<16xf32>
        %swap3A = arith.index_cast %mul3A_234 : i32 to index
        %swap3A_239 = tpu.vector_load %arg30[%swap3A] {strides = array<i32>} : memref<640xf32, #tpu.memory_space<vmem>>, vector<16xf32>,
        tpu.vector_store %arg30[%swap3A], %add3A_238 {strides = array<i32>} : memref<640xf32, #tpu.memory_space<vmem>>, vector<16xf32>,
      }
      %scan3A_157 = arith.constant 40 : i32
      %mul3A_158 = arith.constant 640 : i32
      %mul3A_159 = arith.muli %arg1, %mul3A_158 : i32
      %run_scoped3A_160 = arith.constant 8 : i32
      "tpu.region"() ({
        %run_scoped3A_232 = tpu.sem_alloc : memref<!tpu.dma_semaphore, #tpu.memory_space<semaphore_mem>>
        %dma_start3A = arith.constant 0 : i32
        %dma_start3A_233 = tpu.memref_slice %arg29[%dma_start3A] : memref<10240xf32, #tpu.memory_space<vmem>> -> memref<640xf32, #tpu.memory_space<vmem>>
        %dma_start3A_234 = tpu.memref_slice %arg9[%run_scoped3A_160, %mul3A_159] : memref<16x10240xf32, #tpu.memory_space<hbm>> -> memref<1x640xf32, #tpu.memory_space<hbm>>
        %dma_start3A_235 = tpu.memref_squeeze %dma_start3A_234 : memref<1x640xf32, #tpu.memory_space<hbm>> -> memref<640xf32, #tpu.memory_space<hbm>>
        %dma_start3A_236 = arith.constant 0 : i32
        %dma_start3A_237 = tpu.memref_slice %arg29[%dma_start3A_236] : memref<10240xf32, #tpu.memory_space<vmem>> -> memref<640xf32, #tpu.memory_space<vmem>>
        %dma_start3A_238 = tpu.memref_slice %arg9[%run_scoped3A_160, %mul3A_159] : memref<16x10240xf32, #tpu.memory_space<hbm>> -> memref<1x640xf32, #tpu.memory_space<hbm>>
        %dma_start3A_239 = tpu.memref_squeeze %dma_start3A_238 : memref<1x640xf32, #tpu.memory_space<hbm>> -> memref<640xf32, #tpu.memory_space<hbm>>
        tpu.enqueue_dma source(%dma_start3A_239 : memref<640xf32, #tpu.memory_space<hbm>>) target(%dma_start3A_237 : memref<640xf32, #tpu.memory_space<vmem>>) target_semaphore(%run_scoped3A_232 : memref<!tpu.dma_semaphore, #tpu.memory_space<semaphore_mem>>)
        %dma_wait3A = arith.constant 0 : i32
        %dma_wait3A_240 = tpu.memref_slice %arg29[%dma_wait3A] : memref<10240xf32, #tpu.memory_space<vmem>> -> memref<640xf32, #tpu.memory_space<vmem>>
        %dma_wait3A_241 = tpu.memref_slice %arg9[%run_scoped3A_160, %mul3A_159] : memref<16x10240xf32, #tpu.memory_space<hbm>> -> memref<1x640xf32, #tpu.memory_space<hbm>>
        %dma_wait3A_242 = tpu.memref_squeeze %dma_wait3A_241 : memref<1x640xf32, #tpu.memory_space<hbm>> -> memref<640xf32, #tpu.memory_space<hbm>>
        %dma_wait3A_243 = arith.constant 0 : i32
        %dma_wait3A_244 = tpu.memref_slice %arg29[%dma_wait3A_243] : memref<10240xf32, #tpu.memory_space<vmem>> -> memref<640xf32, #tpu.memory_space<vmem>>
        %dma_wait3A_245 = tpu.memref_slice %arg9[%run_scoped3A_160, %mul3A_159] : memref<16x10240xf32, #tpu.memory_space<hbm>> -> memref<1x640xf32, #tpu.memory_space<hbm>>
        %dma_wait3A_246 = tpu.memref_squeeze %dma_wait3A_245 : memref<1x640xf32, #tpu.memory_space<hbm>> -> memref<640xf32, #tpu.memory_space<hbm>>
        tpu.wait_dma2 semaphore(%run_scoped3A_232 : memref<!tpu.dma_semaphore, #tpu.memory_space<semaphore_mem>>) src(%dma_wait3A_246 : memref<640xf32, #tpu.memory_space<hbm>>) dst(%dma_wait3A_244 : memref<640xf32, #tpu.memory_space<vmem>>)
        tpu.yield
      }) : () -> ()
      %scan3A_161 = arith.constant 0 : i32
      %scan3A_162 = arith.constant 0 : i32
      %scan3A_163 = arith.constant 40 : i32
      %scan3A_164 = arith.addi %scan3A_162, %scan3A_163 : i32
      %scan3A_165 = arith.constant 1 : i32
      scf.for %scan3A_232 = %scan3A_162 to %scan3A_164 step %scan3A_165  : i32 {
        %mul3A_233 = arith.constant 16 : i32
        %mul3A_234 = arith.muli %scan3A_232, %mul3A_233 : i32
        %get3A = arith.index_cast %mul3A_234 : i32 to index
        %get3A_235 = tpu.vector_load %arg30[%get3A] {strides = array<i32>} : memref<640xf32, #tpu.memory_space<vmem>>, vector<16xf32>,
        %get3A_236 = arith.index_cast %mul3A_234 : i32 to index
        %get3A_237 = tpu.vector_load %arg29[%get3A_236] {strides = array<i32>} : memref<10240xf32, #tpu.memory_space<vmem>>, vector<16xf32>,
        %add3A_238 = arith.addf %get3A_235, %get3A_237 : vector<16xf32>
        %swap3A = arith.index_cast %mul3A_234 : i32 to index
        %swap3A_239 = tpu.vector_load %arg30[%swap3A] {strides = array<i32>} : memref<640xf32, #tpu.memory_space<vmem>>, vector<16xf32>,
        tpu.vector_store %arg30[%swap3A], %add3A_238 {strides = array<i32>} : memref<640xf32, #tpu.memory_space<vmem>>, vector<16xf32>,
      }
      %scan3A_166 = arith.constant 40 : i32
      %mul3A_167 = arith.constant 640 : i32
      %mul3A_168 = arith.muli %arg1, %mul3A_167 : i32
      %run_scoped3A_169 = arith.constant 9 : i32
      "tpu.region"() ({
        %run_scoped3A_232 = tpu.sem_alloc : memref<!tpu.dma_semaphore, #tpu.memory_space<semaphore_mem>>
        %dma_start3A = arith.constant 0 : i32
        %dma_start3A_233 = tpu.memref_slice %arg29[%dma_start3A] : memref<10240xf32, #tpu.memory_space<vmem>> -> memref<640xf32, #tpu.memory_space<vmem>>
        %dma_start3A_234 = tpu.memref_slice %arg9[%run_scoped3A_169, %mul3A_168] : memref<16x10240xf32, #tpu.memory_space<hbm>> -> memref<1x640xf32, #tpu.memory_space<hbm>>
        %dma_start3A_235 = tpu.memref_squeeze %dma_start3A_234 : memref<1x640xf32, #tpu.memory_space<hbm>> -> memref<640xf32, #tpu.memory_space<hbm>>
        %dma_start3A_236 = arith.constant 0 : i32
        %dma_start3A_237 = tpu.memref_slice %arg29[%dma_start3A_236] : memref<10240xf32, #tpu.memory_space<vmem>> -> memref<640xf32, #tpu.memory_space<vmem>>
        %dma_start3A_238 = tpu.memref_slice %arg9[%run_scoped3A_169, %mul3A_168] : memref<16x10240xf32, #tpu.memory_space<hbm>> -> memref<1x640xf32, #tpu.memory_space<hbm>>
        %dma_start3A_239 = tpu.memref_squeeze %dma_start3A_238 : memref<1x640xf32, #tpu.memory_space<hbm>> -> memref<640xf32, #tpu.memory_space<hbm>>
        tpu.enqueue_dma source(%dma_start3A_239 : memref<640xf32, #tpu.memory_space<hbm>>) target(%dma_start3A_237 : memref<640xf32, #tpu.memory_space<vmem>>) target_semaphore(%run_scoped3A_232 : memref<!tpu.dma_semaphore, #tpu.memory_space<semaphore_mem>>)
        %dma_wait3A = arith.constant 0 : i32
        %dma_wait3A_240 = tpu.memref_slice %arg29[%dma_wait3A] : memref<10240xf32, #tpu.memory_space<vmem>> -> memref<640xf32, #tpu.memory_space<vmem>>
        %dma_wait3A_241 = tpu.memref_slice %arg9[%run_scoped3A_169, %mul3A_168] : memref<16x10240xf32, #tpu.memory_space<hbm>> -> memref<1x640xf32, #tpu.memory_space<hbm>>
        %dma_wait3A_242 = tpu.memref_squeeze %dma_wait3A_241 : memref<1x640xf32, #tpu.memory_space<hbm>> -> memref<640xf32, #tpu.memory_space<hbm>>
        %dma_wait3A_243 = arith.constant 0 : i32
        %dma_wait3A_244 = tpu.memref_slice %arg29[%dma_wait3A_243] : memref<10240xf32, #tpu.memory_space<vmem>> -> memref<640xf32, #tpu.memory_space<vmem>>
        %dma_wait3A_245 = tpu.memref_slice %arg9[%run_scoped3A_169, %mul3A_168] : memref<16x10240xf32, #tpu.memory_space<hbm>> -> memref<1x640xf32, #tpu.memory_space<hbm>>
        %dma_wait3A_246 = tpu.memref_squeeze %dma_wait3A_245 : memref<1x640xf32, #tpu.memory_space<hbm>> -> memref<640xf32, #tpu.memory_space<hbm>>
        tpu.wait_dma2 semaphore(%run_scoped3A_232 : memref<!tpu.dma_semaphore, #tpu.memory_space<semaphore_mem>>) src(%dma_wait3A_246 : memref<640xf32, #tpu.memory_space<hbm>>) dst(%dma_wait3A_244 : memref<640xf32, #tpu.memory_space<vmem>>)
        tpu.yield
      }) : () -> ()
      %scan3A_170 = arith.constant 0 : i32
      %scan3A_171 = arith.constant 0 : i32
      %scan3A_172 = arith.constant 40 : i32
      %scan3A_173 = arith.addi %scan3A_171, %scan3A_172 : i32
      %scan3A_174 = arith.constant 1 : i32
      scf.for %scan3A_232 = %scan3A_171 to %scan3A_173 step %scan3A_174  : i32 {
        %mul3A_233 = arith.constant 16 : i32
        %mul3A_234 = arith.muli %scan3A_232, %mul3A_233 : i32
        %get3A = arith.index_cast %mul3A_234 : i32 to index
        %get3A_235 = tpu.vector_load %arg30[%get3A] {strides = array<i32>} : memref<640xf32, #tpu.memory_space<vmem>>, vector<16xf32>,
        %get3A_236 = arith.index_cast %mul3A_234 : i32 to index
        %get3A_237 = tpu.vector_load %arg29[%get3A_236] {strides = array<i32>} : memref<10240xf32, #tpu.memory_space<vmem>>, vector<16xf32>,
        %add3A_238 = arith.addf %get3A_235, %get3A_237 : vector<16xf32>
        %swap3A = arith.index_cast %mul3A_234 : i32 to index
        %swap3A_239 = tpu.vector_load %arg30[%swap3A] {strides = array<i32>} : memref<640xf32, #tpu.memory_space<vmem>>, vector<16xf32>,
        tpu.vector_store %arg30[%swap3A], %add3A_238 {strides = array<i32>} : memref<640xf32, #tpu.memory_space<vmem>>, vector<16xf32>,
      }
      %scan3A_175 = arith.constant 40 : i32
      %mul3A_176 = arith.constant 640 : i32
      %mul3A_177 = arith.muli %arg1, %mul3A_176 : i32
      %run_scoped3A_178 = arith.constant 10 : i32
      "tpu.region"() ({
        %run_scoped3A_232 = tpu.sem_alloc : memref<!tpu.dma_semaphore, #tpu.memory_space<semaphore_mem>>
        %dma_start3A = arith.constant 0 : i32
        %dma_start3A_233 = tpu.memref_slice %arg29[%dma_start3A] : memref<10240xf32, #tpu.memory_space<vmem>> -> memref<640xf32, #tpu.memory_space<vmem>>
        %dma_start3A_234 = tpu.memref_slice %arg9[%run_scoped3A_178, %mul3A_177] : memref<16x10240xf32, #tpu.memory_space<hbm>> -> memref<1x640xf32, #tpu.memory_space<hbm>>
        %dma_start3A_235 = tpu.memref_squeeze %dma_start3A_234 : memref<1x640xf32, #tpu.memory_space<hbm>> -> memref<640xf32, #tpu.memory_space<hbm>>
        %dma_start3A_236 = arith.constant 0 : i32
        %dma_start3A_237 = tpu.memref_slice %arg29[%dma_start3A_236] : memref<10240xf32, #tpu.memory_space<vmem>> -> memref<640xf32, #tpu.memory_space<vmem>>
        %dma_start3A_238 = tpu.memref_slice %arg9[%run_scoped3A_178, %mul3A_177] : memref<16x10240xf32, #tpu.memory_space<hbm>> -> memref<1x640xf32, #tpu.memory_space<hbm>>
        %dma_start3A_239 = tpu.memref_squeeze %dma_start3A_238 : memref<1x640xf32, #tpu.memory_space<hbm>> -> memref<640xf32, #tpu.memory_space<hbm>>
        tpu.enqueue_dma source(%dma_start3A_239 : memref<640xf32, #tpu.memory_space<hbm>>) target(%dma_start3A_237 : memref<640xf32, #tpu.memory_space<vmem>>) target_semaphore(%run_scoped3A_232 : memref<!tpu.dma_semaphore, #tpu.memory_space<semaphore_mem>>)
        %dma_wait3A = arith.constant 0 : i32
        %dma_wait3A_240 = tpu.memref_slice %arg29[%dma_wait3A] : memref<10240xf32, #tpu.memory_space<vmem>> -> memref<640xf32, #tpu.memory_space<vmem>>
        %dma_wait3A_241 = tpu.memref_slice %arg9[%run_scoped3A_178, %mul3A_177] : memref<16x10240xf32, #tpu.memory_space<hbm>> -> memref<1x640xf32, #tpu.memory_space<hbm>>
        %dma_wait3A_242 = tpu.memref_squeeze %dma_wait3A_241 : memref<1x640xf32, #tpu.memory_space<hbm>> -> memref<640xf32, #tpu.memory_space<hbm>>
        %dma_wait3A_243 = arith.constant 0 : i32
        %dma_wait3A_244 = tpu.memref_slice %arg29[%dma_wait3A_243] : memref<10240xf32, #tpu.memory_space<vmem>> -> memref<640xf32, #tpu.memory_space<vmem>>
        %dma_wait3A_245 = tpu.memref_slice %arg9[%run_scoped3A_178, %mul3A_177] : memref<16x10240xf32, #tpu.memory_space<hbm>> -> memref<1x640xf32, #tpu.memory_space<hbm>>
        %dma_wait3A_246 = tpu.memref_squeeze %dma_wait3A_245 : memref<1x640xf32, #tpu.memory_space<hbm>> -> memref<640xf32, #tpu.memory_space<hbm>>
        tpu.wait_dma2 semaphore(%run_scoped3A_232 : memref<!tpu.dma_semaphore, #tpu.memory_space<semaphore_mem>>) src(%dma_wait3A_246 : memref<640xf32, #tpu.memory_space<hbm>>) dst(%dma_wait3A_244 : memref<640xf32, #tpu.memory_space<vmem>>)
        tpu.yield
      }) : () -> ()
      %scan3A_179 = arith.constant 0 : i32
      %scan3A_180 = arith.constant 0 : i32
      %scan3A_181 = arith.constant 40 : i32
      %scan3A_182 = arith.addi %scan3A_180, %scan3A_181 : i32
      %scan3A_183 = arith.constant 1 : i32
      scf.for %scan3A_232 = %scan3A_180 to %scan3A_182 step %scan3A_183  : i32 {
        %mul3A_233 = arith.constant 16 : i32
        %mul3A_234 = arith.muli %scan3A_232, %mul3A_233 : i32
        %get3A = arith.index_cast %mul3A_234 : i32 to index
        %get3A_235 = tpu.vector_load %arg30[%get3A] {strides = array<i32>} : memref<640xf32, #tpu.memory_space<vmem>>, vector<16xf32>,
        %get3A_236 = arith.index_cast %mul3A_234 : i32 to index
        %get3A_237 = tpu.vector_load %arg29[%get3A_236] {strides = array<i32>} : memref<10240xf32, #tpu.memory_space<vmem>>, vector<16xf32>,
        %add3A_238 = arith.addf %get3A_235, %get3A_237 : vector<16xf32>
        %swap3A = arith.index_cast %mul3A_234 : i32 to index
        %swap3A_239 = tpu.vector_load %arg30[%swap3A] {strides = array<i32>} : memref<640xf32, #tpu.memory_space<vmem>>, vector<16xf32>,
        tpu.vector_store %arg30[%swap3A], %add3A_238 {strides = array<i32>} : memref<640xf32, #tpu.memory_space<vmem>>, vector<16xf32>,
      }
      %scan3A_184 = arith.constant 40 : i32
      %mul3A_185 = arith.constant 640 : i32
      %mul3A_186 = arith.muli %arg1, %mul3A_185 : i32
      %run_scoped3A_187 = arith.constant 11 : i32
      "tpu.region"() ({
        %run_scoped3A_232 = tpu.sem_alloc : memref<!tpu.dma_semaphore, #tpu.memory_space<semaphore_mem>>
        %dma_start3A = arith.constant 0 : i32
        %dma_start3A_233 = tpu.memref_slice %arg29[%dma_start3A] : memref<10240xf32, #tpu.memory_space<vmem>> -> memref<640xf32, #tpu.memory_space<vmem>>
        %dma_start3A_234 = tpu.memref_slice %arg9[%run_scoped3A_187, %mul3A_186] : memref<16x10240xf32, #tpu.memory_space<hbm>> -> memref<1x640xf32, #tpu.memory_space<hbm>>
        %dma_start3A_235 = tpu.memref_squeeze %dma_start3A_234 : memref<1x640xf32, #tpu.memory_space<hbm>> -> memref<640xf32, #tpu.memory_space<hbm>>
        %dma_start3A_236 = arith.constant 0 : i32
        %dma_start3A_237 = tpu.memref_slice %arg29[%dma_start3A_236] : memref<10240xf32, #tpu.memory_space<vmem>> -> memref<640xf32, #tpu.memory_space<vmem>>
        %dma_start3A_238 = tpu.memref_slice %arg9[%run_scoped3A_187, %mul3A_186] : memref<16x10240xf32, #tpu.memory_space<hbm>> -> memref<1x640xf32, #tpu.memory_space<hbm>>
        %dma_start3A_239 = tpu.memref_squeeze %dma_start3A_238 : memref<1x640xf32, #tpu.memory_space<hbm>> -> memref<640xf32, #tpu.memory_space<hbm>>
        tpu.enqueue_dma source(%dma_start3A_239 : memref<640xf32, #tpu.memory_space<hbm>>) target(%dma_start3A_237 : memref<640xf32, #tpu.memory_space<vmem>>) target_semaphore(%run_scoped3A_232 : memref<!tpu.dma_semaphore, #tpu.memory_space<semaphore_mem>>)
        %dma_wait3A = arith.constant 0 : i32
        %dma_wait3A_240 = tpu.memref_slice %arg29[%dma_wait3A] : memref<10240xf32, #tpu.memory_space<vmem>> -> memref<640xf32, #tpu.memory_space<vmem>>
        %dma_wait3A_241 = tpu.memref_slice %arg9[%run_scoped3A_187, %mul3A_186] : memref<16x10240xf32, #tpu.memory_space<hbm>> -> memref<1x640xf32, #tpu.memory_space<hbm>>
        %dma_wait3A_242 = tpu.memref_squeeze %dma_wait3A_241 : memref<1x640xf32, #tpu.memory_space<hbm>> -> memref<640xf32, #tpu.memory_space<hbm>>
        %dma_wait3A_243 = arith.constant 0 : i32
        %dma_wait3A_244 = tpu.memref_slice %arg29[%dma_wait3A_243] : memref<10240xf32, #tpu.memory_space<vmem>> -> memref<640xf32, #tpu.memory_space<vmem>>
        %dma_wait3A_245 = tpu.memref_slice %arg9[%run_scoped3A_187, %mul3A_186] : memref<16x10240xf32, #tpu.memory_space<hbm>> -> memref<1x640xf32, #tpu.memory_space<hbm>>
        %dma_wait3A_246 = tpu.memref_squeeze %dma_wait3A_245 : memref<1x640xf32, #tpu.memory_space<hbm>> -> memref<640xf32, #tpu.memory_space<hbm>>
        tpu.wait_dma2 semaphore(%run_scoped3A_232 : memref<!tpu.dma_semaphore, #tpu.memory_space<semaphore_mem>>) src(%dma_wait3A_246 : memref<640xf32, #tpu.memory_space<hbm>>) dst(%dma_wait3A_244 : memref<640xf32, #tpu.memory_space<vmem>>)
        tpu.yield
      }) : () -> ()
      %scan3A_188 = arith.constant 0 : i32
      %scan3A_189 = arith.constant 0 : i32
      %scan3A_190 = arith.constant 40 : i32
      %scan3A_191 = arith.addi %scan3A_189, %scan3A_190 : i32
      %scan3A_192 = arith.constant 1 : i32
      scf.for %scan3A_232 = %scan3A_189 to %scan3A_191 step %scan3A_192  : i32 {
        %mul3A_233 = arith.constant 16 : i32
        %mul3A_234 = arith.muli %scan3A_232, %mul3A_233 : i32
        %get3A = arith.index_cast %mul3A_234 : i32 to index
        %get3A_235 = tpu.vector_load %arg30[%get3A] {strides = array<i32>} : memref<640xf32, #tpu.memory_space<vmem>>, vector<16xf32>,
        %get3A_236 = arith.index_cast %mul3A_234 : i32 to index
        %get3A_237 = tpu.vector_load %arg29[%get3A_236] {strides = array<i32>} : memref<10240xf32, #tpu.memory_space<vmem>>, vector<16xf32>,
        %add3A_238 = arith.addf %get3A_235, %get3A_237 : vector<16xf32>
        %swap3A = arith.index_cast %mul3A_234 : i32 to index
        %swap3A_239 = tpu.vector_load %arg30[%swap3A] {strides = array<i32>} : memref<640xf32, #tpu.memory_space<vmem>>, vector<16xf32>,
        tpu.vector_store %arg30[%swap3A], %add3A_238 {strides = array<i32>} : memref<640xf32, #tpu.memory_space<vmem>>, vector<16xf32>,
      }
      %scan3A_193 = arith.constant 40 : i32
      %mul3A_194 = arith.constant 640 : i32
      %mul3A_195 = arith.muli %arg1, %mul3A_194 : i32
      %run_scoped3A_196 = arith.constant 12 : i32
      "tpu.region"() ({
        %run_scoped3A_232 = tpu.sem_alloc : memref<!tpu.dma_semaphore, #tpu.memory_space<semaphore_mem>>
        %dma_start3A = arith.constant 0 : i32
        %dma_start3A_233 = tpu.memref_slice %arg29[%dma_start3A] : memref<10240xf32, #tpu.memory_space<vmem>> -> memref<640xf32, #tpu.memory_space<vmem>>
        %dma_start3A_234 = tpu.memref_slice %arg9[%run_scoped3A_196, %mul3A_195] : memref<16x10240xf32, #tpu.memory_space<hbm>> -> memref<1x640xf32, #tpu.memory_space<hbm>>
        %dma_start3A_235 = tpu.memref_squeeze %dma_start3A_234 : memref<1x640xf32, #tpu.memory_space<hbm>> -> memref<640xf32, #tpu.memory_space<hbm>>
        %dma_start3A_236 = arith.constant 0 : i32
        %dma_start3A_237 = tpu.memref_slice %arg29[%dma_start3A_236] : memref<10240xf32, #tpu.memory_space<vmem>> -> memref<640xf32, #tpu.memory_space<vmem>>
        %dma_start3A_238 = tpu.memref_slice %arg9[%run_scoped3A_196, %mul3A_195] : memref<16x10240xf32, #tpu.memory_space<hbm>> -> memref<1x640xf32, #tpu.memory_space<hbm>>
        %dma_start3A_239 = tpu.memref_squeeze %dma_start3A_238 : memref<1x640xf32, #tpu.memory_space<hbm>> -> memref<640xf32, #tpu.memory_space<hbm>>
        tpu.enqueue_dma source(%dma_start3A_239 : memref<640xf32, #tpu.memory_space<hbm>>) target(%dma_start3A_237 : memref<640xf32, #tpu.memory_space<vmem>>) target_semaphore(%run_scoped3A_232 : memref<!tpu.dma_semaphore, #tpu.memory_space<semaphore_mem>>)
        %dma_wait3A = arith.constant 0 : i32
        %dma_wait3A_240 = tpu.memref_slice %arg29[%dma_wait3A] : memref<10240xf32, #tpu.memory_space<vmem>> -> memref<640xf32, #tpu.memory_space<vmem>>
        %dma_wait3A_241 = tpu.memref_slice %arg9[%run_scoped3A_196, %mul3A_195] : memref<16x10240xf32, #tpu.memory_space<hbm>> -> memref<1x640xf32, #tpu.memory_space<hbm>>
        %dma_wait3A_242 = tpu.memref_squeeze %dma_wait3A_241 : memref<1x640xf32, #tpu.memory_space<hbm>> -> memref<640xf32, #tpu.memory_space<hbm>>
        %dma_wait3A_243 = arith.constant 0 : i32
        %dma_wait3A_244 = tpu.memref_slice %arg29[%dma_wait3A_243] : memref<10240xf32, #tpu.memory_space<vmem>> -> memref<640xf32, #tpu.memory_space<vmem>>
        %dma_wait3A_245 = tpu.memref_slice %arg9[%run_scoped3A_196, %mul3A_195] : memref<16x10240xf32, #tpu.memory_space<hbm>> -> memref<1x640xf32, #tpu.memory_space<hbm>>
        %dma_wait3A_246 = tpu.memref_squeeze %dma_wait3A_245 : memref<1x640xf32, #tpu.memory_space<hbm>> -> memref<640xf32, #tpu.memory_space<hbm>>
        tpu.wait_dma2 semaphore(%run_scoped3A_232 : memref<!tpu.dma_semaphore, #tpu.memory_space<semaphore_mem>>) src(%dma_wait3A_246 : memref<640xf32, #tpu.memory_space<hbm>>) dst(%dma_wait3A_244 : memref<640xf32, #tpu.memory_space<vmem>>)
        tpu.yield
      }) : () -> ()
      %scan3A_197 = arith.constant 0 : i32
      %scan3A_198 = arith.constant 0 : i32
      %scan3A_199 = arith.constant 40 : i32
      %scan3A_200 = arith.addi %scan3A_198, %scan3A_199 : i32
      %scan3A_201 = arith.constant 1 : i32
      scf.for %scan3A_232 = %scan3A_198 to %scan3A_200 step %scan3A_201  : i32 {
        %mul3A_233 = arith.constant 16 : i32
        %mul3A_234 = arith.muli %scan3A_232, %mul3A_233 : i32
        %get3A = arith.index_cast %mul3A_234 : i32 to index
        %get3A_235 = tpu.vector_load %arg30[%get3A] {strides = array<i32>} : memref<640xf32, #tpu.memory_space<vmem>>, vector<16xf32>,
        %get3A_236 = arith.index_cast %mul3A_234 : i32 to index
        %get3A_237 = tpu.vector_load %arg29[%get3A_236] {strides = array<i32>} : memref<10240xf32, #tpu.memory_space<vmem>>, vector<16xf32>,
        %add3A_238 = arith.addf %get3A_235, %get3A_237 : vector<16xf32>
        %swap3A = arith.index_cast %mul3A_234 : i32 to index
        %swap3A_239 = tpu.vector_load %arg30[%swap3A] {strides = array<i32>} : memref<640xf32, #tpu.memory_space<vmem>>, vector<16xf32>,
        tpu.vector_store %arg30[%swap3A], %add3A_238 {strides = array<i32>} : memref<640xf32, #tpu.memory_space<vmem>>, vector<16xf32>,
      }
      %scan3A_202 = arith.constant 40 : i32
      %mul3A_203 = arith.constant 640 : i32
      %mul3A_204 = arith.muli %arg1, %mul3A_203 : i32
      %run_scoped3A_205 = arith.constant 13 : i32
      "tpu.region"() ({
        %run_scoped3A_232 = tpu.sem_alloc : memref<!tpu.dma_semaphore, #tpu.memory_space<semaphore_mem>>
        %dma_start3A = arith.constant 0 : i32
        %dma_start3A_233 = tpu.memref_slice %arg29[%dma_start3A] : memref<10240xf32, #tpu.memory_space<vmem>> -> memref<640xf32, #tpu.memory_space<vmem>>
        %dma_start3A_234 = tpu.memref_slice %arg9[%run_scoped3A_205, %mul3A_204] : memref<16x10240xf32, #tpu.memory_space<hbm>> -> memref<1x640xf32, #tpu.memory_space<hbm>>
        %dma_start3A_235 = tpu.memref_squeeze %dma_start3A_234 : memref<1x640xf32, #tpu.memory_space<hbm>> -> memref<640xf32, #tpu.memory_space<hbm>>
        %dma_start3A_236 = arith.constant 0 : i32
        %dma_start3A_237 = tpu.memref_slice %arg29[%dma_start3A_236] : memref<10240xf32, #tpu.memory_space<vmem>> -> memref<640xf32, #tpu.memory_space<vmem>>
        %dma_start3A_238 = tpu.memref_slice %arg9[%run_scoped3A_205, %mul3A_204] : memref<16x10240xf32, #tpu.memory_space<hbm>> -> memref<1x640xf32, #tpu.memory_space<hbm>>
        %dma_start3A_239 = tpu.memref_squeeze %dma_start3A_238 : memref<1x640xf32, #tpu.memory_space<hbm>> -> memref<640xf32, #tpu.memory_space<hbm>>
        tpu.enqueue_dma source(%dma_start3A_239 : memref<640xf32, #tpu.memory_space<hbm>>) target(%dma_start3A_237 : memref<640xf32, #tpu.memory_space<vmem>>) target_semaphore(%run_scoped3A_232 : memref<!tpu.dma_semaphore, #tpu.memory_space<semaphore_mem>>)
        %dma_wait3A = arith.constant 0 : i32
        %dma_wait3A_240 = tpu.memref_slice %arg29[%dma_wait3A] : memref<10240xf32, #tpu.memory_space<vmem>> -> memref<640xf32, #tpu.memory_space<vmem>>
        %dma_wait3A_241 = tpu.memref_slice %arg9[%run_scoped3A_205, %mul3A_204] : memref<16x10240xf32, #tpu.memory_space<hbm>> -> memref<1x640xf32, #tpu.memory_space<hbm>>
        %dma_wait3A_242 = tpu.memref_squeeze %dma_wait3A_241 : memref<1x640xf32, #tpu.memory_space<hbm>> -> memref<640xf32, #tpu.memory_space<hbm>>
        %dma_wait3A_243 = arith.constant 0 : i32
        %dma_wait3A_244 = tpu.memref_slice %arg29[%dma_wait3A_243] : memref<10240xf32, #tpu.memory_space<vmem>> -> memref<640xf32, #tpu.memory_space<vmem>>
        %dma_wait3A_245 = tpu.memref_slice %arg9[%run_scoped3A_205, %mul3A_204] : memref<16x10240xf32, #tpu.memory_space<hbm>> -> memref<1x640xf32, #tpu.memory_space<hbm>>
        %dma_wait3A_246 = tpu.memref_squeeze %dma_wait3A_245 : memref<1x640xf32, #tpu.memory_space<hbm>> -> memref<640xf32, #tpu.memory_space<hbm>>
        tpu.wait_dma2 semaphore(%run_scoped3A_232 : memref<!tpu.dma_semaphore, #tpu.memory_space<semaphore_mem>>) src(%dma_wait3A_246 : memref<640xf32, #tpu.memory_space<hbm>>) dst(%dma_wait3A_244 : memref<640xf32, #tpu.memory_space<vmem>>)
        tpu.yield
      }) : () -> ()
      %scan3A_206 = arith.constant 0 : i32
      %scan3A_207 = arith.constant 0 : i32
      %scan3A_208 = arith.constant 40 : i32
      %scan3A_209 = arith.addi %scan3A_207, %scan3A_208 : i32
      %scan3A_210 = arith.constant 1 : i32
      scf.for %scan3A_232 = %scan3A_207 to %scan3A_209 step %scan3A_210  : i32 {
        %mul3A_233 = arith.constant 16 : i32
        %mul3A_234 = arith.muli %scan3A_232, %mul3A_233 : i32
        %get3A = arith.index_cast %mul3A_234 : i32 to index
        %get3A_235 = tpu.vector_load %arg30[%get3A] {strides = array<i32>} : memref<640xf32, #tpu.memory_space<vmem>>, vector<16xf32>,
        %get3A_236 = arith.index_cast %mul3A_234 : i32 to index
        %get3A_237 = tpu.vector_load %arg29[%get3A_236] {strides = array<i32>} : memref<10240xf32, #tpu.memory_space<vmem>>, vector<16xf32>,
        %add3A_238 = arith.addf %get3A_235, %get3A_237 : vector<16xf32>
        %swap3A = arith.index_cast %mul3A_234 : i32 to index
        %swap3A_239 = tpu.vector_load %arg30[%swap3A] {strides = array<i32>} : memref<640xf32, #tpu.memory_space<vmem>>, vector<16xf32>,
        tpu.vector_store %arg30[%swap3A], %add3A_238 {strides = array<i32>} : memref<640xf32, #tpu.memory_space<vmem>>, vector<16xf32>,
      }
      %scan3A_211 = arith.constant 40 : i32
      %mul3A_212 = arith.constant 640 : i32
      %mul3A_213 = arith.muli %arg1, %mul3A_212 : i32
      %run_scoped3A_214 = arith.constant 14 : i32
      "tpu.region"() ({
        %run_scoped3A_232 = tpu.sem_alloc : memref<!tpu.dma_semaphore, #tpu.memory_space<semaphore_mem>>
        %dma_start3A = arith.constant 0 : i32
        %dma_start3A_233 = tpu.memref_slice %arg29[%dma_start3A] : memref<10240xf32, #tpu.memory_space<vmem>> -> memref<640xf32, #tpu.memory_space<vmem>>
        %dma_start3A_234 = tpu.memref_slice %arg9[%run_scoped3A_214, %mul3A_213] : memref<16x10240xf32, #tpu.memory_space<hbm>> -> memref<1x640xf32, #tpu.memory_space<hbm>>
        %dma_start3A_235 = tpu.memref_squeeze %dma_start3A_234 : memref<1x640xf32, #tpu.memory_space<hbm>> -> memref<640xf32, #tpu.memory_space<hbm>>
        %dma_start3A_236 = arith.constant 0 : i32
        %dma_start3A_237 = tpu.memref_slice %arg29[%dma_start3A_236] : memref<10240xf32, #tpu.memory_space<vmem>> -> memref<640xf32, #tpu.memory_space<vmem>>
        %dma_start3A_238 = tpu.memref_slice %arg9[%run_scoped3A_214, %mul3A_213] : memref<16x10240xf32, #tpu.memory_space<hbm>> -> memref<1x640xf32, #tpu.memory_space<hbm>>
        %dma_start3A_239 = tpu.memref_squeeze %dma_start3A_238 : memref<1x640xf32, #tpu.memory_space<hbm>> -> memref<640xf32, #tpu.memory_space<hbm>>
        tpu.enqueue_dma source(%dma_start3A_239 : memref<640xf32, #tpu.memory_space<hbm>>) target(%dma_start3A_237 : memref<640xf32, #tpu.memory_space<vmem>>) target_semaphore(%run_scoped3A_232 : memref<!tpu.dma_semaphore, #tpu.memory_space<semaphore_mem>>)
        %dma_wait3A = arith.constant 0 : i32
        %dma_wait3A_240 = tpu.memref_slice %arg29[%dma_wait3A] : memref<10240xf32, #tpu.memory_space<vmem>> -> memref<640xf32, #tpu.memory_space<vmem>>
        %dma_wait3A_241 = tpu.memref_slice %arg9[%run_scoped3A_214, %mul3A_213] : memref<16x10240xf32, #tpu.memory_space<hbm>> -> memref<1x640xf32, #tpu.memory_space<hbm>>
        %dma_wait3A_242 = tpu.memref_squeeze %dma_wait3A_241 : memref<1x640xf32, #tpu.memory_space<hbm>> -> memref<640xf32, #tpu.memory_space<hbm>>
        %dma_wait3A_243 = arith.constant 0 : i32
        %dma_wait3A_244 = tpu.memref_slice %arg29[%dma_wait3A_243] : memref<10240xf32, #tpu.memory_space<vmem>> -> memref<640xf32, #tpu.memory_space<vmem>>
        %dma_wait3A_245 = tpu.memref_slice %arg9[%run_scoped3A_214, %mul3A_213] : memref<16x10240xf32, #tpu.memory_space<hbm>> -> memref<1x640xf32, #tpu.memory_space<hbm>>
        %dma_wait3A_246 = tpu.memref_squeeze %dma_wait3A_245 : memref<1x640xf32, #tpu.memory_space<hbm>> -> memref<640xf32, #tpu.memory_space<hbm>>
        tpu.wait_dma2 semaphore(%run_scoped3A_232 : memref<!tpu.dma_semaphore, #tpu.memory_space<semaphore_mem>>) src(%dma_wait3A_246 : memref<640xf32, #tpu.memory_space<hbm>>) dst(%dma_wait3A_244 : memref<640xf32, #tpu.memory_space<vmem>>)
        tpu.yield
      }) : () -> ()
      %scan3A_215 = arith.constant 0 : i32
      %scan3A_216 = arith.constant 0 : i32
      %scan3A_217 = arith.constant 40 : i32
      %scan3A_218 = arith.addi %scan3A_216, %scan3A_217 : i32
      %scan3A_219 = arith.constant 1 : i32
      scf.for %scan3A_232 = %scan3A_216 to %scan3A_218 step %scan3A_219  : i32 {
        %mul3A_233 = arith.constant 16 : i32
        %mul3A_234 = arith.muli %scan3A_232, %mul3A_233 : i32
        %get3A = arith.index_cast %mul3A_234 : i32 to index
        %get3A_235 = tpu.vector_load %arg30[%get3A] {strides = array<i32>} : memref<640xf32, #tpu.memory_space<vmem>>, vector<16xf32>,
        %get3A_236 = arith.index_cast %mul3A_234 : i32 to index
        %get3A_237 = tpu.vector_load %arg29[%get3A_236] {strides = array<i32>} : memref<10240xf32, #tpu.memory_space<vmem>>, vector<16xf32>,
        %add3A_238 = arith.addf %get3A_235, %get3A_237 : vector<16xf32>
        %swap3A = arith.index_cast %mul3A_234 : i32 to index
        %swap3A_239 = tpu.vector_load %arg30[%swap3A] {strides = array<i32>} : memref<640xf32, #tpu.memory_space<vmem>>, vector<16xf32>,
        tpu.vector_store %arg30[%swap3A], %add3A_238 {strides = array<i32>} : memref<640xf32, #tpu.memory_space<vmem>>, vector<16xf32>,
      }
      %scan3A_220 = arith.constant 40 : i32
      %mul3A_221 = arith.constant 640 : i32
      %mul3A_222 = arith.muli %arg1, %mul3A_221 : i32
      %run_scoped3A_223 = arith.constant 15 : i32
      "tpu.region"() ({
        %run_scoped3A_232 = tpu.sem_alloc : memref<!tpu.dma_semaphore, #tpu.memory_space<semaphore_mem>>
        %dma_start3A = arith.constant 0 : i32
        %dma_start3A_233 = tpu.memref_slice %arg29[%dma_start3A] : memref<10240xf32, #tpu.memory_space<vmem>> -> memref<640xf32, #tpu.memory_space<vmem>>
        %dma_start3A_234 = tpu.memref_slice %arg9[%run_scoped3A_223, %mul3A_222] : memref<16x10240xf32, #tpu.memory_space<hbm>> -> memref<1x640xf32, #tpu.memory_space<hbm>>
        %dma_start3A_235 = tpu.memref_squeeze %dma_start3A_234 : memref<1x640xf32, #tpu.memory_space<hbm>> -> memref<640xf32, #tpu.memory_space<hbm>>
        %dma_start3A_236 = arith.constant 0 : i32
        %dma_start3A_237 = tpu.memref_slice %arg29[%dma_start3A_236] : memref<10240xf32, #tpu.memory_space<vmem>> -> memref<640xf32, #tpu.memory_space<vmem>>
        %dma_start3A_238 = tpu.memref_slice %arg9[%run_scoped3A_223, %mul3A_222] : memref<16x10240xf32, #tpu.memory_space<hbm>> -> memref<1x640xf32, #tpu.memory_space<hbm>>
        %dma_start3A_239 = tpu.memref_squeeze %dma_start3A_238 : memref<1x640xf32, #tpu.memory_space<hbm>> -> memref<640xf32, #tpu.memory_space<hbm>>
        tpu.enqueue_dma source(%dma_start3A_239 : memref<640xf32, #tpu.memory_space<hbm>>) target(%dma_start3A_237 : memref<640xf32, #tpu.memory_space<vmem>>) target_semaphore(%run_scoped3A_232 : memref<!tpu.dma_semaphore, #tpu.memory_space<semaphore_mem>>)
        %dma_wait3A = arith.constant 0 : i32
        %dma_wait3A_240 = tpu.memref_slice %arg29[%dma_wait3A] : memref<10240xf32, #tpu.memory_space<vmem>> -> memref<640xf32, #tpu.memory_space<vmem>>
        %dma_wait3A_241 = tpu.memref_slice %arg9[%run_scoped3A_223, %mul3A_222] : memref<16x10240xf32, #tpu.memory_space<hbm>> -> memref<1x640xf32, #tpu.memory_space<hbm>>
        %dma_wait3A_242 = tpu.memref_squeeze %dma_wait3A_241 : memref<1x640xf32, #tpu.memory_space<hbm>> -> memref<640xf32, #tpu.memory_space<hbm>>
        %dma_wait3A_243 = arith.constant 0 : i32
        %dma_wait3A_244 = tpu.memref_slice %arg29[%dma_wait3A_243] : memref<10240xf32, #tpu.memory_space<vmem>> -> memref<640xf32, #tpu.memory_space<vmem>>
        %dma_wait3A_245 = tpu.memref_slice %arg9[%run_scoped3A_223, %mul3A_222] : memref<16x10240xf32, #tpu.memory_space<hbm>> -> memref<1x640xf32, #tpu.memory_space<hbm>>
        %dma_wait3A_246 = tpu.memref_squeeze %dma_wait3A_245 : memref<1x640xf32, #tpu.memory_space<hbm>> -> memref<640xf32, #tpu.memory_space<hbm>>
        tpu.wait_dma2 semaphore(%run_scoped3A_232 : memref<!tpu.dma_semaphore, #tpu.memory_space<semaphore_mem>>) src(%dma_wait3A_246 : memref<640xf32, #tpu.memory_space<hbm>>) dst(%dma_wait3A_244 : memref<640xf32, #tpu.memory_space<vmem>>)
        tpu.yield
      }) : () -> ()
      %scan3A_224 = arith.constant 0 : i32
      %scan3A_225 = arith.constant 0 : i32
      %scan3A_226 = arith.constant 40 : i32
      %scan3A_227 = arith.addi %scan3A_225, %scan3A_226 : i32
      %scan3A_228 = arith.constant 1 : i32
      scf.for %scan3A_232 = %scan3A_225 to %scan3A_227 step %scan3A_228  : i32 {
        %mul3A_233 = arith.constant 16 : i32
        %mul3A_234 = arith.muli %scan3A_232, %mul3A_233 : i32
        %get3A = arith.index_cast %mul3A_234 : i32 to index
        %get3A_235 = tpu.vector_load %arg30[%get3A] {strides = array<i32>} : memref<640xf32, #tpu.memory_space<vmem>>, vector<16xf32>,
        %get3A_236 = arith.index_cast %mul3A_234 : i32 to index
        %get3A_237 = tpu.vector_load %arg29[%get3A_236] {strides = array<i32>} : memref<10240xf32, #tpu.memory_space<vmem>>, vector<16xf32>,
        %add3A_238 = arith.addf %get3A_235, %get3A_237 : vector<16xf32>
        %swap3A = arith.index_cast %mul3A_234 : i32 to index
        %swap3A_239 = tpu.vector_load %arg30[%swap3A] {strides = array<i32>} : memref<640xf32, #tpu.memory_space<vmem>>, vector<16xf32>,
        tpu.vector_store %arg30[%swap3A], %add3A_238 {strides = array<i32>} : memref<640xf32, #tpu.memory_space<vmem>>, vector<16xf32>,
      }
      %scan3A_229 = arith.constant 40 : i32
      %mul3A_230 = arith.constant 640 : i32
      %mul3A_231 = arith.muli %arg1, %mul3A_230 : i32
      "tpu.region"() ({
        %run_scoped3A_232 = tpu.sem_alloc : memref<!tpu.dma_semaphore, #tpu.memory_space<semaphore_mem>>
        %dma_start3A = tpu.memref_slice %arg8[%mul3A_231] : memref<10240xf32, #tpu.memory_space<hbm>> -> memref<640xf32, #tpu.memory_space<hbm>>
        %dma_start3A_233 = tpu.memref_slice %arg8[%mul3A_231] : memref<10240xf32, #tpu.memory_space<hbm>> -> memref<640xf32, #tpu.memory_space<hbm>>
        tpu.enqueue_dma source(%arg30 : memref<640xf32, #tpu.memory_space<vmem>>) target(%dma_start3A_233 : memref<640xf32, #tpu.memory_space<hbm>>) target_semaphore(%run_scoped3A_232 : memref<!tpu.dma_semaphore, #tpu.memory_space<semaphore_mem>>)
        %dma_wait3A = tpu.memref_slice %arg8[%mul3A_231] : memref<10240xf32, #tpu.memory_space<hbm>> -> memref<640xf32, #tpu.memory_space<hbm>>
        %dma_wait3A_234 = tpu.memref_slice %arg8[%mul3A_231] : memref<10240xf32, #tpu.memory_space<hbm>> -> memref<640xf32, #tpu.memory_space<hbm>>
        tpu.wait_dma2 semaphore(%run_scoped3A_232 : memref<!tpu.dma_semaphore, #tpu.memory_space<semaphore_mem>>) src(%arg30 : memref<640xf32, #tpu.memory_space<vmem>>) dst(%dma_wait3A_234 : memref<640xf32, #tpu.memory_space<hbm>>)
        tpu.yield
      }) : () -> ()
    } else {
    }
    return
  }
}

module attributes {stable_mosaic.version = 14 : i64} {
  func.func @tc_g1(%arg0: i32, %arg1: memref<1000x128xf32, #tpu.memory_space<vmem>>, %arg2: memref<128x128xf32, #tpu.memory_space<vmem>>, %arg3: memref<1x128xf32, #tpu.memory_space<vmem>>, %arg4: memref<1000x128xf32, #tpu.memory_space<vmem>>) attributes {dimension_semantics = [#tpu.dimension_semantics<arbitrary>], iteration_bounds = array<i64: 10>, scalar_prefetch = 0 : i64, scratch_operands = 0 : i64, tpu.core_type = #tpu.core_type<tc>, window_params = [{transform_indices = @transform_0, window_bounds = array<i64: 1000, 128>}, {pipeline_mode = #tpu.pipeline_mode<synchronous>, transform_indices = @transform_1, window_bounds = array<i64: 128, 128>}, {pipeline_mode = #tpu.pipeline_mode<synchronous>, transform_indices = @transform_2, window_bounds = array<i64: 1, 128>}, {transform_indices = @transform_3, window_bounds = array<i64: 1000, 128>}]} {
    %get3A = arith.constant 0 : index
    %get3A_0 = arith.constant 0 : index
    %get3A_1 = vector.load %arg1[%get3A, %get3A_0] : memref<1000x128xf32, #tpu.memory_space<vmem>>, vector<1000x128xf32>
    %get3A_2 = arith.constant 0 : index
    %get3A_3 = arith.constant 0 : index
    %get3A_4 = vector.load %arg2[%get3A_2, %get3A_3] : memref<128x128xf32, #tpu.memory_space<vmem>>, vector<128x128xf32>
    %dot_general3A = arith.constant dense<0.000000e+00> : vector<1000x128xf32>
    %dot_general3A_5 = tpu.matmul %get3A_1, %get3A_4, %dot_general3A {dimension_numbers = #tpu.dot_dimension_numbers<[1], [0], [0], [1], [0, 0, 1, 1], [], []>, transpose_lhs_hint = false} : vector<1000x128xf32>, vector<128x128xf32>, vector<1000x128xf32> -> vector<1000x128xf32>
    %get3A_6 = arith.constant 0 : index
    %get3A_7 = arith.constant 0 : index
    %get3A_8 = vector.load %arg3[%get3A_6, %get3A_7] : memref<1x128xf32, #tpu.memory_space<vmem>>, vector<1x128xf32>
    %add3A = vector.broadcast %get3A_8 : vector<1x128xf32> to vector<1000x128xf32>
    %add3A_9 = arith.addf %dot_general3A_5, %add3A : vector<1000x128xf32>
    %swap3A = arith.constant 0 : index
    %swap3A_10 = arith.constant 0 : index
    %swap3A_11 = vector.load %arg4[%swap3A, %swap3A_10] : memref<1000x128xf32, #tpu.memory_space<vmem>>, vector<1000x128xf32>
    tpu.vector_store %arg4[%swap3A, %swap3A_10], %add3A_9 {strides = array<i32>} : memref<1000x128xf32, #tpu.memory_space<vmem>>, vector<1000x128xf32>,
    return
  }
  func.func @transform_0(%arg0: i32) -> (i32, i32) {
    %c0_i32 = arith.constant 0 : i32
    %c0_i32_0 = arith.constant 0 : i32
    return %arg0, %c0_i32 : i32, i32
  }
  func.func @transform_1(%arg0: i32) -> (i32, i32) {
    %c0_i32 = arith.constant 0 : i32
    %c0_i32_0 = arith.constant 0 : i32
    %c0_i32_1 = arith.constant 0 : i32
    return %c0_i32, %c0_i32_0 : i32, i32
  }
  func.func @transform_2(%arg0: i32) -> (i32, i32) {
    %c0_i32 = arith.constant 0 : i32
    %c0_i32_0 = arith.constant 0 : i32
    %c0_i32_1 = arith.constant 0 : i32
    return %c0_i32, %c0_i32_0 : i32, i32
  }
  func.func @transform_3(%arg0: i32) -> (i32, i32) {
    %c0_i32 = arith.constant 0 : i32
    %c0_i32_0 = arith.constant 0 : i32
    return %arg0, %c0_i32 : i32, i32
  }
}

module attributes {stable_mosaic.version = 14 : i64} {
  func.func @tc_s1(%arg0: i32, %arg1: memref<1000x128xf32, #tpu.memory_space<vmem>>, %arg2: memref<128x128xf32, #tpu.memory_space<vmem>>, %arg3: memref<1x128xf32, #tpu.memory_space<vmem>>, %arg4: memref<1000x128xf32, #tpu.memory_space<vmem>>) attributes {dimension_semantics = [#tpu.dimension_semantics<arbitrary>], iteration_bounds = array<i64: 10>, scalar_prefetch = 0 : i64, scratch_operands = 0 : i64, tpu.core_type = #tpu.core_type<tc>, window_params = [{transform_indices = @transform_0, window_bounds = array<i64: 1000, 128>}, {pipeline_mode = #tpu.pipeline_mode<synchronous>, transform_indices = @transform_1, window_bounds = array<i64: 128, 128>}, {pipeline_mode = #tpu.pipeline_mode<synchronous>, transform_indices = @transform_2, window_bounds = array<i64: 1, 128>}, {transform_indices = @transform_3, window_bounds = array<i64: 1000, 128>}]} {
    %get3A = arith.constant 0 : index
    %get3A_0 = arith.constant 0 : index
    %get3A_1 = vector.load %arg1[%get3A, %get3A_0] : memref<1000x128xf32, #tpu.memory_space<vmem>>, vector<1000x128xf32>
    %get3A_2 = arith.constant 0 : index
    %get3A_3 = arith.constant 0 : index
    %get3A_4 = vector.load %arg2[%get3A_2, %get3A_3] : memref<128x128xf32, #tpu.memory_space<vmem>>, vector<128x128xf32>
    %dot_general3A = arith.constant dense<0.000000e+00> : vector<1000x128xf32>
    %dot_general3A_5 = tpu.matmul %get3A_1, %get3A_4, %dot_general3A {dimension_numbers = #tpu.dot_dimension_numbers<[1], [0], [0], [1], [0, 0, 1, 1], [], []>, transpose_lhs_hint = false} : vector<1000x128xf32>, vector<128x128xf32>, vector<1000x128xf32> -> vector<1000x128xf32>
    %get3A_6 = arith.constant 0 : index
    %get3A_7 = arith.constant 0 : index
    %get3A_8 = vector.load %arg3[%get3A_6, %get3A_7] : memref<1x128xf32, #tpu.memory_space<vmem>>, vector<1x128xf32>
    %add3A = vector.broadcast %get3A_8 : vector<1x128xf32> to vector<1000x128xf32>
    %add3A_9 = arith.addf %dot_general3A_5, %add3A : vector<1000x128xf32>
    %swap3A = arith.constant 0 : index
    %swap3A_10 = arith.constant 0 : index
    %swap3A_11 = vector.load %arg4[%swap3A, %swap3A_10] : memref<1000x128xf32, #tpu.memory_space<vmem>>, vector<1000x128xf32>
    tpu.vector_store %arg4[%swap3A, %swap3A_10], %add3A_9 {strides = array<i32>} : memref<1000x128xf32, #tpu.memory_space<vmem>>, vector<1000x128xf32>,
    return
  }
  func.func @transform_0(%arg0: i32) -> (i32, i32) {
    %c0_i32 = arith.constant 0 : i32
    %c0_i32_0 = arith.constant 0 : i32
    return %arg0, %c0_i32 : i32, i32
  }
  func.func @transform_1(%arg0: i32) -> (i32, i32) {
    %c0_i32 = arith.constant 0 : i32
    %c0_i32_0 = arith.constant 0 : i32
    %c0_i32_1 = arith.constant 0 : i32
    return %c0_i32, %c0_i32_0 : i32, i32
  }
  func.func @transform_2(%arg0: i32) -> (i32, i32) {
    %c0_i32 = arith.constant 0 : i32
    %c0_i32_0 = arith.constant 0 : i32
    %c0_i32_1 = arith.constant 0 : i32
    return %c0_i32, %c0_i32_0 : i32, i32
  }
  func.func @transform_3(%arg0: i32) -> (i32, i32) {
    %c0_i32 = arith.constant 0 : i32
    %c0_i32_0 = arith.constant 0 : i32
    return %arg0, %c0_i32 : i32, i32
  }
}

module attributes {stable_mosaic.version = 14 : i64} {
  func.func @tc_mid(%arg0: i32, %arg1: memref<1000x128xf32, #tpu.memory_space<vmem>>, %arg2: memref<1x1000x64xf32, #tpu.memory_space<vmem>>, %arg3: memref<1x1000x64xf32, #tpu.memory_space<vmem>>, %arg4: memref<1000x1xf32, #tpu.memory_space<vmem>>, %arg5: memref<128x128xf32, #tpu.memory_space<vmem>>, %arg6: memref<1000x128xf32, #tpu.memory_space<vmem>>, %arg7: memref<1000x128xf32, #tpu.memory_space<vmem>>) attributes {dimension_semantics = [#tpu.dimension_semantics<arbitrary>], iteration_bounds = array<i64: 10>, scalar_prefetch = 0 : i64, scratch_operands = 0 : i64, tpu.core_type = #tpu.core_type<tc>, window_params = [{transform_indices = @transform_0, window_bounds = array<i64: 1000, 128>}, {transform_indices = @transform_1, window_bounds = array<i64: 1, 1000, 64>}, {transform_indices = @transform_2, window_bounds = array<i64: 1, 1000, 64>}, {transform_indices = @transform_3, window_bounds = array<i64: 1000, 1>}, {pipeline_mode = #tpu.pipeline_mode<synchronous>, transform_indices = @transform_4, window_bounds = array<i64: 128, 128>}, {transform_indices = @transform_5, window_bounds = array<i64: 1000, 128>}, {transform_indices = @transform_6, window_bounds = array<i64: 1000, 128>}]} {
    %get3A = arith.constant 0 : index
    %get3A_0 = arith.constant 0 : index
    %get3A_1 = vector.load %arg4[%get3A, %get3A_0] : memref<1000x1xf32, #tpu.memory_space<vmem>>, vector<1000x1xf32>
    %max3A = arith.constant 1.000000e+00 : f32
    %max3A_2 = vector.broadcast %max3A : f32 to vector<1000x1xf32>
    %max3A_3 = arith.maximumf %get3A_1, %max3A_2 : vector<1000x1xf32>
    %get3A_4 = arith.constant 0 : index
    %get3A_5 = arith.constant 0 : index
    %get3A_6 = arith.constant 0 : index
    %get3A_7 = vector.load %arg2[%get3A_4, %get3A_5, %get3A_6] : memref<1x1000x64xf32, #tpu.memory_space<vmem>>, vector<1x1000x64xf32>
    %get3A_8 = vector.shape_cast %get3A_7 : vector<1x1000x64xf32> to vector<1000x64xf32>
    %get3A_9 = arith.constant 0 : index
    %get3A_10 = arith.constant 0 : index
    %get3A_11 = arith.constant 0 : index
    %get3A_12 = vector.load %arg3[%get3A_9, %get3A_10, %get3A_11] : memref<1x1000x64xf32, #tpu.memory_space<vmem>>, vector<1x1000x64xf32>
    %get3A_13 = vector.shape_cast %get3A_12 : vector<1x1000x64xf32> to vector<1000x64xf32>
    %concatenate3A = tpu.concatenate %get3A_8, %get3A_13 in 1 : vector<1000x64xf32>, vector<1000x64xf32> -> vector<1000x128xf32>
    %get3A_14 = arith.constant 0 : index
    %get3A_15 = arith.constant 0 : index
    %get3A_16 = vector.load %arg1[%get3A_14, %get3A_15] : memref<1000x128xf32, #tpu.memory_space<vmem>>, vector<1000x128xf32>
    %div3A = vector.broadcast %max3A_3 : vector<1000x1xf32> to vector<1000x128xf32>
    %div3A_17 = arith.divf %concatenate3A, %div3A : vector<1000x128xf32>
    %add3A = arith.addf %get3A_16, %div3A_17 : vector<1000x128xf32>
    %max3A_18 = arith.constant 0.000000e+00 : f32
    %max3A_19 = vector.broadcast %max3A_18 : f32 to vector<1000x128xf32>
    %max3A_20 = arith.maximumf %add3A, %max3A_19 : vector<1000x128xf32>
    %get3A_21 = arith.constant 0 : index
    %get3A_22 = arith.constant 0 : index
    %get3A_23 = vector.load %arg5[%get3A_21, %get3A_22] : memref<128x128xf32, #tpu.memory_space<vmem>>, vector<128x128xf32>
    %dot_general3A = arith.constant dense<0.000000e+00> : vector<1000x128xf32>
    %dot_general3A_24 = tpu.matmul %max3A_20, %get3A_23, %dot_general3A {dimension_numbers = #tpu.dot_dimension_numbers<[1], [0], [0], [1], [0, 0, 1, 1], [], []>, transpose_lhs_hint = false} : vector<1000x128xf32>, vector<128x128xf32>, vector<1000x128xf32> -> vector<1000x128xf32>
    %swap3A = arith.constant 0 : index
    %swap3A_25 = arith.constant 0 : index
    %swap3A_26 = vector.load %arg6[%swap3A, %swap3A_25] : memref<1000x128xf32, #tpu.memory_space<vmem>>, vector<1000x128xf32>
    tpu.vector_store %arg6[%swap3A, %swap3A_25], %dot_general3A_24 {strides = array<i32>} : memref<1000x128xf32, #tpu.memory_space<vmem>>, vector<1000x128xf32>,
    %swap3A_27 = arith.constant 0 : index
    %swap3A_28 = arith.constant 0 : index
    %swap3A_29 = vector.load %arg7[%swap3A_27, %swap3A_28] : memref<1000x128xf32, #tpu.memory_space<vmem>>, vector<1000x128xf32>
    tpu.vector_store %arg7[%swap3A_27, %swap3A_28], %max3A_20 {strides = array<i32>} : memref<1000x128xf32, #tpu.memory_space<vmem>>, vector<1000x128xf32>,
    return
  }
  func.func @transform_0(%arg0: i32) -> (i32, i32) {
    %c0_i32 = arith.constant 0 : i32
    %c0_i32_0 = arith.constant 0 : i32
    return %arg0, %c0_i32 : i32, i32
  }
  func.func @transform_1(%arg0: i32) -> (i32, i32, i32) {
    %c0_i32 = arith.constant 0 : i32
    %c0_i32_0 = arith.constant 0 : i32
    %c0_i32_1 = arith.constant 0 : i32
    return %c0_i32, %arg0, %c0_i32_0 : i32, i32, i32
  }
  func.func @transform_2(%arg0: i32) -> (i32, i32, i32) {
    %c1_i32 = arith.constant 1 : i32
    %c0_i32 = arith.constant 0 : i32
    %c0_i32_0 = arith.constant 0 : i32
    return %c1_i32, %arg0, %c0_i32 : i32, i32, i32
  }
  func.func @transform_3(%arg0: i32) -> (i32, i32) {
    %c0_i32 = arith.constant 0 : i32
    %c0_i32_0 = arith.constant 0 : i32
    return %arg0, %c0_i32 : i32, i32
  }
  func.func @transform_4(%arg0: i32) -> (i32, i32) {
    %c0_i32 = arith.constant 0 : i32
    %c0_i32_0 = arith.constant 0 : i32
    %c0_i32_1 = arith.constant 0 : i32
    return %c0_i32, %c0_i32_0 : i32, i32
  }
  func.func @transform_5(%arg0: i32) -> (i32, i32) {
    %c0_i32 = arith.constant 0 : i32
    %c0_i32_0 = arith.constant 0 : i32
    return %arg0, %c0_i32 : i32, i32
  }
  func.func @transform_6(%arg0: i32) -> (i32, i32) {
    %c0_i32 = arith.constant 0 : i32
    %c0_i32_0 = arith.constant 0 : i32
    return %arg0, %c0_i32 : i32, i32
  }
}

module attributes {stable_mosaic.version = 14 : i64} {
  func.func @tc_s2(%arg0: i32, %arg1: memref<1000x128xf32, #tpu.memory_space<vmem>>, %arg2: memref<128x128xf32, #tpu.memory_space<vmem>>, %arg3: memref<1x128xf32, #tpu.memory_space<vmem>>, %arg4: memref<1000x128xf32, #tpu.memory_space<vmem>>) attributes {dimension_semantics = [#tpu.dimension_semantics<arbitrary>], iteration_bounds = array<i64: 10>, scalar_prefetch = 0 : i64, scratch_operands = 0 : i64, tpu.core_type = #tpu.core_type<tc>, window_params = [{transform_indices = @transform_0, window_bounds = array<i64: 1000, 128>}, {pipeline_mode = #tpu.pipeline_mode<synchronous>, transform_indices = @transform_1, window_bounds = array<i64: 128, 128>}, {pipeline_mode = #tpu.pipeline_mode<synchronous>, transform_indices = @transform_2, window_bounds = array<i64: 1, 128>}, {transform_indices = @transform_3, window_bounds = array<i64: 1000, 128>}]} {
    %get3A = arith.constant 0 : index
    %get3A_0 = arith.constant 0 : index
    %get3A_1 = vector.load %arg1[%get3A, %get3A_0] : memref<1000x128xf32, #tpu.memory_space<vmem>>, vector<1000x128xf32>
    %get3A_2 = arith.constant 0 : index
    %get3A_3 = arith.constant 0 : index
    %get3A_4 = vector.load %arg2[%get3A_2, %get3A_3] : memref<128x128xf32, #tpu.memory_space<vmem>>, vector<128x128xf32>
    %dot_general3A = arith.constant dense<0.000000e+00> : vector<1000x128xf32>
    %dot_general3A_5 = tpu.matmul %get3A_1, %get3A_4, %dot_general3A {dimension_numbers = #tpu.dot_dimension_numbers<[1], [0], [0], [1], [0, 0, 1, 1], [], []>, transpose_lhs_hint = false} : vector<1000x128xf32>, vector<128x128xf32>, vector<1000x128xf32> -> vector<1000x128xf32>
    %get3A_6 = arith.constant 0 : index
    %get3A_7 = arith.constant 0 : index
    %get3A_8 = vector.load %arg3[%get3A_6, %get3A_7] : memref<1x128xf32, #tpu.memory_space<vmem>>, vector<1x128xf32>
    %add3A = vector.broadcast %get3A_8 : vector<1x128xf32> to vector<1000x128xf32>
    %add3A_9 = arith.addf %dot_general3A_5, %add3A : vector<1000x128xf32>
    %swap3A = arith.constant 0 : index
    %swap3A_10 = arith.constant 0 : index
    %swap3A_11 = vector.load %arg4[%swap3A, %swap3A_10] : memref<1000x128xf32, #tpu.memory_space<vmem>>, vector<1000x128xf32>
    tpu.vector_store %arg4[%swap3A, %swap3A_10], %add3A_9 {strides = array<i32>} : memref<1000x128xf32, #tpu.memory_space<vmem>>, vector<1000x128xf32>,
    return
  }
  func.func @transform_0(%arg0: i32) -> (i32, i32) {
    %c0_i32 = arith.constant 0 : i32
    %c0_i32_0 = arith.constant 0 : i32
    return %arg0, %c0_i32 : i32, i32
  }
  func.func @transform_1(%arg0: i32) -> (i32, i32) {
    %c0_i32 = arith.constant 0 : i32
    %c0_i32_0 = arith.constant 0 : i32
    %c0_i32_1 = arith.constant 0 : i32
    return %c0_i32, %c0_i32_0 : i32, i32
  }
  func.func @transform_2(%arg0: i32) -> (i32, i32) {
    %c0_i32 = arith.constant 0 : i32
    %c0_i32_0 = arith.constant 0 : i32
    %c0_i32_1 = arith.constant 0 : i32
    return %c0_i32, %c0_i32_0 : i32, i32
  }
  func.func @transform_3(%arg0: i32) -> (i32, i32) {
    %c0_i32 = arith.constant 0 : i32
    %c0_i32_0 = arith.constant 0 : i32
    return %arg0, %c0_i32 : i32, i32
  }
}

module attributes {stable_mosaic.version = 14 : i64} {
  func.func @tc_out(%arg0: i32, %arg1: memref<1000x128xf32, #tpu.memory_space<vmem>>, %arg2: memref<1x1000x64xf32, #tpu.memory_space<vmem>>, %arg3: memref<1x1000x64xf32, #tpu.memory_space<vmem>>, %arg4: memref<1000x1xf32, #tpu.memory_space<vmem>>, %arg5: memref<128x256xf32, #tpu.memory_space<vmem>>, %arg6: memref<1x256xf32, #tpu.memory_space<vmem>>, %arg7: memref<256x128xf32, #tpu.memory_space<vmem>>, %arg8: memref<1x128xf32, #tpu.memory_space<vmem>>, %arg9: memref<1000x128xf32, #tpu.memory_space<vmem>>) attributes {dimension_semantics = [#tpu.dimension_semantics<arbitrary>], iteration_bounds = array<i64: 10>, scalar_prefetch = 0 : i64, scratch_operands = 0 : i64, tpu.core_type = #tpu.core_type<tc>, window_params = [{transform_indices = @transform_0, window_bounds = array<i64: 1000, 128>}, {transform_indices = @transform_1, window_bounds = array<i64: 1, 1000, 64>}, {transform_indices = @transform_2, window_bounds = array<i64: 1, 1000, 64>}, {transform_indices = @transform_3, window_bounds = array<i64: 1000, 1>}, {pipeline_mode = #tpu.pipeline_mode<synchronous>, transform_indices = @transform_4, window_bounds = array<i64: 128, 256>}, {pipeline_mode = #tpu.pipeline_mode<synchronous>, transform_indices = @transform_5, window_bounds = array<i64: 1, 256>}, {pipeline_mode = #tpu.pipeline_mode<synchronous>, transform_indices = @transform_6, window_bounds = array<i64: 256, 128>}, {pipeline_mode = #tpu.pipeline_mode<synchronous>, transform_indices = @transform_7, window_bounds = array<i64: 1, 128>}, {transform_indices = @transform_8, window_bounds = array<i64: 1000, 128>}]} {
    %get3A = arith.constant 0 : index
    %get3A_0 = arith.constant 0 : index
    %get3A_1 = vector.load %arg4[%get3A, %get3A_0] : memref<1000x1xf32, #tpu.memory_space<vmem>>, vector<1000x1xf32>
    %max3A = arith.constant 1.000000e+00 : f32
    %max3A_2 = vector.broadcast %max3A : f32 to vector<1000x1xf32>
    %max3A_3 = arith.maximumf %get3A_1, %max3A_2 : vector<1000x1xf32>
    %get3A_4 = arith.constant 0 : index
    %get3A_5 = arith.constant 0 : index
    %get3A_6 = arith.constant 0 : index
    %get3A_7 = vector.load %arg2[%get3A_4, %get3A_5, %get3A_6] : memref<1x1000x64xf32, #tpu.memory_space<vmem>>, vector<1x1000x64xf32>
    %get3A_8 = vector.shape_cast %get3A_7 : vector<1x1000x64xf32> to vector<1000x64xf32>
    %get3A_9 = arith.constant 0 : index
    %get3A_10 = arith.constant 0 : index
    %get3A_11 = arith.constant 0 : index
    %get3A_12 = vector.load %arg3[%get3A_9, %get3A_10, %get3A_11] : memref<1x1000x64xf32, #tpu.memory_space<vmem>>, vector<1x1000x64xf32>
    %get3A_13 = vector.shape_cast %get3A_12 : vector<1x1000x64xf32> to vector<1000x64xf32>
    %concatenate3A = tpu.concatenate %get3A_8, %get3A_13 in 1 : vector<1000x64xf32>, vector<1000x64xf32> -> vector<1000x128xf32>
    %get3A_14 = arith.constant 0 : index
    %get3A_15 = arith.constant 0 : index
    %get3A_16 = vector.load %arg1[%get3A_14, %get3A_15] : memref<1000x128xf32, #tpu.memory_space<vmem>>, vector<1000x128xf32>
    %div3A = vector.broadcast %max3A_3 : vector<1000x1xf32> to vector<1000x128xf32>
    %div3A_17 = arith.divf %concatenate3A, %div3A : vector<1000x128xf32>
    %add3A = arith.addf %get3A_16, %div3A_17 : vector<1000x128xf32>
    %max3A_18 = arith.constant 0.000000e+00 : f32
    %max3A_19 = vector.broadcast %max3A_18 : f32 to vector<1000x128xf32>
    %max3A_20 = arith.maximumf %add3A, %max3A_19 : vector<1000x128xf32>
    %get3A_21 = arith.constant 0 : index
    %get3A_22 = arith.constant 0 : index
    %get3A_23 = vector.load %arg5[%get3A_21, %get3A_22] : memref<128x256xf32, #tpu.memory_space<vmem>>, vector<128x256xf32>
    %dot_general3A = arith.constant dense<0.000000e+00> : vector<1000x256xf32>
    %dot_general3A_24 = tpu.matmul %max3A_20, %get3A_23, %dot_general3A {dimension_numbers = #tpu.dot_dimension_numbers<[1], [0], [0], [1], [0, 0, 1, 1], [], []>, transpose_lhs_hint = false} : vector<1000x128xf32>, vector<128x256xf32>, vector<1000x256xf32> -> vector<1000x256xf32>
    %get3A_25 = arith.constant 0 : index
    %get3A_26 = arith.constant 0 : index
    %get3A_27 = vector.load %arg6[%get3A_25, %get3A_26] : memref<1x256xf32, #tpu.memory_space<vmem>>, vector<1x256xf32>
    %add3A_28 = vector.broadcast %get3A_27 : vector<1x256xf32> to vector<1000x256xf32>
    %add3A_29 = arith.addf %dot_general3A_24, %add3A_28 : vector<1000x256xf32>
    %max3A_30 = arith.constant 0.000000e+00 : f32
    %max3A_31 = vector.broadcast %max3A_30 : f32 to vector<1000x256xf32>
    %max3A_32 = arith.maximumf %add3A_29, %max3A_31 : vector<1000x256xf32>
    %get3A_33 = arith.constant 0 : index
    %get3A_34 = arith.constant 0 : index
    %get3A_35 = vector.load %arg7[%get3A_33, %get3A_34] : memref<256x128xf32, #tpu.memory_space<vmem>>, vector<256x128xf32>
    %dot_general3A_36 = arith.constant dense<0.000000e+00> : vector<1000x128xf32>
    %dot_general3A_37 = tpu.matmul %max3A_32, %get3A_35, %dot_general3A_36 {dimension_numbers = #tpu.dot_dimension_numbers<[1], [0], [0], [1], [0, 0, 1, 1], [], []>, transpose_lhs_hint = false} : vector<1000x256xf32>, vector<256x128xf32>, vector<1000x128xf32> -> vector<1000x128xf32>
    %get3A_38 = arith.constant 0 : index
    %get3A_39 = arith.constant 0 : index
    %get3A_40 = vector.load %arg8[%get3A_38, %get3A_39] : memref<1x128xf32, #tpu.memory_space<vmem>>, vector<1x128xf32>
    %add3A_41 = vector.broadcast %get3A_40 : vector<1x128xf32> to vector<1000x128xf32>
    %add3A_42 = arith.addf %dot_general3A_37, %add3A_41 : vector<1000x128xf32>
    %swap3A = arith.constant 0 : index
    %swap3A_43 = arith.constant 0 : index
    %swap3A_44 = vector.load %arg9[%swap3A, %swap3A_43] : memref<1000x128xf32, #tpu.memory_space<vmem>>, vector<1000x128xf32>
    tpu.vector_store %arg9[%swap3A, %swap3A_43], %add3A_42 {strides = array<i32>} : memref<1000x128xf32, #tpu.memory_space<vmem>>, vector<1000x128xf32>,
    return
  }
  func.func @transform_0(%arg0: i32) -> (i32, i32) {
    %c0_i32 = arith.constant 0 : i32
    %c0_i32_0 = arith.constant 0 : i32
    return %arg0, %c0_i32 : i32, i32
  }
  func.func @transform_1(%arg0: i32) -> (i32, i32, i32) {
    %c0_i32 = arith.constant 0 : i32
    %c0_i32_0 = arith.constant 0 : i32
    %c0_i32_1 = arith.constant 0 : i32
    return %c0_i32, %arg0, %c0_i32_0 : i32, i32, i32
  }
  func.func @transform_2(%arg0: i32) -> (i32, i32, i32) {
    %c1_i32 = arith.constant 1 : i32
    %c0_i32 = arith.constant 0 : i32
    %c0_i32_0 = arith.constant 0 : i32
    return %c1_i32, %arg0, %c0_i32 : i32, i32, i32
  }
  func.func @transform_3(%arg0: i32) -> (i32, i32) {
    %c0_i32 = arith.constant 0 : i32
    %c0_i32_0 = arith.constant 0 : i32
    return %arg0, %c0_i32 : i32, i32
  }
  func.func @transform_4(%arg0: i32) -> (i32, i32) {
    %c0_i32 = arith.constant 0 : i32
    %c0_i32_0 = arith.constant 0 : i32
    %c0_i32_1 = arith.constant 0 : i32
    return %c0_i32, %c0_i32_0 : i32, i32
  }
  func.func @transform_5(%arg0: i32) -> (i32, i32) {
    %c0_i32 = arith.constant 0 : i32
    %c0_i32_0 = arith.constant 0 : i32
    %c0_i32_1 = arith.constant 0 : i32
    return %c0_i32, %c0_i32_0 : i32, i32
  }
  func.func @transform_6(%arg0: i32) -> (i32, i32) {
    %c0_i32 = arith.constant 0 : i32
    %c0_i32_0 = arith.constant 0 : i32
    %c0_i32_1 = arith.constant 0 : i32
    return %c0_i32, %c0_i32_0 : i32, i32
  }
  func.func @transform_7(%arg0: i32) -> (i32, i32) {
    %c0_i32 = arith.constant 0 : i32
    %c0_i32_0 = arith.constant 0 : i32
    %c0_i32_1 = arith.constant 0 : i32
    return %c0_i32, %c0_i32_0 : i32, i32
  }
  func.func @transform_8(%arg0: i32) -> (i32, i32) {
    %c0_i32 = arith.constant 0 : i32
    %c0_i32_0 = arith.constant 0 : i32
    return %arg0, %c0_i32 : i32, i32
  }
}

</mosaic_0001>

<sc_bundles>
// kernel: sc_seg_agg.4.cloned.1.call-start
scs
__scs_entry_jumppad:
0x0: {  	(pc) =	sbr.rel $0x88, $3  }
0x1: {  	(tag) =	ssettag $0x0;
	lr =	simm.s32 $0x1  }
0x2: {  	[smem:$0x3F95] =	sst lr;
	_ =	strace $0xD0000000  }
0x3: {  	_ = 	snop  }
0x4: {  	_ = 	snop  }
0x5: {  	_ = 	snop  }
0x6: {  	_ = 	snop  }
0x7: {  	_ = 	snop  }
__scs_overlays_trampoline_lowered:
0x8: {  	[smem:$0x3FA4] =	sst s0  }
0x9: {  	[smem:$0x3FA5] =	sst s1  }
0xa: {  	[smem:$0x3FA6] =	sst s2  }
0xb: {  	[smem:$0x3FA7] =	sst s3  }
0xc: {  	[smem:$0x3FA8] =	sst s4  }
0xd: {  	[smem:$0x3FA9] =	sst s5  }
0xe: {  	[smem:$0x3FAA] =	sst s6  }
0xf: {  	[smem:$0x3FAB] =	sst s7  }
0x10: {  	[smem:$0x3FAC] =	sst s8  }
0x11: {  	[smem:$0x3FAD] =	sst s9;
	s0 =	simm.s32 @!p0 $0x0  }
0x12: {  	s1 =	sld [smem:$0x3F93];
	s0 =	simm.s32 @p0 $0x1  }
0x13: {  	[smem:$0x3FAE] =	sst s0;
	s0 =	simm.s32 @!p1 $0x0  }
0x14: {  	s2 =	sld [smem:$0x3F92];
	s0 =	simm.s32 @p1 $0x1  }
0x15: {  	[smem:$0x3FAF] =	sst s0;
	s0 =	simm.s32 @!p2 $0x0  }
0x16: {  	s3 =	sld [smem:$0x3FDB];
	s0 =	simm.s32 @p2 $0x1  }
0x17: {  	s4 =	simm.s32 $0x1BF5;
	[smem:$0x3FB1] =	sst s0  }
0x18: {  	s0 =	sld [smem:$0x3F94];
	_ =	swait.ge [sflag:s4], $0x0  }
0x19: {  	s7 =	sld [smem:$0x3F95]  }
0x1a: {  	s8 =	sadd.s32 $0xFFFFE003, lr  }
0x1b: {  	s9 =	sadd.s32 $0xFFFFFEF7, lr;
	s5 =	simm.s32 $0xFFFFFFFF;
	p2 =	slt.u32 s8, $0xFFFFF086  }
0x1c: {  	p1 =	slt.u32 s9, $0xF7A;
	s5 =	simm.s32 @!p2 $0x0  }
0x1d: {  	s5 =	simm.s32 @p1 $0x1;
	p0 =	seq.s32 s7, s2  }
0x1e: {  	s7 =	smul.u32 @!p0 $0xF7A, s2;
	p2 =	seq.s32 @!p0 s5, $0x0  }
0x1f: {  	s9 =	smul.u32 $0xF7A, s1;
	s8 =	simm.s32 @!p0 $0x1BF5;
	p2 =	por !p2, p0  }
0x20: {  	[sflag:s8] =	ssyncset.s32 @!p0 $0xFFFFF086;
	s6 =	sadd.s32 @!p0 s3, s7;
	s7 =	simm.s32 @!p0 $0x108  }
0x21: {  	s3 =	sadd.s32 s3, s9;
	s6 =	sadd.s32 @!p0 $0x88, s6;
	s7 =	simm.s32 @p2 $0x1082  }
0x22: {  	[simem:s7], [sflag:s8] =	dma.local @!p0 [hbm:s6], $0xF7A  }
0x23: {  	s9 =	sor.u32 $0xD0000000, s2;
	s6 =	simm.s32 $0x108;
	_ =	swait.ge @!p0 [sflag:s8], $0x0  }
0x24: {  	s3 =	sadd.s32 $0x88, s3;
	s6 =	simm.s32 @!p1 $0x1082;
	[sflag:s4] =	ssyncset.s32 $0xFFFFF086  }
0x25: {  	[simem:s6], [sflag:s4] =	dma.local [hbm:s3], $0xF7A  }
0x26: {  	[smem:$0x3F95] =	sst s1;
	(tag) =	ssettag s2;
	_ =	strace s9  }
0x27: {  	s1 =	sld [smem:$0x3FA5]  }
0x28: {  	s2 =	sld [smem:$0x3FA6]  }
0x29: {  	s4 =	sld [smem:$0x3FA8]  }
0x2a: {  	p0 =	seq.s32 s5, $0x0;
	s5 =	sld [smem:$0x3FA9]  }
0x2b: {  	s6 =	sld [smem:$0x3FAA]  }
0x2c: {  	s7 =	sld [smem:$0x3FAB]  }
0x2d: {  	s3 =	simm.s32 $0x108;
	s8 =	sld [smem:$0x3FAC]  }
0x2e: {  	s3 =	simm.s32 @!p0 $0x1082;
	s9 =	sld [smem:$0x3FAD]  }
0x2f: {  	lr =	sadd.s32 s0, s3;
	s0 =	sld [smem:$0x3FA4]  }
0x30: {  	s3 =	sld [smem:$0x3FA7]  }
0x31: {  	[smem:$0x3FB0] =	sst s10  }
0x32: {  	s10 =	sld [smem:$0x3FAE];
	_ =	sdelay $0x3  }
0x33: {  	p0 =	seq.s32 s10, $0x1;
	s10 =	sld [smem:$0x3FB0];
	_ =	sdelay $0x3  }
0x34: {  	[smem:$0x3FB0] =	sst s10  }
0x35: {  	s10 =	sld [smem:$0x3FAF];
	_ =	sdelay $0x3  }
0x36: {  	p1 =	seq.s32 s10, $0x1;
	s10 =	sld [smem:$0x3FB0];
	_ =	sdelay $0x3  }
0x37: {  	[smem:$0x3FB0] =	sst s10  }
0x38: {  	s10 =	sld [smem:$0x3FB1]  }
0x39: {  	_ = 	snop;
	(pc) =	sbr.ind lr, $3  }
0x3a: {  	_ = 	snop  }
0x3b: {  	_ = 	snop  }
0x3c: {  	p2 =	seq.s32 s10, $0x1;
	s10 =	sld [smem:$0x3FB0]  }
0x3d: {  	_ =	shalt  }
0x3e: {  	_ =	shalt  }
0x3f: {  	_ =	shalt  }
0x40: {  	_ =	shalt  }
0x41: {  	_ =	shalt  }
0x42: {  	_ =	shalt  }
0x43: {  	_ =	shalt  }
0x44: {  	_ =	shalt  }
0x45: {  	_ =	shalt  }
0x46: {  	_ =	shalt  }
0x47: {  	_ =	shalt  }
0x48: {  	_ =	shalt  }
0x49: {  	_ =	shalt  }
0x4a: {  	_ =	shalt  }
0x4b: {  	_ =	shalt  }
0x4c: {  	_ =	shalt  }
0x4d: {  	_ =	shalt  }
0x4e: {  	_ =	shalt  }
0x4f: {  	_ =	shalt  }
0x50: {  	_ =	shalt  }
0x51: {  	_ =	shalt  }
0x52: {  	_ =	shalt  }
0x53: {  	_ =	shalt  }
0x54: {  	_ =	shalt  }
0x55: {  	_ =	shalt  }
0x56: {  	_ =	shalt  }
0x57: {  	_ =	shalt  }
0x58: {  	_ =	shalt  }
0x59: {  	_ =	shalt  }
0x5a: {  	_ =	shalt  }
0x5b: {  	_ =	shalt  }
0x5c: {  	_ =	shalt  }
0x5d: {  	_ =	shalt  }
0x5e: {  	_ =	shalt  }
0x5f: {  	_ =	shalt  }
0x60: {  	_ =	shalt  }
0x61: {  	_ =	shalt  }
0x62: {  	_ =	shalt  }
0x63: {  	_ =	shalt  }
0x64: {  	_ =	shalt  }
0x65: {  	_ =	shalt  }
0x66: {  	_ =	shalt  }
0x67: {  	_ =	shalt  }
0x68: {  	_ =	shalt  }
0x69: {  	_ =	shalt  }
0x6a: {  	_ =	shalt  }
0x6b: {  	_ =	shalt  }
0x6c: {  	_ =	shalt  }
0x6d: {  	_ =	shalt  }
0x6e: {  	_ =	shalt  }
0x6f: {  	_ =	shalt  }
0x70: {  	_ =	shalt  }
0x71: {  	_ =	shalt  }
0x72: {  	_ =	shalt  }
0x73: {  	_ =	shalt  }
0x74: {  	_ =	shalt  }
0x75: {  	_ =	shalt  }
0x76: {  	_ =	shalt  }
0x77: {  	_ =	shalt  }
0x78: {  	_ =	shalt  }
0x79: {  	_ =	shalt  }
0x7a: {  	_ =	shalt  }
0x7b: {  	_ =	shalt  }
0x7c: {  	_ =	shalt  }
0x7d: {  	_ =	shalt  }
0x7e: {  	_ =	shalt  }
0x7f: {  	_ =	shalt  }
0x80: {  	_ =	shalt  }
0x81: {  	_ =	shalt  }
0x82: {  	_ =	shalt  }
0x83: {  	_ =	shalt  }
0x84: {  	_ =	shalt  }
0x85: {  	_ =	shalt  }
0x86: {  	_ =	shalt  }
0x87: {  	_ =	shalt  }
.Lfunc_end0:
.L_simem_size_0:
called_computation_lowered:
.L_overlay_start_0:
0x88: {  	s2 =	sld [smem:$0x3FD9]  }
0x89: {  	s3 =	sld [smem:$0x3FFE];
	_ =	sdelay $0x1  }
0x8a: {  	s1 =	srdreg.scid  }
0x8b: {  	s0 =	sand.u32 $0x1, s1  }
0x8c: {  	s17 =	sshll.u32 s0, $0xA;
	s2 =	sadd.s32 s3, s2  }
0x8d: {  	s2 =	sadd.s32 s2, s17  }
0x8e: {  	[smem:$0x3FBC] =	sst s2  }
0x8f: {  	_ = 	snop  }
0x90: {  	s2 =	sld [smem:$0x3FD0];
	(tm) =	ssettm $0x1  }
0x91: {  	s18 =	sld [smem:$0x3FFB];
	_ =	sdelay $0x3  }
0x92: {  	_ =	strace s18  }
0x93: {  	s3 =	sld [smem:$0x3FFC];
	_ =	sdelay $0x3  }
0x94: {  	_ =	strace s3  }
0x95: {  	s3 =	sld [smem:$0x3FFD];
	_ =	sdelay $0x3  }
0x96: {  	_ =	strace s3  }
0x97: {  	_ =	strace $0x8FFFFFFF  }
0x98: {  	s19 =	sld [smem:$0x3FDB];
	_ =	sdelay $0x1  }
0x99: {  	s4 =	simm.s32 $_scs_section_size  }
0x9a: {  	s5 =	simm.s32 $_size__tile_overlayer_lowered;
	s6 =	simm.s32 $_tile_overlayer_lowered  }
0x9b: {  	s22 =	simm.s32 $0x1BFF;
	s21 =	sshll.u32 s6, $0x1;
	s3 =	sadd.s32 s4, s19  }
0x9c: {  	s7 =	simm.s32 $0x0;
	s20 =	sshll.u32 s5, $0x1;
	s5 =	sadd.s32 s21, s3  }
0x9d: {  	[timem:s7], [sflag:s22] =	dma.local [hbm:s5], s20  }
0x9e: {  	_ =	swait.ge [sflag:s22], s20  }
0x9f: {  	s4 =	ssub.s32 $0x0, s20;
	[sflag:s22] =	ssyncset.done $0x0  }
0xa0: {  	[sflag:s22] =	ssyncadd.s32 s4;
	_ =	sdelay $0x1  }
0xa1: {  	s23 =	simm.s32 $0x1B8B  }
0xa2: {  	_ =	swait.ge [sflag:s23], $0x1  }
0xa3: {  	[sflag:s23] =	ssyncset.done $0x0  }
0xa4: {  	s25 =	simm.s32 $0x1B8E;
	s24 =	sld [smem:$0x3FFE];
	[sflag:s23] =	ssyncadd.s32 $0xFFFFFFFF  }
0xa5: {  	s26 =	simm.s32 $execute0_lowered;
	[smem:$0x3FD2] =	sst s25  }
0xa6: {  	s5 =	sshll.u32 s26, $0x1;
	_ =	strace $0x80000046;
	[dreg:$0x1] =	wrdreg $0xFFFFFFFF  }
0xa7: {  	s28 =	simm.s32 $_size_execute0_lowered;
	s3 =	sadd.s32 s3, s5;
	[dreg:$0x0] =	wrdreg $0x0  }
0xa8: {  	s5 =	sshll.u32 s28, $0x1;
	[dreg:$0x2] =	wrdreg s3  }
0xa9: {  	[dreg:$0x3] =	wrdreg s5  }
0xaa: {  	[dreg:$0x4] =	wrdreg $0xC0  }
0xab: {  	_ =	task [dreg:s7], $0x5FFFF  }
0xac: {  	[dreg:$0x1] =	wrdreg $0xFFFFFFFF  }
0xad: {  	[dreg:$0x0] =	wrdreg $0x60  }
0xae: {  	[dreg:$0x2] =	wrdreg s24  }
0xaf: {  	[dreg:$0x3] =	wrdreg s2  }
0xb0: {  	[dreg:$0x4] =	wrdreg $0x120400  }
0xb1: {  	[dreg:$0x5] =	wrdreg $0x9  }
0xb2: {  	_ =	task.clear_ibuf [dreg:s7], $0x6FFFF;
	_ =	strace $0x90000046  }
0xb3: {  	s29 =	simm.s32 $0x9;
	_ =	strace $0x80000048  }
0xb4: {  	_ =	swait.ge [sflag:s29], $0x1  }
0xb5: {  	[sflag:s29] =	ssyncadd.s32 $0xFFFFFFFF  }
0xb6: {  	_ =	strace $0x90000048  }
0xb7: {  	_ =	sfence  }
0xb8: {  	s30 =	sld [smem:$0x0];
	_ =	sdelay $0x2  }
0xb9: {  	s31 =	sshll.u32 s1, $0xD;
	s1 =	sshrl.u32 s1, $0x2  }
0xba: {  	s3 =	sand.u32 $0x4000, s31;
	s1 =	sadd.s32 s1, s30  }
0xbb: {  	s0 =	sor.u32 s3, s0;
	s1 =	sshll.u32 s1, $0x11  }
0xbc: {  	s0 =	sor.u32 s1, s0  }
0xbd: {  	s0 =	sadd.s32 $0x8F2B, s0  }
0xbe: {  	[sflag:s0] =	ssyncadd.remote.s32 $0x1  }
0xbf: {  	_ =	sfence.sel $0xFFFF  }
0xc0: {  	[dreg:$0x0] =	wrdreg $0xFFFFFFFF;
	(pc) =	sbr.abs _section_cstart, $3  }
0xc1: {  	[dreg:$0x1] =	wrdreg $0xFFFFFFFF  }
0xc2: {  	_ =	task.clear_ibuf [dreg:s7], $0x2FFFF;
	_ =	strace $0x9FFFFFFF  }
0xc3: {  	(tm) =	ssettm $0x7FFFFFFF  }
tec
execute0_lowered:
.L_overlay_start_1:
0x0: {  	(tag) =	ssettag $0x1  }
0x1: {  	s0 =	rddreg [dreg:$0x0]  }
0x2: {  	s2 =	rddreg [dreg:$0x1]  }
0x3: {  	s3 =	rddreg [dreg:$0x2]  }
0x4: {  	s9 =	stileid.u32;
	s4 =	simm.s32 $0x0;
	s7 =	srdreg.scid  }
0x5: {  	s1 =	smul.u32 $0x9C4, s9;
	[smem:$0x7FF] =	sst s4  }
0x6: {  	s6 =	smul.u32 $0x280, s9;
	s5 =	sadd.s32 $0x15C00, s0;
	s10 =	sadd.s32 $0x29600, s0  }
0x7: {  	s12 =	sand.u32 $0x1, s7;
	s13 =	smul.u32 $0xA000, s9;
	s14 =	sadd.s32 $0x2F000, s0  }
0x8: {  	s22 =	smul.u32 $0x500, s9;
	_ =	strace $0x80000047;
	s7 =	ssub.s32 $0x2, s12  }
0x9: {  	s20 =	smul.u32 $0xA0000, s12;
	s1 =	sadd.s32 s1, s0;
	s6 =	sshrl.u32 s6, $0x3  }
0xa: {  	s8 =	sshrl.u32 s7, $0x1;
	s16 =	sadd.s32 $0x2000, s13;
	s11 =	sadd.s32 s13, s3  }
0xb: {  	s18 =	sadd.s32 $0x4000, s13;
	s19 =	sadd.s32 $0x6000, s13;
	s21 =	sadd.s32 $0x8000, s13  }
0xc: {  	s15 =	sadd.s32 s6, s0;
	s0 =	sadd.s32 $0x29A00, s0;
	s24 =	sadd.s32 s19, s3  }
0xd: {  	s17 =	ssub.s32 s7, s8;
	s25 =	sadd.s32 s21, s3;
	[dreg:$0x6] =	wrdreg s24  }
0xe: {  	s4 =	sadd.s32 s16, s3;
	s26 =	sadd.s32 $0xBE00, s1;
	[dreg:$0x7] =	wrdreg s25  }
0xf: {  	s8 =	sadd.s32 s18, s3;
	s1 =	sadd.s32 $0x2000, s1;
	[dreg:$0x8] =	wrdreg s26  }
0x10: {  	s13 =	sadd.s32 s13, s20;
	s16 =	sadd.s32 s20, s16;
	[dreg:$0x9] =	wrdreg s1  }
0x11: {  	s18 =	sadd.s32 s20, s18;
	s19 =	sadd.s32 s20, s19;
	[dreg:$0x5] =	wrdreg s8  }
0x12: {  	s20 =	sadd.s32 s20, s21;
	s7 =	sadd.s32 s0, s22;
	[dreg:$0x4] =	wrdreg s4  }
0x13: {  	s13 =	sshrl.u32 s13, $0x3;
	s0 =	sadd.s32 s0, s6;
	[dreg:$0xa] =	wrdreg s7  }
0x14: {  	s21 =	sshrl.u32 s16, $0x3;
	s1 =	sadd.s32 s14, s13;
	[dreg:$0x10] =	wrdreg s0  }
0x15: {  	s25 =	sshrl.u32 s20, $0x3;
	s22 =	sadd.s32 s14, s21;
	[dreg:$0xb] =	wrdreg s1  }
0x16: {  	s26 =	sadd.s32 s14, s25;
	[dreg:$0xc] =	wrdreg s22  }
0x17: {  	s6 =	sadd.s32 $0x500, s0;
	[dreg:$0xf] =	wrdreg s26  }
0x18: {  	s7 =	sadd.s32 $0xA00, s0;
	[dreg:$0x11] =	wrdreg s6  }
0x19: {  	s28 =	simm.s32 $0xB;
	s13 =	sadd.s32 $0xF00, s0;
	[dreg:$0x12] =	wrdreg s7  }
0x1a: {  	s30 =	simm.s32 $0x50;
	s16 =	sadd.s32 $0x1400, s0;
	[dreg:$0x13] =	wrdreg s13  }
0x1b: {  	s23 =	sshrl.u32 s18, $0x3;
	s18 =	sadd.s32 $0x1E00, s0;
	[dreg:$0x16] =	wrdreg s16  }
0x1c: {  	s24 =	sshrl.u32 s19, $0x3;
	s19 =	sadd.s32 $0x2300, s0;
	[dreg:$0x18] =	wrdreg s18  }
0x1d: {  	s31 =	simm.s32 $0x9C40;
	s20 =	sadd.s32 $0x2800, s0;
	[dreg:$0x19] =	wrdreg s19  }
0x1e: {  	s29 =	simm.s32 $0x3;
	s21 =	sadd.s32 $0x2D00, s0;
	[dreg:$0x1a] =	wrdreg s20  }
0x1f: {  	s9 =	simm.s32 $0x0;
	s25 =	sadd.s32 $0x4100, s0;
	[dreg:$0x1b] =	wrdreg s21  }
0x20: {  	p0 =	sne.s32 s12, $0x0;
	s1 =	sadd.s32 s14, s23;
	[dreg:$0x1f] =	wrdreg s25  }
0x21: {  	s12 =	simm.s32 $0x7;
	s22 =	sadd.s32 $0x3200, s0;
	[dreg:$0xd] =	wrdreg s1  }
0x22: {  	s23 =	sadd.s32 $0x3700, s0;
	s26 =	sadd.s32 $0x4600, s0;
	[dreg:$0x1c] =	wrdreg s22  }
0x23: {  	s21 =	simm.s32 $0x1C040;
	s6 =	simm.s32 $0x6;
	[dreg:$0x1d] =	wrdreg s23  }
0x24: {  	s20 =	simm.s32 $0x4;
	s1 =	sadd.s32 s14, s24;
	[smem:$0x7FC] =	sst s26  }
0x25: {  	s13 =	simm.s32 $0x5;
	s14 =	sadd.s32 $0x2EA00, s15;
	[dreg:$0xe] =	wrdreg s1  }
0x26: {  	s16 =	simm.s32 $0x9;
	s15 =	smax.u32 s17, $0x1;
	[dreg:$0x14] =	wrdreg s14  }
0x27: {  	s18 =	simm.s32 $0x0;
	s17 =	sadd.s32 $0x1900, s0;
	[dreg:$0x15] =	wrdreg s15  }
.Ltmp0:
0x28: {  	s24 =	sadd.s32 $0x3C00, s0;
	[dreg:$0x17] =	wrdreg s17;
	(pc) =	sbr.rel .LBB2_1-.Ltmp0, $4  }
0x29: {  	s0 =	sadd.s32 $0x4B00, s0;
	s26 =	simm.s32 $0x10040;
	[dreg:$0x1e] =	wrdreg s24  }
0x2a: {  	s22 =	simm.s32 $0xD840;
	s23 =	simm.s32 $0x2;
	[smem:$0x7FD] =	sst s0  }
0x2b: {  	s0 =	simm.s32 $0xB040;
	s1 =	simm.s32 $0xC440;
	s14 =	simm.s32 $0x1  }
0x2c: {  	v0 =	vimm.f32 $0.0e+00;
	v1 =	vimm.f32 $1.000000000e+00;
	s24 =	simm.s32 $0xEC40;
	s15 =	simm.s32 $0x8;
	s17 =	simm.s32 $0xA  }
.LBB2_43:
0x2d: {  	v3 =	vld [tilespmem:s19+$0x1E840];
	_ =	sdelay $0x4  }
0x2e: {  	v2 =	vadd.f32 v2, v3;
	_ =	sdelay $0x1  }
0x2f: {  	s7 =	rddreg [dreg:$0x14];
	s25 =	simm.s32 $0x1E840;
	[tilespmem:s19+$0x1E840] =	vst v2  }
0x30: {  	[hbm4b:s7+s9] =	stream.linear.scatter [tilespmem:s25], [sflag:$0xB], $0x280, $0x38;
	[tilespmem:$0x1EAC0] =	vst v63  }
0x31: {  	_ =	swait.ge [sflag:s28], $0x280  }
0x32: {  	[sflag:s28] =	ssyncset.done $0x0  }
0x33: {  	[sflag:s28] =	ssyncadd.s32 $0xFFFFFD80  }
.LBB2_44:
0x34: {  	s18 =	sadd.s32 $0x1, s18;
	s7 =	rddreg [dreg:$0x15]  }
0x35: {  	p1 =	sne.s32 s18, s7  }
.Ltmp1:
0x36: {  	_ = 	snop;
	(pc) =	sbr.rel @!p1 .LBB2_45-.Ltmp1, $1  }
0x37: {  	_ =	sdelay $0x3  }
.LBB2_1:
0x38: {  	[tilespmem:s26], [sflag:$0xB] =	stream.linear.gather [hbm4b:s10+s9], $0x2000, $0x38;
	[tilespmem:$0x1EAC0] =	vst v63  }
0x39: {  	_ =	swait.ge [sflag:s28], $0x2000  }
0x3a: {  	[sflag:s28] =	ssyncset.done $0x0  }
0x3b: {  	[sflag:s28] =	ssyncadd.s32 $0xFFFFE000  }
0x3c: {  	[spmem:s11] =	stream.linear.scatter [tilespmem:s26], [sflag:$0xB], $0x2000, $0x38;
	[tilespmem:$0x1EAC0] =	vst v63  }
0x3d: {  	_ =	swait.ge [sflag:s28], $0x2000  }
0x3e: {  	[sflag:s28] =	ssyncset.done $0x0  }
0x3f: {  	[sflag:s28] =	ssyncadd.s32 $0xFFFFE000  }
0x40: {  	[spmem:s4] =	stream.linear.scatter [tilespmem:s26], [sflag:$0xB], $0x2000, $0x38;
	[tilespmem:$0x1EAC0] =	vst v63  }
0x41: {  	_ =	swait.ge [sflag:s28], $0x2000  }
0x42: {  	[sflag:s28] =	ssyncset.done $0x0  }
0x43: {  	[sflag:s28] =	ssyncadd.s32 $0xFFFFE000  }
0x44: {  	[spmem:s8] =	stream.linear.scatter [tilespmem:s26], [sflag:$0xB], $0x2000, $0x38;
	[tilespmem:$0x1EAC0] =	vst v63  }
0x45: {  	_ =	swait.ge [sflag:s28], $0x2000  }
0x46: {  	[sflag:s28] =	ssyncset.done $0x0  }
0x47: {  	s7 =	rddreg [dreg:$0x6];
	[sflag:s28] =	ssyncadd.s32 $0xFFFFE000  }
0x48: {  	[spmem:s7] =	stream.linear.scatter [tilespmem:s26], [sflag:$0xB], $0x2000, $0x38;
	[tilespmem:$0x1EAC0] =	vst v63  }
0x49: {  	_ =	swait.ge [sflag:s28], $0x2000  }
0x4a: {  	[sflag:s28] =	ssyncset.done $0x0  }
0x4b: {  	s25 =	rddreg [dreg:$0x7];
	[sflag:s28] =	ssyncadd.s32 $0xFFFFE000  }
0x4c: {  	[spmem:s25] =	stream.linear.scatter [tilespmem:s26], [sflag:$0xB], $0x2000, $0x38;
	[tilespmem:$0x1EAC0] =	vst v63  }
0x4d: {  	_ =	swait.ge [sflag:s28], $0x2000  }
0x4e: {  	[sflag:s28] =	ssyncset.done $0x0  }
0x4f: {  	s19 =	simm.s32 $0x40;
	s25 =	simm.s32 $0x0;
	[sflag:s28] =	ssyncadd.s32 $0xFFFFE000  }
.LBB2_2:
0x50: {  	p1 =	sne.s32 s19, $0x9FC0;
	[tilespmem:s25+$0x1C040] =	vst v0;
	s25 =	smov.u32 s19;
	s19 =	sadd.s32 $0x40, s19  }
.Ltmp2:
0x51: {  	(pc) =	sbr.rel @p1 .LBB2_2-.Ltmp2, $2  }
0x52: {  	_ =	sdelay $0x2  }
0x53: {  	s25 =	sshra.s32 s25, $0x2  }
0x54: {  	[tilespmem:s25+$0x1C040] =	vst v0  }
0x55: {  	[bflag:$0x0] =	sbarrier.arrive $0xFFFF  }
0x56: {  	s7 =	rddreg [dreg:$0x8]  }
0x57: {  	[tilespmem:s9], [sflag:$0xB] =	stream.linear.gather [hbm4b:s7+s9], $0x4E20, $0x38;
	[tilespmem:$0x1EAC0] =	vst v63  }
0x58: {  	_ =	swait.ge [sflag:s28], $0x4E20  }
0x59: {  	s8 =	simm.s32 $0x4E20;
	[sflag:s28] =	ssyncset.done $0x0  }
.Ltmp3:
0x5a: {  	s25 =	rddreg [dreg:$0x9];
	[sflag:s28] =	ssyncadd.s32 $0xFFFFB1E0;
	(pc) =	sbr.rel @p0 .LBB2_7-.Ltmp3, $4  }
0x5b: {  	[tilespmem:s8], [sflag:$0xB] =	stream.linear.gather [hbm4b:s25+s9], $0x4E20, $0x38;
	[tilespmem:$0x1EAC0] =	vst v63  }
0x5c: {  	_ =	swait.ge [sflag:s28], $0x4E20  }
0x5d: {  	[sflag:s28] =	ssyncset.done $0x0  }
0x5e: {  	[sflag:s28] =	ssyncadd.s32 $0xFFFFB1E0  }
0x5f: {  	s19 =	simm.s32 $0x0  }
0x60: {  	[tilespmem:s31], [sflag:$0x1] =	stream.indirect.gather [hbm4b:s2+s30], $0x40, s19, s30, $0xb8;
	[tilespmem:$0x1EAC0] =	vst v63  }
0x61: {  	s4 =	smov.u32 s11;
	s11 =	smov.u32 s10  }
0x62: {  	[tilespmem:s0], [sflag:$0x2] =	stream.indirect.gather [hbm4b:s2+s30], $0x40, s30, s30, $0xb8;
	[tilespmem:$0x1EAC0] =	vst v63  }
.LBB2_5:
0x63: {  	p1 =	seq.s32 s19, $0x0  }
0x64: {  	s7 =	simm.s32 @!p1 $0x8  }
0x65: {  	_ =	swait.ge @!p1 [sflag:s7], $0x1400  }
0x66: {  	s25 =	sshra.s32 s19, $0x2;
	[sflag:s7] =	ssyncset.done @!p1 $0x0  }
0x67: {  	s10 =	sadd.s32 $0xA0, s25;
	[sflag:s7] =	ssyncadd.s32 @!p1 $0xFFFFEC00  }
0x68: {  	[tilespmem:s1], [sflag:$0x3] =	stream.indirect.gather [hbm4b:s2+s30], $0x40, s10, s30, $0xb8;
	[tilespmem:$0x1EAC0] =	vst v63  }
0x69: {  	_ =	swait.ge [sflag:s14], $0x1400  }
0x6a: {  	[sflag:s14] =	ssyncset.done $0x0  }
0x6b: {  	s8 =	sadd.s32 $0x4E20, s25;
	[sflag:s14] =	ssyncadd.s32 $0xFFFFEC00  }
0x6c: {  	[spmem:s3] =	stream.indirect.scatter.add.f32 [tilespmem:s31], [sflag:$0x6], $0x40, s8, s30, $0xb8;
	[tilespmem:$0x1EAC0] =	vst v63  }
0x6d: {  	v2 =	vld [tilespmem:s25+$0x4E20];
	_ =	sdelay $0x7  }
0x6e: {  	[tilespmem:v2+s21+$0x0] =	vst.idx.add.f32.msk $0xffff, v1  }
0x6f: {  	v2 =	vld [tilespmem:s25+$0x4E30];
	_ =	sdelay $0x7  }
0x70: {  	[tilespmem:v2+s21+$0x0] =	vst.idx.add.f32.msk $0xffff, v1  }
0x71: {  	v2 =	vld [tilespmem:s25+$0x4E40];
	_ =	sdelay $0x7  }
0x72: {  	[tilespmem:v2+s21+$0x0] =	vst.idx.add.f32.msk $0xffff, v1  }
0x73: {  	v2 =	vld [tilespmem:s25+$0x4E50];
	_ =	sdelay $0x7  }
0x74: {  	[tilespmem:v2+s21+$0x0] =	vst.idx.add.f32.msk $0xffff, v1  }
0x75: {  	v2 =	vld [tilespmem:s25+$0x4E60];
	_ =	sdelay $0x7  }
0x76: {  	s7 =	simm.s32 @!p1 $0x9;
	[tilespmem:v2+s21+$0x0] =	vst.idx.add.f32.msk $0xffff, v1  }
0x77: {  	_ =	swait.ge @!p1 [sflag:s7], $0x1400  }
0x78: {  	[sflag:s7] =	ssyncset.done @!p1 $0x0  }
0x79: {  	s9 =	sadd.s32 $0xF0, s25;
	[sflag:s7] =	ssyncadd.s32 @!p1 $0xFFFFEC00  }
0x7a: {  	[tilespmem:s22], [sflag:$0x4] =	stream.indirect.gather [hbm4b:s2+s30], $0x40, s9, s30, $0xb8;
	[tilespmem:$0x1EAC0] =	vst v63  }
0x7b: {  	_ =	swait.ge [sflag:s23], $0x1400  }
0x7c: {  	[sflag:s23] =	ssyncset.done $0x0  }
0x7d: {  	s10 =	sadd.s32 $0x4E70, s25;
	[sflag:s23] =	ssyncadd.s32 $0xFFFFEC00  }
0x7e: {  	[spmem:s3] =	stream.indirect.scatter.add.f32 [tilespmem:s0], [sflag:$0x7], $0x40, s10, s30, $0xb8;
	[tilespmem:$0x1EAC0] =	vst v63  }
0x7f: {  	v2 =	vld [tilespmem:s25+$0x4E70];
	_ =	sdelay $0x7  }
0x80: {  	[tilespmem:v2+s21+$0x0] =	vst.idx.add.f32.msk $0xffff, v1  }
0x81: {  	v2 =	vld [tilespmem:s25+$0x4E80];
	_ =	sdelay $0x7  }
0x82: {  	[tilespmem:v2+s21+$0x0] =	vst.idx.add.f32.msk $0xffff, v1  }
0x83: {  	v2 =	vld [tilespmem:s25+$0x4E90];
	_ =	sdelay $0x7  }
0x84: {  	[tilespmem:v2+s21+$0x0] =	vst.idx.add.f32.msk $0xffff, v1  }
0x85: {  	v2 =	vld [tilespmem:s25+$0x4EA0];
	_ =	sdelay $0x7  }
0x86: {  	[tilespmem:v2+s21+$0x0] =	vst.idx.add.f32.msk $0xffff, v1  }
0x87: {  	v2 =	vld [tilespmem:s25+$0x4EB0];
	_ =	sdelay $0x7  }
0x88: {  	s7 =	simm.s32 @!p1 $0xA;
	[tilespmem:v2+s21+$0x0] =	vst.idx.add.f32.msk $0xffff, v1  }
0x89: {  	_ =	swait.ge @!p1 [sflag:s7], $0x1400  }
0x8a: {  	[sflag:s7] =	ssyncset.done @!p1 $0x0  }
0x8b: {  	s8 =	sadd.s32 $0x140, s25;
	[sflag:s7] =	ssyncadd.s32 @!p1 $0xFFFFEC00  }
0x8c: {  	[tilespmem:s24], [sflag:$0x5] =	stream.indirect.gather [hbm4b:s2+s30], $0x40, s8, s30, $0xb8;
	[tilespmem:$0x1EAC0] =	vst v63  }
0x8d: {  	_ =	swait.ge [sflag:s29], $0x1400  }
0x8e: {  	[sflag:s29] =	ssyncset.done $0x0  }
0x8f: {  	s9 =	sadd.s32 $0x4EC0, s25;
	[sflag:s29] =	ssyncadd.s32 $0xFFFFEC00  }
0x90: {  	[spmem:s3] =	stream.indirect.scatter.add.f32 [tilespmem:s1], [sflag:$0x8], $0x40, s9, s30, $0xb8;
	[tilespmem:$0x1EAC0] =	vst v63  }
0x91: {  	v2 =	vld [tilespmem:s25+$0x4EC0];
	_ =	sdelay $0x7  }
0x92: {  	[tilespmem:v2+s21+$0x0] =	vst.idx.add.f32.msk $0xffff, v1  }
0x93: {  	v2 =	vld [tilespmem:s25+$0x4ED0];
	_ =	sdelay $0x7  }
0x94: {  	[tilespmem:v2+s21+$0x0] =	vst.idx.add.f32.msk $0xffff, v1  }
0x95: {  	v2 =	vld [tilespmem:s25+$0x4EE0];
	_ =	sdelay $0x7  }
0x96: {  	[tilespmem:v2+s21+$0x0] =	vst.idx.add.f32.msk $0xffff, v1  }
0x97: {  	v2 =	vld [tilespmem:s25+$0x4EF0];
	_ =	sdelay $0x7  }
0x98: {  	[tilespmem:v2+s21+$0x0] =	vst.idx.add.f32.msk $0xffff, v1  }
0x99: {  	v2 =	vld [tilespmem:s25+$0x4F00];
	_ =	sdelay $0x7  }
0x9a: {  	[tilespmem:v2+s21+$0x0] =	vst.idx.add.f32.msk $0xffff, v1  }
0x9b: {  	p1 =	seq.s32 s19, $0x13240;
	_ =	swait.ge [sflag:s6], $0x1400  }
0x9c: {  	s7 =	sshra.s32 @!p1 s19, $0x2;
	s10 =	simm.s32 @!p1 $0x9C40;
	[sflag:s6] =	ssyncset.done $0x0  }
0x9d: {  	s8 =	sadd.s32 @!p1 $0x190, s7;
	s9 =	simm.s32 @!p1 $0x50;
	[sflag:s6] =	ssyncadd.s32 $0xFFFFEC00  }
0x9e: {  	[tilespmem:s10], [sflag:$0x1] =	stream.indirect.gather @!p1 [hbm4b:s2+s9], $0x40, s8, s9, $0xb8;
	[tilespmem:$0x1EAC0] =	vst v63  }
0x9f: {  	_ =	swait.ge [sflag:s20], $0x1400  }
0xa0: {  	[sflag:s20] =	ssyncset.done $0x0  }
0xa1: {  	s10 =	sadd.s32 $0x4F10, s25;
	[sflag:s20] =	ssyncadd.s32 $0xFFFFEC00  }
0xa2: {  	[spmem:s3] =	stream.indirect.scatter.add.f32 [tilespmem:s22], [sflag:$0x9], $0x40, s10, s30, $0xb8;
	[tilespmem:$0x1EAC0] =	vst v63  }
0xa3: {  	v2 =	vld [tilespmem:s25+$0x4F10];
	_ =	sdelay $0x7  }
0xa4: {  	[tilespmem:v2+s21+$0x0] =	vst.idx.add.f32.msk $0xffff, v1  }
0xa5: {  	v2 =	vld [tilespmem:s25+$0x4F20];
	_ =	sdelay $0x7  }
0xa6: {  	[tilespmem:v2+s21+$0x0] =	vst.idx.add.f32.msk $0xffff, v1  }
0xa7: {  	v2 =	vld [tilespmem:s25+$0x4F30];
	_ =	sdelay $0x7  }
0xa8: {  	[tilespmem:v2+s21+$0x0] =	vst.idx.add.f32.msk $0xffff, v1  }
0xa9: {  	v2 =	vld [tilespmem:s25+$0x4F40];
	_ =	sdelay $0x7  }
0xaa: {  	[tilespmem:v2+s21+$0x0] =	vst.idx.add.f32.msk $0xffff, v1  }
0xab: {  	v2 =	vld [tilespmem:s25+$0x4F50];
	_ =	sdelay $0x7  }
0xac: {  	[tilespmem:v2+s21+$0x0] =	vst.idx.add.f32.msk $0xffff, v1  }
0xad: {  	_ =	swait.ge [sflag:s12], $0x1400  }
0xae: {  	[sflag:s12] =	ssyncset.done $0x0  }
0xaf: {  	s7 =	sadd.s32 @!p1 $0x1E0, s7;
	s8 =	simm.s32 @!p1 $0xB040;
	[sflag:s12] =	ssyncadd.s32 $0xFFFFEC00  }
0xb0: {  	[tilespmem:s8], [sflag:$0x2] =	stream.indirect.gather @!p1 [hbm4b:s2+s9], $0x40, s7, s9, $0xb8;
	[tilespmem:$0x1EAC0] =	vst v63  }
0xb1: {  	_ =	swait.ge [sflag:s13], $0x1400  }
0xb2: {  	[sflag:s13] =	ssyncset.done $0x0  }
0xb3: {  	s10 =	sadd.s32 $0x4F60, s25;
	[sflag:s13] =	ssyncadd.s32 $0xFFFFEC00  }
0xb4: {  	[spmem:s3] =	stream.indirect.scatter.add.f32 [tilespmem:s24], [sflag:$0xA], $0x40, s10, s30, $0xb8;
	[tilespmem:$0x1EAC0] =	vst v63  }
0xb5: {  	v2 =	vld [tilespmem:s25+$0x4F60];
	_ =	sdelay $0x7  }
0xb6: {  	[tilespmem:v2+s21+$0x0] =	vst.idx.add.f32.msk $0xffff, v1  }
0xb7: {  	v2 =	vld [tilespmem:s25+$0x4F70];
	_ =	sdelay $0x7  }
0xb8: {  	[tilespmem:v2+s21+$0x0] =	vst.idx.add.f32.msk $0xffff, v1  }
0xb9: {  	v2 =	vld [tilespmem:s25+$0x4F80];
	_ =	sdelay $0x7  }
0xba: {  	[tilespmem:v2+s21+$0x0] =	vst.idx.add.f32.msk $0xffff, v1  }
0xbb: {  	v2 =	vld [tilespmem:s25+$0x4F90];
	_ =	sdelay $0x7  }
0xbc: {  	[tilespmem:v2+s21+$0x0] =	vst.idx.add.f32.msk $0xffff, v1  }
0xbd: {  	v2 =	vld [tilespmem:s25+$0x4FA0];
	_ =	sdelay $0x1  }
0xbe: {  	s19 =	sadd.s32 $0x640, s19  }
0xbf: {  	p1 =	sne.s32 s19, $0x13880  }
.Ltmp4:
0xc0: {  	_ = 	snop;
	(pc) =	sbr.rel @p1 .LBB2_5-.Ltmp4, $2  }
0xc1: {  	_ =	sdelay $0x2  }
0xc2: {  	[tilespmem:v2+s21+$0x0] =	vst.idx.add.f32.msk $0xffff, v1  }
0xc3: {  	_ =	swait.ge [sflag:s15], $0x1400  }
0xc4: {  	[sflag:s15] =	ssyncset.done $0x0  }
0xc5: {  	[sflag:s15] =	ssyncadd.s32 $0xFFFFEC00  }
0xc6: {  	_ =	swait.ge [sflag:s16], $0x1400  }
0xc7: {  	[sflag:s16] =	ssyncset.done $0x0  }
0xc8: {  	[sflag:s16] =	ssyncadd.s32 $0xFFFFEC00  }
0xc9: {  	_ =	swait.ge [sflag:s17], $0x1400  }
0xca: {  	s9 =	simm.s32 $0x0;
	[sflag:s17] =	ssyncset.done $0x0  }
.Ltmp5:
0xcb: {  	s7 =	rddreg [dreg:$0xa];
	[sflag:s17] =	ssyncadd.s32 $0xFFFFEC00;
	(pc) =	sbr.rel .LBB2_10-.Ltmp5, $4  }
0xcc: {  	[hbm4b:s7+s9] =	stream.linear.scatter [tilespmem:s21], [sflag:$0xB], $0x2800, $0x38;
	[tilespmem:$0x1EAC0] =	vst v63  }
0xcd: {  	_ =	swait.ge [sflag:s28], $0x2800  }
0xce: {  	s10 =	smov.u32 s11;
	[sflag:s28] =	ssyncset.done $0x0  }
0xcf: {  	s11 =	smov.u32 s4;
	s4 =	rddreg [dreg:$0x4];
	[sflag:s28] =	ssyncadd.s32 $0xFFFFD800  }
.LBB2_7:
0xd0: {  	s7 =	simm.s32 $0x0  }
0xd1: {  	[tilespmem:s31], [sflag:$0x1] =	stream.indirect.gather [hbm4b:s5+s30], $0x40, s7, s30, $0xb8;
	[tilespmem:$0x1EAC0] =	vst v63  }
0xd2: {  	_ = 	snop  }
0xd3: {  	[tilespmem:s0], [sflag:$0x2] =	stream.indirect.gather [hbm4b:s5+s30], $0x40, s30, s30, $0xb8;
	[tilespmem:$0x1EAC0] =	vst v63  }
0xd4: {  	s25 =	simm.s32 $0xA0  }
0xd5: {  	[tilespmem:s1], [sflag:$0x3] =	stream.indirect.gather [hbm4b:s5+s30], $0x40, s25, s30, $0xb8;
	[tilespmem:$0x1EAC0] =	vst v63  }
0xd6: {  	_ =	swait.ge [sflag:s14], $0x1400  }
0xd7: {  	[sflag:s14] =	ssyncset.done $0x0  }
0xd8: {  	[sflag:s14] =	ssyncadd.s32 $0xFFFFEC00  }
0xd9: {  	[spmem:s3] =	stream.indirect.scatter.add.f32 [tilespmem:s31], [sflag:$0x6], $0x40, s8, s30, $0xb8;
	[tilespmem:$0x1EAC0] =	vst v63  }
0xda: {  	s19 =	simm.s32 $0xF0  }
0xdb: {  	[tilespmem:s22], [sflag:$0x4] =	stream.indirect.gather [hbm4b:s5+s30], $0x40, s19, s30, $0xb8;
	[tilespmem:$0x1EAC0] =	vst v63  }
0xdc: {  	_ =	swait.ge [sflag:s23], $0x1400  }
0xdd: {  	[sflag:s23] =	ssyncset.done $0x0  }
0xde: {  	s25 =	simm.s32 $0x4E70;
	[sflag:s23] =	ssyncadd.s32 $0xFFFFEC00  }
0xdf: {  	[spmem:s3] =	stream.indirect.scatter.add.f32 [tilespmem:s0], [sflag:$0x7], $0x40, s25, s30, $0xb8;
	[tilespmem:$0x1EAC0] =	vst v63  }
0xe0: {  	s8 =	simm.s32 $0x140  }
0xe1: {  	[tilespmem:s24], [sflag:$0x5] =	stream.indirect.gather [hbm4b:s5+s30], $0x40, s8, s30, $0xb8;
	[tilespmem:$0x1EAC0] =	vst v63  }
0xe2: {  	_ =	swait.ge [sflag:s29], $0x1400  }
0xe3: {  	[sflag:s29] =	ssyncset.done $0x0  }
0xe4: {  	s19 =	simm.s32 $0x4EC0;
	[sflag:s29] =	ssyncadd.s32 $0xFFFFEC00  }
0xe5: {  	[spmem:s3] =	stream.indirect.scatter.add.f32 [tilespmem:s1], [sflag:$0x8], $0x40, s19, s30, $0xb8;
	[tilespmem:$0x1EAC0] =	vst v63  }
0xe6: {  	_ =	swait.ge [sflag:s6], $0x1400  }
0xe7: {  	[sflag:s6] =	ssyncset.done $0x0  }
0xe8: {  	s25 =	simm.s32 $0x190;
	[sflag:s6] =	ssyncadd.s32 $0xFFFFEC00  }
0xe9: {  	[tilespmem:s31], [sflag:$0x1] =	stream.indirect.gather [hbm4b:s5+s30], $0x40, s25, s30, $0xb8;
	[tilespmem:$0x1EAC0] =	vst v63  }
0xea: {  	_ =	swait.ge [sflag:s20], $0x1400  }
0xeb: {  	[sflag:s20] =	ssyncset.done $0x0  }
0xec: {  	s8 =	simm.s32 $0x4F10;
	[sflag:s20] =	ssyncadd.s32 $0xFFFFEC00  }
0xed: {  	[spmem:s3] =	stream.indirect.scatter.add.f32 [tilespmem:s22], [sflag:$0x9], $0x40, s8, s30, $0xb8;
	[tilespmem:$0x1EAC0] =	vst v63  }
0xee: {  	_ =	swait.ge [sflag:s12], $0x1400  }
0xef: {  	[sflag:s12] =	ssyncset.done $0x0  }
0xf0: {  	s19 =	simm.s32 $0x1E0;
	[sflag:s12] =	ssyncadd.s32 $0xFFFFEC00  }
0xf1: {  	[tilespmem:s0], [sflag:$0x2] =	stream.indirect.gather [hbm4b:s5+s30], $0x40, s19, s30, $0xb8;
	[tilespmem:$0x1EAC0] =	vst v63  }
0xf2: {  	_ =	swait.ge [sflag:s13], $0x1400  }
0xf3: {  	[sflag:s13] =	ssyncset.done $0x0  }
0xf4: {  	s25 =	simm.s32 $0x4F60;
	[sflag:s13] =	ssyncadd.s32 $0xFFFFEC00  }
0xf5: {  	[spmem:s3] =	stream.indirect.scatter.add.f32 [tilespmem:s24], [sflag:$0xA], $0x40, s25, s30, $0xb8;
	[tilespmem:$0x1EAC0] =	vst v63  }
0xf6: {  	_ =	swait.ge [sflag:s15], $0x1400  }
0xf7: {  	[sflag:s15] =	ssyncset.done $0x0  }
0xf8: {  	s8 =	simm.s32 $0x230;
	[sflag:s15] =	ssyncadd.s32 $0xFFFFEC00  }
0xf9: {  	[tilespmem:s1], [sflag:$0x3] =	stream.indirect.gather [hbm4b:s5+s30], $0x40, s8, s30, $0xb8;
	[tilespmem:$0x1EAC0] =	vst v63  }
0xfa: {  	_ =	swait.ge [sflag:s14], $0x1400  }
0xfb: {  	[sflag:s14] =	ssyncset.done $0x0  }
0xfc: {  	s19 =	simm.s32 $0x4FB0;
	[sflag:s14] =	ssyncadd.s32 $0xFFFFEC00  }
0xfd: {  	[spmem:s3] =	stream.indirect.scatter.add.f32 [tilespmem:s31], [sflag:$0x6], $0x40, s19, s30, $0xb8;
	[tilespmem:$0x1EAC0] =	vst v63  }
0xfe: {  	_ =	swait.ge [sflag:s16], $0x1400  }
0xff: {  	[sflag:s16] =	ssyncset.done $0x0  }
0x100: {  	s25 =	simm.s32 $0x280;
	[sflag:s16] =	ssyncadd.s32 $0xFFFFEC00  }
0x101: {  	[tilespmem:s22], [sflag:$0x4] =	stream.indirect.gather [hbm4b:s5+s30], $0x40, s25, s30, $0xb8;
	[tilespmem:$0x1EAC0] =	vst v63  }
0x102: {  	_ =	swait.ge [sflag:s23], $0x1400  }
0x103: {  	[sflag:s23] =	ssyncset.done $0x0  }
0x104: {  	s8 =	simm.s32 $0x5000;
	[sflag:s23] =	ssyncadd.s32 $0xFFFFEC00  }
0x105: {  	[spmem:s3] =	stream.indirect.scatter.add.f32 [tilespmem:s0], [sflag:$0x7], $0x40, s8, s30, $0xb8;
	[tilespmem:$0x1EAC0] =	vst v63  }
0x106: {  	_ =	swait.ge [sflag:s17], $0x1400  }
0x107: {  	[sflag:s17] =	ssyncset.done $0x0  }
0x108: {  	s19 =	simm.s32 $0x2D0;
	[sflag:s17] =	ssyncadd.s32 $0xFFFFEC00  }
0x109: {  	[tilespmem:s24], [sflag:$0x5] =	stream.indirect.gather [hbm4b:s5+s30], $0x40, s19, s30, $0xb8;
	[tilespmem:$0x1EAC0] =	vst v63  }
0x10a: {  	_ =	swait.ge [sflag:s29], $0x1400  }
0x10b: {  	[sflag:s29] =	ssyncset.done $0x0  }
0x10c: {  	s25 =	simm.s32 $0x5050;
	[sflag:s29] =	ssyncadd.s32 $0xFFFFEC00  }
0x10d: {  	[spmem:s3] =	stream.indirect.scatter.add.f32 [tilespmem:s1], [sflag:$0x8], $0x40, s25, s30, $0xb8;
	[tilespmem:$0x1EAC0] =	vst v63  }
0x10e: {  	_ =	swait.ge [sflag:s6], $0x1400  }
0x10f: {  	[sflag:s6] =	ssyncset.done $0x0  }
0x110: {  	s8 =	simm.s32 $0x320;
	[sflag:s6] =	ssyncadd.s32 $0xFFFFEC00  }
0x111: {  	[tilespmem:s31], [sflag:$0x1] =	stream.indirect.gather [hbm4b:s5+s30], $0x40, s8, s30, $0xb8;
	[tilespmem:$0x1EAC0] =	vst v63  }
0x112: {  	_ =	swait.ge [sflag:s20], $0x1400  }
0x113: {  	[sflag:s20] =	ssyncset.done $0x0  }
0x114: {  	s19 =	simm.s32 $0x50A0;
	[sflag:s20] =	ssyncadd.s32 $0xFFFFEC00  }
0x115: {  	[spmem:s3] =	stream.indirect.scatter.add.f32 [tilespmem:s22], [sflag:$0x9], $0x40, s19, s30, $0xb8;
	[tilespmem:$0x1EAC0] =	vst v63  }
0x116: {  	_ =	swait.ge [sflag:s12], $0x1400  }
0x117: {  	[sflag:s12] =	ssyncset.done $0x0  }
0x118: {  	s25 =	simm.s32 $0x370;
	[sflag:s12] =	ssyncadd.s32 $0xFFFFEC00  }
0x119: {  	[tilespmem:s0], [sflag:$0x2] =	stream.indirect.gather [hbm4b:s5+s30], $0x40, s25, s30, $0xb8;
	[tilespmem:$0x1EAC0] =	vst v63  }
0x11a: {  	_ =	swait.ge [sflag:s13], $0x1400  }
0x11b: {  	[sflag:s13] =	ssyncset.done $0x0  }
0x11c: {  	s19 =	simm.s32 $0x640;
	s25 =	simm.s32 $0x50F0;
	[sflag:s13] =	ssyncadd.s32 $0xFFFFEC00  }
.LBB2_8:
0x11d: {  	[spmem:s3] =	stream.indirect.scatter.add.f32 [tilespmem:s24], [sflag:$0xA], $0x40, s25, s30, $0xb8;
	[tilespmem:$0x1EAC0] =	vst v63  }
0x11e: {  	s7 =	smov.u32 s19;
	s19 =	sadd.s32 $0x640, s19;
	_ =	swait.ge [sflag:s15], $0x1400  }
0x11f: {  	s25 =	sshra.s32 s7, $0x2;
	p1 =	sne.s32 s19, $0x12C00;
	[sflag:s15] =	ssyncset.done $0x0  }
0x120: {  	s7 =	sadd.s32 $0x230, s25;
	[sflag:s15] =	ssyncadd.s32 $0xFFFFEC00  }
0x121: {  	[tilespmem:s1], [sflag:$0x3] =	stream.indirect.gather [hbm4b:s5+s30], $0x40, s7, s30, $0xb8;
	[tilespmem:$0x1EAC0] =	vst v63  }
0x122: {  	_ =	swait.ge [sflag:s14], $0x1400  }
0x123: {  	[sflag:s14] =	ssyncset.done $0x0  }
0x124: {  	s7 =	sadd.s32 $0x4FB0, s25;
	[sflag:s14] =	ssyncadd.s32 $0xFFFFEC00  }
0x125: {  	[spmem:s3] =	stream.indirect.scatter.add.f32 [tilespmem:s31], [sflag:$0x6], $0x40, s7, s30, $0xb8;
	[tilespmem:$0x1EAC0] =	vst v63  }
0x126: {  	_ =	swait.ge [sflag:s16], $0x1400  }
0x127: {  	[sflag:s16] =	ssyncset.done $0x0  }
0x128: {  	s7 =	sadd.s32 $0x280, s25;
	[sflag:s16] =	ssyncadd.s32 $0xFFFFEC00  }
0x129: {  	[tilespmem:s22], [sflag:$0x4] =	stream.indirect.gather [hbm4b:s5+s30], $0x40, s7, s30, $0xb8;
	[tilespmem:$0x1EAC0] =	vst v63  }
0x12a: {  	_ =	swait.ge [sflag:s23], $0x1400  }
0x12b: {  	[sflag:s23] =	ssyncset.done $0x0  }
0x12c: {  	s7 =	sadd.s32 $0x5000, s25;
	[sflag:s23] =	ssyncadd.s32 $0xFFFFEC00  }
0x12d: {  	[spmem:s3] =	stream.indirect.scatter.add.f32 [tilespmem:s0], [sflag:$0x7], $0x40, s7, s30, $0xb8;
	[tilespmem:$0x1EAC0] =	vst v63  }
0x12e: {  	_ =	swait.ge [sflag:s17], $0x1400  }
0x12f: {  	[sflag:s17] =	ssyncset.done $0x0  }
0x130: {  	s7 =	sadd.s32 $0x2D0, s25;
	[sflag:s17] =	ssyncadd.s32 $0xFFFFEC00  }
0x131: {  	[tilespmem:s24], [sflag:$0x5] =	stream.indirect.gather [hbm4b:s5+s30], $0x40, s7, s30, $0xb8;
	[tilespmem:$0x1EAC0] =	vst v63  }
0x132: {  	_ =	swait.ge [sflag:s29], $0x1400  }
0x133: {  	[sflag:s29] =	ssyncset.done $0x0  }
0x134: {  	s7 =	sadd.s32 $0x5050, s25;
	[sflag:s29] =	ssyncadd.s32 $0xFFFFEC00  }
0x135: {  	[spmem:s3] =	stream.indirect.scatter.add.f32 [tilespmem:s1], [sflag:$0x8], $0x40, s7, s30, $0xb8;
	[tilespmem:$0x1EAC0] =	vst v63  }
0x136: {  	_ =	swait.ge [sflag:s6], $0x1400  }
0x137: {  	[sflag:s6] =	ssyncset.done $0x0  }
0x138: {  	s7 =	sadd.s32 $0x320, s25;
	[sflag:s6] =	ssyncadd.s32 $0xFFFFEC00  }
0x139: {  	[tilespmem:s31], [sflag:$0x1] =	stream.indirect.gather [hbm4b:s5+s30], $0x40, s7, s30, $0xb8;
	[tilespmem:$0x1EAC0] =	vst v63  }
0x13a: {  	_ =	swait.ge [sflag:s20], $0x1400  }
0x13b: {  	[sflag:s20] =	ssyncset.done $0x0  }
0x13c: {  	s7 =	sadd.s32 $0x50A0, s25;
	[sflag:s20] =	ssyncadd.s32 $0xFFFFEC00  }
0x13d: {  	[spmem:s3] =	stream.indirect.scatter.add.f32 [tilespmem:s22], [sflag:$0x9], $0x40, s7, s30, $0xb8;
	[tilespmem:$0x1EAC0] =	vst v63  }
0x13e: {  	_ =	swait.ge [sflag:s12], $0x1400  }
0x13f: {  	[sflag:s12] =	ssyncset.done $0x0  }
.Ltmp6:
0x140: {  	s7 =	sadd.s32 $0x370, s25;
	[sflag:s12] =	ssyncadd.s32 $0xFFFFEC00;
	(pc) =	sbr.rel @p1 .LBB2_8-.Ltmp6, $4  }
0x141: {  	[tilespmem:s0], [sflag:$0x2] =	stream.indirect.gather [hbm4b:s5+s30], $0x40, s7, s30, $0xb8;
	[tilespmem:$0x1EAC0] =	vst v63  }
0x142: {  	_ =	swait.ge [sflag:s13], $0x1400  }
0x143: {  	[sflag:s13] =	ssyncset.done $0x0  }
0x144: {  	s25 =	sadd.s32 $0x50F0, s25;
	[sflag:s13] =	ssyncadd.s32 $0xFFFFEC00  }
0x145: {  	[spmem:s3] =	stream.indirect.scatter.add.f32 [tilespmem:s24], [sflag:$0xA], $0x40, s25, s30, $0xb8;
	[tilespmem:$0x1EAC0] =	vst v63  }
0x146: {  	_ =	swait.ge [sflag:s15], $0x1400  }
0x147: {  	s7 =	sshra.s32 s19, $0x2;
	[sflag:s15] =	ssyncset.done $0x0  }
0x148: {  	s8 =	sadd.s32 $0x230, s7;
	[sflag:s15] =	ssyncadd.s32 $0xFFFFEC00  }
0x149: {  	[tilespmem:s1], [sflag:$0x3] =	stream.indirect.gather [hbm4b:s5+s30], $0x40, s8, s30, $0xb8;
	[tilespmem:$0x1EAC0] =	vst v63  }
0x14a: {  	_ =	swait.ge [sflag:s14], $0x1400  }
0x14b: {  	[sflag:s14] =	ssyncset.done $0x0  }
0x14c: {  	s19 =	sadd.s32 $0x4FB0, s7;
	[sflag:s14] =	ssyncadd.s32 $0xFFFFEC00  }
0x14d: {  	[spmem:s3] =	stream.indirect.scatter.add.f32 [tilespmem:s31], [sflag:$0x6], $0x40, s19, s30, $0xb8;
	[tilespmem:$0x1EAC0] =	vst v63  }
0x14e: {  	_ =	swait.ge [sflag:s16], $0x1400  }
0x14f: {  	[sflag:s16] =	ssyncset.done $0x0  }
0x150: {  	s25 =	sadd.s32 $0x280, s7;
	[sflag:s16] =	ssyncadd.s32 $0xFFFFEC00  }
0x151: {  	[tilespmem:s22], [sflag:$0x4] =	stream.indirect.gather [hbm4b:s5+s30], $0x40, s25, s30, $0xb8;
	[tilespmem:$0x1EAC0] =	vst v63  }
0x152: {  	_ =	swait.ge [sflag:s23], $0x1400  }
0x153: {  	[sflag:s23] =	ssyncset.done $0x0  }
0x154: {  	s19 =	sadd.s32 $0x5000, s7;
	[sflag:s23] =	ssyncadd.s32 $0xFFFFEC00  }
0x155: {  	[spmem:s3] =	stream.indirect.scatter.add.f32 [tilespmem:s0], [sflag:$0x7], $0x40, s19, s30, $0xb8;
	[tilespmem:$0x1EAC0] =	vst v63  }
0x156: {  	_ =	swait.ge [sflag:s17], $0x1400  }
0x157: {  	[sflag:s17] =	ssyncset.done $0x0  }
0x158: {  	s25 =	simm.s32 $0x4DD0;
	[sflag:s17] =	ssyncadd.s32 $0xFFFFEC00  }
0x159: {  	[tilespmem:s24], [sflag:$0x5] =	stream.indirect.gather [hbm4b:s5+s30], $0x40, s25, s30, $0xb8;
	[tilespmem:$0x1EAC0] =	vst v63  }
0x15a: {  	_ =	swait.ge [sflag:s29], $0x1400  }
0x15b: {  	[sflag:s29] =	ssyncset.done $0x0  }
0x15c: {  	s19 =	sadd.s32 $0x5050, s7;
	[sflag:s29] =	ssyncadd.s32 $0xFFFFEC00  }
0x15d: {  	[spmem:s3] =	stream.indirect.scatter.add.f32 [tilespmem:s1], [sflag:$0x8], $0x40, s19, s30, $0xb8;
	[tilespmem:$0x1EAC0] =	vst v63  }
0x15e: {  	_ =	swait.ge [sflag:s6], $0x1400  }
0x15f: {  	[sflag:s6] =	ssyncset.done $0x0  }
0x160: {  	[sflag:s6] =	ssyncadd.s32 $0xFFFFEC00  }
0x161: {  	_ =	swait.ge [sflag:s20], $0x1400  }
0x162: {  	[sflag:s20] =	ssyncset.done $0x0  }
0x163: {  	s7 =	sadd.s32 $0x50A0, s7;
	[sflag:s20] =	ssyncadd.s32 $0xFFFFEC00  }
0x164: {  	[spmem:s3] =	stream.indirect.scatter.add.f32 [tilespmem:s22], [sflag:$0x9], $0x40, s7, s30, $0xb8;
	[tilespmem:$0x1EAC0] =	vst v63  }
0x165: {  	_ =	swait.ge [sflag:s12], $0x1400  }
0x166: {  	[sflag:s12] =	ssyncset.done $0x0  }
0x167: {  	[sflag:s12] =	ssyncadd.s32 $0xFFFFEC00  }
0x168: {  	_ =	swait.ge [sflag:s13], $0x1400  }
0x169: {  	[sflag:s13] =	ssyncset.done $0x0  }
0x16a: {  	s25 =	simm.s32 $0x9BF0;
	[sflag:s13] =	ssyncadd.s32 $0xFFFFEC00  }
0x16b: {  	[spmem:s3] =	stream.indirect.scatter.add.f32 [tilespmem:s24], [sflag:$0xA], $0x40, s25, s30, $0xb8;
	[tilespmem:$0x1EAC0] =	vst v63  }
0x16c: {  	_ =	swait.ge [sflag:s15], $0x1400  }
0x16d: {  	[sflag:s15] =	ssyncset.done $0x0  }
0x16e: {  	[sflag:s15] =	ssyncadd.s32 $0xFFFFEC00  }
0x16f: {  	_ =	swait.ge [sflag:s16], $0x1400  }
0x170: {  	[sflag:s16] =	ssyncset.done $0x0  }
0x171: {  	[sflag:s16] =	ssyncadd.s32 $0xFFFFEC00  }
0x172: {  	_ =	swait.ge [sflag:s17], $0x1400  }
0x173: {  	[sflag:s17] =	ssyncset.done $0x0  }
0x174: {  	[sflag:s17] =	ssyncadd.s32 $0xFFFFEC00  }
.LBB2_10:
0x175: {  	[bflag:$0x0] =	sbarrier.arrive $0xFFFF  }
0x176: {  	[tilespmem:s26], [sflag:$0xB] =	stream.linear.gather [spmem:s11], $0x2000, $0x38;
	[tilespmem:$0x1EAC0] =	vst v63  }
0x177: {  	_ =	swait.ge [sflag:s28], $0x2000  }
0x178: {  	[sflag:s28] =	ssyncset.done $0x0  }
0x179: {  	s7 =	rddreg [dreg:$0xb];
	[sflag:s28] =	ssyncadd.s32 $0xFFFFE000  }
0x17a: {  	[hbm4b:s7+s9] =	stream.linear.scatter [tilespmem:s26], [sflag:$0xB], $0x2000, $0x38;
	[tilespmem:$0x1EAC0] =	vst v63  }
0x17b: {  	_ =	swait.ge [sflag:s28], $0x2000  }
0x17c: {  	[sflag:s28] =	ssyncset.done $0x0  }
0x17d: {  	[sflag:s28] =	ssyncadd.s32 $0xFFFFE000  }
0x17e: {  	[tilespmem:s26], [sflag:$0xB] =	stream.linear.gather [spmem:s4], $0x2000, $0x38;
	[tilespmem:$0x1EAC0] =	vst v63  }
0x17f: {  	_ =	swait.ge [sflag:s28], $0x2000  }
0x180: {  	[sflag:s28] =	ssyncset.done $0x0  }
0x181: {  	s19 =	rddreg [dreg:$0xc];
	[sflag:s28] =	ssyncadd.s32 $0xFFFFE000  }
0x182: {  	[hbm4b:s19+s9] =	stream.linear.scatter [tilespmem:s26], [sflag:$0xB], $0x2000, $0x38;
	[tilespmem:$0x1EAC0] =	vst v63  }
0x183: {  	_ =	swait.ge [sflag:s28], $0x2000  }
0x184: {  	[sflag:s28] =	ssyncset.done $0x0  }
0x185: {  	s8 =	rddreg [dreg:$0x5];
	[sflag:s28] =	ssyncadd.s32 $0xFFFFE000  }
0x186: {  	[tilespmem:s26], [sflag:$0xB] =	stream.linear.gather [spmem:s8], $0x2000, $0x38;
	[tilespmem:$0x1EAC0] =	vst v63  }
0x187: {  	_ =	swait.ge [sflag:s28], $0x2000  }
0x188: {  	[sflag:s28] =	ssyncset.done $0x0  }
0x189: {  	s25 =	rddreg [dreg:$0xd];
	[sflag:s28] =	ssyncadd.s32 $0xFFFFE000  }
0x18a: {  	[hbm4b:s25+s9] =	stream.linear.scatter [tilespmem:s26], [sflag:$0xB], $0x2000, $0x38;
	[tilespmem:$0x1EAC0] =	vst v63  }
0x18b: {  	_ =	swait.ge [sflag:s28], $0x2000  }
0x18c: {  	[sflag:s28] =	ssyncset.done $0x0  }
0x18d: {  	s19 =	rddreg [dreg:$0x6];
	[sflag:s28] =	ssyncadd.s32 $0xFFFFE000  }
0x18e: {  	[tilespmem:s26], [sflag:$0xB] =	stream.linear.gather [spmem:s19], $0x2000, $0x38;
	[tilespmem:$0x1EAC0] =	vst v63  }
0x18f: {  	_ =	swait.ge [sflag:s28], $0x2000  }
0x190: {  	[sflag:s28] =	ssyncset.done $0x0  }
0x191: {  	s25 =	rddreg [dreg:$0xe];
	[sflag:s28] =	ssyncadd.s32 $0xFFFFE000  }
0x192: {  	[hbm4b:s25+s9] =	stream.linear.scatter [tilespmem:s26], [sflag:$0xB], $0x2000, $0x38;
	[tilespmem:$0x1EAC0] =	vst v63  }
0x193: {  	_ =	swait.ge [sflag:s28], $0x2000  }
0x194: {  	[sflag:s28] =	ssyncset.done $0x0  }
0x195: {  	s19 =	rddreg [dreg:$0x7];
	[sflag:s28] =	ssyncadd.s32 $0xFFFFE000  }
0x196: {  	[tilespmem:s26], [sflag:$0xB] =	stream.linear.gather [spmem:s19], $0x2000, $0x38;
	[tilespmem:$0x1EAC0] =	vst v63  }
0x197: {  	_ =	swait.ge [sflag:s28], $0x2000  }
0x198: {  	[sflag:s28] =	ssyncset.done $0x0  }
.Ltmp7:
0x199: {  	s25 =	rddreg [dreg:$0xf];
	[sflag:s28] =	ssyncadd.s32 $0xFFFFE000;
	(pc) =	sbr.rel @p0 .LBB2_44-.Ltmp7, $4  }
0x19a: {  	[hbm4b:s25+s9] =	stream.linear.scatter [tilespmem:s26], [sflag:$0xB], $0x2000, $0x38;
	[tilespmem:$0x1EAC0] =	vst v63  }
0x19b: {  	_ =	swait.ge [sflag:s28], $0x2000  }
0x19c: {  	[sflag:s28] =	ssyncset.done $0x0  }
0x19d: {  	[sflag:s28] =	ssyncadd.s32 $0xFFFFE000  }
0x19e: {  	[tilespmem:$0x1E840] =	vst v0  }
0x19f: {  	[tilespmem:$0x1E850] =	vst v0  }
0x1a0: {  	[tilespmem:$0x1E860] =	vst v0  }
0x1a1: {  	[tilespmem:$0x1E870] =	vst v0  }
0x1a2: {  	[tilespmem:$0x1E880] =	vst v0  }
0x1a3: {  	[tilespmem:$0x1E890] =	vst v0  }
0x1a4: {  	[tilespmem:$0x1E8A0] =	vst v0  }
0x1a5: {  	[tilespmem:$0x1E8B0] =	vst v0  }
0x1a6: {  	[tilespmem:$0x1E8C0] =	vst v0  }
0x1a7: {  	[tilespmem:$0x1E8D0] =	vst v0  }
0x1a8: {  	[tilespmem:$0x1E8E0] =	vst v0  }
0x1a9: {  	[tilespmem:$0x1E8F0] =	vst v0  }
0x1aa: {  	[tilespmem:$0x1E900] =	vst v0  }
0x1ab: {  	[tilespmem:$0x1E910] =	vst v0  }
0x1ac: {  	[tilespmem:$0x1E920] =	vst v0  }
0x1ad: {  	[tilespmem:$0x1E930] =	vst v0  }
0x1ae: {  	[tilespmem:$0x1E940] =	vst v0  }
0x1af: {  	[tilespmem:$0x1E950] =	vst v0  }
0x1b0: {  	[tilespmem:$0x1E960] =	vst v0  }
0x1b1: {  	[tilespmem:$0x1E970] =	vst v0  }
0x1b2: {  	[tilespmem:$0x1E980] =	vst v0  }
0x1b3: {  	[tilespmem:$0x1E990] =	vst v0  }
0x1b4: {  	[tilespmem:$0x1E9A0] =	vst v0  }
0x1b5: {  	[tilespmem:$0x1E9B0] =	vst v0  }
0x1b6: {  	[tilespmem:$0x1E9C0] =	vst v0  }
0x1b7: {  	[tilespmem:$0x1E9D0] =	vst v0  }
0x1b8: {  	[tilespmem:$0x1E9E0] =	vst v0  }
0x1b9: {  	[tilespmem:$0x1E9F0] =	vst v0  }
0x1ba: {  	[tilespmem:$0x1EA00] =	vst v0  }
0x1bb: {  	[tilespmem:$0x1EA10] =	vst v0  }
0x1bc: {  	[tilespmem:$0x1EA20] =	vst v0  }
0x1bd: {  	[tilespmem:$0x1EA30] =	vst v0  }
0x1be: {  	[tilespmem:$0x1EA40] =	vst v0  }
0x1bf: {  	[tilespmem:$0x1EA50] =	vst v0  }
0x1c0: {  	[tilespmem:$0x1EA60] =	vst v0  }
0x1c1: {  	[tilespmem:$0x1EA70] =	vst v0  }
0x1c2: {  	[tilespmem:$0x1EA80] =	vst v0  }
0x1c3: {  	[tilespmem:$0x1EA90] =	vst v0  }
0x1c4: {  	[tilespmem:$0x1EAA0] =	vst v0  }
0x1c5: {  	[tilespmem:$0x1EAB0] =	vst v0;
	s7 =	simm.s32 $0x0;
	s19 =	rddreg [dreg:$0x10]  }
0x1c6: {  	[tilespmem:s21], [sflag:$0xB] =	stream.linear.gather [hbm4b:s19+s7], $0x280, $0x38;
	[tilespmem:$0x1EAC0] =	vst v63  }
0x1c7: {  	_ =	swait.ge [sflag:s28], $0x280  }
0x1c8: {  	[sflag:s28] =	ssyncset.done $0x0  }
0x1c9: {  	s19 =	simm.s32 $0x0;
	[sflag:s28] =	ssyncadd.s32 $0xFFFFFD80  }
0x1ca: {  	s25 =	simm.s32 $0x40;
	v2 =	vld [tilespmem:s19+$0x1C040]  }
.LBB2_12:
0x1cb: {  	p1 =	sne.s32 s25, $0x9C0;
	v3 =	vld [tilespmem:s19+$0x1E840];
	_ =	sdelay $0x2  }
.Ltmp8:
0x1cc: {  	(pc) =	sbr.rel @p1 .LBB2_12-.Ltmp8, $4  }
0x1cd: {  	_ = 	snop  }
0x1ce: {  	v3 =	vadd.f32 v2, v3  }
0x1cf: {  	s7 =	sshra.s32 s25, $0x2  }
0x1d0: {  	s25 =	sadd.s32 $0x40, s25;
	v2 =	vld [tilespmem:s7+$0x1C040];
	[tilespmem:s19+$0x1E840] =	vst v3;
	s19 =	smov.u32 s7  }
0x1d1: {  	v3 =	vld [tilespmem:s19+$0x1E840];
	_ =	sdelay $0x4  }
0x1d2: {  	v2 =	vadd.f32 v2, v3;
	_ =	sdelay $0x1  }
0x1d3: {  	s7 =	simm.s32 $0x0;
	s25 =	rddreg [dreg:$0x11];
	[tilespmem:s19+$0x1E840] =	vst v2  }
0x1d4: {  	[tilespmem:s21], [sflag:$0xB] =	stream.linear.gather [hbm4b:s25+s7], $0x280, $0x38;
	[tilespmem:$0x1EAC0] =	vst v63  }
0x1d5: {  	_ =	swait.ge [sflag:s28], $0x280  }
0x1d6: {  	[sflag:s28] =	ssyncset.done $0x0  }
0x1d7: {  	s19 =	simm.s32 $0x0;
	[sflag:s28] =	ssyncadd.s32 $0xFFFFFD80  }
0x1d8: {  	s25 =	simm.s32 $0x40;
	v2 =	vld [tilespmem:s19+$0x1C040]  }
.LBB2_14:
0x1d9: {  	p1 =	sne.s32 s25, $0x9C0;
	v3 =	vld [tilespmem:s19+$0x1E840];
	_ =	sdelay $0x2  }
.Ltmp9:
0x1da: {  	(pc) =	sbr.rel @p1 .LBB2_14-.Ltmp9, $4  }
0x1db: {  	_ = 	snop  }
0x1dc: {  	v3 =	vadd.f32 v2, v3  }
0x1dd: {  	s7 =	sshra.s32 s25, $0x2  }
0x1de: {  	s25 =	sadd.s32 $0x40, s25;
	v2 =	vld [tilespmem:s7+$0x1C040];
	[tilespmem:s19+$0x1E840] =	vst v3;
	s19 =	smov.u32 s7  }
0x1df: {  	v3 =	vld [tilespmem:s19+$0x1E840];
	_ =	sdelay $0x4  }
0x1e0: {  	v2 =	vadd.f32 v2, v3;
	_ =	sdelay $0x1  }
0x1e1: {  	s7 =	simm.s32 $0x0;
	s25 =	rddreg [dreg:$0x12];
	[tilespmem:s19+$0x1E840] =	vst v2  }
0x1e2: {  	[tilespmem:s21], [sflag:$0xB] =	stream.linear.gather [hbm4b:s25+s7], $0x280, $0x38;
	[tilespmem:$0x1EAC0] =	vst v63  }
0x1e3: {  	_ =	swait.ge [sflag:s28], $0x280  }
0x1e4: {  	[sflag:s28] =	ssyncset.done $0x0  }
0x1e5: {  	s19 =	simm.s32 $0x0;
	[sflag:s28] =	ssyncadd.s32 $0xFFFFFD80  }
0x1e6: {  	s25 =	simm.s32 $0x40;
	v2 =	vld [tilespmem:s19+$0x1C040]  }
.LBB2_16:
0x1e7: {  	p1 =	sne.s32 s25, $0x9C0;
	v3 =	vld [tilespmem:s19+$0x1E840];
	_ =	sdelay $0x2  }
.Ltmp10:
0x1e8: {  	(pc) =	sbr.rel @p1 .LBB2_16-.Ltmp10, $4  }
0x1e9: {  	_ = 	snop  }
0x1ea: {  	v3 =	vadd.f32 v2, v3  }
0x1eb: {  	s7 =	sshra.s32 s25, $0x2  }
0x1ec: {  	s25 =	sadd.s32 $0x40, s25;
	v2 =	vld [tilespmem:s7+$0x1C040];
	[tilespmem:s19+$0x1E840] =	vst v3;
	s19 =	smov.u32 s7  }
0x1ed: {  	v3 =	vld [tilespmem:s19+$0x1E840];
	_ =	sdelay $0x4  }
0x1ee: {  	v2 =	vadd.f32 v2, v3;
	_ =	sdelay $0x1  }
0x1ef: {  	s7 =	simm.s32 $0x0;
	s25 =	rddreg [dreg:$0x13];
	[tilespmem:s19+$0x1E840] =	vst v2  }
0x1f0: {  	[tilespmem:s21], [sflag:$0xB] =	stream.linear.gather [hbm4b:s25+s7], $0x280, $0x38;
	[tilespmem:$0x1EAC0] =	vst v63  }
0x1f1: {  	_ =	swait.ge [sflag:s28], $0x280  }
0x1f2: {  	[sflag:s28] =	ssyncset.done $0x0  }
0x1f3: {  	s19 =	simm.s32 $0x0;
	[sflag:s28] =	ssyncadd.s32 $0xFFFFFD80  }
0x1f4: {  	s25 =	simm.s32 $0x40;
	v2 =	vld [tilespmem:s19+$0x1C040]  }
.LBB2_18:
0x1f5: {  	p1 =	sne.s32 s25, $0x9C0;
	v3 =	vld [tilespmem:s19+$0x1E840];
	_ =	sdelay $0x2  }
.Ltmp11:
0x1f6: {  	(pc) =	sbr.rel @p1 .LBB2_18-.Ltmp11, $4  }
0x1f7: {  	_ = 	snop  }
0x1f8: {  	v3 =	vadd.f32 v2, v3  }
0x1f9: {  	s7 =	sshra.s32 s25, $0x2  }
0x1fa: {  	s25 =	sadd.s32 $0x40, s25;
	v2 =	vld [tilespmem:s7+$0x1C040];
	[tilespmem:s19+$0x1E840] =	vst v3;
	s19 =	smov.u32 s7  }
0x1fb: {  	v3 =	vld [tilespmem:s19+$0x1E840];
	_ =	sdelay $0x4  }
0x1fc: {  	v2 =	vadd.f32 v2, v3;
	_ =	sdelay $0x1  }
0x1fd: {  	s7 =	simm.s32 $0x0;
	s25 =	rddreg [dreg:$0x16];
	[tilespmem:s19+$0x1E840] =	vst v2  }
0x1fe: {  	[tilespmem:s21], [sflag:$0xB] =	stream.linear.gather [hbm4b:s25+s7], $0x280, $0x38;
	[tilespmem:$0x1EAC0] =	vst v63  }
0x1ff: {  	_ =	swait.ge [sflag:s28], $0x280  }
0x200: {  	[sflag:s28] =	ssyncset.done $0x0  }
0x201: {  	s19 =	simm.s32 $0x0;
	[sflag:s28] =	ssyncadd.s32 $0xFFFFFD80  }
0x202: {  	s25 =	simm.s32 $0x40;
	v2 =	vld [tilespmem:s19+$0x1C040]  }
.LBB2_20:
0x203: {  	p1 =	sne.s32 s25, $0x9C0;
	v3 =	vld [tilespmem:s19+$0x1E840];
	_ =	sdelay $0x2  }
.Ltmp12:
0x204: {  	(pc) =	sbr.rel @p1 .LBB2_20-.Ltmp12, $4  }
0x205: {  	_ = 	snop  }
0x206: {  	v3 =	vadd.f32 v2, v3  }
0x207: {  	s7 =	sshra.s32 s25, $0x2  }
0x208: {  	s25 =	sadd.s32 $0x40, s25;
	v2 =	vld [tilespmem:s7+$0x1C040];
	[tilespmem:s19+$0x1E840] =	vst v3;
	s19 =	smov.u32 s7  }
0x209: {  	v3 =	vld [tilespmem:s19+$0x1E840];
	_ =	sdelay $0x4  }
0x20a: {  	v2 =	vadd.f32 v2, v3;
	_ =	sdelay $0x1  }
0x20b: {  	s7 =	simm.s32 $0x0;
	s25 =	rddreg [dreg:$0x17];
	[tilespmem:s19+$0x1E840] =	vst v2  }
0x20c: {  	[tilespmem:s21], [sflag:$0xB] =	stream.linear.gather [hbm4b:s25+s7], $0x280, $0x38;
	[tilespmem:$0x1EAC0] =	vst v63  }
0x20d: {  	_ =	swait.ge [sflag:s28], $0x280  }
0x20e: {  	[sflag:s28] =	ssyncset.done $0x0  }
0x20f: {  	s19 =	simm.s32 $0x0;
	[sflag:s28] =	ssyncadd.s32 $0xFFFFFD80  }
0x210: {  	s25 =	simm.s32 $0x40;
	v2 =	vld [tilespmem:s19+$0x1C040]  }
.LBB2_22:
0x211: {  	p1 =	sne.s32 s25, $0x9C0;
	v3 =	vld [tilespmem:s19+$0x1E840];
	_ =	sdelay $0x2  }
.Ltmp13:
0x212: {  	(pc) =	sbr.rel @p1 .LBB2_22-.Ltmp13, $4  }
0x213: {  	_ = 	snop  }
0x214: {  	v3 =	vadd.f32 v2, v3  }
0x215: {  	s7 =	sshra.s32 s25, $0x2  }
0x216: {  	s25 =	sadd.s32 $0x40, s25;
	v2 =	vld [tilespmem:s7+$0x1C040];
	[tilespmem:s19+$0x1E840] =	vst v3;
	s19 =	smov.u32 s7  }
0x217: {  	v3 =	vld [tilespmem:s19+$0x1E840];
	_ =	sdelay $0x4  }
0x218: {  	v2 =	vadd.f32 v2, v3;
	_ =	sdelay $0x1  }
0x219: {  	s7 =	simm.s32 $0x0;
	s25 =	rddreg [dreg:$0x18];
	[tilespmem:s19+$0x1E840] =	vst v2  }
0x21a: {  	[tilespmem:s21], [sflag:$0xB] =	stream.linear.gather [hbm4b:s25+s7], $0x280, $0x38;
	[tilespmem:$0x1EAC0] =	vst v63  }
0x21b: {  	_ =	swait.ge [sflag:s28], $0x280  }
0x21c: {  	[sflag:s28] =	ssyncset.done $0x0  }
0x21d: {  	s19 =	simm.s32 $0x0;
	[sflag:s28] =	ssyncadd.s32 $0xFFFFFD80  }
0x21e: {  	s25 =	simm.s32 $0x40;
	v2 =	vld [tilespmem:s19+$0x1C040]  }
.LBB2_24:
0x21f: {  	p1 =	sne.s32 s25, $0x9C0;
	v3 =	vld [tilespmem:s19+$0x1E840];
	_ =	sdelay $0x2  }
.Ltmp14:
0x220: {  	(pc) =	sbr.rel @p1 .LBB2_24-.Ltmp14, $4  }
0x221: {  	_ = 	snop  }
0x222: {  	v3 =	vadd.f32 v2, v3  }
0x223: {  	s7 =	sshra.s32 s25, $0x2  }
0x224: {  	s25 =	sadd.s32 $0x40, s25;
	v2 =	vld [tilespmem:s7+$0x1C040];
	[tilespmem:s19+$0x1E840] =	vst v3;
	s19 =	smov.u32 s7  }
0x225: {  	v3 =	vld [tilespmem:s19+$0x1E840];
	_ =	sdelay $0x4  }
0x226: {  	v2 =	vadd.f32 v2, v3;
	_ =	sdelay $0x1  }
0x227: {  	s7 =	simm.s32 $0x0;
	s25 =	rddreg [dreg:$0x19];
	[tilespmem:s19+$0x1E840] =	vst v2  }
0x228: {  	[tilespmem:s21], [sflag:$0xB] =	stream.linear.gather [hbm4b:s25+s7], $0x280, $0x38;
	[tilespmem:$0x1EAC0] =	vst v63  }
0x229: {  	_ =	swait.ge [sflag:s28], $0x280  }
0x22a: {  	[sflag:s28] =	ssyncset.done $0x0  }
0x22b: {  	s19 =	simm.s32 $0x0;
	[sflag:s28] =	ssyncadd.s32 $0xFFFFFD80  }
0x22c: {  	s25 =	simm.s32 $0x40;
	v2 =	vld [tilespmem:s19+$0x1C040]  }
.LBB2_26:
0x22d: {  	p1 =	sne.s32 s25, $0x9C0;
	v3 =	vld [tilespmem:s19+$0x1E840];
	_ =	sdelay $0x2  }
.Ltmp15:
0x22e: {  	(pc) =	sbr.rel @p1 .LBB2_26-.Ltmp15, $4  }
0x22f: {  	_ = 	snop  }
0x230: {  	v3 =	vadd.f32 v2, v3  }
0x231: {  	s7 =	sshra.s32 s25, $0x2  }
0x232: {  	s25 =	sadd.s32 $0x40, s25;
	v2 =	vld [tilespmem:s7+$0x1C040];
	[tilespmem:s19+$0x1E840] =	vst v3;
	s19 =	smov.u32 s7  }
0x233: {  	v3 =	vld [tilespmem:s19+$0x1E840];
	_ =	sdelay $0x4  }
0x234: {  	v2 =	vadd.f32 v2, v3;
	_ =	sdelay $0x1  }
0x235: {  	s7 =	simm.s32 $0x0;
	s25 =	rddreg [dreg:$0x1a];
	[tilespmem:s19+$0x1E840] =	vst v2  }
0x236: {  	[tilespmem:s21], [sflag:$0xB] =	stream.linear.gather [hbm4b:s25+s7], $0x280, $0x38;
	[tilespmem:$0x1EAC0] =	vst v63  }
0x237: {  	_ =	swait.ge [sflag:s28], $0x280  }
0x238: {  	[sflag:s28] =	ssyncset.done $0x0  }
0x239: {  	s19 =	simm.s32 $0x0;
	[sflag:s28] =	ssyncadd.s32 $0xFFFFFD80  }
0x23a: {  	s25 =	simm.s32 $0x40;
	v2 =	vld [tilespmem:s19+$0x1C040]  }
.LBB2_28:
0x23b: {  	p1 =	sne.s32 s25, $0x9C0;
	v3 =	vld [tilespmem:s19+$0x1E840];
	_ =	sdelay $0x2  }
.Ltmp16:
0x23c: {  	(pc) =	sbr.rel @p1 .LBB2_28-.Ltmp16, $4  }
0x23d: {  	_ = 	snop  }
0x23e: {  	v3 =	vadd.f32 v2, v3  }
0x23f: {  	s7 =	sshra.s32 s25, $0x2  }
0x240: {  	s25 =	sadd.s32 $0x40, s25;
	v2 =	vld [tilespmem:s7+$0x1C040];
	[tilespmem:s19+$0x1E840] =	vst v3;
	s19 =	smov.u32 s7  }
0x241: {  	v3 =	vld [tilespmem:s19+$0x1E840];
	_ =	sdelay $0x4  }
0x242: {  	v2 =	vadd.f32 v2, v3;
	_ =	sdelay $0x1  }
0x243: {  	s7 =	simm.s32 $0x0;
	s25 =	rddreg [dreg:$0x1b];
	[tilespmem:s19+$0x1E840] =	vst v2  }
0x244: {  	[tilespmem:s21], [sflag:$0xB] =	stream.linear.gather [hbm4b:s25+s7], $0x280, $0x38;
	[tilespmem:$0x1EAC0] =	vst v63  }
0x245: {  	_ =	swait.ge [sflag:s28], $0x280  }
0x246: {  	[sflag:s28] =	ssyncset.done $0x0  }
0x247: {  	s19 =	simm.s32 $0x0;
	[sflag:s28] =	ssyncadd.s32 $0xFFFFFD80  }
0x248: {  	s25 =	simm.s32 $0x40;
	v2 =	vld [tilespmem:s19+$0x1C040]  }
.LBB2_30:
0x249: {  	p1 =	sne.s32 s25, $0x9C0;
	v3 =	vld [tilespmem:s19+$0x1E840];
	_ =	sdelay $0x2  }
.Ltmp17:
0x24a: {  	(pc) =	sbr.rel @p1 .LBB2_30-.Ltmp17, $4  }
0x24b: {  	_ = 	snop  }
0x24c: {  	v3 =	vadd.f32 v2, v3  }
0x24d: {  	s7 =	sshra.s32 s25, $0x2  }
0x24e: {  	s25 =	sadd.s32 $0x40, s25;
	v2 =	vld [tilespmem:s7+$0x1C040];
	[tilespmem:s19+$0x1E840] =	vst v3;
	s19 =	smov.u32 s7  }
0x24f: {  	v3 =	vld [tilespmem:s19+$0x1E840];
	_ =	sdelay $0x4  }
0x250: {  	v2 =	vadd.f32 v2, v3;
	_ =	sdelay $0x1  }
0x251: {  	s7 =	simm.s32 $0x0;
	s25 =	rddreg [dreg:$0x1c];
	[tilespmem:s19+$0x1E840] =	vst v2  }
0x252: {  	[tilespmem:s21], [sflag:$0xB] =	stream.linear.gather [hbm4b:s25+s7], $0x280, $0x38;
	[tilespmem:$0x1EAC0] =	vst v63  }
0x253: {  	_ =	swait.ge [sflag:s28], $0x280  }
0x254: {  	[sflag:s28] =	ssyncset.done $0x0  }
0x255: {  	s19 =	simm.s32 $0x0;
	[sflag:s28] =	ssyncadd.s32 $0xFFFFFD80  }
0x256: {  	s25 =	simm.s32 $0x40;
	v2 =	vld [tilespmem:s19+$0x1C040]  }
.LBB2_32:
0x257: {  	p1 =	sne.s32 s25, $0x9C0;
	v3 =	vld [tilespmem:s19+$0x1E840];
	_ =	sdelay $0x2  }
.Ltmp18:
0x258: {  	(pc) =	sbr.rel @p1 .LBB2_32-.Ltmp18, $4  }
0x259: {  	_ = 	snop  }
0x25a: {  	v3 =	vadd.f32 v2, v3  }
0x25b: {  	s7 =	sshra.s32 s25, $0x2  }
0x25c: {  	s25 =	sadd.s32 $0x40, s25;
	v2 =	vld [tilespmem:s7+$0x1C040];
	[tilespmem:s19+$0x1E840] =	vst v3;
	s19 =	smov.u32 s7  }
0x25d: {  	v3 =	vld [tilespmem:s19+$0x1E840];
	_ =	sdelay $0x4  }
0x25e: {  	v2 =	vadd.f32 v2, v3;
	_ =	sdelay $0x1  }
0x25f: {  	s7 =	simm.s32 $0x0;
	s25 =	rddreg [dreg:$0x1d];
	[tilespmem:s19+$0x1E840] =	vst v2  }
0x260: {  	[tilespmem:s21], [sflag:$0xB] =	stream.linear.gather [hbm4b:s25+s7], $0x280, $0x38;
	[tilespmem:$0x1EAC0] =	vst v63  }
0x261: {  	_ =	swait.ge [sflag:s28], $0x280  }
0x262: {  	[sflag:s28] =	ssyncset.done $0x0  }
0x263: {  	s19 =	simm.s32 $0x0;
	[sflag:s28] =	ssyncadd.s32 $0xFFFFFD80  }
0x264: {  	s25 =	simm.s32 $0x40;
	v2 =	vld [tilespmem:s19+$0x1C040]  }
.LBB2_34:
0x265: {  	p1 =	sne.s32 s25, $0x9C0;
	v3 =	vld [tilespmem:s19+$0x1E840];
	_ =	sdelay $0x2  }
.Ltmp19:
0x266: {  	(pc) =	sbr.rel @p1 .LBB2_34-.Ltmp19, $4  }
0x267: {  	_ = 	snop  }
0x268: {  	v3 =	vadd.f32 v2, v3  }
0x269: {  	s7 =	sshra.s32 s25, $0x2  }
0x26a: {  	s25 =	sadd.s32 $0x40, s25;
	v2 =	vld [tilespmem:s7+$0x1C040];
	[tilespmem:s19+$0x1E840] =	vst v3;
	s19 =	smov.u32 s7  }
0x26b: {  	v3 =	vld [tilespmem:s19+$0x1E840];
	_ =	sdelay $0x4  }
0x26c: {  	v2 =	vadd.f32 v2, v3;
	_ =	sdelay $0x1  }
0x26d: {  	s7 =	simm.s32 $0x0;
	s25 =	rddreg [dreg:$0x1e];
	[tilespmem:s19+$0x1E840] =	vst v2  }
0x26e: {  	[tilespmem:s21], [sflag:$0xB] =	stream.linear.gather [hbm4b:s25+s7], $0x280, $0x38;
	[tilespmem:$0x1EAC0] =	vst v63  }
0x26f: {  	_ =	swait.ge [sflag:s28], $0x280  }
0x270: {  	[sflag:s28] =	ssyncset.done $0x0  }
0x271: {  	s19 =	simm.s32 $0x0;
	[sflag:s28] =	ssyncadd.s32 $0xFFFFFD80  }
0x272: {  	s25 =	simm.s32 $0x40;
	v2 =	vld [tilespmem:s19+$0x1C040]  }
.LBB2_36:
0x273: {  	p1 =	sne.s32 s25, $0x9C0;
	v3 =	vld [tilespmem:s19+$0x1E840];
	_ =	sdelay $0x2  }
.Ltmp20:
0x274: {  	(pc) =	sbr.rel @p1 .LBB2_36-.Ltmp20, $4  }
0x275: {  	_ = 	snop  }
0x276: {  	v3 =	vadd.f32 v2, v3  }
0x277: {  	s7 =	sshra.s32 s25, $0x2  }
0x278: {  	s25 =	sadd.s32 $0x40, s25;
	v2 =	vld [tilespmem:s7+$0x1C040];
	[tilespmem:s19+$0x1E840] =	vst v3;
	s19 =	smov.u32 s7  }
0x279: {  	v3 =	vld [tilespmem:s19+$0x1E840];
	_ =	sdelay $0x4  }
0x27a: {  	v2 =	vadd.f32 v2, v3;
	_ =	sdelay $0x1  }
0x27b: {  	s7 =	simm.s32 $0x0;
	s25 =	rddreg [dreg:$0x1f];
	[tilespmem:s19+$0x1E840] =	vst v2  }
0x27c: {  	[tilespmem:s21], [sflag:$0xB] =	stream.linear.gather [hbm4b:s25+s7], $0x280, $0x38;
	[tilespmem:$0x1EAC0] =	vst v63  }
0x27d: {  	_ =	swait.ge [sflag:s28], $0x280  }
0x27e: {  	[sflag:s28] =	ssyncset.done $0x0  }
0x27f: {  	s19 =	simm.s32 $0x0;
	[sflag:s28] =	ssyncadd.s32 $0xFFFFFD80  }
0x280: {  	s25 =	simm.s32 $0x40;
	v2 =	vld [tilespmem:s19+$0x1C040]  }
.LBB2_38:
0x281: {  	p1 =	sne.s32 s25, $0x9C0;
	v3 =	vld [tilespmem:s19+$0x1E840];
	_ =	sdelay $0x2  }
.Ltmp21:
0x282: {  	(pc) =	sbr.rel @p1 .LBB2_38-.Ltmp21, $4  }
0x283: {  	_ = 	snop  }
0x284: {  	v3 =	vadd.f32 v2, v3  }
0x285: {  	s7 =	sshra.s32 s25, $0x2  }
0x286: {  	s25 =	sadd.s32 $0x40, s25;
	v2 =	vld [tilespmem:s7+$0x1C040];
	[tilespmem:s19+$0x1E840] =	vst v3;
	s19 =	smov.u32 s7  }
0x287: {  	v3 =	vld [tilespmem:s19+$0x1E840];
	_ =	sdelay $0x4  }
0x288: {  	s25 =	sld [smem:$0x7FC];
	v2 =	vadd.f32 v2, v3;
	_ =	sdelay $0x1  }
0x289: {  	s7 =	simm.s32 $0x0;
	[tilespmem:s19+$0x1E840] =	vst v2  }
0x28a: {  	[tilespmem:s21], [sflag:$0xB] =	stream.linear.gather [hbm4b:s25+s7], $0x280, $0x38;
	[tilespmem:$0x1EAC0] =	vst v63  }
0x28b: {  	_ =	swait.ge [sflag:s28], $0x280  }
0x28c: {  	[sflag:s28] =	ssyncset.done $0x0  }
0x28d: {  	s19 =	simm.s32 $0x0;
	[sflag:s28] =	ssyncadd.s32 $0xFFFFFD80  }
0x28e: {  	s25 =	simm.s32 $0x40;
	v2 =	vld [tilespmem:s19+$0x1C040]  }
.LBB2_40:
0x28f: {  	p1 =	sne.s32 s25, $0x9C0;
	v3 =	vld [tilespmem:s19+$0x1E840];
	_ =	sdelay $0x2  }
.Ltmp22:
0x290: {  	(pc) =	sbr.rel @p1 .LBB2_40-.Ltmp22, $4  }
0x291: {  	_ = 	snop  }
0x292: {  	v3 =	vadd.f32 v2, v3  }
0x293: {  	s7 =	sshra.s32 s25, $0x2  }
0x294: {  	s25 =	sadd.s32 $0x40, s25;
	v2 =	vld [tilespmem:s7+$0x1C040];
	[tilespmem:s19+$0x1E840] =	vst v3;
	s19 =	smov.u32 s7  }
0x295: {  	v3 =	vld [tilespmem:s19+$0x1E840];
	_ =	sdelay $0x4  }
0x296: {  	s25 =	sld [smem:$0x7FD];
	v2 =	vadd.f32 v2, v3;
	_ =	sdelay $0x1  }
0x297: {  	s7 =	simm.s32 $0x0;
	[tilespmem:s19+$0x1E840] =	vst v2  }
0x298: {  	[tilespmem:s21], [sflag:$0xB] =	stream.linear.gather [hbm4b:s25+s7], $0x280, $0x38;
	[tilespmem:$0x1EAC0] =	vst v63  }
0x299: {  	_ =	swait.ge [sflag:s28], $0x280  }
0x29a: {  	[sflag:s28] =	ssyncset.done $0x0  }
0x29b: {  	s19 =	simm.s32 $0x0;
	[sflag:s28] =	ssyncadd.s32 $0xFFFFFD80  }
0x29c: {  	s25 =	simm.s32 $0x40;
	v2 =	vld [tilespmem:s19+$0x1C040]  }
.LBB2_42:
0x29d: {  	p1 =	sne.s32 s25, $0x9C0;
	v3 =	vld [tilespmem:s19+$0x1E840];
	_ =	sdelay $0x2  }
.Ltmp23:
0x29e: {  	(pc) =	sbr.rel @p1 .LBB2_42-.Ltmp23, $4  }
0x29f: {  	_ = 	snop  }
0x2a0: {  	v3 =	vadd.f32 v2, v3  }
0x2a1: {  	s7 =	sshra.s32 s25, $0x2  }
0x2a2: {  	s25 =	sadd.s32 $0x40, s25;
	v2 =	vld [tilespmem:s7+$0x1C040];
	[tilespmem:s19+$0x1E840] =	vst v3;
	s19 =	smov.u32 s7  }
.Ltmp24:
0x2a3: {  	_ = 	snop;
	(pc) =	sbr.rel .LBB2_43-.Ltmp24, $1  }
0x2a4: {  	_ =	sdelay $0x3  }
.LBB2_45:
0x2a5: {  	_ =	sfence.sel $0x180000  }
0x2a6: {  	[bflag:$0x0] =	sbarrier.arrive $0xFFFF  }
0x2a7: {  	_ =	strace $0x90000047  }
0x2a8: {  	s0 =	stileid.u32;
	[bflag:$0x2] =	sbarrier.arrive $0xFFFF  }
0x2a9: {  	p0 =	sne.s32 s0, $0x0;
	s0 =	rddreg [dreg:$0x3]  }
0x2aa: {  	s0 =	sadd.s32 @!p0 $0x100000, s0  }
0x2ab: {  	[sflag:s0] =	ssyncadd.tile.s32 @!p0 $0x1;
	_ =	shalt  }
.Lfunc_end2:
_tile_overlayer_lowered:
.L_overlay_start_2:
0x2ac: {  	(tag) =	ssettag $0x2  }
0x2ad: {  	s0 =	rddreg [dreg:$0x0];
	s2 =	stileid.u32  }
0x2ae: {  	s1 =	rddreg [dreg:$0x1];
	p0 =	sne.s32 s2, $0x0  }
0x2af: {  	s3 =	rddreg [dreg:$0x2];
	[bflag:$0x3] =	sbarrier.arrive $0xFFFF;
	s2 =	simm.s32 @!p0 $0x1C0B  }
0x2b0: {  	[timem:s3], [sflag:s2] =	dma.local @!p0 [hbm:s0], s1  }
0x2b1: {  	s0 =	simm.s32 @!p0 $0xB  }
0x2b2: {  	_ =	swait.ge @!p0 [sflag:s0], s1  }
0x2b3: {  	s1 =	ssub.s32 @!p0 $0x0, s1;
	[sflag:s0] =	ssyncset.done @!p0 $0x0  }
0x2b4: {  	[sflag:s0] =	ssyncadd.s32 @!p0 s1  }
0x2b5: {  	[bflag:$0x3] =	sbarrier.arrive $0xFFFF  }
0x2b6: {  	_ =	shalt  }

// kernel: sc_seg_agg.7.cloned.1.call-start
scs
__scs_entry_jumppad:
0x0: {  	(pc) =	sbr.rel $0x88, $3  }
0x1: {  	(tag) =	ssettag $0x0;
	lr =	simm.s32 $0x1  }
0x2: {  	[smem:$0x3F95] =	sst lr;
	_ =	strace $0xD0000000  }
0x3: {  	_ = 	snop  }
0x4: {  	_ = 	snop  }
0x5: {  	_ = 	snop  }
0x6: {  	_ = 	snop  }
0x7: {  	_ = 	snop  }
__scs_overlays_trampoline_lowered:
0x8: {  	[smem:$0x3FA4] =	sst s0  }
0x9: {  	[smem:$0x3FA5] =	sst s1  }
0xa: {  	[smem:$0x3FA6] =	sst s2  }
0xb: {  	[smem:$0x3FA7] =	sst s3  }
0xc: {  	[smem:$0x3FA8] =	sst s4  }
0xd: {  	[smem:$0x3FA9] =	sst s5  }
0xe: {  	[smem:$0x3FAA] =	sst s6  }
0xf: {  	[smem:$0x3FAB] =	sst s7  }
0x10: {  	[smem:$0x3FAC] =	sst s8  }
0x11: {  	[smem:$0x3FAD] =	sst s9;
	s0 =	simm.s32 @!p0 $0x0  }
0x12: {  	s1 =	sld [smem:$0x3F93];
	s0 =	simm.s32 @p0 $0x1  }
0x13: {  	[smem:$0x3FAE] =	sst s0;
	s0 =	simm.s32 @!p1 $0x0  }
0x14: {  	s2 =	sld [smem:$0x3F92];
	s0 =	simm.s32 @p1 $0x1  }
0x15: {  	[smem:$0x3FAF] =	sst s0;
	s0 =	simm.s32 @!p2 $0x0  }
0x16: {  	s3 =	sld [smem:$0x3FDB];
	s0 =	simm.s32 @p2 $0x1  }
0x17: {  	s4 =	simm.s32 $0x1BF5;
	[smem:$0x3FB1] =	sst s0  }
0x18: {  	s0 =	sld [smem:$0x3F94];
	_ =	swait.ge [sflag:s4], $0x0  }
0x19: {  	s7 =	sld [smem:$0x3F95]  }
0x1a: {  	s8 =	sadd.s32 $0xFFFFE003, lr  }
0x1b: {  	s9 =	sadd.s32 $0xFFFFFEF7, lr;
	s5 =	simm.s32 $0xFFFFFFFF;
	p2 =	slt.u32 s8, $0xFFFFF086  }
0x1c: {  	p1 =	slt.u32 s9, $0xF7A;
	s5 =	simm.s32 @!p2 $0x0  }
0x1d: {  	s5 =	simm.s32 @p1 $0x1;
	p0 =	seq.s32 s7, s2  }
0x1e: {  	s7 =	smul.u32 @!p0 $0xF7A, s2;
	p2 =	seq.s32 @!p0 s5, $0x0  }
0x1f: {  	s9 =	smul.u32 $0xF7A, s1;
	s8 =	simm.s32 @!p0 $0x1BF5;
	p2 =	por !p2, p0  }
0x20: {  	[sflag:s8] =	ssyncset.s32 @!p0 $0xFFFFF086;
	s6 =	sadd.s32 @!p0 s3, s7;
	s7 =	simm.s32 @!p0 $0x108  }
0x21: {  	s3 =	sadd.s32 s3, s9;
	s6 =	sadd.s32 @!p0 $0x88, s6;
	s7 =	simm.s32 @p2 $0x1082  }
0x22: {  	[simem:s7], [sflag:s8] =	dma.local @!p0 [hbm:s6], $0xF7A  }
0x23: {  	s9 =	sor.u32 $0xD0000000, s2;
	s6 =	simm.s32 $0x108;
	_ =	swait.ge @!p0 [sflag:s8], $0x0  }
0x24: {  	s3 =	sadd.s32 $0x88, s3;
	s6 =	simm.s32 @!p1 $0x1082;
	[sflag:s4] =	ssyncset.s32 $0xFFFFF086  }
0x25: {  	[simem:s6], [sflag:s4] =	dma.local [hbm:s3], $0xF7A  }
0x26: {  	[smem:$0x3F95] =	sst s1;
	(tag) =	ssettag s2;
	_ =	strace s9  }
0x27: {  	s1 =	sld [smem:$0x3FA5]  }
0x28: {  	s2 =	sld [smem:$0x3FA6]  }
0x29: {  	s4 =	sld [smem:$0x3FA8]  }
0x2a: {  	p0 =	seq.s32 s5, $0x0;
	s5 =	sld [smem:$0x3FA9]  }
0x2b: {  	s6 =	sld [smem:$0x3FAA]  }
0x2c: {  	s7 =	sld [smem:$0x3FAB]  }
0x2d: {  	s3 =	simm.s32 $0x108;
	s8 =	sld [smem:$0x3FAC]  }
0x2e: {  	s3 =	simm.s32 @!p0 $0x1082;
	s9 =	sld [smem:$0x3FAD]  }
0x2f: {  	lr =	sadd.s32 s0, s3;
	s0 =	sld [smem:$0x3FA4]  }
0x30: {  	s3 =	sld [smem:$0x3FA7]  }
0x31: {  	[smem:$0x3FB0] =	sst s10  }
0x32: {  	s10 =	sld [smem:$0x3FAE];
	_ =	sdelay $0x3  }
0x33: {  	p0 =	seq.s32 s10, $0x1;
	s10 =	sld [smem:$0x3FB0];
	_ =	sdelay $0x3  }
0x34: {  	[smem:$0x3FB0] =	sst s10  }
0x35: {  	s10 =	sld [smem:$0x3FAF];
	_ =	sdelay $0x3  }
0x36: {  	p1 =	seq.s32 s10, $0x1;
	s10 =	sld [smem:$0x3FB0];
	_ =	sdelay $0x3  }
0x37: {  	[smem:$0x3FB0] =	sst s10  }
0x38: {  	s10 =	sld [smem:$0x3FB1]  }
0x39: {  	_ = 	snop;
	(pc) =	sbr.ind lr, $3  }
0x3a: {  	_ = 	snop  }
0x3b: {  	_ = 	snop  }
0x3c: {  	p2 =	seq.s32 s10, $0x1;
	s10 =	sld [smem:$0x3FB0]  }
0x3d: {  	_ =	shalt  }
0x3e: {  	_ =	shalt  }
0x3f: {  	_ =	shalt  }
0x40: {  	_ =	shalt  }
0x41: {  	_ =	shalt  }
0x42: {  	_ =	shalt  }
0x43: {  	_ =	shalt  }
0x44: {  	_ =	shalt  }
0x45: {  	_ =	shalt  }
0x46: {  	_ =	shalt  }
0x47: {  	_ =	shalt  }
0x48: {  	_ =	shalt  }
0x49: {  	_ =	shalt  }
0x4a: {  	_ =	shalt  }
0x4b: {  	_ =	shalt  }
0x4c: {  	_ =	shalt  }
0x4d: {  	_ =	shalt  }
0x4e: {  	_ =	shalt  }
0x4f: {  	_ =	shalt  }
0x50: {  	_ =	shalt  }
0x51: {  	_ =	shalt  }
0x52: {  	_ =	shalt  }
0x53: {  	_ =	shalt  }
0x54: {  	_ =	shalt  }
0x55: {  	_ =	shalt  }
0x56: {  	_ =	shalt  }
0x57: {  	_ =	shalt  }
0x58: {  	_ =	shalt  }
0x59: {  	_ =	shalt  }
0x5a: {  	_ =	shalt  }
0x5b: {  	_ =	shalt  }
0x5c: {  	_ =	shalt  }
0x5d: {  	_ =	shalt  }
0x5e: {  	_ =	shalt  }
0x5f: {  	_ =	shalt  }
0x60: {  	_ =	shalt  }
0x61: {  	_ =	shalt  }
0x62: {  	_ =	shalt  }
0x63: {  	_ =	shalt  }
0x64: {  	_ =	shalt  }
0x65: {  	_ =	shalt  }
0x66: {  	_ =	shalt  }
0x67: {  	_ =	shalt  }
0x68: {  	_ =	shalt  }
0x69: {  	_ =	shalt  }
0x6a: {  	_ =	shalt  }
0x6b: {  	_ =	shalt  }
0x6c: {  	_ =	shalt  }
0x6d: {  	_ =	shalt  }
0x6e: {  	_ =	shalt  }
0x6f: {  	_ =	shalt  }
0x70: {  	_ =	shalt  }
0x71: {  	_ =	shalt  }
0x72: {  	_ =	shalt  }
0x73: {  	_ =	shalt  }
0x74: {  	_ =	shalt  }
0x75: {  	_ =	shalt  }
0x76: {  	_ =	shalt  }
0x77: {  	_ =	shalt  }
0x78: {  	_ =	shalt  }
0x79: {  	_ =	shalt  }
0x7a: {  	_ =	shalt  }
0x7b: {  	_ =	shalt  }
0x7c: {  	_ =	shalt  }
0x7d: {  	_ =	shalt  }
0x7e: {  	_ =	shalt  }
0x7f: {  	_ =	shalt  }
0x80: {  	_ =	shalt  }
0x81: {  	_ =	shalt  }
0x82: {  	_ =	shalt  }
0x83: {  	_ =	shalt  }
0x84: {  	_ =	shalt  }
0x85: {  	_ =	shalt  }
0x86: {  	_ =	shalt  }
0x87: {  	_ =	shalt  }
.Lfunc_end0:
.L_simem_size_0:
called_computation.1_lowered:
.L_overlay_start_0:
0x88: {  	s2 =	sld [smem:$0x3FD9]  }
0x89: {  	s3 =	sld [smem:$0x3FFE];
	_ =	sdelay $0x1  }
0x8a: {  	s1 =	srdreg.scid  }
0x8b: {  	s0 =	sand.u32 $0x1, s1  }
0x8c: {  	s17 =	sshll.u32 s0, $0xA;
	s2 =	sadd.s32 s3, s2  }
0x8d: {  	s2 =	sadd.s32 s2, s17  }
0x8e: {  	[smem:$0x3FBC] =	sst s2  }
0x8f: {  	_ = 	snop  }
0x90: {  	s2 =	sld [smem:$0x3FD0];
	(tm) =	ssettm $0x1  }
0x91: {  	s18 =	sld [smem:$0x3FFB];
	_ =	sdelay $0x3  }
0x92: {  	_ =	strace s18  }
0x93: {  	s3 =	sld [smem:$0x3FFC];
	_ =	sdelay $0x3  }
0x94: {  	_ =	strace s3  }
0x95: {  	s3 =	sld [smem:$0x3FFD];
	_ =	sdelay $0x3  }
0x96: {  	_ =	strace s3  }
0x97: {  	_ =	strace $0x8FFFFFFF  }
0x98: {  	s19 =	sld [smem:$0x3FDB];
	_ =	sdelay $0x1  }
0x99: {  	s4 =	simm.s32 $_scs_section_size  }
0x9a: {  	s5 =	simm.s32 $_size__tile_overlayer_lowered;
	s6 =	simm.s32 $_tile_overlayer_lowered  }
0x9b: {  	s22 =	simm.s32 $0x1BFF;
	s21 =	sshll.u32 s6, $0x1;
	s3 =	sadd.s32 s4, s19  }
0x9c: {  	s7 =	simm.s32 $0x0;
	s20 =	sshll.u32 s5, $0x1;
	s5 =	sadd.s32 s21, s3  }
0x9d: {  	[timem:s7], [sflag:s22] =	dma.local [hbm:s5], s20  }
0x9e: {  	_ =	swait.ge [sflag:s22], s20  }
0x9f: {  	s4 =	ssub.s32 $0x0, s20;
	[sflag:s22] =	ssyncset.done $0x0  }
0xa0: {  	[sflag:s22] =	ssyncadd.s32 s4;
	_ =	sdelay $0x1  }
0xa1: {  	s23 =	simm.s32 $0x1B8B  }
0xa2: {  	_ =	swait.ge [sflag:s23], $0x1  }
0xa3: {  	[sflag:s23] =	ssyncset.done $0x0  }
0xa4: {  	s25 =	simm.s32 $0x1B8E;
	s24 =	sld [smem:$0x3FFE];
	[sflag:s23] =	ssyncadd.s32 $0xFFFFFFFF  }
0xa5: {  	s26 =	simm.s32 $execute0_lowered;
	[smem:$0x3FD2] =	sst s25  }
0xa6: {  	s5 =	sshll.u32 s26, $0x1;
	_ =	strace $0x80000049;
	[dreg:$0x1] =	wrdreg $0xFFFFFFFF  }
0xa7: {  	s28 =	simm.s32 $_size_execute0_lowered;
	s3 =	sadd.s32 s3, s5;
	[dreg:$0x0] =	wrdreg $0x0  }
0xa8: {  	s5 =	sshll.u32 s28, $0x1;
	[dreg:$0x2] =	wrdreg s3  }
0xa9: {  	[dreg:$0x3] =	wrdreg s5  }
0xaa: {  	[dreg:$0x4] =	wrdreg $0xC0  }
0xab: {  	_ =	task [dreg:s7], $0x5FFFF  }
0xac: {  	[dreg:$0x1] =	wrdreg $0xFFFFFFFF  }
0xad: {  	[dreg:$0x0] =	wrdreg $0x60  }
0xae: {  	[dreg:$0x2] =	wrdreg s24  }
0xaf: {  	[dreg:$0x3] =	wrdreg s2  }
0xb0: {  	[dreg:$0x4] =	wrdreg $0x120400  }
0xb1: {  	[dreg:$0x5] =	wrdreg $0x9  }
0xb2: {  	_ =	task.clear_ibuf [dreg:s7], $0x6FFFF;
	_ =	strace $0x90000049  }
0xb3: {  	s29 =	simm.s32 $0x9;
	_ =	strace $0x8000004B  }
0xb4: {  	_ =	swait.ge [sflag:s29], $0x1  }
0xb5: {  	[sflag:s29] =	ssyncadd.s32 $0xFFFFFFFF  }
0xb6: {  	_ =	strace $0x9000004B  }
0xb7: {  	_ =	sfence  }
0xb8: {  	s30 =	sld [smem:$0x0];
	_ =	sdelay $0x2  }
0xb9: {  	s31 =	sshll.u32 s1, $0xD;
	s1 =	sshrl.u32 s1, $0x2  }
0xba: {  	s3 =	sand.u32 $0x4000, s31;
	s1 =	sadd.s32 s1, s30  }
0xbb: {  	s0 =	sor.u32 s3, s0;
	s1 =	sshll.u32 s1, $0x11  }
0xbc: {  	s0 =	sor.u32 s1, s0  }
0xbd: {  	s0 =	sadd.s32 $0x8F2B, s0  }
0xbe: {  	[sflag:s0] =	ssyncadd.remote.s32 $0x1  }
0xbf: {  	_ =	sfence.sel $0xFFFF  }
0xc0: {  	[dreg:$0x0] =	wrdreg $0xFFFFFFFF;
	(pc) =	sbr.abs _section_cstart, $3  }
0xc1: {  	[dreg:$0x1] =	wrdreg $0xFFFFFFFF  }
0xc2: {  	_ =	task.clear_ibuf [dreg:s7], $0x2FFFF;
	_ =	strace $0x9FFFFFFF  }
0xc3: {  	(tm) =	ssettm $0x7FFFFFFF  }
tec
execute0_lowered:
.L_overlay_start_1:
0x0: {  	(tag) =	ssettag $0x1  }
0x1: {  	s0 =	rddreg [dreg:$0x0]  }
0x2: {  	s2 =	rddreg [dreg:$0x1]  }
0x3: {  	s3 =	rddreg [dreg:$0x2];
	s4 =	simm.s32 $0x0;
	s7 =	stileid.u32  }
0x4: {  	s5 =	srdreg.scid;
	s28 =	simm.s32 $0xC440;
	s29 =	simm.s32 $0x1  }
0x5: {  	s31 =	simm.s32 $0xD840;
	s30 =	simm.s32 $0xEC40;
	s1 =	smul.u32 $0x9C4, s7  }
0x6: {  	[smem:$0x7FF] =	sst s4;
	s6 =	sand.u32 $0x1, s5;
	s12 =	smul.u32 $0xA000, s7  }
0x7: {  	s5 =	sadd.s32 $0x15C00, s0;
	s10 =	sadd.s32 $0x29600, s0;
	_ =	strace $0x8000004A  }
0x8: {  	[dreg:$0x4] =	wrdreg s10;
	s11 =	ssub.s32 $0x2, s6;
	s17 =	smul.u32 $0xA0000, s6  }
0x9: {  	p0 =	seq.s32 s6, $0x1;
	s1 =	sadd.s32 s1, s0;
	s0 =	sadd.s32 $0x29A00, s0  }
0xa: {  	s8 =	sshrl.u32 s11, $0x1;
	s13 =	sadd.s32 $0x2000, s12;
	s7 =	sadd.s32 s12, s3  }
0xb: {  	s15 =	sadd.s32 $0x4000, s12;
	s16 =	sadd.s32 $0x6000, s12;
	s18 =	sadd.s32 $0x8000, s12  }
0xc: {  	s14 =	ssub.s32 s11, s8;
	s8 =	sadd.s32 s13, s3;
	s9 =	sadd.s32 s15, s3  }
0xd: {  	s10 =	sadd.s32 s16, s3;
	s11 =	sadd.s32 s18, s3;
	s19 =	sadd.s32 $0xBE00, s1  }
0xe: {  	s12 =	sadd.s32 s12, s17;
	s1 =	sadd.s32 $0x2000, s1;
	s21 =	sadd.s32 s17, s15  }
0xf: {  	s22 =	sadd.s32 s17, s16;
	s23 =	sadd.s32 s17, s18;
	s18 =	simm.s32 $0x4E20  }
0x10: {  	s15 =	simm.s32 $0x9;
	s16 =	simm.s32 $0x0;
	[dreg:$0x5] =	wrdreg s19  }
0x11: {  	[dreg:$0x6] =	wrdreg s1;
	s12 =	sshrl.u32 s12, $0x3;
	s19 =	sadd.s32 s17, s13  }
0x12: {  	s6 =	sshrl.u32 s22, $0x3;
	s25 =	sshrl.u32 s23, $0x3;
	s26 =	smax.u32 s14, $0x1  }
0x13: {  	s23 =	simm.s32 $0x50;
	s13 =	simm.s32 $0x5;
	s14 =	simm.s32 $0x8  }
0x14: {  	s22 =	simm.s32 $0xA;
	s1 =	sadd.s32 s0, s12;
	s20 =	sshrl.u32 s19, $0x3  }
0x15: {  	s24 =	sadd.s32 s0, s6;
	[dreg:$0xc] =	wrdreg s26;
	s26 =	simm.s32 $0x6  }
0x16: {  	s6 =	simm.s32 $0x4;
	s12 =	simm.s32 $0x7;
	[dreg:$0x7] =	wrdreg s1  }
.Ltmp0:
0x17: {  	s1 =	sadd.s32 s0, s20;
	[dreg:$0xa] =	wrdreg s24;
	(pc) =	sbr.rel .LBB2_1-.Ltmp0, $4  }
0x18: {  	s20 =	simm.s32 $0x10040;
	[dreg:$0x8] =	wrdreg s1;
	s1 =	sshrl.u32 s21, $0x3  }
0x19: {  	s24 =	simm.s32 $0x9C40;
	s21 =	simm.s32 $0xB;
	s1 =	sadd.s32 s0, s1  }
0x1a: {  	s0 =	sadd.s32 s0, s25;
	s25 =	simm.s32 $0xB040;
	[dreg:$0x9] =	wrdreg s1  }
0x1b: {  	[dreg:$0xb] =	wrdreg s0;
	s0 =	simm.s32 $0x2;
	s1 =	simm.s32 $0x3  }
.LBB2_7:
0x1c: {  	[spmem:s3] =	stream.indirect.scatter.add.f32 [tilespmem:s30], [sflag:$0xA], $0x40, s18, s23, $0xb8;
	[tilespmem:$0x1C040] =	vst v63  }
0x1d: {  	_ =	swait.ge [sflag:s14], $0x1400  }
0x1e: {  	s17 =	sshra.s32 s17, $0x2;
	[sflag:s14] =	ssyncset.done $0x0  }
0x1f: {  	s19 =	sadd.s32 $0x230, s17;
	[sflag:s14] =	ssyncadd.s32 $0xFFFFEC00  }
0x20: {  	[tilespmem:s28], [sflag:$0x3] =	stream.indirect.gather [hbm4b:s5+s23], $0x40, s19, s23, $0xb8;
	[tilespmem:$0x1C040] =	vst v63  }
0x21: {  	_ =	swait.ge [sflag:s29], $0x1400  }
0x22: {  	[sflag:s29] =	ssyncset.done $0x0  }
0x23: {  	s19 =	sadd.s32 $0x4FB0, s17;
	[sflag:s29] =	ssyncadd.s32 $0xFFFFEC00  }
0x24: {  	[spmem:s3] =	stream.indirect.scatter.add.f32 [tilespmem:s24], [sflag:$0x6], $0x40, s19, s23, $0xb8;
	[tilespmem:$0x1C040] =	vst v63  }
0x25: {  	_ =	swait.ge [sflag:s15], $0x1400  }
0x26: {  	[sflag:s15] =	ssyncset.done $0x0  }
0x27: {  	s19 =	sadd.s32 $0x280, s17;
	[sflag:s15] =	ssyncadd.s32 $0xFFFFEC00  }
0x28: {  	[tilespmem:s31], [sflag:$0x4] =	stream.indirect.gather [hbm4b:s5+s23], $0x40, s19, s23, $0xb8;
	[tilespmem:$0x1C040] =	vst v63  }
0x29: {  	_ =	swait.ge [sflag:s0], $0x1400  }
0x2a: {  	[sflag:s0] =	ssyncset.done $0x0  }
0x2b: {  	s19 =	sadd.s32 $0x5000, s17;
	[sflag:s0] =	ssyncadd.s32 $0xFFFFEC00  }
0x2c: {  	[spmem:s3] =	stream.indirect.scatter.add.f32 [tilespmem:s25], [sflag:$0x7], $0x40, s19, s23, $0xb8;
	[tilespmem:$0x1C040] =	vst v63  }
0x2d: {  	_ =	swait.ge [sflag:s22], $0x1400  }
0x2e: {  	[sflag:s22] =	ssyncset.done $0x0  }
0x2f: {  	s19 =	simm.s32 $0x4DD0;
	[sflag:s22] =	ssyncadd.s32 $0xFFFFEC00  }
0x30: {  	[tilespmem:s30], [sflag:$0x5] =	stream.indirect.gather [hbm4b:s5+s23], $0x40, s19, s23, $0xb8;
	[tilespmem:$0x1C040] =	vst v63  }
0x31: {  	_ =	swait.ge [sflag:s1], $0x1400  }
0x32: {  	[sflag:s1] =	ssyncset.done $0x0  }
0x33: {  	s19 =	sadd.s32 $0x5050, s17;
	[sflag:s1] =	ssyncadd.s32 $0xFFFFEC00  }
0x34: {  	[spmem:s3] =	stream.indirect.scatter.add.f32 [tilespmem:s28], [sflag:$0x8], $0x40, s19, s23, $0xb8;
	[tilespmem:$0x1C040] =	vst v63  }
0x35: {  	_ =	swait.ge [sflag:s26], $0x1400  }
0x36: {  	[sflag:s26] =	ssyncset.done $0x0  }
0x37: {  	[sflag:s26] =	ssyncadd.s32 $0xFFFFEC00  }
0x38: {  	_ =	swait.ge [sflag:s6], $0x1400  }
0x39: {  	[sflag:s6] =	ssyncset.done $0x0  }
0x3a: {  	s17 =	sadd.s32 $0x50A0, s17;
	[sflag:s6] =	ssyncadd.s32 $0xFFFFEC00  }
0x3b: {  	[spmem:s3] =	stream.indirect.scatter.add.f32 [tilespmem:s31], [sflag:$0x9], $0x40, s17, s23, $0xb8;
	[tilespmem:$0x1C040] =	vst v63  }
0x3c: {  	_ =	swait.ge [sflag:s12], $0x1400  }
0x3d: {  	[sflag:s12] =	ssyncset.done $0x0  }
0x3e: {  	[sflag:s12] =	ssyncadd.s32 $0xFFFFEC00  }
0x3f: {  	_ =	swait.ge [sflag:s13], $0x1400  }
0x40: {  	[sflag:s13] =	ssyncset.done $0x0  }
0x41: {  	s19 =	simm.s32 $0x9BF0;
	[sflag:s13] =	ssyncadd.s32 $0xFFFFEC00  }
0x42: {  	[spmem:s3] =	stream.indirect.scatter.add.f32 [tilespmem:s30], [sflag:$0xA], $0x40, s19, s23, $0xb8;
	[tilespmem:$0x1C040] =	vst v63  }
.LBB2_8:
0x43: {  	_ =	swait.ge [sflag:s14], $0x1400  }
0x44: {  	[sflag:s14] =	ssyncset.done $0x0  }
0x45: {  	[sflag:s14] =	ssyncadd.s32 $0xFFFFEC00  }
0x46: {  	_ =	swait.ge [sflag:s15], $0x1400  }
0x47: {  	[sflag:s15] =	ssyncset.done $0x0  }
0x48: {  	[sflag:s15] =	ssyncadd.s32 $0xFFFFEC00  }
0x49: {  	_ =	swait.ge [sflag:s22], $0x1400  }
0x4a: {  	[sflag:s22] =	ssyncset.done $0x0  }
0x4b: {  	[sflag:s22] =	ssyncadd.s32 $0xFFFFEC00  }
0x4c: {  	[bflag:$0x0] =	sbarrier.arrive $0xFFFF  }
0x4d: {  	[tilespmem:s20], [sflag:$0xB] =	stream.linear.gather [spmem:s7], $0x2000, $0x38;
	[tilespmem:$0x1C040] =	vst v63  }
0x4e: {  	_ =	swait.ge [sflag:s21], $0x2000  }
0x4f: {  	[sflag:s21] =	ssyncset.done $0x0  }
0x50: {  	s17 =	rddreg [dreg:$0x7];
	[sflag:s21] =	ssyncadd.s32 $0xFFFFE000  }
0x51: {  	[hbm4b:s17+s4] =	stream.linear.scatter [tilespmem:s20], [sflag:$0xB], $0x2000, $0x38;
	[tilespmem:$0x1C040] =	vst v63  }
0x52: {  	_ =	swait.ge [sflag:s21], $0x2000  }
0x53: {  	[sflag:s21] =	ssyncset.done $0x0  }
0x54: {  	[sflag:s21] =	ssyncadd.s32 $0xFFFFE000  }
0x55: {  	[tilespmem:s20], [sflag:$0xB] =	stream.linear.gather [spmem:s8], $0x2000, $0x38;
	[tilespmem:$0x1C040] =	vst v63  }
0x56: {  	_ =	swait.ge [sflag:s21], $0x2000  }
0x57: {  	[sflag:s21] =	ssyncset.done $0x0  }
0x58: {  	s19 =	rddreg [dreg:$0x8];
	[sflag:s21] =	ssyncadd.s32 $0xFFFFE000  }
0x59: {  	[hbm4b:s19+s4] =	stream.linear.scatter [tilespmem:s20], [sflag:$0xB], $0x2000, $0x38;
	[tilespmem:$0x1C040] =	vst v63  }
0x5a: {  	_ =	swait.ge [sflag:s21], $0x2000  }
0x5b: {  	[sflag:s21] =	ssyncset.done $0x0  }
0x5c: {  	[sflag:s21] =	ssyncadd.s32 $0xFFFFE000  }
0x5d: {  	[tilespmem:s20], [sflag:$0xB] =	stream.linear.gather [spmem:s9], $0x2000, $0x38;
	[tilespmem:$0x1C040] =	vst v63  }
0x5e: {  	_ =	swait.ge [sflag:s21], $0x2000  }
0x5f: {  	[sflag:s21] =	ssyncset.done $0x0  }
0x60: {  	s18 =	rddreg [dreg:$0x9];
	[sflag:s21] =	ssyncadd.s32 $0xFFFFE000  }
0x61: {  	[hbm4b:s18+s4] =	stream.linear.scatter [tilespmem:s20], [sflag:$0xB], $0x2000, $0x38;
	[tilespmem:$0x1C040] =	vst v63  }
0x62: {  	_ =	swait.ge [sflag:s21], $0x2000  }
0x63: {  	[sflag:s21] =	ssyncset.done $0x0  }
0x64: {  	[sflag:s21] =	ssyncadd.s32 $0xFFFFE000  }
0x65: {  	[tilespmem:s20], [sflag:$0xB] =	stream.linear.gather [spmem:s10], $0x2000, $0x38;
	[tilespmem:$0x1C040] =	vst v63  }
0x66: {  	_ =	swait.ge [sflag:s21], $0x2000  }
0x67: {  	[sflag:s21] =	ssyncset.done $0x0  }
0x68: {  	s19 =	rddreg [dreg:$0xa];
	[sflag:s21] =	ssyncadd.s32 $0xFFFFE000  }
0x69: {  	[hbm4b:s19+s4] =	stream.linear.scatter [tilespmem:s20], [sflag:$0xB], $0x2000, $0x38;
	[tilespmem:$0x1C040] =	vst v63  }
0x6a: {  	_ =	swait.ge [sflag:s21], $0x2000  }
0x6b: {  	[sflag:s21] =	ssyncset.done $0x0  }
0x6c: {  	[sflag:s21] =	ssyncadd.s32 $0xFFFFE000  }
0x6d: {  	[tilespmem:s20], [sflag:$0xB] =	stream.linear.gather [spmem:s11], $0x2000, $0x38;
	[tilespmem:$0x1C040] =	vst v63  }
0x6e: {  	_ =	swait.ge [sflag:s21], $0x2000  }
0x6f: {  	[sflag:s21] =	ssyncset.done $0x0  }
0x70: {  	s18 =	rddreg [dreg:$0xb];
	[sflag:s21] =	ssyncadd.s32 $0xFFFFE000  }
0x71: {  	[hbm4b:s18+s4] =	stream.linear.scatter [tilespmem:s20], [sflag:$0xB], $0x2000, $0x38;
	[tilespmem:$0x1C040] =	vst v63  }
0x72: {  	_ =	swait.ge [sflag:s21], $0x2000  }
0x73: {  	s16 =	sadd.s32 $0x1, s16;
	s19 =	rddreg [dreg:$0xc]  }
0x74: {  	p1 =	sne.s32 s16, s19  }
.Ltmp1:
0x75: {  	_ = 	snop;
	(pc) =	sbr.rel @!p1 .LBB2_9-.Ltmp1, $3  }
0x76: {  	_ =	sdelay $0x1  }
0x77: {  	[sflag:s21] =	ssyncset.done $0x0  }
0x78: {  	s18 =	simm.s32 $0x4E20;
	[sflag:s21] =	ssyncadd.s32 $0xFFFFE000  }
.LBB2_1:
0x79: {  	s17 =	rddreg [dreg:$0x4]  }
0x7a: {  	[tilespmem:s20], [sflag:$0xB] =	stream.linear.gather [hbm4b:s17+s4], $0x2000, $0x38;
	[tilespmem:$0x1C040] =	vst v63  }
0x7b: {  	_ =	swait.ge [sflag:s21], $0x2000  }
0x7c: {  	[sflag:s21] =	ssyncset.done $0x0  }
0x7d: {  	[sflag:s21] =	ssyncadd.s32 $0xFFFFE000  }
0x7e: {  	[spmem:s7] =	stream.linear.scatter [tilespmem:s20], [sflag:$0xB], $0x2000, $0x38;
	[tilespmem:$0x1C040] =	vst v63  }
0x7f: {  	_ =	swait.ge [sflag:s21], $0x2000  }
0x80: {  	[sflag:s21] =	ssyncset.done $0x0  }
0x81: {  	[sflag:s21] =	ssyncadd.s32 $0xFFFFE000  }
0x82: {  	[spmem:s8] =	stream.linear.scatter [tilespmem:s20], [sflag:$0xB], $0x2000, $0x38;
	[tilespmem:$0x1C040] =	vst v63  }
0x83: {  	_ =	swait.ge [sflag:s21], $0x2000  }
0x84: {  	[sflag:s21] =	ssyncset.done $0x0  }
0x85: {  	[sflag:s21] =	ssyncadd.s32 $0xFFFFE000  }
0x86: {  	[spmem:s9] =	stream.linear.scatter [tilespmem:s20], [sflag:$0xB], $0x2000, $0x38;
	[tilespmem:$0x1C040] =	vst v63  }
0x87: {  	_ =	swait.ge [sflag:s21], $0x2000  }
0x88: {  	[sflag:s21] =	ssyncset.done $0x0  }
0x89: {  	[sflag:s21] =	ssyncadd.s32 $0xFFFFE000  }
0x8a: {  	[spmem:s10] =	stream.linear.scatter [tilespmem:s20], [sflag:$0xB], $0x2000, $0x38;
	[tilespmem:$0x1C040] =	vst v63  }
0x8b: {  	_ =	swait.ge [sflag:s21], $0x2000  }
0x8c: {  	[sflag:s21] =	ssyncset.done $0x0  }
0x8d: {  	[sflag:s21] =	ssyncadd.s32 $0xFFFFE000  }
0x8e: {  	[spmem:s11] =	stream.linear.scatter [tilespmem:s20], [sflag:$0xB], $0x2000, $0x38;
	[tilespmem:$0x1C040] =	vst v63  }
0x8f: {  	_ =	swait.ge [sflag:s21], $0x2000  }
0x90: {  	[sflag:s21] =	ssyncset.done $0x0  }
0x91: {  	[sflag:s21] =	ssyncadd.s32 $0xFFFFE000  }
0x92: {  	[bflag:$0x0] =	sbarrier.arrive $0xFFFF  }
0x93: {  	s19 =	rddreg [dreg:$0x5]  }
0x94: {  	[tilespmem:s4], [sflag:$0xB] =	stream.linear.gather [hbm4b:s19+s4], $0x4E20, $0x38;
	[tilespmem:$0x1C040] =	vst v63  }
0x95: {  	_ =	swait.ge [sflag:s21], $0x4E20  }
0x96: {  	[sflag:s21] =	ssyncset.done $0x0  }
.Ltmp2:
0x97: {  	s19 =	rddreg [dreg:$0x6];
	[sflag:s21] =	ssyncadd.s32 $0xFFFFB1E0;
	(pc) =	sbr.rel @!p0 .LBB2_2-.Ltmp2, $4  }
0x98: {  	[tilespmem:s18], [sflag:$0xB] =	stream.linear.gather [hbm4b:s19+s4], $0x4E20, $0x38;
	[tilespmem:$0x1C040] =	vst v63  }
0x99: {  	_ =	swait.ge [sflag:s21], $0x4E20  }
0x9a: {  	[sflag:s21] =	ssyncset.done $0x0  }
0x9b: {  	s17 =	simm.s32 $0x0;
	[sflag:s21] =	ssyncadd.s32 $0xFFFFB1E0  }
0x9c: {  	[tilespmem:s24], [sflag:$0x1] =	stream.indirect.gather [hbm4b:s5+s23], $0x40, s17, s23, $0xb8;
	[tilespmem:$0x1C040] =	vst v63  }
0x9d: {  	_ = 	snop  }
0x9e: {  	[tilespmem:s25], [sflag:$0x2] =	stream.indirect.gather [hbm4b:s5+s23], $0x40, s23, s23, $0xb8;
	[tilespmem:$0x1C040] =	vst v63  }
0x9f: {  	s19 =	simm.s32 $0xA0  }
0xa0: {  	[tilespmem:s28], [sflag:$0x3] =	stream.indirect.gather [hbm4b:s5+s23], $0x40, s19, s23, $0xb8;
	[tilespmem:$0x1C040] =	vst v63  }
0xa1: {  	_ =	swait.ge [sflag:s29], $0x1400  }
0xa2: {  	[sflag:s29] =	ssyncset.done $0x0  }
0xa3: {  	[sflag:s29] =	ssyncadd.s32 $0xFFFFEC00  }
0xa4: {  	[spmem:s3] =	stream.indirect.scatter.add.f32 [tilespmem:s24], [sflag:$0x6], $0x40, s18, s23, $0xb8;
	[tilespmem:$0x1C040] =	vst v63  }
0xa5: {  	s19 =	simm.s32 $0xF0  }
0xa6: {  	[tilespmem:s31], [sflag:$0x4] =	stream.indirect.gather [hbm4b:s5+s23], $0x40, s19, s23, $0xb8;
	[tilespmem:$0x1C040] =	vst v63  }
0xa7: {  	_ =	swait.ge [sflag:s0], $0x1400  }
0xa8: {  	[sflag:s0] =	ssyncset.done $0x0  }
0xa9: {  	s18 =	simm.s32 $0x4E70;
	[sflag:s0] =	ssyncadd.s32 $0xFFFFEC00  }
0xaa: {  	[spmem:s3] =	stream.indirect.scatter.add.f32 [tilespmem:s25], [sflag:$0x7], $0x40, s18, s23, $0xb8;
	[tilespmem:$0x1C040] =	vst v63  }
0xab: {  	s19 =	simm.s32 $0x140  }
0xac: {  	[tilespmem:s30], [sflag:$0x5] =	stream.indirect.gather [hbm4b:s5+s23], $0x40, s19, s23, $0xb8;
	[tilespmem:$0x1C040] =	vst v63  }
0xad: {  	_ =	swait.ge [sflag:s1], $0x1400  }
0xae: {  	[sflag:s1] =	ssyncset.done $0x0  }
0xaf: {  	s18 =	simm.s32 $0x4EC0;
	[sflag:s1] =	ssyncadd.s32 $0xFFFFEC00  }
0xb0: {  	[spmem:s3] =	stream.indirect.scatter.add.f32 [tilespmem:s28], [sflag:$0x8], $0x40, s18, s23, $0xb8;
	[tilespmem:$0x1C040] =	vst v63  }
0xb1: {  	_ =	swait.ge [sflag:s26], $0x1400  }
0xb2: {  	[sflag:s26] =	ssyncset.done $0x0  }
0xb3: {  	s19 =	simm.s32 $0x190;
	[sflag:s26] =	ssyncadd.s32 $0xFFFFEC00  }
0xb4: {  	[tilespmem:s24], [sflag:$0x1] =	stream.indirect.gather [hbm4b:s5+s23], $0x40, s19, s23, $0xb8;
	[tilespmem:$0x1C040] =	vst v63  }
0xb5: {  	_ =	swait.ge [sflag:s6], $0x1400  }
0xb6: {  	[sflag:s6] =	ssyncset.done $0x0  }
0xb7: {  	s18 =	simm.s32 $0x4F10;
	[sflag:s6] =	ssyncadd.s32 $0xFFFFEC00  }
0xb8: {  	[spmem:s3] =	stream.indirect.scatter.add.f32 [tilespmem:s31], [sflag:$0x9], $0x40, s18, s23, $0xb8;
	[tilespmem:$0x1C040] =	vst v63  }
0xb9: {  	_ =	swait.ge [sflag:s12], $0x1400  }
0xba: {  	[sflag:s12] =	ssyncset.done $0x0  }
0xbb: {  	s19 =	simm.s32 $0x1E0;
	[sflag:s12] =	ssyncadd.s32 $0xFFFFEC00  }
0xbc: {  	[tilespmem:s25], [sflag:$0x2] =	stream.indirect.gather [hbm4b:s5+s23], $0x40, s19, s23, $0xb8;
	[tilespmem:$0x1C040] =	vst v63  }
0xbd: {  	_ =	swait.ge [sflag:s13], $0x1400  }
0xbe: {  	[sflag:s13] =	ssyncset.done $0x0  }
0xbf: {  	s18 =	simm.s32 $0x4F60;
	[sflag:s13] =	ssyncadd.s32 $0xFFFFEC00  }
0xc0: {  	[spmem:s3] =	stream.indirect.scatter.add.f32 [tilespmem:s30], [sflag:$0xA], $0x40, s18, s23, $0xb8;
	[tilespmem:$0x1C040] =	vst v63  }
0xc1: {  	_ =	swait.ge [sflag:s14], $0x1400  }
0xc2: {  	[sflag:s14] =	ssyncset.done $0x0  }
0xc3: {  	s19 =	simm.s32 $0x230;
	[sflag:s14] =	ssyncadd.s32 $0xFFFFEC00  }
0xc4: {  	[tilespmem:s28], [sflag:$0x3] =	stream.indirect.gather [hbm4b:s5+s23], $0x40, s19, s23, $0xb8;
	[tilespmem:$0x1C040] =	vst v63  }
0xc5: {  	_ =	swait.ge [sflag:s29], $0x1400  }
0xc6: {  	[sflag:s29] =	ssyncset.done $0x0  }
0xc7: {  	s18 =	simm.s32 $0x4FB0;
	[sflag:s29] =	ssyncadd.s32 $0xFFFFEC00  }
0xc8: {  	[spmem:s3] =	stream.indirect.scatter.add.f32 [tilespmem:s24], [sflag:$0x6], $0x40, s18, s23, $0xb8;
	[tilespmem:$0x1C040] =	vst v63  }
0xc9: {  	_ =	swait.ge [sflag:s15], $0x1400  }
0xca: {  	[sflag:s15] =	ssyncset.done $0x0  }
0xcb: {  	s19 =	simm.s32 $0x280;
	[sflag:s15] =	ssyncadd.s32 $0xFFFFEC00  }
0xcc: {  	[tilespmem:s31], [sflag:$0x4] =	stream.indirect.gather [hbm4b:s5+s23], $0x40, s19, s23, $0xb8;
	[tilespmem:$0x1C040] =	vst v63  }
0xcd: {  	_ =	swait.ge [sflag:s0], $0x1400  }
0xce: {  	[sflag:s0] =	ssyncset.done $0x0  }
0xcf: {  	s18 =	simm.s32 $0x5000;
	[sflag:s0] =	ssyncadd.s32 $0xFFFFEC00  }
0xd0: {  	[spmem:s3] =	stream.indirect.scatter.add.f32 [tilespmem:s25], [sflag:$0x7], $0x40, s18, s23, $0xb8;
	[tilespmem:$0x1C040] =	vst v63  }
0xd1: {  	_ =	swait.ge [sflag:s22], $0x1400  }
0xd2: {  	[sflag:s22] =	ssyncset.done $0x0  }
0xd3: {  	s19 =	simm.s32 $0x2D0;
	[sflag:s22] =	ssyncadd.s32 $0xFFFFEC00  }
0xd4: {  	[tilespmem:s30], [sflag:$0x5] =	stream.indirect.gather [hbm4b:s5+s23], $0x40, s19, s23, $0xb8;
	[tilespmem:$0x1C040] =	vst v63  }
0xd5: {  	_ =	swait.ge [sflag:s1], $0x1400  }
0xd6: {  	[sflag:s1] =	ssyncset.done $0x0  }
0xd7: {  	s18 =	simm.s32 $0x5050;
	[sflag:s1] =	ssyncadd.s32 $0xFFFFEC00  }
0xd8: {  	[spmem:s3] =	stream.indirect.scatter.add.f32 [tilespmem:s28], [sflag:$0x8], $0x40, s18, s23, $0xb8;
	[tilespmem:$0x1C040] =	vst v63  }
0xd9: {  	_ =	swait.ge [sflag:s26], $0x1400  }
0xda: {  	[sflag:s26] =	ssyncset.done $0x0  }
0xdb: {  	s19 =	simm.s32 $0x320;
	[sflag:s26] =	ssyncadd.s32 $0xFFFFEC00  }
0xdc: {  	[tilespmem:s24], [sflag:$0x1] =	stream.indirect.gather [hbm4b:s5+s23], $0x40, s19, s23, $0xb8;
	[tilespmem:$0x1C040] =	vst v63  }
0xdd: {  	_ =	swait.ge [sflag:s6], $0x1400  }
0xde: {  	[sflag:s6] =	ssyncset.done $0x0  }
0xdf: {  	s18 =	simm.s32 $0x50A0;
	[sflag:s6] =	ssyncadd.s32 $0xFFFFEC00  }
0xe0: {  	[spmem:s3] =	stream.indirect.scatter.add.f32 [tilespmem:s31], [sflag:$0x9], $0x40, s18, s23, $0xb8;
	[tilespmem:$0x1C040] =	vst v63  }
0xe1: {  	_ =	swait.ge [sflag:s12], $0x1400  }
0xe2: {  	[sflag:s12] =	ssyncset.done $0x0  }
0xe3: {  	s19 =	simm.s32 $0x370;
	[sflag:s12] =	ssyncadd.s32 $0xFFFFEC00  }
0xe4: {  	[tilespmem:s25], [sflag:$0x2] =	stream.indirect.gather [hbm4b:s5+s23], $0x40, s19, s23, $0xb8;
	[tilespmem:$0x1C040] =	vst v63  }
0xe5: {  	_ =	swait.ge [sflag:s13], $0x1400  }
0xe6: {  	[sflag:s13] =	ssyncset.done $0x0  }
0xe7: {  	s17 =	simm.s32 $0x640;
	s18 =	simm.s32 $0x50F0;
	[sflag:s13] =	ssyncadd.s32 $0xFFFFEC00  }
.LBB2_6:
0xe8: {  	[spmem:s3] =	stream.indirect.scatter.add.f32 [tilespmem:s30], [sflag:$0xA], $0x40, s18, s23, $0xb8;
	[tilespmem:$0x1C040] =	vst v63  }
0xe9: {  	s18 =	smov.u32 s17;
	s17 =	sadd.s32 $0x640, s17;
	_ =	swait.ge [sflag:s14], $0x1400  }
0xea: {  	s18 =	sshra.s32 s18, $0x2;
	p1 =	sne.s32 s17, $0x12C00;
	[sflag:s14] =	ssyncset.done $0x0  }
0xeb: {  	s19 =	sadd.s32 $0x230, s18;
	[sflag:s14] =	ssyncadd.s32 $0xFFFFEC00  }
0xec: {  	[tilespmem:s28], [sflag:$0x3] =	stream.indirect.gather [hbm4b:s5+s23], $0x40, s19, s23, $0xb8;
	[tilespmem:$0x1C040] =	vst v63  }
0xed: {  	_ =	swait.ge [sflag:s29], $0x1400  }
0xee: {  	[sflag:s29] =	ssyncset.done $0x0  }
0xef: {  	s19 =	sadd.s32 $0x4FB0, s18;
	[sflag:s29] =	ssyncadd.s32 $0xFFFFEC00  }
0xf0: {  	[spmem:s3] =	stream.indirect.scatter.add.f32 [tilespmem:s24], [sflag:$0x6], $0x40, s19, s23, $0xb8;
	[tilespmem:$0x1C040] =	vst v63  }
0xf1: {  	_ =	swait.ge [sflag:s15], $0x1400  }
0xf2: {  	[sflag:s15] =	ssyncset.done $0x0  }
0xf3: {  	s19 =	sadd.s32 $0x280, s18;
	[sflag:s15] =	ssyncadd.s32 $0xFFFFEC00  }
0xf4: {  	[tilespmem:s31], [sflag:$0x4] =	stream.indirect.gather [hbm4b:s5+s23], $0x40, s19, s23, $0xb8;
	[tilespmem:$0x1C040] =	vst v63  }
0xf5: {  	_ =	swait.ge [sflag:s0], $0x1400  }
0xf6: {  	[sflag:s0] =	ssyncset.done $0x0  }
0xf7: {  	s19 =	sadd.s32 $0x5000, s18;
	[sflag:s0] =	ssyncadd.s32 $0xFFFFEC00  }
0xf8: {  	[spmem:s3] =	stream.indirect.scatter.add.f32 [tilespmem:s25], [sflag:$0x7], $0x40, s19, s23, $0xb8;
	[tilespmem:$0x1C040] =	vst v63  }
0xf9: {  	_ =	swait.ge [sflag:s22], $0x1400  }
0xfa: {  	[sflag:s22] =	ssyncset.done $0x0  }
0xfb: {  	s19 =	sadd.s32 $0x2D0, s18;
	[sflag:s22] =	ssyncadd.s32 $0xFFFFEC00  }
0xfc: {  	[tilespmem:s30], [sflag:$0x5] =	stream.indirect.gather [hbm4b:s5+s23], $0x40, s19, s23, $0xb8;
	[tilespmem:$0x1C040] =	vst v63  }
0xfd: {  	_ =	swait.ge [sflag:s1], $0x1400  }
0xfe: {  	[sflag:s1] =	ssyncset.done $0x0  }
0xff: {  	s19 =	sadd.s32 $0x5050, s18;
	[sflag:s1] =	ssyncadd.s32 $0xFFFFEC00  }
0x100: {  	[spmem:s3] =	stream.indirect.scatter.add.f32 [tilespmem:s28], [sflag:$0x8], $0x40, s19, s23, $0xb8;
	[tilespmem:$0x1C040] =	vst v63  }
0x101: {  	_ =	swait.ge [sflag:s26], $0x1400  }
0x102: {  	[sflag:s26] =	ssyncset.done $0x0  }
0x103: {  	s19 =	sadd.s32 $0x320, s18;
	[sflag:s26] =	ssyncadd.s32 $0xFFFFEC00  }
0x104: {  	[tilespmem:s24], [sflag:$0x1] =	stream.indirect.gather [hbm4b:s5+s23], $0x40, s19, s23, $0xb8;
	[tilespmem:$0x1C040] =	vst v63  }
0x105: {  	_ =	swait.ge [sflag:s6], $0x1400  }
0x106: {  	[sflag:s6] =	ssyncset.done $0x0  }
0x107: {  	s19 =	sadd.s32 $0x50A0, s18;
	[sflag:s6] =	ssyncadd.s32 $0xFFFFEC00  }
0x108: {  	[spmem:s3] =	stream.indirect.scatter.add.f32 [tilespmem:s31], [sflag:$0x9], $0x40, s19, s23, $0xb8;
	[tilespmem:$0x1C040] =	vst v63  }
0x109: {  	_ =	swait.ge [sflag:s12], $0x1400  }
0x10a: {  	[sflag:s12] =	ssyncset.done $0x0  }
.Ltmp3:
0x10b: {  	s19 =	sadd.s32 $0x370, s18;
	[sflag:s12] =	ssyncadd.s32 $0xFFFFEC00;
	(pc) =	sbr.rel @p1 .LBB2_6-.Ltmp3, $4  }
0x10c: {  	[tilespmem:s25], [sflag:$0x2] =	stream.indirect.gather [hbm4b:s5+s23], $0x40, s19, s23, $0xb8;
	[tilespmem:$0x1C040] =	vst v63  }
0x10d: {  	_ =	swait.ge [sflag:s13], $0x1400  }
0x10e: {  	[sflag:s13] =	ssyncset.done $0x0  }
0x10f: {  	s18 =	sadd.s32 $0x50F0, s18;
	[sflag:s13] =	ssyncadd.s32 $0xFFFFEC00  }
.Ltmp4:
0x110: {  	_ = 	snop;
	(pc) =	sbr.rel .LBB2_7-.Ltmp4, $1  }
0x111: {  	_ =	sdelay $0x3  }
.LBB2_2:
0x112: {  	[tilespmem:s24], [sflag:$0x1] =	stream.indirect.gather [hbm4b:s2+s23], $0x40, s17, s23, $0xb8;
	[tilespmem:$0x1C040] =	vst v63  }
0x113: {  	_ = 	snop  }
0x114: {  	[tilespmem:s25], [sflag:$0x2] =	stream.indirect.gather [hbm4b:s2+s23], $0x40, s23, s23, $0xb8;
	[tilespmem:$0x1C040] =	vst v63  }
0x115: {  	s19 =	simm.s32 $0xA0  }
0x116: {  	[tilespmem:s28], [sflag:$0x3] =	stream.indirect.gather [hbm4b:s2+s23], $0x40, s19, s23, $0xb8;
	[tilespmem:$0x1C040] =	vst v63  }
0x117: {  	_ =	swait.ge [sflag:s29], $0x1400  }
0x118: {  	[sflag:s29] =	ssyncset.done $0x0  }
0x119: {  	[sflag:s29] =	ssyncadd.s32 $0xFFFFEC00  }
0x11a: {  	[spmem:s3] =	stream.indirect.scatter.add.f32 [tilespmem:s24], [sflag:$0x6], $0x40, s18, s23, $0xb8;
	[tilespmem:$0x1C040] =	vst v63  }
0x11b: {  	s19 =	simm.s32 $0xF0  }
0x11c: {  	[tilespmem:s31], [sflag:$0x4] =	stream.indirect.gather [hbm4b:s2+s23], $0x40, s19, s23, $0xb8;
	[tilespmem:$0x1C040] =	vst v63  }
0x11d: {  	_ =	swait.ge [sflag:s0], $0x1400  }
0x11e: {  	[sflag:s0] =	ssyncset.done $0x0  }
0x11f: {  	s18 =	simm.s32 $0x4E70;
	[sflag:s0] =	ssyncadd.s32 $0xFFFFEC00  }
0x120: {  	[spmem:s3] =	stream.indirect.scatter.add.f32 [tilespmem:s25], [sflag:$0x7], $0x40, s18, s23, $0xb8;
	[tilespmem:$0x1C040] =	vst v63  }
0x121: {  	s19 =	simm.s32 $0x140  }
0x122: {  	[tilespmem:s30], [sflag:$0x5] =	stream.indirect.gather [hbm4b:s2+s23], $0x40, s19, s23, $0xb8;
	[tilespmem:$0x1C040] =	vst v63  }
0x123: {  	_ =	swait.ge [sflag:s1], $0x1400  }
0x124: {  	[sflag:s1] =	ssyncset.done $0x0  }
0x125: {  	s18 =	simm.s32 $0x4EC0;
	[sflag:s1] =	ssyncadd.s32 $0xFFFFEC00  }
0x126: {  	[spmem:s3] =	stream.indirect.scatter.add.f32 [tilespmem:s28], [sflag:$0x8], $0x40, s18, s23, $0xb8;
	[tilespmem:$0x1C040] =	vst v63  }
0x127: {  	_ =	swait.ge [sflag:s26], $0x1400  }
0x128: {  	[sflag:s26] =	ssyncset.done $0x0  }
0x129: {  	s19 =	simm.s32 $0x190;
	[sflag:s26] =	ssyncadd.s32 $0xFFFFEC00  }
0x12a: {  	[tilespmem:s24], [sflag:$0x1] =	stream.indirect.gather [hbm4b:s2+s23], $0x40, s19, s23, $0xb8;
	[tilespmem:$0x1C040] =	vst v63  }
0x12b: {  	_ =	swait.ge [sflag:s6], $0x1400  }
0x12c: {  	[sflag:s6] =	ssyncset.done $0x0  }
0x12d: {  	s18 =	simm.s32 $0x4F10;
	[sflag:s6] =	ssyncadd.s32 $0xFFFFEC00  }
0x12e: {  	[spmem:s3] =	stream.indirect.scatter.add.f32 [tilespmem:s31], [sflag:$0x9], $0x40, s18, s23, $0xb8;
	[tilespmem:$0x1C040] =	vst v63  }
0x12f: {  	_ =	swait.ge [sflag:s12], $0x1400  }
0x130: {  	[sflag:s12] =	ssyncset.done $0x0  }
0x131: {  	s19 =	simm.s32 $0x1E0;
	[sflag:s12] =	ssyncadd.s32 $0xFFFFEC00  }
0x132: {  	[tilespmem:s25], [sflag:$0x2] =	stream.indirect.gather [hbm4b:s2+s23], $0x40, s19, s23, $0xb8;
	[tilespmem:$0x1C040] =	vst v63  }
0x133: {  	_ =	swait.ge [sflag:s13], $0x1400  }
0x134: {  	[sflag:s13] =	ssyncset.done $0x0  }
0x135: {  	s18 =	simm.s32 $0x4F60;
	[sflag:s13] =	ssyncadd.s32 $0xFFFFEC00  }
0x136: {  	[spmem:s3] =	stream.indirect.scatter.add.f32 [tilespmem:s30], [sflag:$0xA], $0x40, s18, s23, $0xb8;
	[tilespmem:$0x1C040] =	vst v63  }
0x137: {  	_ =	swait.ge [sflag:s14], $0x1400  }
0x138: {  	[sflag:s14] =	ssyncset.done $0x0  }
0x139: {  	s19 =	simm.s32 $0x230;
	[sflag:s14] =	ssyncadd.s32 $0xFFFFEC00  }
0x13a: {  	[tilespmem:s28], [sflag:$0x3] =	stream.indirect.gather [hbm4b:s2+s23], $0x40, s19, s23, $0xb8;
	[tilespmem:$0x1C040] =	vst v63  }
0x13b: {  	_ =	swait.ge [sflag:s29], $0x1400  }
0x13c: {  	[sflag:s29] =	ssyncset.done $0x0  }
0x13d: {  	s18 =	simm.s32 $0x4FB0;
	[sflag:s29] =	ssyncadd.s32 $0xFFFFEC00  }
0x13e: {  	[spmem:s3] =	stream.indirect.scatter.add.f32 [tilespmem:s24], [sflag:$0x6], $0x40, s18, s23, $0xb8;
	[tilespmem:$0x1C040] =	vst v63  }
0x13f: {  	_ =	swait.ge [sflag:s15], $0x1400  }
0x140: {  	[sflag:s15] =	ssyncset.done $0x0  }
0x141: {  	s19 =	simm.s32 $0x280;
	[sflag:s15] =	ssyncadd.s32 $0xFFFFEC00  }
0x142: {  	[tilespmem:s31], [sflag:$0x4] =	stream.indirect.gather [hbm4b:s2+s23], $0x40, s19, s23, $0xb8;
	[tilespmem:$0x1C040] =	vst v63  }
0x143: {  	_ =	swait.ge [sflag:s0], $0x1400  }
0x144: {  	[sflag:s0] =	ssyncset.done $0x0  }
0x145: {  	s18 =	simm.s32 $0x5000;
	[sflag:s0] =	ssyncadd.s32 $0xFFFFEC00  }
0x146: {  	[spmem:s3] =	stream.indirect.scatter.add.f32 [tilespmem:s25], [sflag:$0x7], $0x40, s18, s23, $0xb8;
	[tilespmem:$0x1C040] =	vst v63  }
0x147: {  	_ =	swait.ge [sflag:s22], $0x1400  }
0x148: {  	[sflag:s22] =	ssyncset.done $0x0  }
0x149: {  	s19 =	simm.s32 $0x2D0;
	[sflag:s22] =	ssyncadd.s32 $0xFFFFEC00  }
0x14a: {  	[tilespmem:s30], [sflag:$0x5] =	stream.indirect.gather [hbm4b:s2+s23], $0x40, s19, s23, $0xb8;
	[tilespmem:$0x1C040] =	vst v63  }
0x14b: {  	_ =	swait.ge [sflag:s1], $0x1400  }
0x14c: {  	[sflag:s1] =	ssyncset.done $0x0  }
0x14d: {  	s18 =	simm.s32 $0x5050;
	[sflag:s1] =	ssyncadd.s32 $0xFFFFEC00  }
0x14e: {  	[spmem:s3] =	stream.indirect.scatter.add.f32 [tilespmem:s28], [sflag:$0x8], $0x40, s18, s23, $0xb8;
	[tilespmem:$0x1C040] =	vst v63  }
0x14f: {  	_ =	swait.ge [sflag:s26], $0x1400  }
0x150: {  	[sflag:s26] =	ssyncset.done $0x0  }
0x151: {  	s19 =	simm.s32 $0x320;
	[sflag:s26] =	ssyncadd.s32 $0xFFFFEC00  }
0x152: {  	[tilespmem:s24], [sflag:$0x1] =	stream.indirect.gather [hbm4b:s2+s23], $0x40, s19, s23, $0xb8;
	[tilespmem:$0x1C040] =	vst v63  }
0x153: {  	_ =	swait.ge [sflag:s6], $0x1400  }
0x154: {  	[sflag:s6] =	ssyncset.done $0x0  }
0x155: {  	s18 =	simm.s32 $0x50A0;
	[sflag:s6] =	ssyncadd.s32 $0xFFFFEC00  }
0x156: {  	[spmem:s3] =	stream.indirect.scatter.add.f32 [tilespmem:s31], [sflag:$0x9], $0x40, s18, s23, $0xb8;
	[tilespmem:$0x1C040] =	vst v63  }
0x157: {  	_ =	swait.ge [sflag:s12], $0x1400  }
0x158: {  	[sflag:s12] =	ssyncset.done $0x0  }
0x159: {  	s19 =	simm.s32 $0x370;
	[sflag:s12] =	ssyncadd.s32 $0xFFFFEC00  }
0x15a: {  	[tilespmem:s25], [sflag:$0x2] =	stream.indirect.gather [hbm4b:s2+s23], $0x40, s19, s23, $0xb8;
	[tilespmem:$0x1C040] =	vst v63  }
0x15b: {  	_ =	swait.ge [sflag:s13], $0x1400  }
0x15c: {  	[sflag:s13] =	ssyncset.done $0x0  }
0x15d: {  	s17 =	simm.s32 $0x640;
	s18 =	simm.s32 $0x50F0;
	[sflag:s13] =	ssyncadd.s32 $0xFFFFEC00  }
.LBB2_3:
0x15e: {  	[spmem:s3] =	stream.indirect.scatter.add.f32 [tilespmem:s30], [sflag:$0xA], $0x40, s18, s23, $0xb8;
	[tilespmem:$0x1C040] =	vst v63  }
0x15f: {  	s18 =	smov.u32 s17;
	s17 =	sadd.s32 $0x640, s17;
	_ =	swait.ge [sflag:s14], $0x1400  }
0x160: {  	s18 =	sshra.s32 s18, $0x2;
	p1 =	seq.s32 s17, $0x12C00;
	[sflag:s14] =	ssyncset.done $0x0  }
0x161: {  	s19 =	sadd.s32 $0x230, s18;
	[sflag:s14] =	ssyncadd.s32 $0xFFFFEC00  }
0x162: {  	[tilespmem:s28], [sflag:$0x3] =	stream.indirect.gather [hbm4b:s2+s23], $0x40, s19, s23, $0xb8;
	[tilespmem:$0x1C040] =	vst v63  }
0x163: {  	_ =	swait.ge [sflag:s29], $0x1400  }
0x164: {  	[sflag:s29] =	ssyncset.done $0x0  }
0x165: {  	s19 =	sadd.s32 $0x4FB0, s18;
	[sflag:s29] =	ssyncadd.s32 $0xFFFFEC00  }
0x166: {  	[spmem:s3] =	stream.indirect.scatter.add.f32 [tilespmem:s24], [sflag:$0x6], $0x40, s19, s23, $0xb8;
	[tilespmem:$0x1C040] =	vst v63  }
0x167: {  	_ =	swait.ge [sflag:s15], $0x1400  }
0x168: {  	[sflag:s15] =	ssyncset.done $0x0  }
0x169: {  	s19 =	sadd.s32 $0x280, s18;
	[sflag:s15] =	ssyncadd.s32 $0xFFFFEC00  }
0x16a: {  	[tilespmem:s31], [sflag:$0x4] =	stream.indirect.gather [hbm4b:s2+s23], $0x40, s19, s23, $0xb8;
	[tilespmem:$0x1C040] =	vst v63  }
0x16b: {  	_ =	swait.ge [sflag:s0], $0x1400  }
0x16c: {  	[sflag:s0] =	ssyncset.done $0x0  }
0x16d: {  	s19 =	sadd.s32 $0x5000, s18;
	[sflag:s0] =	ssyncadd.s32 $0xFFFFEC00  }
0x16e: {  	[spmem:s3] =	stream.indirect.scatter.add.f32 [tilespmem:s25], [sflag:$0x7], $0x40, s19, s23, $0xb8;
	[tilespmem:$0x1C040] =	vst v63  }
0x16f: {  	_ =	swait.ge [sflag:s22], $0x1400  }
0x170: {  	[sflag:s22] =	ssyncset.done $0x0  }
0x171: {  	s19 =	sadd.s32 $0x2D0, s18;
	[sflag:s22] =	ssyncadd.s32 $0xFFFFEC00  }
0x172: {  	[tilespmem:s30], [sflag:$0x5] =	stream.indirect.gather [hbm4b:s2+s23], $0x40, s19, s23, $0xb8;
	[tilespmem:$0x1C040] =	vst v63  }
0x173: {  	_ =	swait.ge [sflag:s1], $0x1400  }
0x174: {  	[sflag:s1] =	ssyncset.done $0x0  }
0x175: {  	s19 =	sadd.s32 $0x5050, s18;
	[sflag:s1] =	ssyncadd.s32 $0xFFFFEC00  }
0x176: {  	[spmem:s3] =	stream.indirect.scatter.add.f32 [tilespmem:s28], [sflag:$0x8], $0x40, s19, s23, $0xb8;
	[tilespmem:$0x1C040] =	vst v63  }
0x177: {  	_ =	swait.ge [sflag:s26], $0x1400  }
0x178: {  	[sflag:s26] =	ssyncset.done $0x0  }
0x179: {  	s19 =	sadd.s32 $0x320, s18;
	[sflag:s26] =	ssyncadd.s32 $0xFFFFEC00  }
0x17a: {  	[tilespmem:s24], [sflag:$0x1] =	stream.indirect.gather [hbm4b:s2+s23], $0x40, s19, s23, $0xb8;
	[tilespmem:$0x1C040] =	vst v63  }
0x17b: {  	_ =	swait.ge [sflag:s6], $0x1400  }
0x17c: {  	[sflag:s6] =	ssyncset.done $0x0  }
0x17d: {  	s19 =	sadd.s32 $0x50A0, s18;
	[sflag:s6] =	ssyncadd.s32 $0xFFFFEC00  }
0x17e: {  	[spmem:s3] =	stream.indirect.scatter.add.f32 [tilespmem:s31], [sflag:$0x9], $0x40, s19, s23, $0xb8;
	[tilespmem:$0x1C040] =	vst v63  }
0x17f: {  	_ =	swait.ge [sflag:s12], $0x1400  }
0x180: {  	[sflag:s12] =	ssyncset.done $0x0  }
.Ltmp5:
0x181: {  	s19 =	sadd.s32 $0x370, s18;
	[sflag:s12] =	ssyncadd.s32 $0xFFFFEC00;
	(pc) =	sbr.rel @!p1 .LBB2_3-.Ltmp5, $4  }
0x182: {  	[tilespmem:s25], [sflag:$0x2] =	stream.indirect.gather [hbm4b:s2+s23], $0x40, s19, s23, $0xb8;
	[tilespmem:$0x1C040] =	vst v63  }
0x183: {  	_ =	swait.ge [sflag:s13], $0x1400  }
0x184: {  	[sflag:s13] =	ssyncset.done $0x0  }
0x185: {  	s18 =	sadd.s32 $0x50F0, s18;
	[sflag:s13] =	ssyncadd.s32 $0xFFFFEC00  }
0x186: {  	[spmem:s3] =	stream.indirect.scatter.add.f32 [tilespmem:s30], [sflag:$0xA], $0x40, s18, s23, $0xb8;
	[tilespmem:$0x1C040] =	vst v63  }
0x187: {  	_ =	swait.ge [sflag:s14], $0x1400  }
0x188: {  	s17 =	sshra.s32 s17, $0x2;
	[sflag:s14] =	ssyncset.done $0x0  }
0x189: {  	s19 =	sadd.s32 $0x230, s17;
	[sflag:s14] =	ssyncadd.s32 $0xFFFFEC00  }
0x18a: {  	[tilespmem:s28], [sflag:$0x3] =	stream.indirect.gather [hbm4b:s2+s23], $0x40, s19, s23, $0xb8;
	[tilespmem:$0x1C040] =	vst v63  }
0x18b: {  	_ =	swait.ge [sflag:s29], $0x1400  }
0x18c: {  	[sflag:s29] =	ssyncset.done $0x0  }
0x18d: {  	s19 =	sadd.s32 $0x4FB0, s17;
	[sflag:s29] =	ssyncadd.s32 $0xFFFFEC00  }
0x18e: {  	[spmem:s3] =	stream.indirect.scatter.add.f32 [tilespmem:s24], [sflag:$0x6], $0x40, s19, s23, $0xb8;
	[tilespmem:$0x1C040] =	vst v63  }
0x18f: {  	_ =	swait.ge [sflag:s15], $0x1400  }
0x190: {  	[sflag:s15] =	ssyncset.done $0x0  }
0x191: {  	s19 =	sadd.s32 $0x280, s17;
	[sflag:s15] =	ssyncadd.s32 $0xFFFFEC00  }
0x192: {  	[tilespmem:s31], [sflag:$0x4] =	stream.indirect.gather [hbm4b:s2+s23], $0x40, s19, s23, $0xb8;
	[tilespmem:$0x1C040] =	vst v63  }
0x193: {  	_ =	swait.ge [sflag:s0], $0x1400  }
0x194: {  	[sflag:s0] =	ssyncset.done $0x0  }
0x195: {  	s19 =	sadd.s32 $0x5000, s17;
	[sflag:s0] =	ssyncadd.s32 $0xFFFFEC00  }
0x196: {  	[spmem:s3] =	stream.indirect.scatter.add.f32 [tilespmem:s25], [sflag:$0x7], $0x40, s19, s23, $0xb8;
	[tilespmem:$0x1C040] =	vst v63  }
0x197: {  	_ =	swait.ge [sflag:s22], $0x1400  }
0x198: {  	[sflag:s22] =	ssyncset.done $0x0  }
0x199: {  	s19 =	simm.s32 $0x4DD0;
	[sflag:s22] =	ssyncadd.s32 $0xFFFFEC00  }
0x19a: {  	[tilespmem:s30], [sflag:$0x5] =	stream.indirect.gather [hbm4b:s2+s23], $0x40, s19, s23, $0xb8;
	[tilespmem:$0x1C040] =	vst v63  }
0x19b: {  	_ =	swait.ge [sflag:s1], $0x1400  }
0x19c: {  	[sflag:s1] =	ssyncset.done $0x0  }
0x19d: {  	s19 =	sadd.s32 $0x5050, s17;
	[sflag:s1] =	ssyncadd.s32 $0xFFFFEC00  }
0x19e: {  	[spmem:s3] =	stream.indirect.scatter.add.f32 [tilespmem:s28], [sflag:$0x8], $0x40, s19, s23, $0xb8;
	[tilespmem:$0x1C040] =	vst v63  }
0x19f: {  	_ =	swait.ge [sflag:s26], $0x1400  }
0x1a0: {  	[sflag:s26] =	ssyncset.done $0x0  }
0x1a1: {  	[sflag:s26] =	ssyncadd.s32 $0xFFFFEC00  }
0x1a2: {  	_ =	swait.ge [sflag:s6], $0x1400  }
0x1a3: {  	[sflag:s6] =	ssyncset.done $0x0  }
0x1a4: {  	s17 =	sadd.s32 $0x50A0, s17;
	[sflag:s6] =	ssyncadd.s32 $0xFFFFEC00  }
0x1a5: {  	[spmem:s3] =	stream.indirect.scatter.add.f32 [tilespmem:s31], [sflag:$0x9], $0x40, s17, s23, $0xb8;
	[tilespmem:$0x1C040] =	vst v63  }
0x1a6: {  	_ =	swait.ge [sflag:s12], $0x1400  }
0x1a7: {  	[sflag:s12] =	ssyncset.done $0x0  }
.Ltmp6:
0x1a8: {  	[sflag:s12] =	ssyncadd.s32 $0xFFFFEC00;
	(pc) =	sbr.rel .LBB2_8-.Ltmp6, $4  }
0x1a9: {  	_ =	swait.ge [sflag:s13], $0x1400  }
0x1aa: {  	[sflag:s13] =	ssyncset.done $0x0  }
0x1ab: {  	s19 =	simm.s32 $0x9BF0;
	[sflag:s13] =	ssyncadd.s32 $0xFFFFEC00  }
0x1ac: {  	[spmem:s3] =	stream.indirect.scatter.add.f32 [tilespmem:s30], [sflag:$0xA], $0x40, s19, s23, $0xb8;
	[tilespmem:$0x1C040] =	vst v63  }
.LBB2_9:
0x1ad: {  	_ =	sfence.sel $0x180000  }
0x1ae: {  	[bflag:$0x0] =	sbarrier.arrive $0xFFFF  }
0x1af: {  	_ =	strace $0x9000004A  }
0x1b0: {  	s0 =	stileid.u32;
	[bflag:$0x2] =	sbarrier.arrive $0xFFFF  }
0x1b1: {  	p0 =	sne.s32 s0, $0x0;
	s0 =	rddreg [dreg:$0x3]  }
0x1b2: {  	s0 =	sadd.s32 @!p0 $0x100000, s0  }
0x1b3: {  	[sflag:s0] =	ssyncadd.tile.s32 @!p0 $0x1;
	_ =	shalt  }
.Lfunc_end2:
_tile_overlayer_lowered:
.L_overlay_start_2:
0x1b4: {  	(tag) =	ssettag $0x2  }
0x1b5: {  	s0 =	rddreg [dreg:$0x0];
	s2 =	stileid.u32  }
0x1b6: {  	s1 =	rddreg [dreg:$0x1];
	p0 =	sne.s32 s2, $0x0  }
0x1b7: {  	s3 =	rddreg [dreg:$0x2];
	[bflag:$0x3] =	sbarrier.arrive $0xFFFF;
	s2 =	simm.s32 @!p0 $0x1C0B  }
0x1b8: {  	[timem:s3], [sflag:s2] =	dma.local @!p0 [hbm:s0], s1  }
0x1b9: {  	s0 =	simm.s32 @!p0 $0xB  }
0x1ba: {  	_ =	swait.ge @!p0 [sflag:s0], s1  }
0x1bb: {  	s1 =	ssub.s32 @!p0 $0x0, s1;
	[sflag:s0] =	ssyncset.done @!p0 $0x0  }
0x1bc: {  	[sflag:s0] =	ssyncadd.s32 @!p0 s1  }
0x1bd: {  	[bflag:$0x3] =	sbarrier.arrive $0xFFFF  }
0x1be: {  	_ =	shalt  }

</sc_bundles>
